<compile_context>
chip_gen: v7x
topology: tpu7x:2x2x1
jax: 0.10.2.dev20260603
libtpu: 0.0.44.dev20260713+nightly
codegen_flags: <defaults>
</compile_context>

<pallas_src>
import functools

import jax
import jax.numpy as jnp
from jax import lax
from jax.experimental import pallas as pl
from jax.experimental.pallas import tpu as pltpu
from jax.experimental.pallas import tpu_sc as plsc

N = 10000
E = 320000
D_IN = 128
D_HID = 128
N_CLASSES = 64
EPS = 1e-5

NPAD = 10112
CHUNK = 128
NW = 32
CPW = 81
E_PAD = NW * CPW * CHUNK
ROWS_PER_SUB = NPAD // 16

_mesh = lambda: plsc.VectorSubcoreMesh(core_axis_name="c", subcore_axis_name="s")



def _zero_vmem_2d(ref, rows, d):
    def body(i, _):
        for j in range(d // 16):
            ref[i, pl.ds(j * 16, 16)] = jnp.zeros((16,), jnp.float32)
        return 0
    lax.fori_loop(0, rows, body, 0)


def _make_deg_kernel():
    @functools.partial(
        pl.kernel,
        out_type=jax.ShapeDtypeStruct((2 * NPAD,), jnp.float32),
        mesh=_mesh(),
        compiler_params=pltpu.CompilerParams(use_tc_tiling_on_sc=False),
        scratch_types=[
            pltpu.VMEM_SHARED((NPAD,), jnp.float32),
            pltpu.VMEM((CPW, CHUNK), jnp.int32),
            pltpu.VMEM((CHUNK,), jnp.float32),
            pltpu.VMEM((640,), jnp.float32),
        ],
    )
    def deg_kernel(dst_hbm, out_hbm, acc, dslab, ones_v, zv):
        c = lax.axis_index("c")
        s = lax.axis_index("s")
        w = c * 16 + s
        pltpu.sync_copy(dst_hbm.at[w], dslab)
        for j in range(CHUNK // 16):
            ones_v[pl.ds(j * 16, 16)] = jnp.ones((16,), jnp.float32)
        def zbody(i, _):
            zv[pl.ds(i * 16, 16)] = jnp.zeros((16,), jnp.float32)
            return 0
        lax.fori_loop(0, 640 // 16, zbody, 0)
        pltpu.sync_copy(zv.at[pl.ds(0, ROWS_PER_SUB)],
                        acc.at[pl.ds(s * ROWS_PER_SUB, ROWS_PER_SUB)])
        plsc.subcore_barrier()
        def body(k, _):
            pltpu.sync_copy(ones_v, acc.at[dslab.at[k]], add=True)
            return 0
        lax.fori_loop(0, CPW, body, 0)
        plsc.subcore_barrier()
        pltpu.sync_copy(
            acc.at[pl.ds(s * ROWS_PER_SUB, ROWS_PER_SUB)],
            out_hbm.at[pl.ds(c * NPAD + s * ROWS_PER_SUB, ROWS_PER_SUB)],
        )

    return deg_kernel


def _make_scatter_kernel(d):
    @functools.partial(
        pl.kernel,
        out_type=jax.ShapeDtypeStruct((2 * NPAD, d), jnp.float32),
        mesh=_mesh(),
        compiler_params=pltpu.CompilerParams(use_tc_tiling_on_sc=False),
        scratch_types=[
            pltpu.VMEM_SHARED((NPAD, d), jnp.float32),
            pltpu.VMEM((CHUNK, d), jnp.float32),
            pltpu.VMEM((CHUNK, d), jnp.float32),
            pltpu.VMEM((CHUNK, d), jnp.float32),
            pltpu.VMEM((CHUNK,), jnp.int32),
            pltpu.VMEM((CHUNK,), jnp.int32),
            pltpu.VMEM((CHUNK,), jnp.int32),
            pltpu.VMEM((CHUNK,), jnp.int32),
            pltpu.VMEM((CHUNK,), jnp.int32),
            pltpu.VMEM((CHUNK,), jnp.int32),
            pltpu.SemaphoreType.DMA,
            pltpu.SemaphoreType.DMA,
            pltpu.SemaphoreType.DMA,
            pltpu.SemaphoreType.DMA,
            pltpu.SemaphoreType.DMA,
            pltpu.SemaphoreType.DMA,
            pltpu.SemaphoreType.DMA,
            pltpu.SemaphoreType.DMA,
            pltpu.SemaphoreType.DMA,
            pltpu.SemaphoreType.DMA,
            pltpu.SemaphoreType.DMA,
            pltpu.SemaphoreType.DMA,
        ],
    )
    def scat_kernel(src_hbm, dst_hbm, h_hbm, out_hbm, acc,
                    rows0, rows1, rows2, sidx0, sidx1, sidx2,
                    didx0, didx1, didx2,
                    sem0, sem1, sem2, semi0, semi1, semi2,
                    semd0, semd1, semd2, sems0, sems1, sems2):
        c = lax.axis_index("c")
        s = lax.axis_index("s")
        w = c * 16 + s
        _zero_vmem_2d(rows0, CHUNK, d)
        for t in range(8):
            pltpu.sync_copy(rows0.at[pl.ds(0, ROWS_PER_SUB // 8)],
                            acc.at[pl.ds(s * ROWS_PER_SUB
                                         + t * (ROWS_PER_SUB // 8),
                                         ROWS_PER_SUB // 8)])
        plsc.subcore_barrier()
        bufs = ((rows0, sem0, sidx0, semi0, didx0, semd0, sems0),
                (rows1, sem1, sidx1, semi1, didx1, semd1, sems1),
                (rows2, sem2, sidx2, semi2, didx2, semd2, sems2))
        for b in range(3):
            pltpu.async_copy(src_hbm.at[w * CPW + b], bufs[b][2], bufs[b][3])
        for b in range(2):
            pltpu.async_copy(dst_hbm.at[w * CPW + b], bufs[b][4], bufs[b][5])
            pltpu.make_async_copy(src_hbm.at[w * CPW + b], bufs[b][2],
                                  bufs[b][3]).wait()
            pltpu.async_copy(h_hbm.at[bufs[b][2]], bufs[b][0], bufs[b][1])
        def body(j, _):
            for b in range(3):
                k = 3 * j + b
                rf, sf, sif, ssif, df, sdf, ssf = bufs[b]
                rn, sn, sin, ssin, dn, sdn, ssn = bufs[(b + 2) % 3]
                @pl.when(k >= 1)
                def _():
                    pltpu.make_async_copy(rn, acc.at[dn], ssn).wait()
                @pl.when(k + 2 < CPW)
                def _():
                    pltpu.make_async_copy(src_hbm.at[w * CPW + k + 2], sin,
                                          ssin).wait()
                    pltpu.async_copy(dst_hbm.at[w * CPW + k + 2], dn, sdn)
                    pltpu.async_copy(h_hbm.at[sin], rn, sn)
                pltpu.make_async_copy(h_hbm.at[sif], rf, sf).wait()
                @pl.when(k + 3 < CPW)
                def _():
                    pltpu.async_copy(src_hbm.at[w * CPW + k + 3], sif, ssif)
                pltpu.make_async_copy(dst_hbm.at[w * CPW + k], df, sdf).wait()
                pltpu.async_copy(rf, acc.at[df], ssf, add=True)
            return 0
        lax.fori_loop(0, CPW // 3, body, 0)
        lb = (CPW - 1) % 3
        pltpu.make_async_copy(bufs[lb][0], acc.at[bufs[lb][4]],
                              bufs[lb][6]).wait()
        plsc.subcore_barrier()
        pltpu.sync_copy(
            acc.at[pl.ds(s * ROWS_PER_SUB, ROWS_PER_SUB)],
            out_hbm.at[pl.ds(c * NPAD + s * ROWS_PER_SUB, ROWS_PER_SUB)],
        )

    return scat_kernel


_deg_call = _make_deg_kernel()
_scat128 = _make_scatter_kernel(D_HID)
_scat64 = _make_scatter_kernel(N_CLASSES)



def _col_broadcast(v):
    b = jnp.broadcast_to(v[None, :], (128, NPAD))
    ii = lax.broadcasted_iota(jnp.int32, (128, 128), 0)
    jj = lax.broadcasted_iota(jnp.int32, (128, 128), 1)
    eye = jnp.where(ii == jj, 1.0, 0.0)
    return lax.dot_general(b, eye, (((0,), (0,)), ((), ())),
                           preferred_element_type=jnp.float32)


def _tc0_body(x_ref, w_ref, deg_ref, h_ref, dinvb_ref):
    deg = deg_ref[...]
    degs = deg[0:NPAD] + deg[NPAD:2 * NPAD]
    dinv = jnp.where(degs > 0, lax.rsqrt(degs), 0.0)
    dinvb = _col_broadcast(dinv)
    dinvb_ref[...] = dinvb
    h = jnp.dot(x_ref[...], w_ref[...], preferred_element_type=jnp.float32)
    h_ref[0:N, :] = dinvb[0:N, :] * h
    h_ref[N:NPAD, :] = jnp.zeros((NPAD - N, D_HID), jnp.float32)


_tc0_call = pl.pallas_call(
    _tc0_body,
    out_shape=[
        jax.ShapeDtypeStruct((NPAD, D_HID), jnp.float32),
        jax.ShapeDtypeStruct((NPAD, 128), jnp.float32),
    ],
)


def _make_tc_mid(d_out):
    def body(acc_ref, dinvb_ref, b_ref, g_ref, be_ref, w_ref, out_ref):
        a = acc_ref[0:NPAD, :] + acc_ref[NPAD:2 * NPAD, :]
        h = a[0:N, :] * dinvb_ref[0:N, :] + b_ref[...]
        mu = jnp.mean(h, axis=0)
        xc = h - mu
        var = jnp.mean(xc * xc, axis=0)
        xh = xc * lax.rsqrt(var + EPS) * g_ref[...] + be_ref[...]
        r = jnp.maximum(xh, 0.0)
        o = jnp.dot(r, w_ref[...], preferred_element_type=jnp.float32)
        out_ref[0:N, :] = o * dinvb_ref[0:N, 0:d_out]
        out_ref[N:NPAD, :] = jnp.zeros((NPAD - N, d_out), jnp.float32)

    return pl.pallas_call(
        body,
        out_shape=jax.ShapeDtypeStruct((NPAD, d_out), jnp.float32),
    )


_tc_mid128 = _make_tc_mid(D_HID)
_tc_mid64 = _make_tc_mid(N_CLASSES)


def _tc3_body(acc_ref, dinvb_ref, b_ref, out_ref):
    a = acc_ref[0:NPAD, :] + acc_ref[NPAD:2 * NPAD, :]
    z = a[0:N, :] * dinvb_ref[0:N, 0:N_CLASSES] + b_ref[...]
    m = jnp.max(z, axis=1, keepdims=True)
    e = jnp.exp(z - m)
    lse = jnp.log(jnp.sum(e, axis=1, keepdims=True))
    out_ref[...] = z - m - lse


_tc3_call = pl.pallas_call(
    _tc3_body,
    out_shape=jax.ShapeDtypeStruct((N, N_CLASSES), jnp.float32),
)



def kernel(features, edge_index, W0, b0, gamma0, beta0, W1, b1, gamma1, beta1,
           W2, b2):
    loop = jnp.arange(N, dtype=jnp.int32)
    fill = N + (jnp.arange(E_PAD - E - N, dtype=jnp.int32) % (NPAD - N))
    srcp = jnp.concatenate([edge_index[0].astype(jnp.int32), loop, fill])
    dstp = jnp.concatenate([edge_index[1].astype(jnp.int32), loop, fill])
    src2 = srcp.reshape(NW * CPW, CHUNK)
    dst3 = dstp.reshape(NW, CPW, CHUNK)
    dst2 = dstp.reshape(NW * CPW, CHUNK)

    deg = _deg_call(dst3)
    h0, dinvb = _tc0_call(features, W0, deg)
    acc0 = _scat128(src2, dst2, h0)
    h1 = _tc_mid128(acc0, dinvb, b0, gamma0, beta0, W1)
    acc1 = _scat128(src2, dst2, h1)
    h2 = _tc_mid64(acc1, dinvb, b1, gamma1, beta1, W2)
    acc2 = _scat64(src2, dst2, h2)
    return _tc3_call(acc2, dinvb, b2)

# --- scband reference (transcript-rebuilt; emitter-appended) ---
"""Pipeline reference for scband-gcn-66872640799057 (READ-ONLY COPY).

The authoritative reference and input builder live on the scoring server;
editing this copy changes nothing except your own understanding.
"""

import jax, jax.numpy as jnp
import numpy as np

N = 10000
E = 320000
D_IN = 128
D_HID = 128
N_CLASSES = 64
EPS = 1e-5


def setup_inputs(seed: int = 0) -> dict:
    key = jax.random.key(seed)
    ks = jax.random.split(key, 12)
    features = jax.random.normal(ks[0], (N, D_IN), dtype=jnp.float32)
    edge_index = jax.random.randint(ks[1], (2, E), 0, N, dtype=jnp.int32)
    s_in = 1.0 / np.sqrt(D_IN)
    s_hid = 1.0 / np.sqrt(D_HID)
    W0 = jax.random.uniform(ks[2], (D_IN, D_HID), jnp.float32, -s_in, s_in)
    b0 = jnp.zeros((D_HID,), jnp.float32)
    gamma0 = jnp.ones((D_HID,), jnp.float32)
    beta0 = jnp.zeros((D_HID,), jnp.float32)
    W1 = jax.random.uniform(ks[3], (D_HID, D_HID), jnp.float32, -s_hid, s_hid)
    b1 = jnp.zeros((D_HID,), jnp.float32)
    gamma1 = jnp.ones((D_HID,), jnp.float32)
    beta1 = jnp.zeros((D_HID,), jnp.float32)
    W2 = jax.random.uniform(ks[4], (D_HID, N_CLASSES), jnp.float32, -s_hid, s_hid)
    b2 = jnp.zeros((N_CLASSES,), jnp.float32)
    return {"features": features, "edge_index": edge_index,
            "W0": W0, "b0": b0, "gamma0": gamma0, "beta0": beta0,
            "W1": W1, "b1": b1, "gamma1": gamma1, "beta1": beta1,
            "W2": W2, "b2": b2}


def _gcn_conv(x, W, b, edge_index):
    # GCNConv: add self-loops, symmetric normalization, scatter-add aggregation
    n = x.shape[0]
    loop = jnp.arange(n, dtype=edge_index.dtype)
    src = jnp.concatenate([edge_index[0], loop])
    dst = jnp.concatenate([edge_index[1], loop])
    h = x @ W
    deg = jnp.zeros((n,), jnp.float32).at[dst].add(1.0)
    dinv = jnp.where(deg > 0, deg ** -0.5, 0.0)
    norm = dinv[src] * dinv[dst]
    msg = h[src] * norm[:, None]
    out = jnp.zeros((n, h.shape[1]), jnp.float32).at[dst].add(msg)
    return out + b


def _batchnorm(x, gamma, beta):
    mu = jnp.mean(x, axis=0)
    var = jnp.var(x, axis=0)
    return (x - mu) / jnp.sqrt(var + EPS) * gamma + beta


def reference(features, edge_index, W0, b0, gamma0, beta0, W1, b1, gamma1, beta1, W2, b2):
    h = _gcn_conv(features, W0, b0, edge_index)
    h = _batchnorm(h, gamma0, beta0)
    h = jax.nn.relu(h)
    # dropout is identity in eval / deterministic reference
    h = _gcn_conv(h, W1, b1, edge_index)
    h = _batchnorm(h, gamma1, beta1)
    h = jax.nn.relu(h)
    h = _gcn_conv(h, W2, b2, edge_index)
    return jax.nn.log_softmax(h, axis=-1)

if __name__ == "__main__":
    import jax
    _d = setup_inputs()
    print(jax.jit(kernel)(*tuple(_d.values())))

</pallas_src>

<mosaic_0001>
#map = affine_map<(d0, d1) -> (0, 0)>
module attributes {stable_mosaic.version = 14 : i64} {
  func.func @scat_kernel(%arg0: i32, %arg1: i32, %arg2: memref<2592x128xi32, #tpu.memory_space<hbm>>, %arg3: memref<2592x128xi32, #tpu.memory_space<hbm>>, %arg4: memref<10112x128xf32, #tpu.memory_space<hbm>>, %arg5: memref<20224x128xf32, #tpu.memory_space<hbm>>, %arg6: memref<10112x128xf32, #tpu.memory_space<vmem_shared>>, %arg7: memref<128x128xf32, #tpu.memory_space<vmem>>, %arg8: memref<128x128xf32, #tpu.memory_space<vmem>>, %arg9: memref<128x128xf32, #tpu.memory_space<vmem>>, %arg10: memref<128xi32, #tpu.memory_space<vmem>>, %arg11: memref<128xi32, #tpu.memory_space<vmem>>, %arg12: memref<128xi32, #tpu.memory_space<vmem>>, %arg13: memref<128xi32, #tpu.memory_space<vmem>>, %arg14: memref<128xi32, #tpu.memory_space<vmem>>, %arg15: memref<128xi32, #tpu.memory_space<vmem>>, %arg16: memref<!tpu.dma_semaphore, #tpu.memory_space<semaphore_mem>>, %arg17: memref<!tpu.dma_semaphore, #tpu.memory_space<semaphore_mem>>, %arg18: memref<!tpu.dma_semaphore, #tpu.memory_space<semaphore_mem>>, %arg19: memref<!tpu.dma_semaphore, #tpu.memory_space<semaphore_mem>>, %arg20: memref<!tpu.dma_semaphore, #tpu.memory_space<semaphore_mem>>, %arg21: memref<!tpu.dma_semaphore, #tpu.memory_space<semaphore_mem>>, %arg22: memref<!tpu.dma_semaphore, #tpu.memory_space<semaphore_mem>>, %arg23: memref<!tpu.dma_semaphore, #tpu.memory_space<semaphore_mem>>, %arg24: memref<!tpu.dma_semaphore, #tpu.memory_space<semaphore_mem>>, %arg25: memref<!tpu.dma_semaphore, #tpu.memory_space<semaphore_mem>>, %arg26: memref<!tpu.dma_semaphore, #tpu.memory_space<semaphore_mem>>, %arg27: memref<!tpu.dma_semaphore, #tpu.memory_space<semaphore_mem>>) attributes {dimension_semantics = [#tpu.dimension_semantics<core_parallel>, #tpu.dimension_semantics<subcore_parallel>], iteration_bounds = array<i64: 2, 16>, scalar_prefetch = 0 : i64, scratch_operands = 22 : i64, tpu.core_type = #tpu.core_type<sc_vector_subcore>, window_params = [{transform_indices = #map}, {transform_indices = #map}, {transform_indices = #map}, {transform_indices = #map}]} {
    %mul3A = arith.constant 16 : i32
    %mul3A_0 = arith.muli %arg0, %mul3A : i32
    %add3A = arith.addi %mul3A_0, %arg1 : i32
    %scan3A = arith.constant 0 : i32
    %scan3A_1 = arith.constant 0 : i32
    %scan3A_2 = arith.constant 128 : i32
    %scan3A_3 = arith.addi %scan3A_1, %scan3A_2 : i32
    %scan3A_4 = arith.constant 1 : i32
    %scan3A_5 = scf.for %scan3A_131 = %scan3A_1 to %scan3A_3 step %scan3A_4 iter_args(%scan3A_132 = %scan3A) -> (i32)  : i32 {
      %broadcast_in_dim3A = arith.constant 0.000000e+00 : f32
      %broadcast_in_dim3A_133 = vector.broadcast %broadcast_in_dim3A : f32 to vector<16xf32>
      %swap3A = arith.index_cast %scan3A_131 : i32 to index
      %swap3A_134 = arith.constant 0 : index
      %swap3A_135 = tpu.vector_load %arg7[%swap3A, %swap3A_134] {strides = array<i32>} : memref<128x128xf32, #tpu.memory_space<vmem>>, vector<1x16xf32>,
      %swap3A_136 = vector.shape_cast %swap3A_135 : vector<1x16xf32> to vector<16xf32>
      %swap3A_137 = vector.shape_cast %broadcast_in_dim3A_133 : vector<16xf32> to vector<1x16xf32>
      tpu.vector_store %arg7[%swap3A, %swap3A_134], %swap3A_137 {strides = array<i32>} : memref<128x128xf32, #tpu.memory_space<vmem>>, vector<1x16xf32>,
      %broadcast_in_dim3A_138 = arith.constant 0.000000e+00 : f32
      %broadcast_in_dim3A_139 = vector.broadcast %broadcast_in_dim3A_138 : f32 to vector<16xf32>
      %swap3A_140 = arith.index_cast %scan3A_131 : i32 to index
      %swap3A_141 = arith.constant 16 : index
      %swap3A_142 = tpu.vector_load %arg7[%swap3A_140, %swap3A_141] {strides = array<i32>} : memref<128x128xf32, #tpu.memory_space<vmem>>, vector<1x16xf32>,
      %swap3A_143 = vector.shape_cast %swap3A_142 : vector<1x16xf32> to vector<16xf32>
      %swap3A_144 = vector.shape_cast %broadcast_in_dim3A_139 : vector<16xf32> to vector<1x16xf32>
      tpu.vector_store %arg7[%swap3A_140, %swap3A_141], %swap3A_144 {strides = array<i32>} : memref<128x128xf32, #tpu.memory_space<vmem>>, vector<1x16xf32>,
      %broadcast_in_dim3A_145 = arith.constant 0.000000e+00 : f32
      %broadcast_in_dim3A_146 = vector.broadcast %broadcast_in_dim3A_145 : f32 to vector<16xf32>
      %swap3A_147 = arith.index_cast %scan3A_131 : i32 to index
      %swap3A_148 = arith.constant 32 : index
      %swap3A_149 = tpu.vector_load %arg7[%swap3A_147, %swap3A_148] {strides = array<i32>} : memref<128x128xf32, #tpu.memory_space<vmem>>, vector<1x16xf32>,
      %swap3A_150 = vector.shape_cast %swap3A_149 : vector<1x16xf32> to vector<16xf32>
      %swap3A_151 = vector.shape_cast %broadcast_in_dim3A_146 : vector<16xf32> to vector<1x16xf32>
      tpu.vector_store %arg7[%swap3A_147, %swap3A_148], %swap3A_151 {strides = array<i32>} : memref<128x128xf32, #tpu.memory_space<vmem>>, vector<1x16xf32>,
      %broadcast_in_dim3A_152 = arith.constant 0.000000e+00 : f32
      %broadcast_in_dim3A_153 = vector.broadcast %broadcast_in_dim3A_152 : f32 to vector<16xf32>
      %swap3A_154 = arith.index_cast %scan3A_131 : i32 to index
      %swap3A_155 = arith.constant 48 : index
      %swap3A_156 = tpu.vector_load %arg7[%swap3A_154, %swap3A_155] {strides = array<i32>} : memref<128x128xf32, #tpu.memory_space<vmem>>, vector<1x16xf32>,
      %swap3A_157 = vector.shape_cast %swap3A_156 : vector<1x16xf32> to vector<16xf32>
      %swap3A_158 = vector.shape_cast %broadcast_in_dim3A_153 : vector<16xf32> to vector<1x16xf32>
      tpu.vector_store %arg7[%swap3A_154, %swap3A_155], %swap3A_158 {strides = array<i32>} : memref<128x128xf32, #tpu.memory_space<vmem>>, vector<1x16xf32>,
      %broadcast_in_dim3A_159 = arith.constant 0.000000e+00 : f32
      %broadcast_in_dim3A_160 = vector.broadcast %broadcast_in_dim3A_159 : f32 to vector<16xf32>
      %swap3A_161 = arith.index_cast %scan3A_131 : i32 to index
      %swap3A_162 = arith.constant 64 : index
      %swap3A_163 = tpu.vector_load %arg7[%swap3A_161, %swap3A_162] {strides = array<i32>} : memref<128x128xf32, #tpu.memory_space<vmem>>, vector<1x16xf32>,
      %swap3A_164 = vector.shape_cast %swap3A_163 : vector<1x16xf32> to vector<16xf32>
      %swap3A_165 = vector.shape_cast %broadcast_in_dim3A_160 : vector<16xf32> to vector<1x16xf32>
      tpu.vector_store %arg7[%swap3A_161, %swap3A_162], %swap3A_165 {strides = array<i32>} : memref<128x128xf32, #tpu.memory_space<vmem>>, vector<1x16xf32>,
      %broadcast_in_dim3A_166 = arith.constant 0.000000e+00 : f32
      %broadcast_in_dim3A_167 = vector.broadcast %broadcast_in_dim3A_166 : f32 to vector<16xf32>
      %swap3A_168 = arith.index_cast %scan3A_131 : i32 to index
      %swap3A_169 = arith.constant 80 : index
      %swap3A_170 = tpu.vector_load %arg7[%swap3A_168, %swap3A_169] {strides = array<i32>} : memref<128x128xf32, #tpu.memory_space<vmem>>, vector<1x16xf32>,
      %swap3A_171 = vector.shape_cast %swap3A_170 : vector<1x16xf32> to vector<16xf32>
      %swap3A_172 = vector.shape_cast %broadcast_in_dim3A_167 : vector<16xf32> to vector<1x16xf32>
      tpu.vector_store %arg7[%swap3A_168, %swap3A_169], %swap3A_172 {strides = array<i32>} : memref<128x128xf32, #tpu.memory_space<vmem>>, vector<1x16xf32>,
      %broadcast_in_dim3A_173 = arith.constant 0.000000e+00 : f32
      %broadcast_in_dim3A_174 = vector.broadcast %broadcast_in_dim3A_173 : f32 to vector<16xf32>
      %swap3A_175 = arith.index_cast %scan3A_131 : i32 to index
      %swap3A_176 = arith.constant 96 : index
      %swap3A_177 = tpu.vector_load %arg7[%swap3A_175, %swap3A_176] {strides = array<i32>} : memref<128x128xf32, #tpu.memory_space<vmem>>, vector<1x16xf32>,
      %swap3A_178 = vector.shape_cast %swap3A_177 : vector<1x16xf32> to vector<16xf32>
      %swap3A_179 = vector.shape_cast %broadcast_in_dim3A_174 : vector<16xf32> to vector<1x16xf32>
      tpu.vector_store %arg7[%swap3A_175, %swap3A_176], %swap3A_179 {strides = array<i32>} : memref<128x128xf32, #tpu.memory_space<vmem>>, vector<1x16xf32>,
      %broadcast_in_dim3A_180 = arith.constant 0.000000e+00 : f32
      %broadcast_in_dim3A_181 = vector.broadcast %broadcast_in_dim3A_180 : f32 to vector<16xf32>
      %swap3A_182 = arith.index_cast %scan3A_131 : i32 to index
      %swap3A_183 = arith.constant 112 : index
      %swap3A_184 = tpu.vector_load %arg7[%swap3A_182, %swap3A_183] {strides = array<i32>} : memref<128x128xf32, #tpu.memory_space<vmem>>, vector<1x16xf32>,
      %swap3A_185 = vector.shape_cast %swap3A_184 : vector<1x16xf32> to vector<16xf32>
      %swap3A_186 = vector.shape_cast %broadcast_in_dim3A_181 : vector<16xf32> to vector<1x16xf32>
      tpu.vector_store %arg7[%swap3A_182, %swap3A_183], %swap3A_186 {strides = array<i32>} : memref<128x128xf32, #tpu.memory_space<vmem>>, vector<1x16xf32>,
      %scan3A_187 = arith.constant 0 : i32
      scf.yield %scan3A_187 : i32
    }
    %scan3A_6 = arith.constant 128 : i32
    %mul3A_7 = arith.constant 632 : i32
    %mul3A_8 = arith.muli %arg1, %mul3A_7 : i32
    %add3A_9 = arith.constant 0 : i32
    %add3A_10 = arith.addi %mul3A_8, %add3A_9 : i32
    "tpu.region"() ({
      %run_scoped3A = tpu.sem_alloc : memref<!tpu.dma_semaphore, #tpu.memory_space<semaphore_mem>>
      %dma_start3A_131 = arith.constant 0 : i32
      %dma_start3A_132 = arith.constant 0 : i32
      %dma_start3A_133 = tpu.memref_slice %arg7[%dma_start3A_131, %dma_start3A_132] : memref<128x128xf32, #tpu.memory_space<vmem>> -> memref<79x128xf32, #tpu.memory_space<vmem>>
      %dma_start3A_134 = arith.constant 0 : i32
      %dma_start3A_135 = tpu.memref_slice %arg6[%add3A_10, %dma_start3A_134] : memref<10112x128xf32, #tpu.memory_space<vmem_shared>> -> memref<79x128xf32, #tpu.memory_space<vmem_shared>>
      %dma_start3A_136 = arith.constant 0 : i32
      %dma_start3A_137 = tpu.memref_slice %arg6[%add3A_10, %dma_start3A_136] : memref<10112x128xf32, #tpu.memory_space<vmem_shared>> -> memref<79x128xf32, #tpu.memory_space<vmem_shared>>
      %dma_start3A_138 = arith.constant 0 : i32
      %dma_start3A_139 = arith.constant 0 : i32
      %dma_start3A_140 = tpu.memref_slice %arg7[%dma_start3A_138, %dma_start3A_139] : memref<128x128xf32, #tpu.memory_space<vmem>> -> memref<79x128xf32, #tpu.memory_space<vmem>>
      tpu.enqueue_dma source(%dma_start3A_140 : memref<79x128xf32, #tpu.memory_space<vmem>>) target(%dma_start3A_137 : memref<79x128xf32, #tpu.memory_space<vmem_shared>>) target_semaphore(%run_scoped3A : memref<!tpu.dma_semaphore, #tpu.memory_space<semaphore_mem>>)
      %dma_wait3A_141 = arith.constant 0 : i32
      %dma_wait3A_142 = arith.constant 0 : i32
      %dma_wait3A_143 = tpu.memref_slice %arg7[%dma_wait3A_141, %dma_wait3A_142] : memref<128x128xf32, #tpu.memory_space<vmem>> -> memref<79x128xf32, #tpu.memory_space<vmem>>
      %dma_wait3A_144 = arith.constant 0 : i32
      %dma_wait3A_145 = tpu.memref_slice %arg6[%add3A_10, %dma_wait3A_144] : memref<10112x128xf32, #tpu.memory_space<vmem_shared>> -> memref<79x128xf32, #tpu.memory_space<vmem_shared>>
      %dma_wait3A_146 = arith.constant 0 : i32
      %dma_wait3A_147 = tpu.memref_slice %arg6[%add3A_10, %dma_wait3A_146] : memref<10112x128xf32, #tpu.memory_space<vmem_shared>> -> memref<79x128xf32, #tpu.memory_space<vmem_shared>>
      %dma_wait3A_148 = arith.constant 0 : i32
      %dma_wait3A_149 = arith.constant 0 : i32
      %dma_wait3A_150 = tpu.memref_slice %arg7[%dma_wait3A_148, %dma_wait3A_149] : memref<128x128xf32, #tpu.memory_space<vmem>> -> memref<79x128xf32, #tpu.memory_space<vmem>>
      tpu.wait_dma2 semaphore(%run_scoped3A : memref<!tpu.dma_semaphore, #tpu.memory_space<semaphore_mem>>) src(%dma_wait3A_150 : memref<79x128xf32, #tpu.memory_space<vmem>>) dst(%dma_wait3A_147 : memref<79x128xf32, #tpu.memory_space<vmem_shared>>)
      tpu.yield
    }) : () -> ()
    %mul3A_11 = arith.constant 632 : i32
    %mul3A_12 = arith.muli %arg1, %mul3A_11 : i32
    %add3A_13 = arith.constant 79 : i32
    %add3A_14 = arith.addi %mul3A_12, %add3A_13 : i32
    "tpu.region"() ({
      %run_scoped3A = tpu.sem_alloc : memref<!tpu.dma_semaphore, #tpu.memory_space<semaphore_mem>>
      %dma_start3A_131 = arith.constant 0 : i32
      %dma_start3A_132 = arith.constant 0 : i32
      %dma_start3A_133 = tpu.memref_slice %arg7[%dma_start3A_131, %dma_start3A_132] : memref<128x128xf32, #tpu.memory_space<vmem>> -> memref<79x128xf32, #tpu.memory_space<vmem>>
      %dma_start3A_134 = arith.constant 0 : i32
      %dma_start3A_135 = tpu.memref_slice %arg6[%add3A_14, %dma_start3A_134] : memref<10112x128xf32, #tpu.memory_space<vmem_shared>> -> memref<79x128xf32, #tpu.memory_space<vmem_shared>>
      %dma_start3A_136 = arith.constant 0 : i32
      %dma_start3A_137 = tpu.memref_slice %arg6[%add3A_14, %dma_start3A_136] : memref<10112x128xf32, #tpu.memory_space<vmem_shared>> -> memref<79x128xf32, #tpu.memory_space<vmem_shared>>
      %dma_start3A_138 = arith.constant 0 : i32
      %dma_start3A_139 = arith.constant 0 : i32
      %dma_start3A_140 = tpu.memref_slice %arg7[%dma_start3A_138, %dma_start3A_139] : memref<128x128xf32, #tpu.memory_space<vmem>> -> memref<79x128xf32, #tpu.memory_space<vmem>>
      tpu.enqueue_dma source(%dma_start3A_140 : memref<79x128xf32, #tpu.memory_space<vmem>>) target(%dma_start3A_137 : memref<79x128xf32, #tpu.memory_space<vmem_shared>>) target_semaphore(%run_scoped3A : memref<!tpu.dma_semaphore, #tpu.memory_space<semaphore_mem>>)
      %dma_wait3A_141 = arith.constant 0 : i32
      %dma_wait3A_142 = arith.constant 0 : i32
      %dma_wait3A_143 = tpu.memref_slice %arg7[%dma_wait3A_141, %dma_wait3A_142] : memref<128x128xf32, #tpu.memory_space<vmem>> -> memref<79x128xf32, #tpu.memory_space<vmem>>
      %dma_wait3A_144 = arith.constant 0 : i32
      %dma_wait3A_145 = tpu.memref_slice %arg6[%add3A_14, %dma_wait3A_144] : memref<10112x128xf32, #tpu.memory_space<vmem_shared>> -> memref<79x128xf32, #tpu.memory_space<vmem_shared>>
      %dma_wait3A_146 = arith.constant 0 : i32
      %dma_wait3A_147 = tpu.memref_slice %arg6[%add3A_14, %dma_wait3A_146] : memref<10112x128xf32, #tpu.memory_space<vmem_shared>> -> memref<79x128xf32, #tpu.memory_space<vmem_shared>>
      %dma_wait3A_148 = arith.constant 0 : i32
      %dma_wait3A_149 = arith.constant 0 : i32
      %dma_wait3A_150 = tpu.memref_slice %arg7[%dma_wait3A_148, %dma_wait3A_149] : memref<128x128xf32, #tpu.memory_space<vmem>> -> memref<79x128xf32, #tpu.memory_space<vmem>>
      tpu.wait_dma2 semaphore(%run_scoped3A : memref<!tpu.dma_semaphore, #tpu.memory_space<semaphore_mem>>) src(%dma_wait3A_150 : memref<79x128xf32, #tpu.memory_space<vmem>>) dst(%dma_wait3A_147 : memref<79x128xf32, #tpu.memory_space<vmem_shared>>)
      tpu.yield
    }) : () -> ()
    %mul3A_15 = arith.constant 632 : i32
    %mul3A_16 = arith.muli %arg1, %mul3A_15 : i32
    %add3A_17 = arith.constant 158 : i32
    %add3A_18 = arith.addi %mul3A_16, %add3A_17 : i32
    "tpu.region"() ({
      %run_scoped3A = tpu.sem_alloc : memref<!tpu.dma_semaphore, #tpu.memory_space<semaphore_mem>>
      %dma_start3A_131 = arith.constant 0 : i32
      %dma_start3A_132 = arith.constant 0 : i32
      %dma_start3A_133 = tpu.memref_slice %arg7[%dma_start3A_131, %dma_start3A_132] : memref<128x128xf32, #tpu.memory_space<vmem>> -> memref<79x128xf32, #tpu.memory_space<vmem>>
      %dma_start3A_134 = arith.constant 0 : i32
      %dma_start3A_135 = tpu.memref_slice %arg6[%add3A_18, %dma_start3A_134] : memref<10112x128xf32, #tpu.memory_space<vmem_shared>> -> memref<79x128xf32, #tpu.memory_space<vmem_shared>>
      %dma_start3A_136 = arith.constant 0 : i32
      %dma_start3A_137 = tpu.memref_slice %arg6[%add3A_18, %dma_start3A_136] : memref<10112x128xf32, #tpu.memory_space<vmem_shared>> -> memref<79x128xf32, #tpu.memory_space<vmem_shared>>
      %dma_start3A_138 = arith.constant 0 : i32
      %dma_start3A_139 = arith.constant 0 : i32
      %dma_start3A_140 = tpu.memref_slice %arg7[%dma_start3A_138, %dma_start3A_139] : memref<128x128xf32, #tpu.memory_space<vmem>> -> memref<79x128xf32, #tpu.memory_space<vmem>>
      tpu.enqueue_dma source(%dma_start3A_140 : memref<79x128xf32, #tpu.memory_space<vmem>>) target(%dma_start3A_137 : memref<79x128xf32, #tpu.memory_space<vmem_shared>>) target_semaphore(%run_scoped3A : memref<!tpu.dma_semaphore, #tpu.memory_space<semaphore_mem>>)
      %dma_wait3A_141 = arith.constant 0 : i32
      %dma_wait3A_142 = arith.constant 0 : i32
      %dma_wait3A_143 = tpu.memref_slice %arg7[%dma_wait3A_141, %dma_wait3A_142] : memref<128x128xf32, #tpu.memory_space<vmem>> -> memref<79x128xf32, #tpu.memory_space<vmem>>
      %dma_wait3A_144 = arith.constant 0 : i32
      %dma_wait3A_145 = tpu.memref_slice %arg6[%add3A_18, %dma_wait3A_144] : memref<10112x128xf32, #tpu.memory_space<vmem_shared>> -> memref<79x128xf32, #tpu.memory_space<vmem_shared>>
      %dma_wait3A_146 = arith.constant 0 : i32
      %dma_wait3A_147 = tpu.memref_slice %arg6[%add3A_18, %dma_wait3A_146] : memref<10112x128xf32, #tpu.memory_space<vmem_shared>> -> memref<79x128xf32, #tpu.memory_space<vmem_shared>>
      %dma_wait3A_148 = arith.constant 0 : i32
      %dma_wait3A_149 = arith.constant 0 : i32
      %dma_wait3A_150 = tpu.memref_slice %arg7[%dma_wait3A_148, %dma_wait3A_149] : memref<128x128xf32, #tpu.memory_space<vmem>> -> memref<79x128xf32, #tpu.memory_space<vmem>>
      tpu.wait_dma2 semaphore(%run_scoped3A : memref<!tpu.dma_semaphore, #tpu.memory_space<semaphore_mem>>) src(%dma_wait3A_150 : memref<79x128xf32, #tpu.memory_space<vmem>>) dst(%dma_wait3A_147 : memref<79x128xf32, #tpu.memory_space<vmem_shared>>)
      tpu.yield
    }) : () -> ()
    %mul3A_19 = arith.constant 632 : i32
    %mul3A_20 = arith.muli %arg1, %mul3A_19 : i32
    %add3A_21 = arith.constant 237 : i32
    %add3A_22 = arith.addi %mul3A_20, %add3A_21 : i32
    "tpu.region"() ({
      %run_scoped3A = tpu.sem_alloc : memref<!tpu.dma_semaphore, #tpu.memory_space<semaphore_mem>>
      %dma_start3A_131 = arith.constant 0 : i32
      %dma_start3A_132 = arith.constant 0 : i32
      %dma_start3A_133 = tpu.memref_slice %arg7[%dma_start3A_131, %dma_start3A_132] : memref<128x128xf32, #tpu.memory_space<vmem>> -> memref<79x128xf32, #tpu.memory_space<vmem>>
      %dma_start3A_134 = arith.constant 0 : i32
      %dma_start3A_135 = tpu.memref_slice %arg6[%add3A_22, %dma_start3A_134] : memref<10112x128xf32, #tpu.memory_space<vmem_shared>> -> memref<79x128xf32, #tpu.memory_space<vmem_shared>>
      %dma_start3A_136 = arith.constant 0 : i32
      %dma_start3A_137 = tpu.memref_slice %arg6[%add3A_22, %dma_start3A_136] : memref<10112x128xf32, #tpu.memory_space<vmem_shared>> -> memref<79x128xf32, #tpu.memory_space<vmem_shared>>
      %dma_start3A_138 = arith.constant 0 : i32
      %dma_start3A_139 = arith.constant 0 : i32
      %dma_start3A_140 = tpu.memref_slice %arg7[%dma_start3A_138, %dma_start3A_139] : memref<128x128xf32, #tpu.memory_space<vmem>> -> memref<79x128xf32, #tpu.memory_space<vmem>>
      tpu.enqueue_dma source(%dma_start3A_140 : memref<79x128xf32, #tpu.memory_space<vmem>>) target(%dma_start3A_137 : memref<79x128xf32, #tpu.memory_space<vmem_shared>>) target_semaphore(%run_scoped3A : memref<!tpu.dma_semaphore, #tpu.memory_space<semaphore_mem>>)
      %dma_wait3A_141 = arith.constant 0 : i32
      %dma_wait3A_142 = arith.constant 0 : i32
      %dma_wait3A_143 = tpu.memref_slice %arg7[%dma_wait3A_141, %dma_wait3A_142] : memref<128x128xf32, #tpu.memory_space<vmem>> -> memref<79x128xf32, #tpu.memory_space<vmem>>
      %dma_wait3A_144 = arith.constant 0 : i32
      %dma_wait3A_145 = tpu.memref_slice %arg6[%add3A_22, %dma_wait3A_144] : memref<10112x128xf32, #tpu.memory_space<vmem_shared>> -> memref<79x128xf32, #tpu.memory_space<vmem_shared>>
      %dma_wait3A_146 = arith.constant 0 : i32
      %dma_wait3A_147 = tpu.memref_slice %arg6[%add3A_22, %dma_wait3A_146] : memref<10112x128xf32, #tpu.memory_space<vmem_shared>> -> memref<79x128xf32, #tpu.memory_space<vmem_shared>>
      %dma_wait3A_148 = arith.constant 0 : i32
      %dma_wait3A_149 = arith.constant 0 : i32
      %dma_wait3A_150 = tpu.memref_slice %arg7[%dma_wait3A_148, %dma_wait3A_149] : memref<128x128xf32, #tpu.memory_space<vmem>> -> memref<79x128xf32, #tpu.memory_space<vmem>>
      tpu.wait_dma2 semaphore(%run_scoped3A : memref<!tpu.dma_semaphore, #tpu.memory_space<semaphore_mem>>) src(%dma_wait3A_150 : memref<79x128xf32, #tpu.memory_space<vmem>>) dst(%dma_wait3A_147 : memref<79x128xf32, #tpu.memory_space<vmem_shared>>)
      tpu.yield
    }) : () -> ()
    %mul3A_23 = arith.constant 632 : i32
    %mul3A_24 = arith.muli %arg1, %mul3A_23 : i32
    %add3A_25 = arith.constant 316 : i32
    %add3A_26 = arith.addi %mul3A_24, %add3A_25 : i32
    "tpu.region"() ({
      %run_scoped3A = tpu.sem_alloc : memref<!tpu.dma_semaphore, #tpu.memory_space<semaphore_mem>>
      %dma_start3A_131 = arith.constant 0 : i32
      %dma_start3A_132 = arith.constant 0 : i32
      %dma_start3A_133 = tpu.memref_slice %arg7[%dma_start3A_131, %dma_start3A_132] : memref<128x128xf32, #tpu.memory_space<vmem>> -> memref<79x128xf32, #tpu.memory_space<vmem>>
      %dma_start3A_134 = arith.constant 0 : i32
      %dma_start3A_135 = tpu.memref_slice %arg6[%add3A_26, %dma_start3A_134] : memref<10112x128xf32, #tpu.memory_space<vmem_shared>> -> memref<79x128xf32, #tpu.memory_space<vmem_shared>>
      %dma_start3A_136 = arith.constant 0 : i32
      %dma_start3A_137 = tpu.memref_slice %arg6[%add3A_26, %dma_start3A_136] : memref<10112x128xf32, #tpu.memory_space<vmem_shared>> -> memref<79x128xf32, #tpu.memory_space<vmem_shared>>
      %dma_start3A_138 = arith.constant 0 : i32
      %dma_start3A_139 = arith.constant 0 : i32
      %dma_start3A_140 = tpu.memref_slice %arg7[%dma_start3A_138, %dma_start3A_139] : memref<128x128xf32, #tpu.memory_space<vmem>> -> memref<79x128xf32, #tpu.memory_space<vmem>>
      tpu.enqueue_dma source(%dma_start3A_140 : memref<79x128xf32, #tpu.memory_space<vmem>>) target(%dma_start3A_137 : memref<79x128xf32, #tpu.memory_space<vmem_shared>>) target_semaphore(%run_scoped3A : memref<!tpu.dma_semaphore, #tpu.memory_space<semaphore_mem>>)
      %dma_wait3A_141 = arith.constant 0 : i32
      %dma_wait3A_142 = arith.constant 0 : i32
      %dma_wait3A_143 = tpu.memref_slice %arg7[%dma_wait3A_141, %dma_wait3A_142] : memref<128x128xf32, #tpu.memory_space<vmem>> -> memref<79x128xf32, #tpu.memory_space<vmem>>
      %dma_wait3A_144 = arith.constant 0 : i32
      %dma_wait3A_145 = tpu.memref_slice %arg6[%add3A_26, %dma_wait3A_144] : memref<10112x128xf32, #tpu.memory_space<vmem_shared>> -> memref<79x128xf32, #tpu.memory_space<vmem_shared>>
      %dma_wait3A_146 = arith.constant 0 : i32
      %dma_wait3A_147 = tpu.memref_slice %arg6[%add3A_26, %dma_wait3A_146] : memref<10112x128xf32, #tpu.memory_space<vmem_shared>> -> memref<79x128xf32, #tpu.memory_space<vmem_shared>>
      %dma_wait3A_148 = arith.constant 0 : i32
      %dma_wait3A_149 = arith.constant 0 : i32
      %dma_wait3A_150 = tpu.memref_slice %arg7[%dma_wait3A_148, %dma_wait3A_149] : memref<128x128xf32, #tpu.memory_space<vmem>> -> memref<79x128xf32, #tpu.memory_space<vmem>>
      tpu.wait_dma2 semaphore(%run_scoped3A : memref<!tpu.dma_semaphore, #tpu.memory_space<semaphore_mem>>) src(%dma_wait3A_150 : memref<79x128xf32, #tpu.memory_space<vmem>>) dst(%dma_wait3A_147 : memref<79x128xf32, #tpu.memory_space<vmem_shared>>)
      tpu.yield
    }) : () -> ()
    %mul3A_27 = arith.constant 632 : i32
    %mul3A_28 = arith.muli %arg1, %mul3A_27 : i32
    %add3A_29 = arith.constant 395 : i32
    %add3A_30 = arith.addi %mul3A_28, %add3A_29 : i32
    "tpu.region"() ({
      %run_scoped3A = tpu.sem_alloc : memref<!tpu.dma_semaphore, #tpu.memory_space<semaphore_mem>>
      %dma_start3A_131 = arith.constant 0 : i32
      %dma_start3A_132 = arith.constant 0 : i32
      %dma_start3A_133 = tpu.memref_slice %arg7[%dma_start3A_131, %dma_start3A_132] : memref<128x128xf32, #tpu.memory_space<vmem>> -> memref<79x128xf32, #tpu.memory_space<vmem>>
      %dma_start3A_134 = arith.constant 0 : i32
      %dma_start3A_135 = tpu.memref_slice %arg6[%add3A_30, %dma_start3A_134] : memref<10112x128xf32, #tpu.memory_space<vmem_shared>> -> memref<79x128xf32, #tpu.memory_space<vmem_shared>>
      %dma_start3A_136 = arith.constant 0 : i32
      %dma_start3A_137 = tpu.memref_slice %arg6[%add3A_30, %dma_start3A_136] : memref<10112x128xf32, #tpu.memory_space<vmem_shared>> -> memref<79x128xf32, #tpu.memory_space<vmem_shared>>
      %dma_start3A_138 = arith.constant 0 : i32
      %dma_start3A_139 = arith.constant 0 : i32
      %dma_start3A_140 = tpu.memref_slice %arg7[%dma_start3A_138, %dma_start3A_139] : memref<128x128xf32, #tpu.memory_space<vmem>> -> memref<79x128xf32, #tpu.memory_space<vmem>>
      tpu.enqueue_dma source(%dma_start3A_140 : memref<79x128xf32, #tpu.memory_space<vmem>>) target(%dma_start3A_137 : memref<79x128xf32, #tpu.memory_space<vmem_shared>>) target_semaphore(%run_scoped3A : memref<!tpu.dma_semaphore, #tpu.memory_space<semaphore_mem>>)
      %dma_wait3A_141 = arith.constant 0 : i32
      %dma_wait3A_142 = arith.constant 0 : i32
      %dma_wait3A_143 = tpu.memref_slice %arg7[%dma_wait3A_141, %dma_wait3A_142] : memref<128x128xf32, #tpu.memory_space<vmem>> -> memref<79x128xf32, #tpu.memory_space<vmem>>
      %dma_wait3A_144 = arith.constant 0 : i32
      %dma_wait3A_145 = tpu.memref_slice %arg6[%add3A_30, %dma_wait3A_144] : memref<10112x128xf32, #tpu.memory_space<vmem_shared>> -> memref<79x128xf32, #tpu.memory_space<vmem_shared>>
      %dma_wait3A_146 = arith.constant 0 : i32
      %dma_wait3A_147 = tpu.memref_slice %arg6[%add3A_30, %dma_wait3A_146] : memref<10112x128xf32, #tpu.memory_space<vmem_shared>> -> memref<79x128xf32, #tpu.memory_space<vmem_shared>>
      %dma_wait3A_148 = arith.constant 0 : i32
      %dma_wait3A_149 = arith.constant 0 : i32
      %dma_wait3A_150 = tpu.memref_slice %arg7[%dma_wait3A_148, %dma_wait3A_149] : memref<128x128xf32, #tpu.memory_space<vmem>> -> memref<79x128xf32, #tpu.memory_space<vmem>>
      tpu.wait_dma2 semaphore(%run_scoped3A : memref<!tpu.dma_semaphore, #tpu.memory_space<semaphore_mem>>) src(%dma_wait3A_150 : memref<79x128xf32, #tpu.memory_space<vmem>>) dst(%dma_wait3A_147 : memref<79x128xf32, #tpu.memory_space<vmem_shared>>)
      tpu.yield
    }) : () -> ()
    %mul3A_31 = arith.constant 632 : i32
    %mul3A_32 = arith.muli %arg1, %mul3A_31 : i32
    %add3A_33 = arith.constant 474 : i32
    %add3A_34 = arith.addi %mul3A_32, %add3A_33 : i32
    "tpu.region"() ({
      %run_scoped3A = tpu.sem_alloc : memref<!tpu.dma_semaphore, #tpu.memory_space<semaphore_mem>>
      %dma_start3A_131 = arith.constant 0 : i32
      %dma_start3A_132 = arith.constant 0 : i32
      %dma_start3A_133 = tpu.memref_slice %arg7[%dma_start3A_131, %dma_start3A_132] : memref<128x128xf32, #tpu.memory_space<vmem>> -> memref<79x128xf32, #tpu.memory_space<vmem>>
      %dma_start3A_134 = arith.constant 0 : i32
      %dma_start3A_135 = tpu.memref_slice %arg6[%add3A_34, %dma_start3A_134] : memref<10112x128xf32, #tpu.memory_space<vmem_shared>> -> memref<79x128xf32, #tpu.memory_space<vmem_shared>>
      %dma_start3A_136 = arith.constant 0 : i32
      %dma_start3A_137 = tpu.memref_slice %arg6[%add3A_34, %dma_start3A_136] : memref<10112x128xf32, #tpu.memory_space<vmem_shared>> -> memref<79x128xf32, #tpu.memory_space<vmem_shared>>
      %dma_start3A_138 = arith.constant 0 : i32
      %dma_start3A_139 = arith.constant 0 : i32
      %dma_start3A_140 = tpu.memref_slice %arg7[%dma_start3A_138, %dma_start3A_139] : memref<128x128xf32, #tpu.memory_space<vmem>> -> memref<79x128xf32, #tpu.memory_space<vmem>>
      tpu.enqueue_dma source(%dma_start3A_140 : memref<79x128xf32, #tpu.memory_space<vmem>>) target(%dma_start3A_137 : memref<79x128xf32, #tpu.memory_space<vmem_shared>>) target_semaphore(%run_scoped3A : memref<!tpu.dma_semaphore, #tpu.memory_space<semaphore_mem>>)
      %dma_wait3A_141 = arith.constant 0 : i32
      %dma_wait3A_142 = arith.constant 0 : i32
      %dma_wait3A_143 = tpu.memref_slice %arg7[%dma_wait3A_141, %dma_wait3A_142] : memref<128x128xf32, #tpu.memory_space<vmem>> -> memref<79x128xf32, #tpu.memory_space<vmem>>
      %dma_wait3A_144 = arith.constant 0 : i32
      %dma_wait3A_145 = tpu.memref_slice %arg6[%add3A_34, %dma_wait3A_144] : memref<10112x128xf32, #tpu.memory_space<vmem_shared>> -> memref<79x128xf32, #tpu.memory_space<vmem_shared>>
      %dma_wait3A_146 = arith.constant 0 : i32
      %dma_wait3A_147 = tpu.memref_slice %arg6[%add3A_34, %dma_wait3A_146] : memref<10112x128xf32, #tpu.memory_space<vmem_shared>> -> memref<79x128xf32, #tpu.memory_space<vmem_shared>>
      %dma_wait3A_148 = arith.constant 0 : i32
      %dma_wait3A_149 = arith.constant 0 : i32
      %dma_wait3A_150 = tpu.memref_slice %arg7[%dma_wait3A_148, %dma_wait3A_149] : memref<128x128xf32, #tpu.memory_space<vmem>> -> memref<79x128xf32, #tpu.memory_space<vmem>>
      tpu.wait_dma2 semaphore(%run_scoped3A : memref<!tpu.dma_semaphore, #tpu.memory_space<semaphore_mem>>) src(%dma_wait3A_150 : memref<79x128xf32, #tpu.memory_space<vmem>>) dst(%dma_wait3A_147 : memref<79x128xf32, #tpu.memory_space<vmem_shared>>)
      tpu.yield
    }) : () -> ()
    %mul3A_35 = arith.constant 632 : i32
    %mul3A_36 = arith.muli %arg1, %mul3A_35 : i32
    %add3A_37 = arith.constant 553 : i32
    %add3A_38 = arith.addi %mul3A_36, %add3A_37 : i32
    "tpu.region"() ({
      %run_scoped3A = tpu.sem_alloc : memref<!tpu.dma_semaphore, #tpu.memory_space<semaphore_mem>>
      %dma_start3A_131 = arith.constant 0 : i32
      %dma_start3A_132 = arith.constant 0 : i32
      %dma_start3A_133 = tpu.memref_slice %arg7[%dma_start3A_131, %dma_start3A_132] : memref<128x128xf32, #tpu.memory_space<vmem>> -> memref<79x128xf32, #tpu.memory_space<vmem>>
      %dma_start3A_134 = arith.constant 0 : i32
      %dma_start3A_135 = tpu.memref_slice %arg6[%add3A_38, %dma_start3A_134] : memref<10112x128xf32, #tpu.memory_space<vmem_shared>> -> memref<79x128xf32, #tpu.memory_space<vmem_shared>>
      %dma_start3A_136 = arith.constant 0 : i32
      %dma_start3A_137 = tpu.memref_slice %arg6[%add3A_38, %dma_start3A_136] : memref<10112x128xf32, #tpu.memory_space<vmem_shared>> -> memref<79x128xf32, #tpu.memory_space<vmem_shared>>
      %dma_start3A_138 = arith.constant 0 : i32
      %dma_start3A_139 = arith.constant 0 : i32
      %dma_start3A_140 = tpu.memref_slice %arg7[%dma_start3A_138, %dma_start3A_139] : memref<128x128xf32, #tpu.memory_space<vmem>> -> memref<79x128xf32, #tpu.memory_space<vmem>>
      tpu.enqueue_dma source(%dma_start3A_140 : memref<79x128xf32, #tpu.memory_space<vmem>>) target(%dma_start3A_137 : memref<79x128xf32, #tpu.memory_space<vmem_shared>>) target_semaphore(%run_scoped3A : memref<!tpu.dma_semaphore, #tpu.memory_space<semaphore_mem>>)
      %dma_wait3A_141 = arith.constant 0 : i32
      %dma_wait3A_142 = arith.constant 0 : i32
      %dma_wait3A_143 = tpu.memref_slice %arg7[%dma_wait3A_141, %dma_wait3A_142] : memref<128x128xf32, #tpu.memory_space<vmem>> -> memref<79x128xf32, #tpu.memory_space<vmem>>
      %dma_wait3A_144 = arith.constant 0 : i32
      %dma_wait3A_145 = tpu.memref_slice %arg6[%add3A_38, %dma_wait3A_144] : memref<10112x128xf32, #tpu.memory_space<vmem_shared>> -> memref<79x128xf32, #tpu.memory_space<vmem_shared>>
      %dma_wait3A_146 = arith.constant 0 : i32
      %dma_wait3A_147 = tpu.memref_slice %arg6[%add3A_38, %dma_wait3A_146] : memref<10112x128xf32, #tpu.memory_space<vmem_shared>> -> memref<79x128xf32, #tpu.memory_space<vmem_shared>>
      %dma_wait3A_148 = arith.constant 0 : i32
      %dma_wait3A_149 = arith.constant 0 : i32
      %dma_wait3A_150 = tpu.memref_slice %arg7[%dma_wait3A_148, %dma_wait3A_149] : memref<128x128xf32, #tpu.memory_space<vmem>> -> memref<79x128xf32, #tpu.memory_space<vmem>>
      tpu.wait_dma2 semaphore(%run_scoped3A : memref<!tpu.dma_semaphore, #tpu.memory_space<semaphore_mem>>) src(%dma_wait3A_150 : memref<79x128xf32, #tpu.memory_space<vmem>>) dst(%dma_wait3A_147 : memref<79x128xf32, #tpu.memory_space<vmem_shared>>)
      tpu.yield
    }) : () -> ()
    %barrier3A = arith.constant 0 : index
    tpu.barrier barrier_id(%barrier3A)
    %mul3A_39 = arith.constant 81 : i32
    %mul3A_40 = arith.muli %add3A, %mul3A_39 : i32
    %add3A_41 = arith.constant 0 : i32
    %add3A_42 = arith.addi %mul3A_40, %add3A_41 : i32
    %dma_start3A = arith.constant 0 : i32
    %dma_start3A_43 = tpu.memref_slice %arg2[%add3A_42, %dma_start3A] : memref<2592x128xi32, #tpu.memory_space<hbm>> -> memref<1x128xi32, #tpu.memory_space<hbm>>
    %dma_start3A_44 = tpu.memref_squeeze %dma_start3A_43 : memref<1x128xi32, #tpu.memory_space<hbm>> -> memref<128xi32, #tpu.memory_space<hbm>>
    %dma_start3A_45 = arith.constant 0 : i32
    %dma_start3A_46 = tpu.memref_slice %arg2[%add3A_42, %dma_start3A_45] : memref<2592x128xi32, #tpu.memory_space<hbm>> -> memref<1x128xi32, #tpu.memory_space<hbm>>
    %dma_start3A_47 = tpu.memref_squeeze %dma_start3A_46 : memref<1x128xi32, #tpu.memory_space<hbm>> -> memref<128xi32, #tpu.memory_space<hbm>>
    tpu.enqueue_dma source(%dma_start3A_47 : memref<128xi32, #tpu.memory_space<hbm>>) target(%arg10 : memref<128xi32, #tpu.memory_space<vmem>>) target_semaphore(%arg19 : memref<!tpu.dma_semaphore, #tpu.memory_space<semaphore_mem>>)
    %mul3A_48 = arith.constant 81 : i32
    %mul3A_49 = arith.muli %add3A, %mul3A_48 : i32
    %add3A_50 = arith.constant 1 : i32
    %add3A_51 = arith.addi %mul3A_49, %add3A_50 : i32
    %dma_start3A_52 = arith.constant 0 : i32
    %dma_start3A_53 = tpu.memref_slice %arg2[%add3A_51, %dma_start3A_52] : memref<2592x128xi32, #tpu.memory_space<hbm>> -> memref<1x128xi32, #tpu.memory_space<hbm>>
    %dma_start3A_54 = tpu.memref_squeeze %dma_start3A_53 : memref<1x128xi32, #tpu.memory_space<hbm>> -> memref<128xi32, #tpu.memory_space<hbm>>
    %dma_start3A_55 = arith.constant 0 : i32
    %dma_start3A_56 = tpu.memref_slice %arg2[%add3A_51, %dma_start3A_55] : memref<2592x128xi32, #tpu.memory_space<hbm>> -> memref<1x128xi32, #tpu.memory_space<hbm>>
    %dma_start3A_57 = tpu.memref_squeeze %dma_start3A_56 : memref<1x128xi32, #tpu.memory_space<hbm>> -> memref<128xi32, #tpu.memory_space<hbm>>
    tpu.enqueue_dma source(%dma_start3A_57 : memref<128xi32, #tpu.memory_space<hbm>>) target(%arg11 : memref<128xi32, #tpu.memory_space<vmem>>) target_semaphore(%arg20 : memref<!tpu.dma_semaphore, #tpu.memory_space<semaphore_mem>>)
    %mul3A_58 = arith.constant 81 : i32
    %mul3A_59 = arith.muli %add3A, %mul3A_58 : i32
    %add3A_60 = arith.constant 2 : i32
    %add3A_61 = arith.addi %mul3A_59, %add3A_60 : i32
    %dma_start3A_62 = arith.constant 0 : i32
    %dma_start3A_63 = tpu.memref_slice %arg2[%add3A_61, %dma_start3A_62] : memref<2592x128xi32, #tpu.memory_space<hbm>> -> memref<1x128xi32, #tpu.memory_space<hbm>>
    %dma_start3A_64 = tpu.memref_squeeze %dma_start3A_63 : memref<1x128xi32, #tpu.memory_space<hbm>> -> memref<128xi32, #tpu.memory_space<hbm>>
    %dma_start3A_65 = arith.constant 0 : i32
    %dma_start3A_66 = tpu.memref_slice %arg2[%add3A_61, %dma_start3A_65] : memref<2592x128xi32, #tpu.memory_space<hbm>> -> memref<1x128xi32, #tpu.memory_space<hbm>>
    %dma_start3A_67 = tpu.memref_squeeze %dma_start3A_66 : memref<1x128xi32, #tpu.memory_space<hbm>> -> memref<128xi32, #tpu.memory_space<hbm>>
    tpu.enqueue_dma source(%dma_start3A_67 : memref<128xi32, #tpu.memory_space<hbm>>) target(%arg12 : memref<128xi32, #tpu.memory_space<vmem>>) target_semaphore(%arg21 : memref<!tpu.dma_semaphore, #tpu.memory_space<semaphore_mem>>)
    %mul3A_68 = arith.constant 81 : i32
    %mul3A_69 = arith.muli %add3A, %mul3A_68 : i32
    %add3A_70 = arith.constant 0 : i32
    %add3A_71 = arith.addi %mul3A_69, %add3A_70 : i32
    %dma_start3A_72 = arith.constant 0 : i32
    %dma_start3A_73 = tpu.memref_slice %arg3[%add3A_71, %dma_start3A_72] : memref<2592x128xi32, #tpu.memory_space<hbm>> -> memref<1x128xi32, #tpu.memory_space<hbm>>
    %dma_start3A_74 = tpu.memref_squeeze %dma_start3A_73 : memref<1x128xi32, #tpu.memory_space<hbm>> -> memref<128xi32, #tpu.memory_space<hbm>>
    %dma_start3A_75 = arith.constant 0 : i32
    %dma_start3A_76 = tpu.memref_slice %arg3[%add3A_71, %dma_start3A_75] : memref<2592x128xi32, #tpu.memory_space<hbm>> -> memref<1x128xi32, #tpu.memory_space<hbm>>
    %dma_start3A_77 = tpu.memref_squeeze %dma_start3A_76 : memref<1x128xi32, #tpu.memory_space<hbm>> -> memref<128xi32, #tpu.memory_space<hbm>>
    tpu.enqueue_dma source(%dma_start3A_77 : memref<128xi32, #tpu.memory_space<hbm>>) target(%arg13 : memref<128xi32, #tpu.memory_space<vmem>>) target_semaphore(%arg22 : memref<!tpu.dma_semaphore, #tpu.memory_space<semaphore_mem>>)
    %mul3A_78 = arith.constant 81 : i32
    %mul3A_79 = arith.muli %add3A, %mul3A_78 : i32
    %add3A_80 = arith.constant 0 : i32
    %add3A_81 = arith.addi %mul3A_79, %add3A_80 : i32
    %dma_wait3A = arith.constant 0 : i32
    %dma_wait3A_82 = tpu.memref_slice %arg2[%add3A_81, %dma_wait3A] : memref<2592x128xi32, #tpu.memory_space<hbm>> -> memref<1x128xi32, #tpu.memory_space<hbm>>
    %dma_wait3A_83 = tpu.memref_squeeze %dma_wait3A_82 : memref<1x128xi32, #tpu.memory_space<hbm>> -> memref<128xi32, #tpu.memory_space<hbm>>
    %dma_wait3A_84 = arith.constant 0 : i32
    %dma_wait3A_85 = tpu.memref_slice %arg2[%add3A_81, %dma_wait3A_84] : memref<2592x128xi32, #tpu.memory_space<hbm>> -> memref<1x128xi32, #tpu.memory_space<hbm>>
    %dma_wait3A_86 = tpu.memref_squeeze %dma_wait3A_85 : memref<1x128xi32, #tpu.memory_space<hbm>> -> memref<128xi32, #tpu.memory_space<hbm>>
    tpu.wait_dma2 semaphore(%arg19 : memref<!tpu.dma_semaphore, #tpu.memory_space<semaphore_mem>>) src(%dma_wait3A_86 : memref<128xi32, #tpu.memory_space<hbm>>) dst(%arg10 : memref<128xi32, #tpu.memory_space<vmem>>)
    %dma_start3A_87 = arith.constant 0 : i32
    %dma_start3A_88 = arith.constant 0 : i32
    %dma_start3A_89 = tpu.memref_slice %arg4[%dma_start3A_87, %dma_start3A_88] : memref<10112x128xf32, #tpu.memory_space<hbm>> -> memref<10112x128xf32, #tpu.memory_space<hbm>>
    tpu.enqueue_indirect_dma source(%dma_start3A_89 : memref<10112x128xf32, #tpu.memory_space<hbm>>) target(%arg7 : memref<128x128xf32, #tpu.memory_space<vmem>>) offsets(%arg10 : memref<128xi32, #tpu.memory_space<vmem>>) semaphore(%arg16 : memref<!tpu.dma_semaphore, #tpu.memory_space<semaphore_mem>>)
    %mul3A_90 = arith.constant 81 : i32
    %mul3A_91 = arith.muli %add3A, %mul3A_90 : i32
    %add3A_92 = arith.constant 1 : i32
    %add3A_93 = arith.addi %mul3A_91, %add3A_92 : i32
    %dma_start3A_94 = arith.constant 0 : i32
    %dma_start3A_95 = tpu.memref_slice %arg3[%add3A_93, %dma_start3A_94] : memref<2592x128xi32, #tpu.memory_space<hbm>> -> memref<1x128xi32, #tpu.memory_space<hbm>>
    %dma_start3A_96 = tpu.memref_squeeze %dma_start3A_95 : memref<1x128xi32, #tpu.memory_space<hbm>> -> memref<128xi32, #tpu.memory_space<hbm>>
    %dma_start3A_97 = arith.constant 0 : i32
    %dma_start3A_98 = tpu.memref_slice %arg3[%add3A_93, %dma_start3A_97] : memref<2592x128xi32, #tpu.memory_space<hbm>> -> memref<1x128xi32, #tpu.memory_space<hbm>>
    %dma_start3A_99 = tpu.memref_squeeze %dma_start3A_98 : memref<1x128xi32, #tpu.memory_space<hbm>> -> memref<128xi32, #tpu.memory_space<hbm>>
    tpu.enqueue_dma source(%dma_start3A_99 : memref<128xi32, #tpu.memory_space<hbm>>) target(%arg14 : memref<128xi32, #tpu.memory_space<vmem>>) target_semaphore(%arg23 : memref<!tpu.dma_semaphore, #tpu.memory_space<semaphore_mem>>)
    %mul3A_100 = arith.constant 81 : i32
    %mul3A_101 = arith.muli %add3A, %mul3A_100 : i32
    %add3A_102 = arith.constant 1 : i32
    %add3A_103 = arith.addi %mul3A_101, %add3A_102 : i32
    %dma_wait3A_104 = arith.constant 0 : i32
    %dma_wait3A_105 = tpu.memref_slice %arg2[%add3A_103, %dma_wait3A_104] : memref<2592x128xi32, #tpu.memory_space<hbm>> -> memref<1x128xi32, #tpu.memory_space<hbm>>
    %dma_wait3A_106 = tpu.memref_squeeze %dma_wait3A_105 : memref<1x128xi32, #tpu.memory_space<hbm>> -> memref<128xi32, #tpu.memory_space<hbm>>
    %dma_wait3A_107 = arith.constant 0 : i32
    %dma_wait3A_108 = tpu.memref_slice %arg2[%add3A_103, %dma_wait3A_107] : memref<2592x128xi32, #tpu.memory_space<hbm>> -> memref<1x128xi32, #tpu.memory_space<hbm>>
    %dma_wait3A_109 = tpu.memref_squeeze %dma_wait3A_108 : memref<1x128xi32, #tpu.memory_space<hbm>> -> memref<128xi32, #tpu.memory_space<hbm>>
    tpu.wait_dma2 semaphore(%arg20 : memref<!tpu.dma_semaphore, #tpu.memory_space<semaphore_mem>>) src(%dma_wait3A_109 : memref<128xi32, #tpu.memory_space<hbm>>) dst(%arg11 : memref<128xi32, #tpu.memory_space<vmem>>)
    %dma_start3A_110 = arith.constant 0 : i32
    %dma_start3A_111 = arith.constant 0 : i32
    %dma_start3A_112 = tpu.memref_slice %arg4[%dma_start3A_110, %dma_start3A_111] : memref<10112x128xf32, #tpu.memory_space<hbm>> -> memref<10112x128xf32, #tpu.memory_space<hbm>>
    tpu.enqueue_indirect_dma source(%dma_start3A_112 : memref<10112x128xf32, #tpu.memory_space<hbm>>) target(%arg8 : memref<128x128xf32, #tpu.memory_space<vmem>>) offsets(%arg11 : memref<128xi32, #tpu.memory_space<vmem>>) semaphore(%arg17 : memref<!tpu.dma_semaphore, #tpu.memory_space<semaphore_mem>>)
    %scan3A_113 = arith.constant 0 : i32
    %scan3A_114 = arith.constant 0 : i32
    %scan3A_115 = arith.constant 27 : i32
    %scan3A_116 = arith.addi %scan3A_114, %scan3A_115 : i32
    %scan3A_117 = arith.constant 1 : i32
    %scan3A_118 = scf.for %scan3A_131 = %scan3A_114 to %scan3A_116 step %scan3A_117 iter_args(%scan3A_132 = %scan3A_113) -> (i32)  : i32 {
      %mul3A_133 = arith.constant 3 : i32
      %mul3A_134 = arith.muli %mul3A_133, %scan3A_131 : i32
      %add3A_135 = arith.constant 0 : i32
      %add3A_136 = arith.addi %mul3A_134, %add3A_135 : i32
      %ge3A = arith.constant 1 : i32
      %ge3A_137 = arith.cmpi sge, %add3A_136, %ge3A : i32
      %convert_element_type3A = arith.extui %ge3A_137 : i1 to i32
      %cond3A = arith.constant 0 : i32
      %cond3A_138 = arith.cmpi ne, %convert_element_type3A, %cond3A : i32
      scf.if %cond3A_138 {
        %dma_wait3A_244 = arith.constant 0 : i32
        %dma_wait3A_245 = arith.constant 0 : i32
        %dma_wait3A_246 = tpu.memref_slice %arg6[%dma_wait3A_244, %dma_wait3A_245] : memref<10112x128xf32, #tpu.memory_space<vmem_shared>> -> memref<10112x128xf32, #tpu.memory_space<vmem_shared>>
        tpu.wait_indirect_dma semaphore(%arg27 : memref<!tpu.dma_semaphore, #tpu.memory_space<semaphore_mem>>) src(%arg9 : memref<128x128xf32, #tpu.memory_space<vmem>>) dst(%dma_wait3A_246 : memref<10112x128xf32, #tpu.memory_space<vmem_shared>>)
      } else {
      }
      %add3A_139 = arith.constant 2 : i32
      %add3A_140 = arith.addi %add3A_136, %add3A_139 : i32
      %lt3A = arith.constant 81 : i32
      %lt3A_141 = arith.cmpi slt, %add3A_140, %lt3A : i32
      %convert_element_type3A_142 = arith.extui %lt3A_141 : i1 to i32
      %cond3A_143 = arith.constant 0 : i32
      %cond3A_144 = arith.cmpi ne, %convert_element_type3A_142, %cond3A_143 : i32
      scf.if %cond3A_144 {
        %mul3A_244 = arith.constant 81 : i32
        %mul3A_245 = arith.muli %add3A, %mul3A_244 : i32
        %add3A_246 = arith.addi %mul3A_245, %add3A_136 : i32
        %add3A_247 = arith.constant 2 : i32
        %add3A_248 = arith.addi %add3A_246, %add3A_247 : i32
        %dma_wait3A_249 = arith.constant 0 : i32
        %dma_wait3A_250 = tpu.memref_slice %arg2[%add3A_248, %dma_wait3A_249] : memref<2592x128xi32, #tpu.memory_space<hbm>> -> memref<1x128xi32, #tpu.memory_space<hbm>>
        %dma_wait3A_251 = tpu.memref_squeeze %dma_wait3A_250 : memref<1x128xi32, #tpu.memory_space<hbm>> -> memref<128xi32, #tpu.memory_space<hbm>>
        %dma_wait3A_252 = arith.constant 0 : i32
        %dma_wait3A_253 = tpu.memref_slice %arg2[%add3A_248, %dma_wait3A_252] : memref<2592x128xi32, #tpu.memory_space<hbm>> -> memref<1x128xi32, #tpu.memory_space<hbm>>
        %dma_wait3A_254 = tpu.memref_squeeze %dma_wait3A_253 : memref<1x128xi32, #tpu.memory_space<hbm>> -> memref<128xi32, #tpu.memory_space<hbm>>
        tpu.wait_dma2 semaphore(%arg21 : memref<!tpu.dma_semaphore, #tpu.memory_space<semaphore_mem>>) src(%dma_wait3A_254 : memref<128xi32, #tpu.memory_space<hbm>>) dst(%arg12 : memref<128xi32, #tpu.memory_space<vmem>>)
        %mul3A_255 = arith.constant 81 : i32
        %mul3A_256 = arith.muli %add3A, %mul3A_255 : i32
        %add3A_257 = arith.addi %mul3A_256, %add3A_136 : i32
        %add3A_258 = arith.constant 2 : i32
        %add3A_259 = arith.addi %add3A_257, %add3A_258 : i32
        %dma_start3A_260 = arith.constant 0 : i32
        %dma_start3A_261 = tpu.memref_slice %arg3[%add3A_259, %dma_start3A_260] : memref<2592x128xi32, #tpu.memory_space<hbm>> -> memref<1x128xi32, #tpu.memory_space<hbm>>
        %dma_start3A_262 = tpu.memref_squeeze %dma_start3A_261 : memref<1x128xi32, #tpu.memory_space<hbm>> -> memref<128xi32, #tpu.memory_space<hbm>>
        %dma_start3A_263 = arith.constant 0 : i32
        %dma_start3A_264 = tpu.memref_slice %arg3[%add3A_259, %dma_start3A_263] : memref<2592x128xi32, #tpu.memory_space<hbm>> -> memref<1x128xi32, #tpu.memory_space<hbm>>
        %dma_start3A_265 = tpu.memref_squeeze %dma_start3A_264 : memref<1x128xi32, #tpu.memory_space<hbm>> -> memref<128xi32, #tpu.memory_space<hbm>>
        tpu.enqueue_dma source(%dma_start3A_265 : memref<128xi32, #tpu.memory_space<hbm>>) target(%arg15 : memref<128xi32, #tpu.memory_space<vmem>>) target_semaphore(%arg24 : memref<!tpu.dma_semaphore, #tpu.memory_space<semaphore_mem>>)
        %dma_start3A_266 = arith.constant 0 : i32
        %dma_start3A_267 = arith.constant 0 : i32
        %dma_start3A_268 = tpu.memref_slice %arg4[%dma_start3A_266, %dma_start3A_267] : memref<10112x128xf32, #tpu.memory_space<hbm>> -> memref<10112x128xf32, #tpu.memory_space<hbm>>
        tpu.enqueue_indirect_dma source(%dma_start3A_268 : memref<10112x128xf32, #tpu.memory_space<hbm>>) target(%arg9 : memref<128x128xf32, #tpu.memory_space<vmem>>) offsets(%arg12 : memref<128xi32, #tpu.memory_space<vmem>>) semaphore(%arg18 : memref<!tpu.dma_semaphore, #tpu.memory_space<semaphore_mem>>)
      } else {
      }
      %dma_wait3A_145 = arith.constant 0 : i32
      %dma_wait3A_146 = arith.constant 0 : i32
      %dma_wait3A_147 = tpu.memref_slice %arg4[%dma_wait3A_145, %dma_wait3A_146] : memref<10112x128xf32, #tpu.memory_space<hbm>> -> memref<10112x128xf32, #tpu.memory_space<hbm>>
      tpu.wait_indirect_dma semaphore(%arg16 : memref<!tpu.dma_semaphore, #tpu.memory_space<semaphore_mem>>) src(%dma_wait3A_147 : memref<10112x128xf32, #tpu.memory_space<hbm>>) dst(%arg7 : memref<128x128xf32, #tpu.memory_space<vmem>>)
      %add3A_148 = arith.constant 3 : i32
      %add3A_149 = arith.addi %add3A_136, %add3A_148 : i32
      %lt3A_150 = arith.constant 81 : i32
      %lt3A_151 = arith.cmpi slt, %add3A_149, %lt3A_150 : i32
      %convert_element_type3A_152 = arith.extui %lt3A_151 : i1 to i32
      %cond3A_153 = arith.constant 0 : i32
      %cond3A_154 = arith.cmpi ne, %convert_element_type3A_152, %cond3A_153 : i32
      scf.if %cond3A_154 {
        %mul3A_244 = arith.constant 81 : i32
        %mul3A_245 = arith.muli %add3A, %mul3A_244 : i32
        %add3A_246 = arith.addi %mul3A_245, %add3A_136 : i32
        %add3A_247 = arith.constant 3 : i32
        %add3A_248 = arith.addi %add3A_246, %add3A_247 : i32
        %dma_start3A_249 = arith.constant 0 : i32
        %dma_start3A_250 = tpu.memref_slice %arg2[%add3A_248, %dma_start3A_249] : memref<2592x128xi32, #tpu.memory_space<hbm>> -> memref<1x128xi32, #tpu.memory_space<hbm>>
        %dma_start3A_251 = tpu.memref_squeeze %dma_start3A_250 : memref<1x128xi32, #tpu.memory_space<hbm>> -> memref<128xi32, #tpu.memory_space<hbm>>
        %dma_start3A_252 = arith.constant 0 : i32
        %dma_start3A_253 = tpu.memref_slice %arg2[%add3A_248, %dma_start3A_252] : memref<2592x128xi32, #tpu.memory_space<hbm>> -> memref<1x128xi32, #tpu.memory_space<hbm>>
        %dma_start3A_254 = tpu.memref_squeeze %dma_start3A_253 : memref<1x128xi32, #tpu.memory_space<hbm>> -> memref<128xi32, #tpu.memory_space<hbm>>
        tpu.enqueue_dma source(%dma_start3A_254 : memref<128xi32, #tpu.memory_space<hbm>>) target(%arg10 : memref<128xi32, #tpu.memory_space<vmem>>) target_semaphore(%arg19 : memref<!tpu.dma_semaphore, #tpu.memory_space<semaphore_mem>>)
      } else {
      }
      %mul3A_155 = arith.constant 81 : i32
      %mul3A_156 = arith.muli %add3A, %mul3A_155 : i32
      %add3A_157 = arith.addi %mul3A_156, %add3A_136 : i32
      %dma_wait3A_158 = arith.constant 0 : i32
      %dma_wait3A_159 = tpu.memref_slice %arg3[%add3A_157, %dma_wait3A_158] : memref<2592x128xi32, #tpu.memory_space<hbm>> -> memref<1x128xi32, #tpu.memory_space<hbm>>
      %dma_wait3A_160 = tpu.memref_squeeze %dma_wait3A_159 : memref<1x128xi32, #tpu.memory_space<hbm>> -> memref<128xi32, #tpu.memory_space<hbm>>
      %dma_wait3A_161 = arith.constant 0 : i32
      %dma_wait3A_162 = tpu.memref_slice %arg3[%add3A_157, %dma_wait3A_161] : memref<2592x128xi32, #tpu.memory_space<hbm>> -> memref<1x128xi32, #tpu.memory_space<hbm>>
      %dma_wait3A_163 = tpu.memref_squeeze %dma_wait3A_162 : memref<1x128xi32, #tpu.memory_space<hbm>> -> memref<128xi32, #tpu.memory_space<hbm>>
      tpu.wait_dma2 semaphore(%arg22 : memref<!tpu.dma_semaphore, #tpu.memory_space<semaphore_mem>>) src(%dma_wait3A_163 : memref<128xi32, #tpu.memory_space<hbm>>) dst(%arg13 : memref<128xi32, #tpu.memory_space<vmem>>)
      %dma_start3A_164 = arith.constant 0 : i32
      %dma_start3A_165 = arith.constant 0 : i32
      %dma_start3A_166 = tpu.memref_slice %arg6[%dma_start3A_164, %dma_start3A_165] : memref<10112x128xf32, #tpu.memory_space<vmem_shared>> -> memref<10112x128xf32, #tpu.memory_space<vmem_shared>>
      tpu.enqueue_indirect_dma source(%arg7 : memref<128x128xf32, #tpu.memory_space<vmem>>) target(%dma_start3A_166 : memref<10112x128xf32, #tpu.memory_space<vmem_shared>>) offsets(%arg13 : memref<128xi32, #tpu.memory_space<vmem>>) semaphore(%arg25 : memref<!tpu.dma_semaphore, #tpu.memory_space<semaphore_mem>>) {add = true}
      %mul3A_167 = arith.constant 3 : i32
      %mul3A_168 = arith.muli %mul3A_167, %scan3A_131 : i32
      %add3A_169 = arith.constant 1 : i32
      %add3A_170 = arith.addi %mul3A_168, %add3A_169 : i32
      %ge3A_171 = arith.constant 1 : i32
      %ge3A_172 = arith.cmpi sge, %add3A_170, %ge3A_171 : i32
      %convert_element_type3A_173 = arith.extui %ge3A_172 : i1 to i32
      %cond3A_174 = arith.constant 0 : i32
      %cond3A_175 = arith.cmpi ne, %convert_element_type3A_173, %cond3A_174 : i32
      scf.if %cond3A_175 {
        %dma_wait3A_244 = arith.constant 0 : i32
        %dma_wait3A_245 = arith.constant 0 : i32
        %dma_wait3A_246 = tpu.memref_slice %arg6[%dma_wait3A_244, %dma_wait3A_245] : memref<10112x128xf32, #tpu.memory_space<vmem_shared>> -> memref<10112x128xf32, #tpu.memory_space<vmem_shared>>
        tpu.wait_indirect_dma semaphore(%arg25 : memref<!tpu.dma_semaphore, #tpu.memory_space<semaphore_mem>>) src(%arg7 : memref<128x128xf32, #tpu.memory_space<vmem>>) dst(%dma_wait3A_246 : memref<10112x128xf32, #tpu.memory_space<vmem_shared>>)
      } else {
      }
      %add3A_176 = arith.constant 2 : i32
      %add3A_177 = arith.addi %add3A_170, %add3A_176 : i32
      %lt3A_178 = arith.constant 81 : i32
      %lt3A_179 = arith.cmpi slt, %add3A_177, %lt3A_178 : i32
      %convert_element_type3A_180 = arith.extui %lt3A_179 : i1 to i32
      %cond3A_181 = arith.constant 0 : i32
      %cond3A_182 = arith.cmpi ne, %convert_element_type3A_180, %cond3A_181 : i32
      scf.if %cond3A_182 {
        %mul3A_244 = arith.constant 81 : i32
        %mul3A_245 = arith.muli %add3A, %mul3A_244 : i32
        %add3A_246 = arith.addi %mul3A_245, %add3A_170 : i32
        %add3A_247 = arith.constant 2 : i32
        %add3A_248 = arith.addi %add3A_246, %add3A_247 : i32
        %dma_wait3A_249 = arith.constant 0 : i32
        %dma_wait3A_250 = tpu.memref_slice %arg2[%add3A_248, %dma_wait3A_249] : memref<2592x128xi32, #tpu.memory_space<hbm>> -> memref<1x128xi32, #tpu.memory_space<hbm>>
        %dma_wait3A_251 = tpu.memref_squeeze %dma_wait3A_250 : memref<1x128xi32, #tpu.memory_space<hbm>> -> memref<128xi32, #tpu.memory_space<hbm>>
        %dma_wait3A_252 = arith.constant 0 : i32
        %dma_wait3A_253 = tpu.memref_slice %arg2[%add3A_248, %dma_wait3A_252] : memref<2592x128xi32, #tpu.memory_space<hbm>> -> memref<1x128xi32, #tpu.memory_space<hbm>>
        %dma_wait3A_254 = tpu.memref_squeeze %dma_wait3A_253 : memref<1x128xi32, #tpu.memory_space<hbm>> -> memref<128xi32, #tpu.memory_space<hbm>>
        tpu.wait_dma2 semaphore(%arg19 : memref<!tpu.dma_semaphore, #tpu.memory_space<semaphore_mem>>) src(%dma_wait3A_254 : memref<128xi32, #tpu.memory_space<hbm>>) dst(%arg10 : memref<128xi32, #tpu.memory_space<vmem>>)
        %mul3A_255 = arith.constant 81 : i32
        %mul3A_256 = arith.muli %add3A, %mul3A_255 : i32
        %add3A_257 = arith.addi %mul3A_256, %add3A_170 : i32
        %add3A_258 = arith.constant 2 : i32
        %add3A_259 = arith.addi %add3A_257, %add3A_258 : i32
        %dma_start3A_260 = arith.constant 0 : i32
        %dma_start3A_261 = tpu.memref_slice %arg3[%add3A_259, %dma_start3A_260] : memref<2592x128xi32, #tpu.memory_space<hbm>> -> memref<1x128xi32, #tpu.memory_space<hbm>>
        %dma_start3A_262 = tpu.memref_squeeze %dma_start3A_261 : memref<1x128xi32, #tpu.memory_space<hbm>> -> memref<128xi32, #tpu.memory_space<hbm>>
        %dma_start3A_263 = arith.constant 0 : i32
        %dma_start3A_264 = tpu.memref_slice %arg3[%add3A_259, %dma_start3A_263] : memref<2592x128xi32, #tpu.memory_space<hbm>> -> memref<1x128xi32, #tpu.memory_space<hbm>>
        %dma_start3A_265 = tpu.memref_squeeze %dma_start3A_264 : memref<1x128xi32, #tpu.memory_space<hbm>> -> memref<128xi32, #tpu.memory_space<hbm>>
        tpu.enqueue_dma source(%dma_start3A_265 : memref<128xi32, #tpu.memory_space<hbm>>) target(%arg13 : memref<128xi32, #tpu.memory_space<vmem>>) target_semaphore(%arg22 : memref<!tpu.dma_semaphore, #tpu.memory_space<semaphore_mem>>)
        %dma_start3A_266 = arith.constant 0 : i32
        %dma_start3A_267 = arith.constant 0 : i32
        %dma_start3A_268 = tpu.memref_slice %arg4[%dma_start3A_266, %dma_start3A_267] : memref<10112x128xf32, #tpu.memory_space<hbm>> -> memref<10112x128xf32, #tpu.memory_space<hbm>>
        tpu.enqueue_indirect_dma source(%dma_start3A_268 : memref<10112x128xf32, #tpu.memory_space<hbm>>) target(%arg7 : memref<128x128xf32, #tpu.memory_space<vmem>>) offsets(%arg10 : memref<128xi32, #tpu.memory_space<vmem>>) semaphore(%arg16 : memref<!tpu.dma_semaphore, #tpu.memory_space<semaphore_mem>>)
      } else {
      }
      %dma_wait3A_183 = arith.constant 0 : i32
      %dma_wait3A_184 = arith.constant 0 : i32
      %dma_wait3A_185 = tpu.memref_slice %arg4[%dma_wait3A_183, %dma_wait3A_184] : memref<10112x128xf32, #tpu.memory_space<hbm>> -> memref<10112x128xf32, #tpu.memory_space<hbm>>
      tpu.wait_indirect_dma semaphore(%arg17 : memref<!tpu.dma_semaphore, #tpu.memory_space<semaphore_mem>>) src(%dma_wait3A_185 : memref<10112x128xf32, #tpu.memory_space<hbm>>) dst(%arg8 : memref<128x128xf32, #tpu.memory_space<vmem>>)
      %add3A_186 = arith.constant 3 : i32
      %add3A_187 = arith.addi %add3A_170, %add3A_186 : i32
      %lt3A_188 = arith.constant 81 : i32
      %lt3A_189 = arith.cmpi slt, %add3A_187, %lt3A_188 : i32
      %convert_element_type3A_190 = arith.extui %lt3A_189 : i1 to i32
      %cond3A_191 = arith.constant 0 : i32
      %cond3A_192 = arith.cmpi ne, %convert_element_type3A_190, %cond3A_191 : i32
      scf.if %cond3A_192 {
        %mul3A_244 = arith.constant 81 : i32
        %mul3A_245 = arith.muli %add3A, %mul3A_244 : i32
        %add3A_246 = arith.addi %mul3A_245, %add3A_170 : i32
        %add3A_247 = arith.constant 3 : i32
        %add3A_248 = arith.addi %add3A_246, %add3A_247 : i32
        %dma_start3A_249 = arith.constant 0 : i32
        %dma_start3A_250 = tpu.memref_slice %arg2[%add3A_248, %dma_start3A_249] : memref<2592x128xi32, #tpu.memory_space<hbm>> -> memref<1x128xi32, #tpu.memory_space<hbm>>
        %dma_start3A_251 = tpu.memref_squeeze %dma_start3A_250 : memref<1x128xi32, #tpu.memory_space<hbm>> -> memref<128xi32, #tpu.memory_space<hbm>>
        %dma_start3A_252 = arith.constant 0 : i32
        %dma_start3A_253 = tpu.memref_slice %arg2[%add3A_248, %dma_start3A_252] : memref<2592x128xi32, #tpu.memory_space<hbm>> -> memref<1x128xi32, #tpu.memory_space<hbm>>
        %dma_start3A_254 = tpu.memref_squeeze %dma_start3A_253 : memref<1x128xi32, #tpu.memory_space<hbm>> -> memref<128xi32, #tpu.memory_space<hbm>>
        tpu.enqueue_dma source(%dma_start3A_254 : memref<128xi32, #tpu.memory_space<hbm>>) target(%arg11 : memref<128xi32, #tpu.memory_space<vmem>>) target_semaphore(%arg20 : memref<!tpu.dma_semaphore, #tpu.memory_space<semaphore_mem>>)
      } else {
      }
      %mul3A_193 = arith.constant 81 : i32
      %mul3A_194 = arith.muli %add3A, %mul3A_193 : i32
      %add3A_195 = arith.addi %mul3A_194, %add3A_170 : i32
      %dma_wait3A_196 = arith.constant 0 : i32
      %dma_wait3A_197 = tpu.memref_slice %arg3[%add3A_195, %dma_wait3A_196] : memref<2592x128xi32, #tpu.memory_space<hbm>> -> memref<1x128xi32, #tpu.memory_space<hbm>>
      %dma_wait3A_198 = tpu.memref_squeeze %dma_wait3A_197 : memref<1x128xi32, #tpu.memory_space<hbm>> -> memref<128xi32, #tpu.memory_space<hbm>>
      %dma_wait3A_199 = arith.constant 0 : i32
      %dma_wait3A_200 = tpu.memref_slice %arg3[%add3A_195, %dma_wait3A_199] : memref<2592x128xi32, #tpu.memory_space<hbm>> -> memref<1x128xi32, #tpu.memory_space<hbm>>
      %dma_wait3A_201 = tpu.memref_squeeze %dma_wait3A_200 : memref<1x128xi32, #tpu.memory_space<hbm>> -> memref<128xi32, #tpu.memory_space<hbm>>
      tpu.wait_dma2 semaphore(%arg23 : memref<!tpu.dma_semaphore, #tpu.memory_space<semaphore_mem>>) src(%dma_wait3A_201 : memref<128xi32, #tpu.memory_space<hbm>>) dst(%arg14 : memref<128xi32, #tpu.memory_space<vmem>>)
      %dma_start3A_202 = arith.constant 0 : i32
      %dma_start3A_203 = arith.constant 0 : i32
      %dma_start3A_204 = tpu.memref_slice %arg6[%dma_start3A_202, %dma_start3A_203] : memref<10112x128xf32, #tpu.memory_space<vmem_shared>> -> memref<10112x128xf32, #tpu.memory_space<vmem_shared>>
      tpu.enqueue_indirect_dma source(%arg8 : memref<128x128xf32, #tpu.memory_space<vmem>>) target(%dma_start3A_204 : memref<10112x128xf32, #tpu.memory_space<vmem_shared>>) offsets(%arg14 : memref<128xi32, #tpu.memory_space<vmem>>) semaphore(%arg26 : memref<!tpu.dma_semaphore, #tpu.memory_space<semaphore_mem>>) {add = true}
      %mul3A_205 = arith.constant 3 : i32
      %mul3A_206 = arith.muli %mul3A_205, %scan3A_131 : i32
      %add3A_207 = arith.constant 2 : i32
      %add3A_208 = arith.addi %mul3A_206, %add3A_207 : i32
      %ge3A_209 = arith.constant 1 : i32
      %ge3A_210 = arith.cmpi sge, %add3A_208, %ge3A_209 : i32
      %convert_element_type3A_211 = arith.extui %ge3A_210 : i1 to i32
      %cond3A_212 = arith.constant 0 : i32
      %cond3A_213 = arith.cmpi ne, %convert_element_type3A_211, %cond3A_212 : i32
      scf.if %cond3A_213 {
        %dma_wait3A_244 = arith.constant 0 : i32
        %dma_wait3A_245 = arith.constant 0 : i32
        %dma_wait3A_246 = tpu.memref_slice %arg6[%dma_wait3A_244, %dma_wait3A_245] : memref<10112x128xf32, #tpu.memory_space<vmem_shared>> -> memref<10112x128xf32, #tpu.memory_space<vmem_shared>>
        tpu.wait_indirect_dma semaphore(%arg26 : memref<!tpu.dma_semaphore, #tpu.memory_space<semaphore_mem>>) src(%arg8 : memref<128x128xf32, #tpu.memory_space<vmem>>) dst(%dma_wait3A_246 : memref<10112x128xf32, #tpu.memory_space<vmem_shared>>)
      } else {
      }
      %add3A_214 = arith.constant 2 : i32
      %add3A_215 = arith.addi %add3A_208, %add3A_214 : i32
      %lt3A_216 = arith.constant 81 : i32
      %lt3A_217 = arith.cmpi slt, %add3A_215, %lt3A_216 : i32
      %convert_element_type3A_218 = arith.extui %lt3A_217 : i1 to i32
      %cond3A_219 = arith.constant 0 : i32
      %cond3A_220 = arith.cmpi ne, %convert_element_type3A_218, %cond3A_219 : i32
      scf.if %cond3A_220 {
        %mul3A_244 = arith.constant 81 : i32
        %mul3A_245 = arith.muli %add3A, %mul3A_244 : i32
        %add3A_246 = arith.addi %mul3A_245, %add3A_208 : i32
        %add3A_247 = arith.constant 2 : i32
        %add3A_248 = arith.addi %add3A_246, %add3A_247 : i32
        %dma_wait3A_249 = arith.constant 0 : i32
        %dma_wait3A_250 = tpu.memref_slice %arg2[%add3A_248, %dma_wait3A_249] : memref<2592x128xi32, #tpu.memory_space<hbm>> -> memref<1x128xi32, #tpu.memory_space<hbm>>
        %dma_wait3A_251 = tpu.memref_squeeze %dma_wait3A_250 : memref<1x128xi32, #tpu.memory_space<hbm>> -> memref<128xi32, #tpu.memory_space<hbm>>
        %dma_wait3A_252 = arith.constant 0 : i32
        %dma_wait3A_253 = tpu.memref_slice %arg2[%add3A_248, %dma_wait3A_252] : memref<2592x128xi32, #tpu.memory_space<hbm>> -> memref<1x128xi32, #tpu.memory_space<hbm>>
        %dma_wait3A_254 = tpu.memref_squeeze %dma_wait3A_253 : memref<1x128xi32, #tpu.memory_space<hbm>> -> memref<128xi32, #tpu.memory_space<hbm>>
        tpu.wait_dma2 semaphore(%arg20 : memref<!tpu.dma_semaphore, #tpu.memory_space<semaphore_mem>>) src(%dma_wait3A_254 : memref<128xi32, #tpu.memory_space<hbm>>) dst(%arg11 : memref<128xi32, #tpu.memory_space<vmem>>)
        %mul3A_255 = arith.constant 81 : i32
        %mul3A_256 = arith.muli %add3A, %mul3A_255 : i32
        %add3A_257 = arith.addi %mul3A_256, %add3A_208 : i32
        %add3A_258 = arith.constant 2 : i32
        %add3A_259 = arith.addi %add3A_257, %add3A_258 : i32
        %dma_start3A_260 = arith.constant 0 : i32
        %dma_start3A_261 = tpu.memref_slice %arg3[%add3A_259, %dma_start3A_260] : memref<2592x128xi32, #tpu.memory_space<hbm>> -> memref<1x128xi32, #tpu.memory_space<hbm>>
        %dma_start3A_262 = tpu.memref_squeeze %dma_start3A_261 : memref<1x128xi32, #tpu.memory_space<hbm>> -> memref<128xi32, #tpu.memory_space<hbm>>
        %dma_start3A_263 = arith.constant 0 : i32
        %dma_start3A_264 = tpu.memref_slice %arg3[%add3A_259, %dma_start3A_263] : memref<2592x128xi32, #tpu.memory_space<hbm>> -> memref<1x128xi32, #tpu.memory_space<hbm>>
        %dma_start3A_265 = tpu.memref_squeeze %dma_start3A_264 : memref<1x128xi32, #tpu.memory_space<hbm>> -> memref<128xi32, #tpu.memory_space<hbm>>
        tpu.enqueue_dma source(%dma_start3A_265 : memref<128xi32, #tpu.memory_space<hbm>>) target(%arg14 : memref<128xi32, #tpu.memory_space<vmem>>) target_semaphore(%arg23 : memref<!tpu.dma_semaphore, #tpu.memory_space<semaphore_mem>>)
        %dma_start3A_266 = arith.constant 0 : i32
        %dma_start3A_267 = arith.constant 0 : i32
        %dma_start3A_268 = tpu.memref_slice %arg4[%dma_start3A_266, %dma_start3A_267] : memref<10112x128xf32, #tpu.memory_space<hbm>> -> memref<10112x128xf32, #tpu.memory_space<hbm>>
        tpu.enqueue_indirect_dma source(%dma_start3A_268 : memref<10112x128xf32, #tpu.memory_space<hbm>>) target(%arg8 : memref<128x128xf32, #tpu.memory_space<vmem>>) offsets(%arg11 : memref<128xi32, #tpu.memory_space<vmem>>) semaphore(%arg17 : memref<!tpu.dma_semaphore, #tpu.memory_space<semaphore_mem>>)
      } else {
      }
      %dma_wait3A_221 = arith.constant 0 : i32
      %dma_wait3A_222 = arith.constant 0 : i32
      %dma_wait3A_223 = tpu.memref_slice %arg4[%dma_wait3A_221, %dma_wait3A_222] : memref<10112x128xf32, #tpu.memory_space<hbm>> -> memref<10112x128xf32, #tpu.memory_space<hbm>>
      tpu.wait_indirect_dma semaphore(%arg18 : memref<!tpu.dma_semaphore, #tpu.memory_space<semaphore_mem>>) src(%dma_wait3A_223 : memref<10112x128xf32, #tpu.memory_space<hbm>>) dst(%arg9 : memref<128x128xf32, #tpu.memory_space<vmem>>)
      %add3A_224 = arith.constant 3 : i32
      %add3A_225 = arith.addi %add3A_208, %add3A_224 : i32
      %lt3A_226 = arith.constant 81 : i32
      %lt3A_227 = arith.cmpi slt, %add3A_225, %lt3A_226 : i32
      %convert_element_type3A_228 = arith.extui %lt3A_227 : i1 to i32
      %cond3A_229 = arith.constant 0 : i32
      %cond3A_230 = arith.cmpi ne, %convert_element_type3A_228, %cond3A_229 : i32
      scf.if %cond3A_230 {
        %mul3A_244 = arith.constant 81 : i32
        %mul3A_245 = arith.muli %add3A, %mul3A_244 : i32
        %add3A_246 = arith.addi %mul3A_245, %add3A_208 : i32
        %add3A_247 = arith.constant 3 : i32
        %add3A_248 = arith.addi %add3A_246, %add3A_247 : i32
        %dma_start3A_249 = arith.constant 0 : i32
        %dma_start3A_250 = tpu.memref_slice %arg2[%add3A_248, %dma_start3A_249] : memref<2592x128xi32, #tpu.memory_space<hbm>> -> memref<1x128xi32, #tpu.memory_space<hbm>>
        %dma_start3A_251 = tpu.memref_squeeze %dma_start3A_250 : memref<1x128xi32, #tpu.memory_space<hbm>> -> memref<128xi32, #tpu.memory_space<hbm>>
        %dma_start3A_252 = arith.constant 0 : i32
        %dma_start3A_253 = tpu.memref_slice %arg2[%add3A_248, %dma_start3A_252] : memref<2592x128xi32, #tpu.memory_space<hbm>> -> memref<1x128xi32, #tpu.memory_space<hbm>>
        %dma_start3A_254 = tpu.memref_squeeze %dma_start3A_253 : memref<1x128xi32, #tpu.memory_space<hbm>> -> memref<128xi32, #tpu.memory_space<hbm>>
        tpu.enqueue_dma source(%dma_start3A_254 : memref<128xi32, #tpu.memory_space<hbm>>) target(%arg12 : memref<128xi32, #tpu.memory_space<vmem>>) target_semaphore(%arg21 : memref<!tpu.dma_semaphore, #tpu.memory_space<semaphore_mem>>)
      } else {
      }
      %mul3A_231 = arith.constant 81 : i32
      %mul3A_232 = arith.muli %add3A, %mul3A_231 : i32
      %add3A_233 = arith.addi %mul3A_232, %add3A_208 : i32
      %dma_wait3A_234 = arith.constant 0 : i32
      %dma_wait3A_235 = tpu.memref_slice %arg3[%add3A_233, %dma_wait3A_234] : memref<2592x128xi32, #tpu.memory_space<hbm>> -> memref<1x128xi32, #tpu.memory_space<hbm>>
      %dma_wait3A_236 = tpu.memref_squeeze %dma_wait3A_235 : memref<1x128xi32, #tpu.memory_space<hbm>> -> memref<128xi32, #tpu.memory_space<hbm>>
      %dma_wait3A_237 = arith.constant 0 : i32
      %dma_wait3A_238 = tpu.memref_slice %arg3[%add3A_233, %dma_wait3A_237] : memref<2592x128xi32, #tpu.memory_space<hbm>> -> memref<1x128xi32, #tpu.memory_space<hbm>>
      %dma_wait3A_239 = tpu.memref_squeeze %dma_wait3A_238 : memref<1x128xi32, #tpu.memory_space<hbm>> -> memref<128xi32, #tpu.memory_space<hbm>>
      tpu.wait_dma2 semaphore(%arg24 : memref<!tpu.dma_semaphore, #tpu.memory_space<semaphore_mem>>) src(%dma_wait3A_239 : memref<128xi32, #tpu.memory_space<hbm>>) dst(%arg15 : memref<128xi32, #tpu.memory_space<vmem>>)
      %dma_start3A_240 = arith.constant 0 : i32
      %dma_start3A_241 = arith.constant 0 : i32
      %dma_start3A_242 = tpu.memref_slice %arg6[%dma_start3A_240, %dma_start3A_241] : memref<10112x128xf32, #tpu.memory_space<vmem_shared>> -> memref<10112x128xf32, #tpu.memory_space<vmem_shared>>
      tpu.enqueue_indirect_dma source(%arg9 : memref<128x128xf32, #tpu.memory_space<vmem>>) target(%dma_start3A_242 : memref<10112x128xf32, #tpu.memory_space<vmem_shared>>) offsets(%arg15 : memref<128xi32, #tpu.memory_space<vmem>>) semaphore(%arg27 : memref<!tpu.dma_semaphore, #tpu.memory_space<semaphore_mem>>) {add = true}
      %scan3A_243 = arith.constant 0 : i32
      scf.yield %scan3A_243 : i32
    }
    %scan3A_119 = arith.constant 27 : i32
    %dma_wait3A_120 = arith.constant 0 : i32
    %dma_wait3A_121 = arith.constant 0 : i32
    %dma_wait3A_122 = tpu.memref_slice %arg6[%dma_wait3A_120, %dma_wait3A_121] : memref<10112x128xf32, #tpu.memory_space<vmem_shared>> -> memref<10112x128xf32, #tpu.memory_space<vmem_shared>>
    tpu.wait_indirect_dma semaphore(%arg27 : memref<!tpu.dma_semaphore, #tpu.memory_space<semaphore_mem>>) src(%arg9 : memref<128x128xf32, #tpu.memory_space<vmem>>) dst(%dma_wait3A_122 : memref<10112x128xf32, #tpu.memory_space<vmem_shared>>)
    %barrier3A_123 = arith.constant 0 : index
    tpu.barrier barrier_id(%barrier3A_123)
    %mul3A_124 = arith.constant 632 : i32
    %mul3A_125 = arith.muli %arg1, %mul3A_124 : i32
    %mul3A_126 = arith.constant 10112 : i32
    %mul3A_127 = arith.muli %arg0, %mul3A_126 : i32
    %mul3A_128 = arith.constant 632 : i32
    %mul3A_129 = arith.muli %arg1, %mul3A_128 : i32
    %add3A_130 = arith.addi %mul3A_127, %mul3A_129 : i32
    "tpu.region"() ({
      %run_scoped3A = tpu.sem_alloc : memref<!tpu.dma_semaphore, #tpu.memory_space<semaphore_mem>>
      %dma_start3A_131 = arith.constant 0 : i32
      %dma_start3A_132 = tpu.memref_slice %arg5[%add3A_130, %dma_start3A_131] : memref<20224x128xf32, #tpu.memory_space<hbm>> -> memref<632x128xf32, #tpu.memory_space<hbm>>
      %dma_start3A_133 = arith.constant 0 : i32
      %dma_start3A_134 = tpu.memref_slice %arg6[%mul3A_125, %dma_start3A_133] : memref<10112x128xf32, #tpu.memory_space<vmem_shared>> -> memref<632x128xf32, #tpu.memory_space<vmem_shared>>
      tpu.enqueue_dma source(%dma_start3A_134 : memref<632x128xf32, #tpu.memory_space<vmem_shared>>) target(%dma_start3A_132 : memref<632x128xf32, #tpu.memory_space<hbm>>) target_semaphore(%run_scoped3A : memref<!tpu.dma_semaphore, #tpu.memory_space<semaphore_mem>>)
      %dma_wait3A_135 = arith.constant 0 : i32
      %dma_wait3A_136 = tpu.memref_slice %arg5[%add3A_130, %dma_wait3A_135] : memref<20224x128xf32, #tpu.memory_space<hbm>> -> memref<632x128xf32, #tpu.memory_space<hbm>>
      %dma_wait3A_137 = arith.constant 0 : i32
      %dma_wait3A_138 = tpu.memref_slice %arg6[%mul3A_125, %dma_wait3A_137] : memref<10112x128xf32, #tpu.memory_space<vmem_shared>> -> memref<632x128xf32, #tpu.memory_space<vmem_shared>>
      tpu.wait_dma2 semaphore(%run_scoped3A : memref<!tpu.dma_semaphore, #tpu.memory_space<semaphore_mem>>) src(%dma_wait3A_138 : memref<632x128xf32, #tpu.memory_space<vmem_shared>>) dst(%dma_wait3A_136 : memref<632x128xf32, #tpu.memory_space<hbm>>)
      tpu.yield
    }) : () -> ()
    return
  }
}

#map = affine_map<(d0, d1) -> (0, 0, 0)>
#map1 = affine_map<(d0, d1) -> (0)>
module attributes {stable_mosaic.version = 14 : i64} {
  func.func @deg_kernel(%arg0: i32, %arg1: i32, %arg2: memref<32x81x128xi32, #tpu.memory_space<hbm>>, %arg3: memref<20224xf32, #tpu.memory_space<hbm>>, %arg4: memref<10112xf32, #tpu.memory_space<vmem_shared>>, %arg5: memref<81x128xi32, #tpu.memory_space<vmem>>, %arg6: memref<128xf32, #tpu.memory_space<vmem>>, %arg7: memref<640xf32, #tpu.memory_space<vmem>>) attributes {dimension_semantics = [#tpu.dimension_semantics<core_parallel>, #tpu.dimension_semantics<subcore_parallel>], iteration_bounds = array<i64: 2, 16>, scalar_prefetch = 0 : i64, scratch_operands = 4 : i64, tpu.core_type = #tpu.core_type<sc_vector_subcore>, window_params = [{transform_indices = #map}, {transform_indices = #map1}]} {
    %mul3A = arith.constant 16 : i32
    %mul3A_0 = arith.muli %arg0, %mul3A : i32
    %add3A = arith.addi %mul3A_0, %arg1 : i32
    "tpu.region"() ({
      %run_scoped3A = tpu.sem_alloc : memref<!tpu.dma_semaphore, #tpu.memory_space<semaphore_mem>>
      %dma_start3A = arith.constant 0 : i32
      %dma_start3A_70 = arith.constant 0 : i32
      %dma_start3A_71 = tpu.memref_slice %arg2[%add3A, %dma_start3A, %dma_start3A_70] : memref<32x81x128xi32, #tpu.memory_space<hbm>> -> memref<1x81x128xi32, #tpu.memory_space<hbm>>
      %dma_start3A_72 = tpu.memref_squeeze %dma_start3A_71 : memref<1x81x128xi32, #tpu.memory_space<hbm>> -> memref<81x128xi32, #tpu.memory_space<hbm>>
      %dma_start3A_73 = arith.constant 0 : i32
      %dma_start3A_74 = arith.constant 0 : i32
      %dma_start3A_75 = tpu.memref_slice %arg2[%add3A, %dma_start3A_73, %dma_start3A_74] : memref<32x81x128xi32, #tpu.memory_space<hbm>> -> memref<1x81x128xi32, #tpu.memory_space<hbm>>
      %dma_start3A_76 = tpu.memref_squeeze %dma_start3A_75 : memref<1x81x128xi32, #tpu.memory_space<hbm>> -> memref<81x128xi32, #tpu.memory_space<hbm>>
      tpu.enqueue_dma source(%dma_start3A_76 : memref<81x128xi32, #tpu.memory_space<hbm>>) target(%arg5 : memref<81x128xi32, #tpu.memory_space<vmem>>) target_semaphore(%run_scoped3A : memref<!tpu.dma_semaphore, #tpu.memory_space<semaphore_mem>>)
      %dma_wait3A = arith.constant 0 : i32
      %dma_wait3A_77 = arith.constant 0 : i32
      %dma_wait3A_78 = tpu.memref_slice %arg2[%add3A, %dma_wait3A, %dma_wait3A_77] : memref<32x81x128xi32, #tpu.memory_space<hbm>> -> memref<1x81x128xi32, #tpu.memory_space<hbm>>
      %dma_wait3A_79 = tpu.memref_squeeze %dma_wait3A_78 : memref<1x81x128xi32, #tpu.memory_space<hbm>> -> memref<81x128xi32, #tpu.memory_space<hbm>>
      %dma_wait3A_80 = arith.constant 0 : i32
      %dma_wait3A_81 = arith.constant 0 : i32
      %dma_wait3A_82 = tpu.memref_slice %arg2[%add3A, %dma_wait3A_80, %dma_wait3A_81] : memref<32x81x128xi32, #tpu.memory_space<hbm>> -> memref<1x81x128xi32, #tpu.memory_space<hbm>>
      %dma_wait3A_83 = tpu.memref_squeeze %dma_wait3A_82 : memref<1x81x128xi32, #tpu.memory_space<hbm>> -> memref<81x128xi32, #tpu.memory_space<hbm>>
      tpu.wait_dma2 semaphore(%run_scoped3A : memref<!tpu.dma_semaphore, #tpu.memory_space<semaphore_mem>>) src(%dma_wait3A_83 : memref<81x128xi32, #tpu.memory_space<hbm>>) dst(%arg5 : memref<81x128xi32, #tpu.memory_space<vmem>>)
      tpu.yield
    }) : () -> ()
    %broadcast_in_dim3A = arith.constant 1.000000e+00 : f32
    %broadcast_in_dim3A_1 = vector.broadcast %broadcast_in_dim3A : f32 to vector<16xf32>
    %swap3A = arith.constant 0 : index
    %swap3A_2 = tpu.vector_load %arg6[%swap3A] {strides = array<i32>} : memref<128xf32, #tpu.memory_space<vmem>>, vector<16xf32>,
    %swap3A_3 = vector.shape_cast %swap3A_2 : vector<16xf32> to vector<16xf32>
    %swap3A_4 = vector.shape_cast %broadcast_in_dim3A_1 : vector<16xf32> to vector<16xf32>
    tpu.vector_store %arg6[%swap3A], %swap3A_4 {strides = array<i32>} : memref<128xf32, #tpu.memory_space<vmem>>, vector<16xf32>,
    %broadcast_in_dim3A_5 = arith.constant 1.000000e+00 : f32
    %broadcast_in_dim3A_6 = vector.broadcast %broadcast_in_dim3A_5 : f32 to vector<16xf32>
    %swap3A_7 = arith.constant 16 : index
    %swap3A_8 = tpu.vector_load %arg6[%swap3A_7] {strides = array<i32>} : memref<128xf32, #tpu.memory_space<vmem>>, vector<16xf32>,
    %swap3A_9 = vector.shape_cast %swap3A_8 : vector<16xf32> to vector<16xf32>
    %swap3A_10 = vector.shape_cast %broadcast_in_dim3A_6 : vector<16xf32> to vector<16xf32>
    tpu.vector_store %arg6[%swap3A_7], %swap3A_10 {strides = array<i32>} : memref<128xf32, #tpu.memory_space<vmem>>, vector<16xf32>,
    %broadcast_in_dim3A_11 = arith.constant 1.000000e+00 : f32
    %broadcast_in_dim3A_12 = vector.broadcast %broadcast_in_dim3A_11 : f32 to vector<16xf32>
    %swap3A_13 = arith.constant 32 : index
    %swap3A_14 = tpu.vector_load %arg6[%swap3A_13] {strides = array<i32>} : memref<128xf32, #tpu.memory_space<vmem>>, vector<16xf32>,
    %swap3A_15 = vector.shape_cast %swap3A_14 : vector<16xf32> to vector<16xf32>
    %swap3A_16 = vector.shape_cast %broadcast_in_dim3A_12 : vector<16xf32> to vector<16xf32>
    tpu.vector_store %arg6[%swap3A_13], %swap3A_16 {strides = array<i32>} : memref<128xf32, #tpu.memory_space<vmem>>, vector<16xf32>,
    %broadcast_in_dim3A_17 = arith.constant 1.000000e+00 : f32
    %broadcast_in_dim3A_18 = vector.broadcast %broadcast_in_dim3A_17 : f32 to vector<16xf32>
    %swap3A_19 = arith.constant 48 : index
    %swap3A_20 = tpu.vector_load %arg6[%swap3A_19] {strides = array<i32>} : memref<128xf32, #tpu.memory_space<vmem>>, vector<16xf32>,
    %swap3A_21 = vector.shape_cast %swap3A_20 : vector<16xf32> to vector<16xf32>
    %swap3A_22 = vector.shape_cast %broadcast_in_dim3A_18 : vector<16xf32> to vector<16xf32>
    tpu.vector_store %arg6[%swap3A_19], %swap3A_22 {strides = array<i32>} : memref<128xf32, #tpu.memory_space<vmem>>, vector<16xf32>,
    %broadcast_in_dim3A_23 = arith.constant 1.000000e+00 : f32
    %broadcast_in_dim3A_24 = vector.broadcast %broadcast_in_dim3A_23 : f32 to vector<16xf32>
    %swap3A_25 = arith.constant 64 : index
    %swap3A_26 = tpu.vector_load %arg6[%swap3A_25] {strides = array<i32>} : memref<128xf32, #tpu.memory_space<vmem>>, vector<16xf32>,
    %swap3A_27 = vector.shape_cast %swap3A_26 : vector<16xf32> to vector<16xf32>
    %swap3A_28 = vector.shape_cast %broadcast_in_dim3A_24 : vector<16xf32> to vector<16xf32>
    tpu.vector_store %arg6[%swap3A_25], %swap3A_28 {strides = array<i32>} : memref<128xf32, #tpu.memory_space<vmem>>, vector<16xf32>,
    %broadcast_in_dim3A_29 = arith.constant 1.000000e+00 : f32
    %broadcast_in_dim3A_30 = vector.broadcast %broadcast_in_dim3A_29 : f32 to vector<16xf32>
    %swap3A_31 = arith.constant 80 : index
    %swap3A_32 = tpu.vector_load %arg6[%swap3A_31] {strides = array<i32>} : memref<128xf32, #tpu.memory_space<vmem>>, vector<16xf32>,
    %swap3A_33 = vector.shape_cast %swap3A_32 : vector<16xf32> to vector<16xf32>
    %swap3A_34 = vector.shape_cast %broadcast_in_dim3A_30 : vector<16xf32> to vector<16xf32>
    tpu.vector_store %arg6[%swap3A_31], %swap3A_34 {strides = array<i32>} : memref<128xf32, #tpu.memory_space<vmem>>, vector<16xf32>,
    %broadcast_in_dim3A_35 = arith.constant 1.000000e+00 : f32
    %broadcast_in_dim3A_36 = vector.broadcast %broadcast_in_dim3A_35 : f32 to vector<16xf32>
    %swap3A_37 = arith.constant 96 : index
    %swap3A_38 = tpu.vector_load %arg6[%swap3A_37] {strides = array<i32>} : memref<128xf32, #tpu.memory_space<vmem>>, vector<16xf32>,
    %swap3A_39 = vector.shape_cast %swap3A_38 : vector<16xf32> to vector<16xf32>
    %swap3A_40 = vector.shape_cast %broadcast_in_dim3A_36 : vector<16xf32> to vector<16xf32>
    tpu.vector_store %arg6[%swap3A_37], %swap3A_40 {strides = array<i32>} : memref<128xf32, #tpu.memory_space<vmem>>, vector<16xf32>,
    %broadcast_in_dim3A_41 = arith.constant 1.000000e+00 : f32
    %broadcast_in_dim3A_42 = vector.broadcast %broadcast_in_dim3A_41 : f32 to vector<16xf32>
    %swap3A_43 = arith.constant 112 : index
    %swap3A_44 = tpu.vector_load %arg6[%swap3A_43] {strides = array<i32>} : memref<128xf32, #tpu.memory_space<vmem>>, vector<16xf32>,
    %swap3A_45 = vector.shape_cast %swap3A_44 : vector<16xf32> to vector<16xf32>
    %swap3A_46 = vector.shape_cast %broadcast_in_dim3A_42 : vector<16xf32> to vector<16xf32>
    tpu.vector_store %arg6[%swap3A_43], %swap3A_46 {strides = array<i32>} : memref<128xf32, #tpu.memory_space<vmem>>, vector<16xf32>,
    %scan3A = arith.constant 0 : i32
    %scan3A_47 = arith.constant 0 : i32
    %scan3A_48 = arith.constant 40 : i32
    %scan3A_49 = arith.addi %scan3A_47, %scan3A_48 : i32
    %scan3A_50 = arith.constant 1 : i32
    %scan3A_51 = scf.for %scan3A_70 = %scan3A_47 to %scan3A_49 step %scan3A_50 iter_args(%scan3A_71 = %scan3A) -> (i32)  : i32 {
      %broadcast_in_dim3A_72 = arith.constant 0.000000e+00 : f32
      %broadcast_in_dim3A_73 = vector.broadcast %broadcast_in_dim3A_72 : f32 to vector<16xf32>
      %mul3A_74 = arith.constant 16 : i32
      %mul3A_75 = arith.muli %scan3A_70, %mul3A_74 : i32
      %swap3A_76 = arith.index_cast %mul3A_75 : i32 to index
      %swap3A_77 = tpu.vector_load %arg7[%swap3A_76] {strides = array<i32>} : memref<640xf32, #tpu.memory_space<vmem>>, vector<16xf32>,
      %swap3A_78 = vector.shape_cast %swap3A_77 : vector<16xf32> to vector<16xf32>
      %swap3A_79 = vector.shape_cast %broadcast_in_dim3A_73 : vector<16xf32> to vector<16xf32>
      tpu.vector_store %arg7[%swap3A_76], %swap3A_79 {strides = array<i32>} : memref<640xf32, #tpu.memory_space<vmem>>, vector<16xf32>,
      %scan3A_80 = arith.constant 0 : i32
      scf.yield %scan3A_80 : i32
    }
    %scan3A_52 = arith.constant 40 : i32
    %mul3A_53 = arith.constant 632 : i32
    %mul3A_54 = arith.muli %arg1, %mul3A_53 : i32
    "tpu.region"() ({
      %run_scoped3A = tpu.sem_alloc : memref<!tpu.dma_semaphore, #tpu.memory_space<semaphore_mem>>
      %dma_start3A = arith.constant 0 : i32
      %dma_start3A_70 = tpu.memref_slice %arg7[%dma_start3A] : memref<640xf32, #tpu.memory_space<vmem>> -> memref<632xf32, #tpu.memory_space<vmem>>
      %dma_start3A_71 = tpu.memref_slice %arg4[%mul3A_54] : memref<10112xf32, #tpu.memory_space<vmem_shared>> -> memref<632xf32, #tpu.memory_space<vmem_shared>>
      %dma_start3A_72 = tpu.memref_slice %arg4[%mul3A_54] : memref<10112xf32, #tpu.memory_space<vmem_shared>> -> memref<632xf32, #tpu.memory_space<vmem_shared>>
      %dma_start3A_73 = arith.constant 0 : i32
      %dma_start3A_74 = tpu.memref_slice %arg7[%dma_start3A_73] : memref<640xf32, #tpu.memory_space<vmem>> -> memref<632xf32, #tpu.memory_space<vmem>>
      tpu.enqueue_dma source(%dma_start3A_74 : memref<632xf32, #tpu.memory_space<vmem>>) target(%dma_start3A_72 : memref<632xf32, #tpu.memory_space<vmem_shared>>) target_semaphore(%run_scoped3A : memref<!tpu.dma_semaphore, #tpu.memory_space<semaphore_mem>>)
      %dma_wait3A = arith.constant 0 : i32
      %dma_wait3A_75 = tpu.memref_slice %arg7[%dma_wait3A] : memref<640xf32, #tpu.memory_space<vmem>> -> memref<632xf32, #tpu.memory_space<vmem>>
      %dma_wait3A_76 = tpu.memref_slice %arg4[%mul3A_54] : memref<10112xf32, #tpu.memory_space<vmem_shared>> -> memref<632xf32, #tpu.memory_space<vmem_shared>>
      %dma_wait3A_77 = tpu.memref_slice %arg4[%mul3A_54] : memref<10112xf32, #tpu.memory_space<vmem_shared>> -> memref<632xf32, #tpu.memory_space<vmem_shared>>
      %dma_wait3A_78 = arith.constant 0 : i32
      %dma_wait3A_79 = tpu.memref_slice %arg7[%dma_wait3A_78] : memref<640xf32, #tpu.memory_space<vmem>> -> memref<632xf32, #tpu.memory_space<vmem>>
      tpu.wait_dma2 semaphore(%run_scoped3A : memref<!tpu.dma_semaphore, #tpu.memory_space<semaphore_mem>>) src(%dma_wait3A_79 : memref<632xf32, #tpu.memory_space<vmem>>) dst(%dma_wait3A_77 : memref<632xf32, #tpu.memory_space<vmem_shared>>)
      tpu.yield
    }) : () -> ()
    %barrier3A = arith.constant 0 : index
    tpu.barrier barrier_id(%barrier3A)
    %scan3A_55 = arith.constant 0 : i32
    %scan3A_56 = arith.constant 0 : i32
    %scan3A_57 = arith.constant 81 : i32
    %scan3A_58 = arith.addi %scan3A_56, %scan3A_57 : i32
    %scan3A_59 = arith.constant 1 : i32
    %scan3A_60 = scf.for %scan3A_70 = %scan3A_56 to %scan3A_58 step %scan3A_59 iter_args(%scan3A_71 = %scan3A_55) -> (i32)  : i32 {
      "tpu.region"() ({
        %run_scoped3A = tpu.sem_alloc : memref<!tpu.dma_semaphore, #tpu.memory_space<semaphore_mem>>
        %dma_start3A = arith.constant 0 : i32
        %dma_start3A_73 = tpu.memref_slice %arg5[%scan3A_70, %dma_start3A] : memref<81x128xi32, #tpu.memory_space<vmem>> -> memref<1x128xi32, #tpu.memory_space<vmem>>
        %dma_start3A_74 = tpu.memref_squeeze %dma_start3A_73 : memref<1x128xi32, #tpu.memory_space<vmem>> -> memref<128xi32, #tpu.memory_space<vmem>>
        %dma_start3A_75 = arith.constant 0 : i32
        %dma_start3A_76 = tpu.memref_slice %arg4[%dma_start3A_75] : memref<10112xf32, #tpu.memory_space<vmem_shared>> -> memref<10112xf32, #tpu.memory_space<vmem_shared>>
        tpu.enqueue_indirect_dma source(%arg6 : memref<128xf32, #tpu.memory_space<vmem>>) target(%dma_start3A_76 : memref<10112xf32, #tpu.memory_space<vmem_shared>>) offsets(%dma_start3A_74 : memref<128xi32, #tpu.memory_space<vmem>>) semaphore(%run_scoped3A : memref<!tpu.dma_semaphore, #tpu.memory_space<semaphore_mem>>) {add = true}
        %dma_wait3A = arith.constant 0 : i32
        %dma_wait3A_77 = tpu.memref_slice %arg5[%scan3A_70, %dma_wait3A] : memref<81x128xi32, #tpu.memory_space<vmem>> -> memref<1x128xi32, #tpu.memory_space<vmem>>
        %dma_wait3A_78 = tpu.memref_squeeze %dma_wait3A_77 : memref<1x128xi32, #tpu.memory_space<vmem>> -> memref<128xi32, #tpu.memory_space<vmem>>
        %dma_wait3A_79 = arith.constant 0 : i32
        %dma_wait3A_80 = tpu.memref_slice %arg4[%dma_wait3A_79] : memref<10112xf32, #tpu.memory_space<vmem_shared>> -> memref<10112xf32, #tpu.memory_space<vmem_shared>>
        tpu.wait_indirect_dma semaphore(%run_scoped3A : memref<!tpu.dma_semaphore, #tpu.memory_space<semaphore_mem>>) src(%arg6 : memref<128xf32, #tpu.memory_space<vmem>>) dst(%dma_wait3A_80 : memref<10112xf32, #tpu.memory_space<vmem_shared>>)
        tpu.yield
      }) : () -> ()
      %scan3A_72 = arith.constant 0 : i32
      scf.yield %scan3A_72 : i32
    }
    %scan3A_61 = arith.constant 81 : i32
    %barrier3A_62 = arith.constant 0 : index
    tpu.barrier barrier_id(%barrier3A_62)
    %mul3A_63 = arith.constant 632 : i32
    %mul3A_64 = arith.muli %arg1, %mul3A_63 : i32
    %mul3A_65 = arith.constant 10112 : i32
    %mul3A_66 = arith.muli %arg0, %mul3A_65 : i32
    %mul3A_67 = arith.constant 632 : i32
    %mul3A_68 = arith.muli %arg1, %mul3A_67 : i32
    %add3A_69 = arith.addi %mul3A_66, %mul3A_68 : i32
    "tpu.region"() ({
      %run_scoped3A = tpu.sem_alloc : memref<!tpu.dma_semaphore, #tpu.memory_space<semaphore_mem>>
      %dma_start3A = tpu.memref_slice %arg3[%add3A_69] : memref<20224xf32, #tpu.memory_space<hbm>> -> memref<632xf32, #tpu.memory_space<hbm>>
      %dma_start3A_70 = tpu.memref_slice %arg4[%mul3A_64] : memref<10112xf32, #tpu.memory_space<vmem_shared>> -> memref<632xf32, #tpu.memory_space<vmem_shared>>
      tpu.enqueue_dma source(%dma_start3A_70 : memref<632xf32, #tpu.memory_space<vmem_shared>>) target(%dma_start3A : memref<632xf32, #tpu.memory_space<hbm>>) target_semaphore(%run_scoped3A : memref<!tpu.dma_semaphore, #tpu.memory_space<semaphore_mem>>)
      %dma_wait3A = tpu.memref_slice %arg3[%add3A_69] : memref<20224xf32, #tpu.memory_space<hbm>> -> memref<632xf32, #tpu.memory_space<hbm>>
      %dma_wait3A_71 = tpu.memref_slice %arg4[%mul3A_64] : memref<10112xf32, #tpu.memory_space<vmem_shared>> -> memref<632xf32, #tpu.memory_space<vmem_shared>>
      tpu.wait_dma2 semaphore(%run_scoped3A : memref<!tpu.dma_semaphore, #tpu.memory_space<semaphore_mem>>) src(%dma_wait3A_71 : memref<632xf32, #tpu.memory_space<vmem_shared>>) dst(%dma_wait3A : memref<632xf32, #tpu.memory_space<hbm>>)
      tpu.yield
    }) : () -> ()
    return
  }
}

#map = affine_map<(d0, d1) -> (0, 0)>
module attributes {stable_mosaic.version = 14 : i64} {
  func.func @scat_kernel(%arg0: i32, %arg1: i32, %arg2: memref<2592x128xi32, #tpu.memory_space<hbm>>, %arg3: memref<2592x128xi32, #tpu.memory_space<hbm>>, %arg4: memref<10112x128xf32, #tpu.memory_space<hbm>>, %arg5: memref<20224x128xf32, #tpu.memory_space<hbm>>, %arg6: memref<10112x128xf32, #tpu.memory_space<vmem_shared>>, %arg7: memref<128x128xf32, #tpu.memory_space<vmem>>, %arg8: memref<128x128xf32, #tpu.memory_space<vmem>>, %arg9: memref<128x128xf32, #tpu.memory_space<vmem>>, %arg10: memref<128xi32, #tpu.memory_space<vmem>>, %arg11: memref<128xi32, #tpu.memory_space<vmem>>, %arg12: memref<128xi32, #tpu.memory_space<vmem>>, %arg13: memref<128xi32, #tpu.memory_space<vmem>>, %arg14: memref<128xi32, #tpu.memory_space<vmem>>, %arg15: memref<128xi32, #tpu.memory_space<vmem>>, %arg16: memref<!tpu.dma_semaphore, #tpu.memory_space<semaphore_mem>>, %arg17: memref<!tpu.dma_semaphore, #tpu.memory_space<semaphore_mem>>, %arg18: memref<!tpu.dma_semaphore, #tpu.memory_space<semaphore_mem>>, %arg19: memref<!tpu.dma_semaphore, #tpu.memory_space<semaphore_mem>>, %arg20: memref<!tpu.dma_semaphore, #tpu.memory_space<semaphore_mem>>, %arg21: memref<!tpu.dma_semaphore, #tpu.memory_space<semaphore_mem>>, %arg22: memref<!tpu.dma_semaphore, #tpu.memory_space<semaphore_mem>>, %arg23: memref<!tpu.dma_semaphore, #tpu.memory_space<semaphore_mem>>, %arg24: memref<!tpu.dma_semaphore, #tpu.memory_space<semaphore_mem>>, %arg25: memref<!tpu.dma_semaphore, #tpu.memory_space<semaphore_mem>>, %arg26: memref<!tpu.dma_semaphore, #tpu.memory_space<semaphore_mem>>, %arg27: memref<!tpu.dma_semaphore, #tpu.memory_space<semaphore_mem>>) attributes {dimension_semantics = [#tpu.dimension_semantics<core_parallel>, #tpu.dimension_semantics<subcore_parallel>], iteration_bounds = array<i64: 2, 16>, scalar_prefetch = 0 : i64, scratch_operands = 22 : i64, tpu.core_type = #tpu.core_type<sc_vector_subcore>, window_params = [{transform_indices = #map}, {transform_indices = #map}, {transform_indices = #map}, {transform_indices = #map}]} {
    %mul3A = arith.constant 16 : i32
    %mul3A_0 = arith.muli %arg0, %mul3A : i32
    %add3A = arith.addi %mul3A_0, %arg1 : i32
    %scan3A = arith.constant 0 : i32
    %scan3A_1 = arith.constant 0 : i32
    %scan3A_2 = arith.constant 128 : i32
    %scan3A_3 = arith.addi %scan3A_1, %scan3A_2 : i32
    %scan3A_4 = arith.constant 1 : i32
    %scan3A_5 = scf.for %scan3A_131 = %scan3A_1 to %scan3A_3 step %scan3A_4 iter_args(%scan3A_132 = %scan3A) -> (i32)  : i32 {
      %broadcast_in_dim3A = arith.constant 0.000000e+00 : f32
      %broadcast_in_dim3A_133 = vector.broadcast %broadcast_in_dim3A : f32 to vector<16xf32>
      %swap3A = arith.index_cast %scan3A_131 : i32 to index
      %swap3A_134 = arith.constant 0 : index
      %swap3A_135 = tpu.vector_load %arg7[%swap3A, %swap3A_134] {strides = array<i32>} : memref<128x128xf32, #tpu.memory_space<vmem>>, vector<1x16xf32>,
      %swap3A_136 = vector.shape_cast %swap3A_135 : vector<1x16xf32> to vector<16xf32>
      %swap3A_137 = vector.shape_cast %broadcast_in_dim3A_133 : vector<16xf32> to vector<1x16xf32>
      tpu.vector_store %arg7[%swap3A, %swap3A_134], %swap3A_137 {strides = array<i32>} : memref<128x128xf32, #tpu.memory_space<vmem>>, vector<1x16xf32>,
      %broadcast_in_dim3A_138 = arith.constant 0.000000e+00 : f32
      %broadcast_in_dim3A_139 = vector.broadcast %broadcast_in_dim3A_138 : f32 to vector<16xf32>
      %swap3A_140 = arith.index_cast %scan3A_131 : i32 to index
      %swap3A_141 = arith.constant 16 : index
      %swap3A_142 = tpu.vector_load %arg7[%swap3A_140, %swap3A_141] {strides = array<i32>} : memref<128x128xf32, #tpu.memory_space<vmem>>, vector<1x16xf32>,
      %swap3A_143 = vector.shape_cast %swap3A_142 : vector<1x16xf32> to vector<16xf32>
      %swap3A_144 = vector.shape_cast %broadcast_in_dim3A_139 : vector<16xf32> to vector<1x16xf32>
      tpu.vector_store %arg7[%swap3A_140, %swap3A_141], %swap3A_144 {strides = array<i32>} : memref<128x128xf32, #tpu.memory_space<vmem>>, vector<1x16xf32>,
      %broadcast_in_dim3A_145 = arith.constant 0.000000e+00 : f32
      %broadcast_in_dim3A_146 = vector.broadcast %broadcast_in_dim3A_145 : f32 to vector<16xf32>
      %swap3A_147 = arith.index_cast %scan3A_131 : i32 to index
      %swap3A_148 = arith.constant 32 : index
      %swap3A_149 = tpu.vector_load %arg7[%swap3A_147, %swap3A_148] {strides = array<i32>} : memref<128x128xf32, #tpu.memory_space<vmem>>, vector<1x16xf32>,
      %swap3A_150 = vector.shape_cast %swap3A_149 : vector<1x16xf32> to vector<16xf32>
      %swap3A_151 = vector.shape_cast %broadcast_in_dim3A_146 : vector<16xf32> to vector<1x16xf32>
      tpu.vector_store %arg7[%swap3A_147, %swap3A_148], %swap3A_151 {strides = array<i32>} : memref<128x128xf32, #tpu.memory_space<vmem>>, vector<1x16xf32>,
      %broadcast_in_dim3A_152 = arith.constant 0.000000e+00 : f32
      %broadcast_in_dim3A_153 = vector.broadcast %broadcast_in_dim3A_152 : f32 to vector<16xf32>
      %swap3A_154 = arith.index_cast %scan3A_131 : i32 to index
      %swap3A_155 = arith.constant 48 : index
      %swap3A_156 = tpu.vector_load %arg7[%swap3A_154, %swap3A_155] {strides = array<i32>} : memref<128x128xf32, #tpu.memory_space<vmem>>, vector<1x16xf32>,
      %swap3A_157 = vector.shape_cast %swap3A_156 : vector<1x16xf32> to vector<16xf32>
      %swap3A_158 = vector.shape_cast %broadcast_in_dim3A_153 : vector<16xf32> to vector<1x16xf32>
      tpu.vector_store %arg7[%swap3A_154, %swap3A_155], %swap3A_158 {strides = array<i32>} : memref<128x128xf32, #tpu.memory_space<vmem>>, vector<1x16xf32>,
      %broadcast_in_dim3A_159 = arith.constant 0.000000e+00 : f32
      %broadcast_in_dim3A_160 = vector.broadcast %broadcast_in_dim3A_159 : f32 to vector<16xf32>
      %swap3A_161 = arith.index_cast %scan3A_131 : i32 to index
      %swap3A_162 = arith.constant 64 : index
      %swap3A_163 = tpu.vector_load %arg7[%swap3A_161, %swap3A_162] {strides = array<i32>} : memref<128x128xf32, #tpu.memory_space<vmem>>, vector<1x16xf32>,
      %swap3A_164 = vector.shape_cast %swap3A_163 : vector<1x16xf32> to vector<16xf32>
      %swap3A_165 = vector.shape_cast %broadcast_in_dim3A_160 : vector<16xf32> to vector<1x16xf32>
      tpu.vector_store %arg7[%swap3A_161, %swap3A_162], %swap3A_165 {strides = array<i32>} : memref<128x128xf32, #tpu.memory_space<vmem>>, vector<1x16xf32>,
      %broadcast_in_dim3A_166 = arith.constant 0.000000e+00 : f32
      %broadcast_in_dim3A_167 = vector.broadcast %broadcast_in_dim3A_166 : f32 to vector<16xf32>
      %swap3A_168 = arith.index_cast %scan3A_131 : i32 to index
      %swap3A_169 = arith.constant 80 : index
      %swap3A_170 = tpu.vector_load %arg7[%swap3A_168, %swap3A_169] {strides = array<i32>} : memref<128x128xf32, #tpu.memory_space<vmem>>, vector<1x16xf32>,
      %swap3A_171 = vector.shape_cast %swap3A_170 : vector<1x16xf32> to vector<16xf32>
      %swap3A_172 = vector.shape_cast %broadcast_in_dim3A_167 : vector<16xf32> to vector<1x16xf32>
      tpu.vector_store %arg7[%swap3A_168, %swap3A_169], %swap3A_172 {strides = array<i32>} : memref<128x128xf32, #tpu.memory_space<vmem>>, vector<1x16xf32>,
      %broadcast_in_dim3A_173 = arith.constant 0.000000e+00 : f32
      %broadcast_in_dim3A_174 = vector.broadcast %broadcast_in_dim3A_173 : f32 to vector<16xf32>
      %swap3A_175 = arith.index_cast %scan3A_131 : i32 to index
      %swap3A_176 = arith.constant 96 : index
      %swap3A_177 = tpu.vector_load %arg7[%swap3A_175, %swap3A_176] {strides = array<i32>} : memref<128x128xf32, #tpu.memory_space<vmem>>, vector<1x16xf32>,
      %swap3A_178 = vector.shape_cast %swap3A_177 : vector<1x16xf32> to vector<16xf32>
      %swap3A_179 = vector.shape_cast %broadcast_in_dim3A_174 : vector<16xf32> to vector<1x16xf32>
      tpu.vector_store %arg7[%swap3A_175, %swap3A_176], %swap3A_179 {strides = array<i32>} : memref<128x128xf32, #tpu.memory_space<vmem>>, vector<1x16xf32>,
      %broadcast_in_dim3A_180 = arith.constant 0.000000e+00 : f32
      %broadcast_in_dim3A_181 = vector.broadcast %broadcast_in_dim3A_180 : f32 to vector<16xf32>
      %swap3A_182 = arith.index_cast %scan3A_131 : i32 to index
      %swap3A_183 = arith.constant 112 : index
      %swap3A_184 = tpu.vector_load %arg7[%swap3A_182, %swap3A_183] {strides = array<i32>} : memref<128x128xf32, #tpu.memory_space<vmem>>, vector<1x16xf32>,
      %swap3A_185 = vector.shape_cast %swap3A_184 : vector<1x16xf32> to vector<16xf32>
      %swap3A_186 = vector.shape_cast %broadcast_in_dim3A_181 : vector<16xf32> to vector<1x16xf32>
      tpu.vector_store %arg7[%swap3A_182, %swap3A_183], %swap3A_186 {strides = array<i32>} : memref<128x128xf32, #tpu.memory_space<vmem>>, vector<1x16xf32>,
      %scan3A_187 = arith.constant 0 : i32
      scf.yield %scan3A_187 : i32
    }
    %scan3A_6 = arith.constant 128 : i32
    %mul3A_7 = arith.constant 632 : i32
    %mul3A_8 = arith.muli %arg1, %mul3A_7 : i32
    %add3A_9 = arith.constant 0 : i32
    %add3A_10 = arith.addi %mul3A_8, %add3A_9 : i32
    "tpu.region"() ({
      %run_scoped3A = tpu.sem_alloc : memref<!tpu.dma_semaphore, #tpu.memory_space<semaphore_mem>>
      %dma_start3A_131 = arith.constant 0 : i32
      %dma_start3A_132 = arith.constant 0 : i32
      %dma_start3A_133 = tpu.memref_slice %arg7[%dma_start3A_131, %dma_start3A_132] : memref<128x128xf32, #tpu.memory_space<vmem>> -> memref<79x128xf32, #tpu.memory_space<vmem>>
      %dma_start3A_134 = arith.constant 0 : i32
      %dma_start3A_135 = tpu.memref_slice %arg6[%add3A_10, %dma_start3A_134] : memref<10112x128xf32, #tpu.memory_space<vmem_shared>> -> memref<79x128xf32, #tpu.memory_space<vmem_shared>>
      %dma_start3A_136 = arith.constant 0 : i32
      %dma_start3A_137 = tpu.memref_slice %arg6[%add3A_10, %dma_start3A_136] : memref<10112x128xf32, #tpu.memory_space<vmem_shared>> -> memref<79x128xf32, #tpu.memory_space<vmem_shared>>
      %dma_start3A_138 = arith.constant 0 : i32
      %dma_start3A_139 = arith.constant 0 : i32
      %dma_start3A_140 = tpu.memref_slice %arg7[%dma_start3A_138, %dma_start3A_139] : memref<128x128xf32, #tpu.memory_space<vmem>> -> memref<79x128xf32, #tpu.memory_space<vmem>>
      tpu.enqueue_dma source(%dma_start3A_140 : memref<79x128xf32, #tpu.memory_space<vmem>>) target(%dma_start3A_137 : memref<79x128xf32, #tpu.memory_space<vmem_shared>>) target_semaphore(%run_scoped3A : memref<!tpu.dma_semaphore, #tpu.memory_space<semaphore_mem>>)
      %dma_wait3A_141 = arith.constant 0 : i32
      %dma_wait3A_142 = arith.constant 0 : i32
      %dma_wait3A_143 = tpu.memref_slice %arg7[%dma_wait3A_141, %dma_wait3A_142] : memref<128x128xf32, #tpu.memory_space<vmem>> -> memref<79x128xf32, #tpu.memory_space<vmem>>
      %dma_wait3A_144 = arith.constant 0 : i32
      %dma_wait3A_145 = tpu.memref_slice %arg6[%add3A_10, %dma_wait3A_144] : memref<10112x128xf32, #tpu.memory_space<vmem_shared>> -> memref<79x128xf32, #tpu.memory_space<vmem_shared>>
      %dma_wait3A_146 = arith.constant 0 : i32
      %dma_wait3A_147 = tpu.memref_slice %arg6[%add3A_10, %dma_wait3A_146] : memref<10112x128xf32, #tpu.memory_space<vmem_shared>> -> memref<79x128xf32, #tpu.memory_space<vmem_shared>>
      %dma_wait3A_148 = arith.constant 0 : i32
      %dma_wait3A_149 = arith.constant 0 : i32
      %dma_wait3A_150 = tpu.memref_slice %arg7[%dma_wait3A_148, %dma_wait3A_149] : memref<128x128xf32, #tpu.memory_space<vmem>> -> memref<79x128xf32, #tpu.memory_space<vmem>>
      tpu.wait_dma2 semaphore(%run_scoped3A : memref<!tpu.dma_semaphore, #tpu.memory_space<semaphore_mem>>) src(%dma_wait3A_150 : memref<79x128xf32, #tpu.memory_space<vmem>>) dst(%dma_wait3A_147 : memref<79x128xf32, #tpu.memory_space<vmem_shared>>)
      tpu.yield
    }) : () -> ()
    %mul3A_11 = arith.constant 632 : i32
    %mul3A_12 = arith.muli %arg1, %mul3A_11 : i32
    %add3A_13 = arith.constant 79 : i32
    %add3A_14 = arith.addi %mul3A_12, %add3A_13 : i32
    "tpu.region"() ({
      %run_scoped3A = tpu.sem_alloc : memref<!tpu.dma_semaphore, #tpu.memory_space<semaphore_mem>>
      %dma_start3A_131 = arith.constant 0 : i32
      %dma_start3A_132 = arith.constant 0 : i32
      %dma_start3A_133 = tpu.memref_slice %arg7[%dma_start3A_131, %dma_start3A_132] : memref<128x128xf32, #tpu.memory_space<vmem>> -> memref<79x128xf32, #tpu.memory_space<vmem>>
      %dma_start3A_134 = arith.constant 0 : i32
      %dma_start3A_135 = tpu.memref_slice %arg6[%add3A_14, %dma_start3A_134] : memref<10112x128xf32, #tpu.memory_space<vmem_shared>> -> memref<79x128xf32, #tpu.memory_space<vmem_shared>>
      %dma_start3A_136 = arith.constant 0 : i32
      %dma_start3A_137 = tpu.memref_slice %arg6[%add3A_14, %dma_start3A_136] : memref<10112x128xf32, #tpu.memory_space<vmem_shared>> -> memref<79x128xf32, #tpu.memory_space<vmem_shared>>
      %dma_start3A_138 = arith.constant 0 : i32
      %dma_start3A_139 = arith.constant 0 : i32
      %dma_start3A_140 = tpu.memref_slice %arg7[%dma_start3A_138, %dma_start3A_139] : memref<128x128xf32, #tpu.memory_space<vmem>> -> memref<79x128xf32, #tpu.memory_space<vmem>>
      tpu.enqueue_dma source(%dma_start3A_140 : memref<79x128xf32, #tpu.memory_space<vmem>>) target(%dma_start3A_137 : memref<79x128xf32, #tpu.memory_space<vmem_shared>>) target_semaphore(%run_scoped3A : memref<!tpu.dma_semaphore, #tpu.memory_space<semaphore_mem>>)
      %dma_wait3A_141 = arith.constant 0 : i32
      %dma_wait3A_142 = arith.constant 0 : i32
      %dma_wait3A_143 = tpu.memref_slice %arg7[%dma_wait3A_141, %dma_wait3A_142] : memref<128x128xf32, #tpu.memory_space<vmem>> -> memref<79x128xf32, #tpu.memory_space<vmem>>
      %dma_wait3A_144 = arith.constant 0 : i32
      %dma_wait3A_145 = tpu.memref_slice %arg6[%add3A_14, %dma_wait3A_144] : memref<10112x128xf32, #tpu.memory_space<vmem_shared>> -> memref<79x128xf32, #tpu.memory_space<vmem_shared>>
      %dma_wait3A_146 = arith.constant 0 : i32
      %dma_wait3A_147 = tpu.memref_slice %arg6[%add3A_14, %dma_wait3A_146] : memref<10112x128xf32, #tpu.memory_space<vmem_shared>> -> memref<79x128xf32, #tpu.memory_space<vmem_shared>>
      %dma_wait3A_148 = arith.constant 0 : i32
      %dma_wait3A_149 = arith.constant 0 : i32
      %dma_wait3A_150 = tpu.memref_slice %arg7[%dma_wait3A_148, %dma_wait3A_149] : memref<128x128xf32, #tpu.memory_space<vmem>> -> memref<79x128xf32, #tpu.memory_space<vmem>>
      tpu.wait_dma2 semaphore(%run_scoped3A : memref<!tpu.dma_semaphore, #tpu.memory_space<semaphore_mem>>) src(%dma_wait3A_150 : memref<79x128xf32, #tpu.memory_space<vmem>>) dst(%dma_wait3A_147 : memref<79x128xf32, #tpu.memory_space<vmem_shared>>)
      tpu.yield
    }) : () -> ()
    %mul3A_15 = arith.constant 632 : i32
    %mul3A_16 = arith.muli %arg1, %mul3A_15 : i32
    %add3A_17 = arith.constant 158 : i32
    %add3A_18 = arith.addi %mul3A_16, %add3A_17 : i32
    "tpu.region"() ({
      %run_scoped3A = tpu.sem_alloc : memref<!tpu.dma_semaphore, #tpu.memory_space<semaphore_mem>>
      %dma_start3A_131 = arith.constant 0 : i32
      %dma_start3A_132 = arith.constant 0 : i32
      %dma_start3A_133 = tpu.memref_slice %arg7[%dma_start3A_131, %dma_start3A_132] : memref<128x128xf32, #tpu.memory_space<vmem>> -> memref<79x128xf32, #tpu.memory_space<vmem>>
      %dma_start3A_134 = arith.constant 0 : i32
      %dma_start3A_135 = tpu.memref_slice %arg6[%add3A_18, %dma_start3A_134] : memref<10112x128xf32, #tpu.memory_space<vmem_shared>> -> memref<79x128xf32, #tpu.memory_space<vmem_shared>>
      %dma_start3A_136 = arith.constant 0 : i32
      %dma_start3A_137 = tpu.memref_slice %arg6[%add3A_18, %dma_start3A_136] : memref<10112x128xf32, #tpu.memory_space<vmem_shared>> -> memref<79x128xf32, #tpu.memory_space<vmem_shared>>
      %dma_start3A_138 = arith.constant 0 : i32
      %dma_start3A_139 = arith.constant 0 : i32
      %dma_start3A_140 = tpu.memref_slice %arg7[%dma_start3A_138, %dma_start3A_139] : memref<128x128xf32, #tpu.memory_space<vmem>> -> memref<79x128xf32, #tpu.memory_space<vmem>>
      tpu.enqueue_dma source(%dma_start3A_140 : memref<79x128xf32, #tpu.memory_space<vmem>>) target(%dma_start3A_137 : memref<79x128xf32, #tpu.memory_space<vmem_shared>>) target_semaphore(%run_scoped3A : memref<!tpu.dma_semaphore, #tpu.memory_space<semaphore_mem>>)
      %dma_wait3A_141 = arith.constant 0 : i32
      %dma_wait3A_142 = arith.constant 0 : i32
      %dma_wait3A_143 = tpu.memref_slice %arg7[%dma_wait3A_141, %dma_wait3A_142] : memref<128x128xf32, #tpu.memory_space<vmem>> -> memref<79x128xf32, #tpu.memory_space<vmem>>
      %dma_wait3A_144 = arith.constant 0 : i32
      %dma_wait3A_145 = tpu.memref_slice %arg6[%add3A_18, %dma_wait3A_144] : memref<10112x128xf32, #tpu.memory_space<vmem_shared>> -> memref<79x128xf32, #tpu.memory_space<vmem_shared>>
      %dma_wait3A_146 = arith.constant 0 : i32
      %dma_wait3A_147 = tpu.memref_slice %arg6[%add3A_18, %dma_wait3A_146] : memref<10112x128xf32, #tpu.memory_space<vmem_shared>> -> memref<79x128xf32, #tpu.memory_space<vmem_shared>>
      %dma_wait3A_148 = arith.constant 0 : i32
      %dma_wait3A_149 = arith.constant 0 : i32
      %dma_wait3A_150 = tpu.memref_slice %arg7[%dma_wait3A_148, %dma_wait3A_149] : memref<128x128xf32, #tpu.memory_space<vmem>> -> memref<79x128xf32, #tpu.memory_space<vmem>>
      tpu.wait_dma2 semaphore(%run_scoped3A : memref<!tpu.dma_semaphore, #tpu.memory_space<semaphore_mem>>) src(%dma_wait3A_150 : memref<79x128xf32, #tpu.memory_space<vmem>>) dst(%dma_wait3A_147 : memref<79x128xf32, #tpu.memory_space<vmem_shared>>)
      tpu.yield
    }) : () -> ()
    %mul3A_19 = arith.constant 632 : i32
    %mul3A_20 = arith.muli %arg1, %mul3A_19 : i32
    %add3A_21 = arith.constant 237 : i32
    %add3A_22 = arith.addi %mul3A_20, %add3A_21 : i32
    "tpu.region"() ({
      %run_scoped3A = tpu.sem_alloc : memref<!tpu.dma_semaphore, #tpu.memory_space<semaphore_mem>>
      %dma_start3A_131 = arith.constant 0 : i32
      %dma_start3A_132 = arith.constant 0 : i32
      %dma_start3A_133 = tpu.memref_slice %arg7[%dma_start3A_131, %dma_start3A_132] : memref<128x128xf32, #tpu.memory_space<vmem>> -> memref<79x128xf32, #tpu.memory_space<vmem>>
      %dma_start3A_134 = arith.constant 0 : i32
      %dma_start3A_135 = tpu.memref_slice %arg6[%add3A_22, %dma_start3A_134] : memref<10112x128xf32, #tpu.memory_space<vmem_shared>> -> memref<79x128xf32, #tpu.memory_space<vmem_shared>>
      %dma_start3A_136 = arith.constant 0 : i32
      %dma_start3A_137 = tpu.memref_slice %arg6[%add3A_22, %dma_start3A_136] : memref<10112x128xf32, #tpu.memory_space<vmem_shared>> -> memref<79x128xf32, #tpu.memory_space<vmem_shared>>
      %dma_start3A_138 = arith.constant 0 : i32
      %dma_start3A_139 = arith.constant 0 : i32
      %dma_start3A_140 = tpu.memref_slice %arg7[%dma_start3A_138, %dma_start3A_139] : memref<128x128xf32, #tpu.memory_space<vmem>> -> memref<79x128xf32, #tpu.memory_space<vmem>>
      tpu.enqueue_dma source(%dma_start3A_140 : memref<79x128xf32, #tpu.memory_space<vmem>>) target(%dma_start3A_137 : memref<79x128xf32, #tpu.memory_space<vmem_shared>>) target_semaphore(%run_scoped3A : memref<!tpu.dma_semaphore, #tpu.memory_space<semaphore_mem>>)
      %dma_wait3A_141 = arith.constant 0 : i32
      %dma_wait3A_142 = arith.constant 0 : i32
      %dma_wait3A_143 = tpu.memref_slice %arg7[%dma_wait3A_141, %dma_wait3A_142] : memref<128x128xf32, #tpu.memory_space<vmem>> -> memref<79x128xf32, #tpu.memory_space<vmem>>
      %dma_wait3A_144 = arith.constant 0 : i32
      %dma_wait3A_145 = tpu.memref_slice %arg6[%add3A_22, %dma_wait3A_144] : memref<10112x128xf32, #tpu.memory_space<vmem_shared>> -> memref<79x128xf32, #tpu.memory_space<vmem_shared>>
      %dma_wait3A_146 = arith.constant 0 : i32
      %dma_wait3A_147 = tpu.memref_slice %arg6[%add3A_22, %dma_wait3A_146] : memref<10112x128xf32, #tpu.memory_space<vmem_shared>> -> memref<79x128xf32, #tpu.memory_space<vmem_shared>>
      %dma_wait3A_148 = arith.constant 0 : i32
      %dma_wait3A_149 = arith.constant 0 : i32
      %dma_wait3A_150 = tpu.memref_slice %arg7[%dma_wait3A_148, %dma_wait3A_149] : memref<128x128xf32, #tpu.memory_space<vmem>> -> memref<79x128xf32, #tpu.memory_space<vmem>>
      tpu.wait_dma2 semaphore(%run_scoped3A : memref<!tpu.dma_semaphore, #tpu.memory_space<semaphore_mem>>) src(%dma_wait3A_150 : memref<79x128xf32, #tpu.memory_space<vmem>>) dst(%dma_wait3A_147 : memref<79x128xf32, #tpu.memory_space<vmem_shared>>)
      tpu.yield
    }) : () -> ()
    %mul3A_23 = arith.constant 632 : i32
    %mul3A_24 = arith.muli %arg1, %mul3A_23 : i32
    %add3A_25 = arith.constant 316 : i32
    %add3A_26 = arith.addi %mul3A_24, %add3A_25 : i32
    "tpu.region"() ({
      %run_scoped3A = tpu.sem_alloc : memref<!tpu.dma_semaphore, #tpu.memory_space<semaphore_mem>>
      %dma_start3A_131 = arith.constant 0 : i32
      %dma_start3A_132 = arith.constant 0 : i32
      %dma_start3A_133 = tpu.memref_slice %arg7[%dma_start3A_131, %dma_start3A_132] : memref<128x128xf32, #tpu.memory_space<vmem>> -> memref<79x128xf32, #tpu.memory_space<vmem>>
      %dma_start3A_134 = arith.constant 0 : i32
      %dma_start3A_135 = tpu.memref_slice %arg6[%add3A_26, %dma_start3A_134] : memref<10112x128xf32, #tpu.memory_space<vmem_shared>> -> memref<79x128xf32, #tpu.memory_space<vmem_shared>>
      %dma_start3A_136 = arith.constant 0 : i32
      %dma_start3A_137 = tpu.memref_slice %arg6[%add3A_26, %dma_start3A_136] : memref<10112x128xf32, #tpu.memory_space<vmem_shared>> -> memref<79x128xf32, #tpu.memory_space<vmem_shared>>
      %dma_start3A_138 = arith.constant 0 : i32
      %dma_start3A_139 = arith.constant 0 : i32
      %dma_start3A_140 = tpu.memref_slice %arg7[%dma_start3A_138, %dma_start3A_139] : memref<128x128xf32, #tpu.memory_space<vmem>> -> memref<79x128xf32, #tpu.memory_space<vmem>>
      tpu.enqueue_dma source(%dma_start3A_140 : memref<79x128xf32, #tpu.memory_space<vmem>>) target(%dma_start3A_137 : memref<79x128xf32, #tpu.memory_space<vmem_shared>>) target_semaphore(%run_scoped3A : memref<!tpu.dma_semaphore, #tpu.memory_space<semaphore_mem>>)
      %dma_wait3A_141 = arith.constant 0 : i32
      %dma_wait3A_142 = arith.constant 0 : i32
      %dma_wait3A_143 = tpu.memref_slice %arg7[%dma_wait3A_141, %dma_wait3A_142] : memref<128x128xf32, #tpu.memory_space<vmem>> -> memref<79x128xf32, #tpu.memory_space<vmem>>
      %dma_wait3A_144 = arith.constant 0 : i32
      %dma_wait3A_145 = tpu.memref_slice %arg6[%add3A_26, %dma_wait3A_144] : memref<10112x128xf32, #tpu.memory_space<vmem_shared>> -> memref<79x128xf32, #tpu.memory_space<vmem_shared>>
      %dma_wait3A_146 = arith.constant 0 : i32
      %dma_wait3A_147 = tpu.memref_slice %arg6[%add3A_26, %dma_wait3A_146] : memref<10112x128xf32, #tpu.memory_space<vmem_shared>> -> memref<79x128xf32, #tpu.memory_space<vmem_shared>>
      %dma_wait3A_148 = arith.constant 0 : i32
      %dma_wait3A_149 = arith.constant 0 : i32
      %dma_wait3A_150 = tpu.memref_slice %arg7[%dma_wait3A_148, %dma_wait3A_149] : memref<128x128xf32, #tpu.memory_space<vmem>> -> memref<79x128xf32, #tpu.memory_space<vmem>>
      tpu.wait_dma2 semaphore(%run_scoped3A : memref<!tpu.dma_semaphore, #tpu.memory_space<semaphore_mem>>) src(%dma_wait3A_150 : memref<79x128xf32, #tpu.memory_space<vmem>>) dst(%dma_wait3A_147 : memref<79x128xf32, #tpu.memory_space<vmem_shared>>)
      tpu.yield
    }) : () -> ()
    %mul3A_27 = arith.constant 632 : i32
    %mul3A_28 = arith.muli %arg1, %mul3A_27 : i32
    %add3A_29 = arith.constant 395 : i32
    %add3A_30 = arith.addi %mul3A_28, %add3A_29 : i32
    "tpu.region"() ({
      %run_scoped3A = tpu.sem_alloc : memref<!tpu.dma_semaphore, #tpu.memory_space<semaphore_mem>>
      %dma_start3A_131 = arith.constant 0 : i32
      %dma_start3A_132 = arith.constant 0 : i32
      %dma_start3A_133 = tpu.memref_slice %arg7[%dma_start3A_131, %dma_start3A_132] : memref<128x128xf32, #tpu.memory_space<vmem>> -> memref<79x128xf32, #tpu.memory_space<vmem>>
      %dma_start3A_134 = arith.constant 0 : i32
      %dma_start3A_135 = tpu.memref_slice %arg6[%add3A_30, %dma_start3A_134] : memref<10112x128xf32, #tpu.memory_space<vmem_shared>> -> memref<79x128xf32, #tpu.memory_space<vmem_shared>>
      %dma_start3A_136 = arith.constant 0 : i32
      %dma_start3A_137 = tpu.memref_slice %arg6[%add3A_30, %dma_start3A_136] : memref<10112x128xf32, #tpu.memory_space<vmem_shared>> -> memref<79x128xf32, #tpu.memory_space<vmem_shared>>
      %dma_start3A_138 = arith.constant 0 : i32
      %dma_start3A_139 = arith.constant 0 : i32
      %dma_start3A_140 = tpu.memref_slice %arg7[%dma_start3A_138, %dma_start3A_139] : memref<128x128xf32, #tpu.memory_space<vmem>> -> memref<79x128xf32, #tpu.memory_space<vmem>>
      tpu.enqueue_dma source(%dma_start3A_140 : memref<79x128xf32, #tpu.memory_space<vmem>>) target(%dma_start3A_137 : memref<79x128xf32, #tpu.memory_space<vmem_shared>>) target_semaphore(%run_scoped3A : memref<!tpu.dma_semaphore, #tpu.memory_space<semaphore_mem>>)
      %dma_wait3A_141 = arith.constant 0 : i32
      %dma_wait3A_142 = arith.constant 0 : i32
      %dma_wait3A_143 = tpu.memref_slice %arg7[%dma_wait3A_141, %dma_wait3A_142] : memref<128x128xf32, #tpu.memory_space<vmem>> -> memref<79x128xf32, #tpu.memory_space<vmem>>
      %dma_wait3A_144 = arith.constant 0 : i32
      %dma_wait3A_145 = tpu.memref_slice %arg6[%add3A_30, %dma_wait3A_144] : memref<10112x128xf32, #tpu.memory_space<vmem_shared>> -> memref<79x128xf32, #tpu.memory_space<vmem_shared>>
      %dma_wait3A_146 = arith.constant 0 : i32
      %dma_wait3A_147 = tpu.memref_slice %arg6[%add3A_30, %dma_wait3A_146] : memref<10112x128xf32, #tpu.memory_space<vmem_shared>> -> memref<79x128xf32, #tpu.memory_space<vmem_shared>>
      %dma_wait3A_148 = arith.constant 0 : i32
      %dma_wait3A_149 = arith.constant 0 : i32
      %dma_wait3A_150 = tpu.memref_slice %arg7[%dma_wait3A_148, %dma_wait3A_149] : memref<128x128xf32, #tpu.memory_space<vmem>> -> memref<79x128xf32, #tpu.memory_space<vmem>>
      tpu.wait_dma2 semaphore(%run_scoped3A : memref<!tpu.dma_semaphore, #tpu.memory_space<semaphore_mem>>) src(%dma_wait3A_150 : memref<79x128xf32, #tpu.memory_space<vmem>>) dst(%dma_wait3A_147 : memref<79x128xf32, #tpu.memory_space<vmem_shared>>)
      tpu.yield
    }) : () -> ()
    %mul3A_31 = arith.constant 632 : i32
    %mul3A_32 = arith.muli %arg1, %mul3A_31 : i32
    %add3A_33 = arith.constant 474 : i32
    %add3A_34 = arith.addi %mul3A_32, %add3A_33 : i32
    "tpu.region"() ({
      %run_scoped3A = tpu.sem_alloc : memref<!tpu.dma_semaphore, #tpu.memory_space<semaphore_mem>>
      %dma_start3A_131 = arith.constant 0 : i32
      %dma_start3A_132 = arith.constant 0 : i32
      %dma_start3A_133 = tpu.memref_slice %arg7[%dma_start3A_131, %dma_start3A_132] : memref<128x128xf32, #tpu.memory_space<vmem>> -> memref<79x128xf32, #tpu.memory_space<vmem>>
      %dma_start3A_134 = arith.constant 0 : i32
      %dma_start3A_135 = tpu.memref_slice %arg6[%add3A_34, %dma_start3A_134] : memref<10112x128xf32, #tpu.memory_space<vmem_shared>> -> memref<79x128xf32, #tpu.memory_space<vmem_shared>>
      %dma_start3A_136 = arith.constant 0 : i32
      %dma_start3A_137 = tpu.memref_slice %arg6[%add3A_34, %dma_start3A_136] : memref<10112x128xf32, #tpu.memory_space<vmem_shared>> -> memref<79x128xf32, #tpu.memory_space<vmem_shared>>
      %dma_start3A_138 = arith.constant 0 : i32
      %dma_start3A_139 = arith.constant 0 : i32
      %dma_start3A_140 = tpu.memref_slice %arg7[%dma_start3A_138, %dma_start3A_139] : memref<128x128xf32, #tpu.memory_space<vmem>> -> memref<79x128xf32, #tpu.memory_space<vmem>>
      tpu.enqueue_dma source(%dma_start3A_140 : memref<79x128xf32, #tpu.memory_space<vmem>>) target(%dma_start3A_137 : memref<79x128xf32, #tpu.memory_space<vmem_shared>>) target_semaphore(%run_scoped3A : memref<!tpu.dma_semaphore, #tpu.memory_space<semaphore_mem>>)
      %dma_wait3A_141 = arith.constant 0 : i32
      %dma_wait3A_142 = arith.constant 0 : i32
      %dma_wait3A_143 = tpu.memref_slice %arg7[%dma_wait3A_141, %dma_wait3A_142] : memref<128x128xf32, #tpu.memory_space<vmem>> -> memref<79x128xf32, #tpu.memory_space<vmem>>
      %dma_wait3A_144 = arith.constant 0 : i32
      %dma_wait3A_145 = tpu.memref_slice %arg6[%add3A_34, %dma_wait3A_144] : memref<10112x128xf32, #tpu.memory_space<vmem_shared>> -> memref<79x128xf32, #tpu.memory_space<vmem_shared>>
      %dma_wait3A_146 = arith.constant 0 : i32
      %dma_wait3A_147 = tpu.memref_slice %arg6[%add3A_34, %dma_wait3A_146] : memref<10112x128xf32, #tpu.memory_space<vmem_shared>> -> memref<79x128xf32, #tpu.memory_space<vmem_shared>>
      %dma_wait3A_148 = arith.constant 0 : i32
      %dma_wait3A_149 = arith.constant 0 : i32
      %dma_wait3A_150 = tpu.memref_slice %arg7[%dma_wait3A_148, %dma_wait3A_149] : memref<128x128xf32, #tpu.memory_space<vmem>> -> memref<79x128xf32, #tpu.memory_space<vmem>>
      tpu.wait_dma2 semaphore(%run_scoped3A : memref<!tpu.dma_semaphore, #tpu.memory_space<semaphore_mem>>) src(%dma_wait3A_150 : memref<79x128xf32, #tpu.memory_space<vmem>>) dst(%dma_wait3A_147 : memref<79x128xf32, #tpu.memory_space<vmem_shared>>)
      tpu.yield
    }) : () -> ()
    %mul3A_35 = arith.constant 632 : i32
    %mul3A_36 = arith.muli %arg1, %mul3A_35 : i32
    %add3A_37 = arith.constant 553 : i32
    %add3A_38 = arith.addi %mul3A_36, %add3A_37 : i32
    "tpu.region"() ({
      %run_scoped3A = tpu.sem_alloc : memref<!tpu.dma_semaphore, #tpu.memory_space<semaphore_mem>>
      %dma_start3A_131 = arith.constant 0 : i32
      %dma_start3A_132 = arith.constant 0 : i32
      %dma_start3A_133 = tpu.memref_slice %arg7[%dma_start3A_131, %dma_start3A_132] : memref<128x128xf32, #tpu.memory_space<vmem>> -> memref<79x128xf32, #tpu.memory_space<vmem>>
      %dma_start3A_134 = arith.constant 0 : i32
      %dma_start3A_135 = tpu.memref_slice %arg6[%add3A_38, %dma_start3A_134] : memref<10112x128xf32, #tpu.memory_space<vmem_shared>> -> memref<79x128xf32, #tpu.memory_space<vmem_shared>>
      %dma_start3A_136 = arith.constant 0 : i32
      %dma_start3A_137 = tpu.memref_slice %arg6[%add3A_38, %dma_start3A_136] : memref<10112x128xf32, #tpu.memory_space<vmem_shared>> -> memref<79x128xf32, #tpu.memory_space<vmem_shared>>
      %dma_start3A_138 = arith.constant 0 : i32
      %dma_start3A_139 = arith.constant 0 : i32
      %dma_start3A_140 = tpu.memref_slice %arg7[%dma_start3A_138, %dma_start3A_139] : memref<128x128xf32, #tpu.memory_space<vmem>> -> memref<79x128xf32, #tpu.memory_space<vmem>>
      tpu.enqueue_dma source(%dma_start3A_140 : memref<79x128xf32, #tpu.memory_space<vmem>>) target(%dma_start3A_137 : memref<79x128xf32, #tpu.memory_space<vmem_shared>>) target_semaphore(%run_scoped3A : memref<!tpu.dma_semaphore, #tpu.memory_space<semaphore_mem>>)
      %dma_wait3A_141 = arith.constant 0 : i32
      %dma_wait3A_142 = arith.constant 0 : i32
      %dma_wait3A_143 = tpu.memref_slice %arg7[%dma_wait3A_141, %dma_wait3A_142] : memref<128x128xf32, #tpu.memory_space<vmem>> -> memref<79x128xf32, #tpu.memory_space<vmem>>
      %dma_wait3A_144 = arith.constant 0 : i32
      %dma_wait3A_145 = tpu.memref_slice %arg6[%add3A_38, %dma_wait3A_144] : memref<10112x128xf32, #tpu.memory_space<vmem_shared>> -> memref<79x128xf32, #tpu.memory_space<vmem_shared>>
      %dma_wait3A_146 = arith.constant 0 : i32
      %dma_wait3A_147 = tpu.memref_slice %arg6[%add3A_38, %dma_wait3A_146] : memref<10112x128xf32, #tpu.memory_space<vmem_shared>> -> memref<79x128xf32, #tpu.memory_space<vmem_shared>>
      %dma_wait3A_148 = arith.constant 0 : i32
      %dma_wait3A_149 = arith.constant 0 : i32
      %dma_wait3A_150 = tpu.memref_slice %arg7[%dma_wait3A_148, %dma_wait3A_149] : memref<128x128xf32, #tpu.memory_space<vmem>> -> memref<79x128xf32, #tpu.memory_space<vmem>>
      tpu.wait_dma2 semaphore(%run_scoped3A : memref<!tpu.dma_semaphore, #tpu.memory_space<semaphore_mem>>) src(%dma_wait3A_150 : memref<79x128xf32, #tpu.memory_space<vmem>>) dst(%dma_wait3A_147 : memref<79x128xf32, #tpu.memory_space<vmem_shared>>)
      tpu.yield
    }) : () -> ()
    %barrier3A = arith.constant 0 : index
    tpu.barrier barrier_id(%barrier3A)
    %mul3A_39 = arith.constant 81 : i32
    %mul3A_40 = arith.muli %add3A, %mul3A_39 : i32
    %add3A_41 = arith.constant 0 : i32
    %add3A_42 = arith.addi %mul3A_40, %add3A_41 : i32
    %dma_start3A = arith.constant 0 : i32
    %dma_start3A_43 = tpu.memref_slice %arg2[%add3A_42, %dma_start3A] : memref<2592x128xi32, #tpu.memory_space<hbm>> -> memref<1x128xi32, #tpu.memory_space<hbm>>
    %dma_start3A_44 = tpu.memref_squeeze %dma_start3A_43 : memref<1x128xi32, #tpu.memory_space<hbm>> -> memref<128xi32, #tpu.memory_space<hbm>>
    %dma_start3A_45 = arith.constant 0 : i32
    %dma_start3A_46 = tpu.memref_slice %arg2[%add3A_42, %dma_start3A_45] : memref<2592x128xi32, #tpu.memory_space<hbm>> -> memref<1x128xi32, #tpu.memory_space<hbm>>
    %dma_start3A_47 = tpu.memref_squeeze %dma_start3A_46 : memref<1x128xi32, #tpu.memory_space<hbm>> -> memref<128xi32, #tpu.memory_space<hbm>>
    tpu.enqueue_dma source(%dma_start3A_47 : memref<128xi32, #tpu.memory_space<hbm>>) target(%arg10 : memref<128xi32, #tpu.memory_space<vmem>>) target_semaphore(%arg19 : memref<!tpu.dma_semaphore, #tpu.memory_space<semaphore_mem>>)
    %mul3A_48 = arith.constant 81 : i32
    %mul3A_49 = arith.muli %add3A, %mul3A_48 : i32
    %add3A_50 = arith.constant 1 : i32
    %add3A_51 = arith.addi %mul3A_49, %add3A_50 : i32
    %dma_start3A_52 = arith.constant 0 : i32
    %dma_start3A_53 = tpu.memref_slice %arg2[%add3A_51, %dma_start3A_52] : memref<2592x128xi32, #tpu.memory_space<hbm>> -> memref<1x128xi32, #tpu.memory_space<hbm>>
    %dma_start3A_54 = tpu.memref_squeeze %dma_start3A_53 : memref<1x128xi32, #tpu.memory_space<hbm>> -> memref<128xi32, #tpu.memory_space<hbm>>
    %dma_start3A_55 = arith.constant 0 : i32
    %dma_start3A_56 = tpu.memref_slice %arg2[%add3A_51, %dma_start3A_55] : memref<2592x128xi32, #tpu.memory_space<hbm>> -> memref<1x128xi32, #tpu.memory_space<hbm>>
    %dma_start3A_57 = tpu.memref_squeeze %dma_start3A_56 : memref<1x128xi32, #tpu.memory_space<hbm>> -> memref<128xi32, #tpu.memory_space<hbm>>
    tpu.enqueue_dma source(%dma_start3A_57 : memref<128xi32, #tpu.memory_space<hbm>>) target(%arg11 : memref<128xi32, #tpu.memory_space<vmem>>) target_semaphore(%arg20 : memref<!tpu.dma_semaphore, #tpu.memory_space<semaphore_mem>>)
    %mul3A_58 = arith.constant 81 : i32
    %mul3A_59 = arith.muli %add3A, %mul3A_58 : i32
    %add3A_60 = arith.constant 2 : i32
    %add3A_61 = arith.addi %mul3A_59, %add3A_60 : i32
    %dma_start3A_62 = arith.constant 0 : i32
    %dma_start3A_63 = tpu.memref_slice %arg2[%add3A_61, %dma_start3A_62] : memref<2592x128xi32, #tpu.memory_space<hbm>> -> memref<1x128xi32, #tpu.memory_space<hbm>>
    %dma_start3A_64 = tpu.memref_squeeze %dma_start3A_63 : memref<1x128xi32, #tpu.memory_space<hbm>> -> memref<128xi32, #tpu.memory_space<hbm>>
    %dma_start3A_65 = arith.constant 0 : i32
    %dma_start3A_66 = tpu.memref_slice %arg2[%add3A_61, %dma_start3A_65] : memref<2592x128xi32, #tpu.memory_space<hbm>> -> memref<1x128xi32, #tpu.memory_space<hbm>>
    %dma_start3A_67 = tpu.memref_squeeze %dma_start3A_66 : memref<1x128xi32, #tpu.memory_space<hbm>> -> memref<128xi32, #tpu.memory_space<hbm>>
    tpu.enqueue_dma source(%dma_start3A_67 : memref<128xi32, #tpu.memory_space<hbm>>) target(%arg12 : memref<128xi32, #tpu.memory_space<vmem>>) target_semaphore(%arg21 : memref<!tpu.dma_semaphore, #tpu.memory_space<semaphore_mem>>)
    %mul3A_68 = arith.constant 81 : i32
    %mul3A_69 = arith.muli %add3A, %mul3A_68 : i32
    %add3A_70 = arith.constant 0 : i32
    %add3A_71 = arith.addi %mul3A_69, %add3A_70 : i32
    %dma_start3A_72 = arith.constant 0 : i32
    %dma_start3A_73 = tpu.memref_slice %arg3[%add3A_71, %dma_start3A_72] : memref<2592x128xi32, #tpu.memory_space<hbm>> -> memref<1x128xi32, #tpu.memory_space<hbm>>
    %dma_start3A_74 = tpu.memref_squeeze %dma_start3A_73 : memref<1x128xi32, #tpu.memory_space<hbm>> -> memref<128xi32, #tpu.memory_space<hbm>>
    %dma_start3A_75 = arith.constant 0 : i32
    %dma_start3A_76 = tpu.memref_slice %arg3[%add3A_71, %dma_start3A_75] : memref<2592x128xi32, #tpu.memory_space<hbm>> -> memref<1x128xi32, #tpu.memory_space<hbm>>
    %dma_start3A_77 = tpu.memref_squeeze %dma_start3A_76 : memref<1x128xi32, #tpu.memory_space<hbm>> -> memref<128xi32, #tpu.memory_space<hbm>>
    tpu.enqueue_dma source(%dma_start3A_77 : memref<128xi32, #tpu.memory_space<hbm>>) target(%arg13 : memref<128xi32, #tpu.memory_space<vmem>>) target_semaphore(%arg22 : memref<!tpu.dma_semaphore, #tpu.memory_space<semaphore_mem>>)
    %mul3A_78 = arith.constant 81 : i32
    %mul3A_79 = arith.muli %add3A, %mul3A_78 : i32
    %add3A_80 = arith.constant 0 : i32
    %add3A_81 = arith.addi %mul3A_79, %add3A_80 : i32
    %dma_wait3A = arith.constant 0 : i32
    %dma_wait3A_82 = tpu.memref_slice %arg2[%add3A_81, %dma_wait3A] : memref<2592x128xi32, #tpu.memory_space<hbm>> -> memref<1x128xi32, #tpu.memory_space<hbm>>
    %dma_wait3A_83 = tpu.memref_squeeze %dma_wait3A_82 : memref<1x128xi32, #tpu.memory_space<hbm>> -> memref<128xi32, #tpu.memory_space<hbm>>
    %dma_wait3A_84 = arith.constant 0 : i32
    %dma_wait3A_85 = tpu.memref_slice %arg2[%add3A_81, %dma_wait3A_84] : memref<2592x128xi32, #tpu.memory_space<hbm>> -> memref<1x128xi32, #tpu.memory_space<hbm>>
    %dma_wait3A_86 = tpu.memref_squeeze %dma_wait3A_85 : memref<1x128xi32, #tpu.memory_space<hbm>> -> memref<128xi32, #tpu.memory_space<hbm>>
    tpu.wait_dma2 semaphore(%arg19 : memref<!tpu.dma_semaphore, #tpu.memory_space<semaphore_mem>>) src(%dma_wait3A_86 : memref<128xi32, #tpu.memory_space<hbm>>) dst(%arg10 : memref<128xi32, #tpu.memory_space<vmem>>)
    %dma_start3A_87 = arith.constant 0 : i32
    %dma_start3A_88 = arith.constant 0 : i32
    %dma_start3A_89 = tpu.memref_slice %arg4[%dma_start3A_87, %dma_start3A_88] : memref<10112x128xf32, #tpu.memory_space<hbm>> -> memref<10112x128xf32, #tpu.memory_space<hbm>>
    tpu.enqueue_indirect_dma source(%dma_start3A_89 : memref<10112x128xf32, #tpu.memory_space<hbm>>) target(%arg7 : memref<128x128xf32, #tpu.memory_space<vmem>>) offsets(%arg10 : memref<128xi32, #tpu.memory_space<vmem>>) semaphore(%arg16 : memref<!tpu.dma_semaphore, #tpu.memory_space<semaphore_mem>>)
    %mul3A_90 = arith.constant 81 : i32
    %mul3A_91 = arith.muli %add3A, %mul3A_90 : i32
    %add3A_92 = arith.constant 1 : i32
    %add3A_93 = arith.addi %mul3A_91, %add3A_92 : i32
    %dma_start3A_94 = arith.constant 0 : i32
    %dma_start3A_95 = tpu.memref_slice %arg3[%add3A_93, %dma_start3A_94] : memref<2592x128xi32, #tpu.memory_space<hbm>> -> memref<1x128xi32, #tpu.memory_space<hbm>>
    %dma_start3A_96 = tpu.memref_squeeze %dma_start3A_95 : memref<1x128xi32, #tpu.memory_space<hbm>> -> memref<128xi32, #tpu.memory_space<hbm>>
    %dma_start3A_97 = arith.constant 0 : i32
    %dma_start3A_98 = tpu.memref_slice %arg3[%add3A_93, %dma_start3A_97] : memref<2592x128xi32, #tpu.memory_space<hbm>> -> memref<1x128xi32, #tpu.memory_space<hbm>>
    %dma_start3A_99 = tpu.memref_squeeze %dma_start3A_98 : memref<1x128xi32, #tpu.memory_space<hbm>> -> memref<128xi32, #tpu.memory_space<hbm>>
    tpu.enqueue_dma source(%dma_start3A_99 : memref<128xi32, #tpu.memory_space<hbm>>) target(%arg14 : memref<128xi32, #tpu.memory_space<vmem>>) target_semaphore(%arg23 : memref<!tpu.dma_semaphore, #tpu.memory_space<semaphore_mem>>)
    %mul3A_100 = arith.constant 81 : i32
    %mul3A_101 = arith.muli %add3A, %mul3A_100 : i32
    %add3A_102 = arith.constant 1 : i32
    %add3A_103 = arith.addi %mul3A_101, %add3A_102 : i32
    %dma_wait3A_104 = arith.constant 0 : i32
    %dma_wait3A_105 = tpu.memref_slice %arg2[%add3A_103, %dma_wait3A_104] : memref<2592x128xi32, #tpu.memory_space<hbm>> -> memref<1x128xi32, #tpu.memory_space<hbm>>
    %dma_wait3A_106 = tpu.memref_squeeze %dma_wait3A_105 : memref<1x128xi32, #tpu.memory_space<hbm>> -> memref<128xi32, #tpu.memory_space<hbm>>
    %dma_wait3A_107 = arith.constant 0 : i32
    %dma_wait3A_108 = tpu.memref_slice %arg2[%add3A_103, %dma_wait3A_107] : memref<2592x128xi32, #tpu.memory_space<hbm>> -> memref<1x128xi32, #tpu.memory_space<hbm>>
    %dma_wait3A_109 = tpu.memref_squeeze %dma_wait3A_108 : memref<1x128xi32, #tpu.memory_space<hbm>> -> memref<128xi32, #tpu.memory_space<hbm>>
    tpu.wait_dma2 semaphore(%arg20 : memref<!tpu.dma_semaphore, #tpu.memory_space<semaphore_mem>>) src(%dma_wait3A_109 : memref<128xi32, #tpu.memory_space<hbm>>) dst(%arg11 : memref<128xi32, #tpu.memory_space<vmem>>)
    %dma_start3A_110 = arith.constant 0 : i32
    %dma_start3A_111 = arith.constant 0 : i32
    %dma_start3A_112 = tpu.memref_slice %arg4[%dma_start3A_110, %dma_start3A_111] : memref<10112x128xf32, #tpu.memory_space<hbm>> -> memref<10112x128xf32, #tpu.memory_space<hbm>>
    tpu.enqueue_indirect_dma source(%dma_start3A_112 : memref<10112x128xf32, #tpu.memory_space<hbm>>) target(%arg8 : memref<128x128xf32, #tpu.memory_space<vmem>>) offsets(%arg11 : memref<128xi32, #tpu.memory_space<vmem>>) semaphore(%arg17 : memref<!tpu.dma_semaphore, #tpu.memory_space<semaphore_mem>>)
    %scan3A_113 = arith.constant 0 : i32
    %scan3A_114 = arith.constant 0 : i32
    %scan3A_115 = arith.constant 27 : i32
    %scan3A_116 = arith.addi %scan3A_114, %scan3A_115 : i32
    %scan3A_117 = arith.constant 1 : i32
    %scan3A_118 = scf.for %scan3A_131 = %scan3A_114 to %scan3A_116 step %scan3A_117 iter_args(%scan3A_132 = %scan3A_113) -> (i32)  : i32 {
      %mul3A_133 = arith.constant 3 : i32
      %mul3A_134 = arith.muli %mul3A_133, %scan3A_131 : i32
      %add3A_135 = arith.constant 0 : i32
      %add3A_136 = arith.addi %mul3A_134, %add3A_135 : i32
      %ge3A = arith.constant 1 : i32
      %ge3A_137 = arith.cmpi sge, %add3A_136, %ge3A : i32
      %convert_element_type3A = arith.extui %ge3A_137 : i1 to i32
      %cond3A = arith.constant 0 : i32
      %cond3A_138 = arith.cmpi ne, %convert_element_type3A, %cond3A : i32
      scf.if %cond3A_138 {
        %dma_wait3A_244 = arith.constant 0 : i32
        %dma_wait3A_245 = arith.constant 0 : i32
        %dma_wait3A_246 = tpu.memref_slice %arg6[%dma_wait3A_244, %dma_wait3A_245] : memref<10112x128xf32, #tpu.memory_space<vmem_shared>> -> memref<10112x128xf32, #tpu.memory_space<vmem_shared>>
        tpu.wait_indirect_dma semaphore(%arg27 : memref<!tpu.dma_semaphore, #tpu.memory_space<semaphore_mem>>) src(%arg9 : memref<128x128xf32, #tpu.memory_space<vmem>>) dst(%dma_wait3A_246 : memref<10112x128xf32, #tpu.memory_space<vmem_shared>>)
      } else {
      }
      %add3A_139 = arith.constant 2 : i32
      %add3A_140 = arith.addi %add3A_136, %add3A_139 : i32
      %lt3A = arith.constant 81 : i32
      %lt3A_141 = arith.cmpi slt, %add3A_140, %lt3A : i32
      %convert_element_type3A_142 = arith.extui %lt3A_141 : i1 to i32
      %cond3A_143 = arith.constant 0 : i32
      %cond3A_144 = arith.cmpi ne, %convert_element_type3A_142, %cond3A_143 : i32
      scf.if %cond3A_144 {
        %mul3A_244 = arith.constant 81 : i32
        %mul3A_245 = arith.muli %add3A, %mul3A_244 : i32
        %add3A_246 = arith.addi %mul3A_245, %add3A_136 : i32
        %add3A_247 = arith.constant 2 : i32
        %add3A_248 = arith.addi %add3A_246, %add3A_247 : i32
        %dma_wait3A_249 = arith.constant 0 : i32
        %dma_wait3A_250 = tpu.memref_slice %arg2[%add3A_248, %dma_wait3A_249] : memref<2592x128xi32, #tpu.memory_space<hbm>> -> memref<1x128xi32, #tpu.memory_space<hbm>>
        %dma_wait3A_251 = tpu.memref_squeeze %dma_wait3A_250 : memref<1x128xi32, #tpu.memory_space<hbm>> -> memref<128xi32, #tpu.memory_space<hbm>>
        %dma_wait3A_252 = arith.constant 0 : i32
        %dma_wait3A_253 = tpu.memref_slice %arg2[%add3A_248, %dma_wait3A_252] : memref<2592x128xi32, #tpu.memory_space<hbm>> -> memref<1x128xi32, #tpu.memory_space<hbm>>
        %dma_wait3A_254 = tpu.memref_squeeze %dma_wait3A_253 : memref<1x128xi32, #tpu.memory_space<hbm>> -> memref<128xi32, #tpu.memory_space<hbm>>
        tpu.wait_dma2 semaphore(%arg21 : memref<!tpu.dma_semaphore, #tpu.memory_space<semaphore_mem>>) src(%dma_wait3A_254 : memref<128xi32, #tpu.memory_space<hbm>>) dst(%arg12 : memref<128xi32, #tpu.memory_space<vmem>>)
        %mul3A_255 = arith.constant 81 : i32
        %mul3A_256 = arith.muli %add3A, %mul3A_255 : i32
        %add3A_257 = arith.addi %mul3A_256, %add3A_136 : i32
        %add3A_258 = arith.constant 2 : i32
        %add3A_259 = arith.addi %add3A_257, %add3A_258 : i32
        %dma_start3A_260 = arith.constant 0 : i32
        %dma_start3A_261 = tpu.memref_slice %arg3[%add3A_259, %dma_start3A_260] : memref<2592x128xi32, #tpu.memory_space<hbm>> -> memref<1x128xi32, #tpu.memory_space<hbm>>
        %dma_start3A_262 = tpu.memref_squeeze %dma_start3A_261 : memref<1x128xi32, #tpu.memory_space<hbm>> -> memref<128xi32, #tpu.memory_space<hbm>>
        %dma_start3A_263 = arith.constant 0 : i32
        %dma_start3A_264 = tpu.memref_slice %arg3[%add3A_259, %dma_start3A_263] : memref<2592x128xi32, #tpu.memory_space<hbm>> -> memref<1x128xi32, #tpu.memory_space<hbm>>
        %dma_start3A_265 = tpu.memref_squeeze %dma_start3A_264 : memref<1x128xi32, #tpu.memory_space<hbm>> -> memref<128xi32, #tpu.memory_space<hbm>>
        tpu.enqueue_dma source(%dma_start3A_265 : memref<128xi32, #tpu.memory_space<hbm>>) target(%arg15 : memref<128xi32, #tpu.memory_space<vmem>>) target_semaphore(%arg24 : memref<!tpu.dma_semaphore, #tpu.memory_space<semaphore_mem>>)
        %dma_start3A_266 = arith.constant 0 : i32
        %dma_start3A_267 = arith.constant 0 : i32
        %dma_start3A_268 = tpu.memref_slice %arg4[%dma_start3A_266, %dma_start3A_267] : memref<10112x128xf32, #tpu.memory_space<hbm>> -> memref<10112x128xf32, #tpu.memory_space<hbm>>
        tpu.enqueue_indirect_dma source(%dma_start3A_268 : memref<10112x128xf32, #tpu.memory_space<hbm>>) target(%arg9 : memref<128x128xf32, #tpu.memory_space<vmem>>) offsets(%arg12 : memref<128xi32, #tpu.memory_space<vmem>>) semaphore(%arg18 : memref<!tpu.dma_semaphore, #tpu.memory_space<semaphore_mem>>)
      } else {
      }
      %dma_wait3A_145 = arith.constant 0 : i32
      %dma_wait3A_146 = arith.constant 0 : i32
      %dma_wait3A_147 = tpu.memref_slice %arg4[%dma_wait3A_145, %dma_wait3A_146] : memref<10112x128xf32, #tpu.memory_space<hbm>> -> memref<10112x128xf32, #tpu.memory_space<hbm>>
      tpu.wait_indirect_dma semaphore(%arg16 : memref<!tpu.dma_semaphore, #tpu.memory_space<semaphore_mem>>) src(%dma_wait3A_147 : memref<10112x128xf32, #tpu.memory_space<hbm>>) dst(%arg7 : memref<128x128xf32, #tpu.memory_space<vmem>>)
      %add3A_148 = arith.constant 3 : i32
      %add3A_149 = arith.addi %add3A_136, %add3A_148 : i32
      %lt3A_150 = arith.constant 81 : i32
      %lt3A_151 = arith.cmpi slt, %add3A_149, %lt3A_150 : i32
      %convert_element_type3A_152 = arith.extui %lt3A_151 : i1 to i32
      %cond3A_153 = arith.constant 0 : i32
      %cond3A_154 = arith.cmpi ne, %convert_element_type3A_152, %cond3A_153 : i32
      scf.if %cond3A_154 {
        %mul3A_244 = arith.constant 81 : i32
        %mul3A_245 = arith.muli %add3A, %mul3A_244 : i32
        %add3A_246 = arith.addi %mul3A_245, %add3A_136 : i32
        %add3A_247 = arith.constant 3 : i32
        %add3A_248 = arith.addi %add3A_246, %add3A_247 : i32
        %dma_start3A_249 = arith.constant 0 : i32
        %dma_start3A_250 = tpu.memref_slice %arg2[%add3A_248, %dma_start3A_249] : memref<2592x128xi32, #tpu.memory_space<hbm>> -> memref<1x128xi32, #tpu.memory_space<hbm>>
        %dma_start3A_251 = tpu.memref_squeeze %dma_start3A_250 : memref<1x128xi32, #tpu.memory_space<hbm>> -> memref<128xi32, #tpu.memory_space<hbm>>
        %dma_start3A_252 = arith.constant 0 : i32
        %dma_start3A_253 = tpu.memref_slice %arg2[%add3A_248, %dma_start3A_252] : memref<2592x128xi32, #tpu.memory_space<hbm>> -> memref<1x128xi32, #tpu.memory_space<hbm>>
        %dma_start3A_254 = tpu.memref_squeeze %dma_start3A_253 : memref<1x128xi32, #tpu.memory_space<hbm>> -> memref<128xi32, #tpu.memory_space<hbm>>
        tpu.enqueue_dma source(%dma_start3A_254 : memref<128xi32, #tpu.memory_space<hbm>>) target(%arg10 : memref<128xi32, #tpu.memory_space<vmem>>) target_semaphore(%arg19 : memref<!tpu.dma_semaphore, #tpu.memory_space<semaphore_mem>>)
      } else {
      }
      %mul3A_155 = arith.constant 81 : i32
      %mul3A_156 = arith.muli %add3A, %mul3A_155 : i32
      %add3A_157 = arith.addi %mul3A_156, %add3A_136 : i32
      %dma_wait3A_158 = arith.constant 0 : i32
      %dma_wait3A_159 = tpu.memref_slice %arg3[%add3A_157, %dma_wait3A_158] : memref<2592x128xi32, #tpu.memory_space<hbm>> -> memref<1x128xi32, #tpu.memory_space<hbm>>
      %dma_wait3A_160 = tpu.memref_squeeze %dma_wait3A_159 : memref<1x128xi32, #tpu.memory_space<hbm>> -> memref<128xi32, #tpu.memory_space<hbm>>
      %dma_wait3A_161 = arith.constant 0 : i32
      %dma_wait3A_162 = tpu.memref_slice %arg3[%add3A_157, %dma_wait3A_161] : memref<2592x128xi32, #tpu.memory_space<hbm>> -> memref<1x128xi32, #tpu.memory_space<hbm>>
      %dma_wait3A_163 = tpu.memref_squeeze %dma_wait3A_162 : memref<1x128xi32, #tpu.memory_space<hbm>> -> memref<128xi32, #tpu.memory_space<hbm>>
      tpu.wait_dma2 semaphore(%arg22 : memref<!tpu.dma_semaphore, #tpu.memory_space<semaphore_mem>>) src(%dma_wait3A_163 : memref<128xi32, #tpu.memory_space<hbm>>) dst(%arg13 : memref<128xi32, #tpu.memory_space<vmem>>)
      %dma_start3A_164 = arith.constant 0 : i32
      %dma_start3A_165 = arith.constant 0 : i32
      %dma_start3A_166 = tpu.memref_slice %arg6[%dma_start3A_164, %dma_start3A_165] : memref<10112x128xf32, #tpu.memory_space<vmem_shared>> -> memref<10112x128xf32, #tpu.memory_space<vmem_shared>>
      tpu.enqueue_indirect_dma source(%arg7 : memref<128x128xf32, #tpu.memory_space<vmem>>) target(%dma_start3A_166 : memref<10112x128xf32, #tpu.memory_space<vmem_shared>>) offsets(%arg13 : memref<128xi32, #tpu.memory_space<vmem>>) semaphore(%arg25 : memref<!tpu.dma_semaphore, #tpu.memory_space<semaphore_mem>>) {add = true}
      %mul3A_167 = arith.constant 3 : i32
      %mul3A_168 = arith.muli %mul3A_167, %scan3A_131 : i32
      %add3A_169 = arith.constant 1 : i32
      %add3A_170 = arith.addi %mul3A_168, %add3A_169 : i32
      %ge3A_171 = arith.constant 1 : i32
      %ge3A_172 = arith.cmpi sge, %add3A_170, %ge3A_171 : i32
      %convert_element_type3A_173 = arith.extui %ge3A_172 : i1 to i32
      %cond3A_174 = arith.constant 0 : i32
      %cond3A_175 = arith.cmpi ne, %convert_element_type3A_173, %cond3A_174 : i32
      scf.if %cond3A_175 {
        %dma_wait3A_244 = arith.constant 0 : i32
        %dma_wait3A_245 = arith.constant 0 : i32
        %dma_wait3A_246 = tpu.memref_slice %arg6[%dma_wait3A_244, %dma_wait3A_245] : memref<10112x128xf32, #tpu.memory_space<vmem_shared>> -> memref<10112x128xf32, #tpu.memory_space<vmem_shared>>
        tpu.wait_indirect_dma semaphore(%arg25 : memref<!tpu.dma_semaphore, #tpu.memory_space<semaphore_mem>>) src(%arg7 : memref<128x128xf32, #tpu.memory_space<vmem>>) dst(%dma_wait3A_246 : memref<10112x128xf32, #tpu.memory_space<vmem_shared>>)
      } else {
      }
      %add3A_176 = arith.constant 2 : i32
      %add3A_177 = arith.addi %add3A_170, %add3A_176 : i32
      %lt3A_178 = arith.constant 81 : i32
      %lt3A_179 = arith.cmpi slt, %add3A_177, %lt3A_178 : i32
      %convert_element_type3A_180 = arith.extui %lt3A_179 : i1 to i32
      %cond3A_181 = arith.constant 0 : i32
      %cond3A_182 = arith.cmpi ne, %convert_element_type3A_180, %cond3A_181 : i32
      scf.if %cond3A_182 {
        %mul3A_244 = arith.constant 81 : i32
        %mul3A_245 = arith.muli %add3A, %mul3A_244 : i32
        %add3A_246 = arith.addi %mul3A_245, %add3A_170 : i32
        %add3A_247 = arith.constant 2 : i32
        %add3A_248 = arith.addi %add3A_246, %add3A_247 : i32
        %dma_wait3A_249 = arith.constant 0 : i32
        %dma_wait3A_250 = tpu.memref_slice %arg2[%add3A_248, %dma_wait3A_249] : memref<2592x128xi32, #tpu.memory_space<hbm>> -> memref<1x128xi32, #tpu.memory_space<hbm>>
        %dma_wait3A_251 = tpu.memref_squeeze %dma_wait3A_250 : memref<1x128xi32, #tpu.memory_space<hbm>> -> memref<128xi32, #tpu.memory_space<hbm>>
        %dma_wait3A_252 = arith.constant 0 : i32
        %dma_wait3A_253 = tpu.memref_slice %arg2[%add3A_248, %dma_wait3A_252] : memref<2592x128xi32, #tpu.memory_space<hbm>> -> memref<1x128xi32, #tpu.memory_space<hbm>>
        %dma_wait3A_254 = tpu.memref_squeeze %dma_wait3A_253 : memref<1x128xi32, #tpu.memory_space<hbm>> -> memref<128xi32, #tpu.memory_space<hbm>>
        tpu.wait_dma2 semaphore(%arg19 : memref<!tpu.dma_semaphore, #tpu.memory_space<semaphore_mem>>) src(%dma_wait3A_254 : memref<128xi32, #tpu.memory_space<hbm>>) dst(%arg10 : memref<128xi32, #tpu.memory_space<vmem>>)
        %mul3A_255 = arith.constant 81 : i32
        %mul3A_256 = arith.muli %add3A, %mul3A_255 : i32
        %add3A_257 = arith.addi %mul3A_256, %add3A_170 : i32
        %add3A_258 = arith.constant 2 : i32
        %add3A_259 = arith.addi %add3A_257, %add3A_258 : i32
        %dma_start3A_260 = arith.constant 0 : i32
        %dma_start3A_261 = tpu.memref_slice %arg3[%add3A_259, %dma_start3A_260] : memref<2592x128xi32, #tpu.memory_space<hbm>> -> memref<1x128xi32, #tpu.memory_space<hbm>>
        %dma_start3A_262 = tpu.memref_squeeze %dma_start3A_261 : memref<1x128xi32, #tpu.memory_space<hbm>> -> memref<128xi32, #tpu.memory_space<hbm>>
        %dma_start3A_263 = arith.constant 0 : i32
        %dma_start3A_264 = tpu.memref_slice %arg3[%add3A_259, %dma_start3A_263] : memref<2592x128xi32, #tpu.memory_space<hbm>> -> memref<1x128xi32, #tpu.memory_space<hbm>>
        %dma_start3A_265 = tpu.memref_squeeze %dma_start3A_264 : memref<1x128xi32, #tpu.memory_space<hbm>> -> memref<128xi32, #tpu.memory_space<hbm>>
        tpu.enqueue_dma source(%dma_start3A_265 : memref<128xi32, #tpu.memory_space<hbm>>) target(%arg13 : memref<128xi32, #tpu.memory_space<vmem>>) target_semaphore(%arg22 : memref<!tpu.dma_semaphore, #tpu.memory_space<semaphore_mem>>)
        %dma_start3A_266 = arith.constant 0 : i32
        %dma_start3A_267 = arith.constant 0 : i32
        %dma_start3A_268 = tpu.memref_slice %arg4[%dma_start3A_266, %dma_start3A_267] : memref<10112x128xf32, #tpu.memory_space<hbm>> -> memref<10112x128xf32, #tpu.memory_space<hbm>>
        tpu.enqueue_indirect_dma source(%dma_start3A_268 : memref<10112x128xf32, #tpu.memory_space<hbm>>) target(%arg7 : memref<128x128xf32, #tpu.memory_space<vmem>>) offsets(%arg10 : memref<128xi32, #tpu.memory_space<vmem>>) semaphore(%arg16 : memref<!tpu.dma_semaphore, #tpu.memory_space<semaphore_mem>>)
      } else {
      }
      %dma_wait3A_183 = arith.constant 0 : i32
      %dma_wait3A_184 = arith.constant 0 : i32
      %dma_wait3A_185 = tpu.memref_slice %arg4[%dma_wait3A_183, %dma_wait3A_184] : memref<10112x128xf32, #tpu.memory_space<hbm>> -> memref<10112x128xf32, #tpu.memory_space<hbm>>
      tpu.wait_indirect_dma semaphore(%arg17 : memref<!tpu.dma_semaphore, #tpu.memory_space<semaphore_mem>>) src(%dma_wait3A_185 : memref<10112x128xf32, #tpu.memory_space<hbm>>) dst(%arg8 : memref<128x128xf32, #tpu.memory_space<vmem>>)
      %add3A_186 = arith.constant 3 : i32
      %add3A_187 = arith.addi %add3A_170, %add3A_186 : i32
      %lt3A_188 = arith.constant 81 : i32
      %lt3A_189 = arith.cmpi slt, %add3A_187, %lt3A_188 : i32
      %convert_element_type3A_190 = arith.extui %lt3A_189 : i1 to i32
      %cond3A_191 = arith.constant 0 : i32
      %cond3A_192 = arith.cmpi ne, %convert_element_type3A_190, %cond3A_191 : i32
      scf.if %cond3A_192 {
        %mul3A_244 = arith.constant 81 : i32
        %mul3A_245 = arith.muli %add3A, %mul3A_244 : i32
        %add3A_246 = arith.addi %mul3A_245, %add3A_170 : i32
        %add3A_247 = arith.constant 3 : i32
        %add3A_248 = arith.addi %add3A_246, %add3A_247 : i32
        %dma_start3A_249 = arith.constant 0 : i32
        %dma_start3A_250 = tpu.memref_slice %arg2[%add3A_248, %dma_start3A_249] : memref<2592x128xi32, #tpu.memory_space<hbm>> -> memref<1x128xi32, #tpu.memory_space<hbm>>
        %dma_start3A_251 = tpu.memref_squeeze %dma_start3A_250 : memref<1x128xi32, #tpu.memory_space<hbm>> -> memref<128xi32, #tpu.memory_space<hbm>>
        %dma_start3A_252 = arith.constant 0 : i32
        %dma_start3A_253 = tpu.memref_slice %arg2[%add3A_248, %dma_start3A_252] : memref<2592x128xi32, #tpu.memory_space<hbm>> -> memref<1x128xi32, #tpu.memory_space<hbm>>
        %dma_start3A_254 = tpu.memref_squeeze %dma_start3A_253 : memref<1x128xi32, #tpu.memory_space<hbm>> -> memref<128xi32, #tpu.memory_space<hbm>>
        tpu.enqueue_dma source(%dma_start3A_254 : memref<128xi32, #tpu.memory_space<hbm>>) target(%arg11 : memref<128xi32, #tpu.memory_space<vmem>>) target_semaphore(%arg20 : memref<!tpu.dma_semaphore, #tpu.memory_space<semaphore_mem>>)
      } else {
      }
      %mul3A_193 = arith.constant 81 : i32
      %mul3A_194 = arith.muli %add3A, %mul3A_193 : i32
      %add3A_195 = arith.addi %mul3A_194, %add3A_170 : i32
      %dma_wait3A_196 = arith.constant 0 : i32
      %dma_wait3A_197 = tpu.memref_slice %arg3[%add3A_195, %dma_wait3A_196] : memref<2592x128xi32, #tpu.memory_space<hbm>> -> memref<1x128xi32, #tpu.memory_space<hbm>>
      %dma_wait3A_198 = tpu.memref_squeeze %dma_wait3A_197 : memref<1x128xi32, #tpu.memory_space<hbm>> -> memref<128xi32, #tpu.memory_space<hbm>>
      %dma_wait3A_199 = arith.constant 0 : i32
      %dma_wait3A_200 = tpu.memref_slice %arg3[%add3A_195, %dma_wait3A_199] : memref<2592x128xi32, #tpu.memory_space<hbm>> -> memref<1x128xi32, #tpu.memory_space<hbm>>
      %dma_wait3A_201 = tpu.memref_squeeze %dma_wait3A_200 : memref<1x128xi32, #tpu.memory_space<hbm>> -> memref<128xi32, #tpu.memory_space<hbm>>
      tpu.wait_dma2 semaphore(%arg23 : memref<!tpu.dma_semaphore, #tpu.memory_space<semaphore_mem>>) src(%dma_wait3A_201 : memref<128xi32, #tpu.memory_space<hbm>>) dst(%arg14 : memref<128xi32, #tpu.memory_space<vmem>>)
      %dma_start3A_202 = arith.constant 0 : i32
      %dma_start3A_203 = arith.constant 0 : i32
      %dma_start3A_204 = tpu.memref_slice %arg6[%dma_start3A_202, %dma_start3A_203] : memref<10112x128xf32, #tpu.memory_space<vmem_shared>> -> memref<10112x128xf32, #tpu.memory_space<vmem_shared>>
      tpu.enqueue_indirect_dma source(%arg8 : memref<128x128xf32, #tpu.memory_space<vmem>>) target(%dma_start3A_204 : memref<10112x128xf32, #tpu.memory_space<vmem_shared>>) offsets(%arg14 : memref<128xi32, #tpu.memory_space<vmem>>) semaphore(%arg26 : memref<!tpu.dma_semaphore, #tpu.memory_space<semaphore_mem>>) {add = true}
      %mul3A_205 = arith.constant 3 : i32
      %mul3A_206 = arith.muli %mul3A_205, %scan3A_131 : i32
      %add3A_207 = arith.constant 2 : i32
      %add3A_208 = arith.addi %mul3A_206, %add3A_207 : i32
      %ge3A_209 = arith.constant 1 : i32
      %ge3A_210 = arith.cmpi sge, %add3A_208, %ge3A_209 : i32
      %convert_element_type3A_211 = arith.extui %ge3A_210 : i1 to i32
      %cond3A_212 = arith.constant 0 : i32
      %cond3A_213 = arith.cmpi ne, %convert_element_type3A_211, %cond3A_212 : i32
      scf.if %cond3A_213 {
        %dma_wait3A_244 = arith.constant 0 : i32
        %dma_wait3A_245 = arith.constant 0 : i32
        %dma_wait3A_246 = tpu.memref_slice %arg6[%dma_wait3A_244, %dma_wait3A_245] : memref<10112x128xf32, #tpu.memory_space<vmem_shared>> -> memref<10112x128xf32, #tpu.memory_space<vmem_shared>>
        tpu.wait_indirect_dma semaphore(%arg26 : memref<!tpu.dma_semaphore, #tpu.memory_space<semaphore_mem>>) src(%arg8 : memref<128x128xf32, #tpu.memory_space<vmem>>) dst(%dma_wait3A_246 : memref<10112x128xf32, #tpu.memory_space<vmem_shared>>)
      } else {
      }
      %add3A_214 = arith.constant 2 : i32
      %add3A_215 = arith.addi %add3A_208, %add3A_214 : i32
      %lt3A_216 = arith.constant 81 : i32
      %lt3A_217 = arith.cmpi slt, %add3A_215, %lt3A_216 : i32
      %convert_element_type3A_218 = arith.extui %lt3A_217 : i1 to i32
      %cond3A_219 = arith.constant 0 : i32
      %cond3A_220 = arith.cmpi ne, %convert_element_type3A_218, %cond3A_219 : i32
      scf.if %cond3A_220 {
        %mul3A_244 = arith.constant 81 : i32
        %mul3A_245 = arith.muli %add3A, %mul3A_244 : i32
        %add3A_246 = arith.addi %mul3A_245, %add3A_208 : i32
        %add3A_247 = arith.constant 2 : i32
        %add3A_248 = arith.addi %add3A_246, %add3A_247 : i32
        %dma_wait3A_249 = arith.constant 0 : i32
        %dma_wait3A_250 = tpu.memref_slice %arg2[%add3A_248, %dma_wait3A_249] : memref<2592x128xi32, #tpu.memory_space<hbm>> -> memref<1x128xi32, #tpu.memory_space<hbm>>
        %dma_wait3A_251 = tpu.memref_squeeze %dma_wait3A_250 : memref<1x128xi32, #tpu.memory_space<hbm>> -> memref<128xi32, #tpu.memory_space<hbm>>
        %dma_wait3A_252 = arith.constant 0 : i32
        %dma_wait3A_253 = tpu.memref_slice %arg2[%add3A_248, %dma_wait3A_252] : memref<2592x128xi32, #tpu.memory_space<hbm>> -> memref<1x128xi32, #tpu.memory_space<hbm>>
        %dma_wait3A_254 = tpu.memref_squeeze %dma_wait3A_253 : memref<1x128xi32, #tpu.memory_space<hbm>> -> memref<128xi32, #tpu.memory_space<hbm>>
        tpu.wait_dma2 semaphore(%arg20 : memref<!tpu.dma_semaphore, #tpu.memory_space<semaphore_mem>>) src(%dma_wait3A_254 : memref<128xi32, #tpu.memory_space<hbm>>) dst(%arg11 : memref<128xi32, #tpu.memory_space<vmem>>)
        %mul3A_255 = arith.constant 81 : i32
        %mul3A_256 = arith.muli %add3A, %mul3A_255 : i32
        %add3A_257 = arith.addi %mul3A_256, %add3A_208 : i32
        %add3A_258 = arith.constant 2 : i32
        %add3A_259 = arith.addi %add3A_257, %add3A_258 : i32
        %dma_start3A_260 = arith.constant 0 : i32
        %dma_start3A_261 = tpu.memref_slice %arg3[%add3A_259, %dma_start3A_260] : memref<2592x128xi32, #tpu.memory_space<hbm>> -> memref<1x128xi32, #tpu.memory_space<hbm>>
        %dma_start3A_262 = tpu.memref_squeeze %dma_start3A_261 : memref<1x128xi32, #tpu.memory_space<hbm>> -> memref<128xi32, #tpu.memory_space<hbm>>
        %dma_start3A_263 = arith.constant 0 : i32
        %dma_start3A_264 = tpu.memref_slice %arg3[%add3A_259, %dma_start3A_263] : memref<2592x128xi32, #tpu.memory_space<hbm>> -> memref<1x128xi32, #tpu.memory_space<hbm>>
        %dma_start3A_265 = tpu.memref_squeeze %dma_start3A_264 : memref<1x128xi32, #tpu.memory_space<hbm>> -> memref<128xi32, #tpu.memory_space<hbm>>
        tpu.enqueue_dma source(%dma_start3A_265 : memref<128xi32, #tpu.memory_space<hbm>>) target(%arg14 : memref<128xi32, #tpu.memory_space<vmem>>) target_semaphore(%arg23 : memref<!tpu.dma_semaphore, #tpu.memory_space<semaphore_mem>>)
        %dma_start3A_266 = arith.constant 0 : i32
        %dma_start3A_267 = arith.constant 0 : i32
        %dma_start3A_268 = tpu.memref_slice %arg4[%dma_start3A_266, %dma_start3A_267] : memref<10112x128xf32, #tpu.memory_space<hbm>> -> memref<10112x128xf32, #tpu.memory_space<hbm>>
        tpu.enqueue_indirect_dma source(%dma_start3A_268 : memref<10112x128xf32, #tpu.memory_space<hbm>>) target(%arg8 : memref<128x128xf32, #tpu.memory_space<vmem>>) offsets(%arg11 : memref<128xi32, #tpu.memory_space<vmem>>) semaphore(%arg17 : memref<!tpu.dma_semaphore, #tpu.memory_space<semaphore_mem>>)
      } else {
      }
      %dma_wait3A_221 = arith.constant 0 : i32
      %dma_wait3A_222 = arith.constant 0 : i32
      %dma_wait3A_223 = tpu.memref_slice %arg4[%dma_wait3A_221, %dma_wait3A_222] : memref<10112x128xf32, #tpu.memory_space<hbm>> -> memref<10112x128xf32, #tpu.memory_space<hbm>>
      tpu.wait_indirect_dma semaphore(%arg18 : memref<!tpu.dma_semaphore, #tpu.memory_space<semaphore_mem>>) src(%dma_wait3A_223 : memref<10112x128xf32, #tpu.memory_space<hbm>>) dst(%arg9 : memref<128x128xf32, #tpu.memory_space<vmem>>)
      %add3A_224 = arith.constant 3 : i32
      %add3A_225 = arith.addi %add3A_208, %add3A_224 : i32
      %lt3A_226 = arith.constant 81 : i32
      %lt3A_227 = arith.cmpi slt, %add3A_225, %lt3A_226 : i32
      %convert_element_type3A_228 = arith.extui %lt3A_227 : i1 to i32
      %cond3A_229 = arith.constant 0 : i32
      %cond3A_230 = arith.cmpi ne, %convert_element_type3A_228, %cond3A_229 : i32
      scf.if %cond3A_230 {
        %mul3A_244 = arith.constant 81 : i32
        %mul3A_245 = arith.muli %add3A, %mul3A_244 : i32
        %add3A_246 = arith.addi %mul3A_245, %add3A_208 : i32
        %add3A_247 = arith.constant 3 : i32
        %add3A_248 = arith.addi %add3A_246, %add3A_247 : i32
        %dma_start3A_249 = arith.constant 0 : i32
        %dma_start3A_250 = tpu.memref_slice %arg2[%add3A_248, %dma_start3A_249] : memref<2592x128xi32, #tpu.memory_space<hbm>> -> memref<1x128xi32, #tpu.memory_space<hbm>>
        %dma_start3A_251 = tpu.memref_squeeze %dma_start3A_250 : memref<1x128xi32, #tpu.memory_space<hbm>> -> memref<128xi32, #tpu.memory_space<hbm>>
        %dma_start3A_252 = arith.constant 0 : i32
        %dma_start3A_253 = tpu.memref_slice %arg2[%add3A_248, %dma_start3A_252] : memref<2592x128xi32, #tpu.memory_space<hbm>> -> memref<1x128xi32, #tpu.memory_space<hbm>>
        %dma_start3A_254 = tpu.memref_squeeze %dma_start3A_253 : memref<1x128xi32, #tpu.memory_space<hbm>> -> memref<128xi32, #tpu.memory_space<hbm>>
        tpu.enqueue_dma source(%dma_start3A_254 : memref<128xi32, #tpu.memory_space<hbm>>) target(%arg12 : memref<128xi32, #tpu.memory_space<vmem>>) target_semaphore(%arg21 : memref<!tpu.dma_semaphore, #tpu.memory_space<semaphore_mem>>)
      } else {
      }
      %mul3A_231 = arith.constant 81 : i32
      %mul3A_232 = arith.muli %add3A, %mul3A_231 : i32
      %add3A_233 = arith.addi %mul3A_232, %add3A_208 : i32
      %dma_wait3A_234 = arith.constant 0 : i32
      %dma_wait3A_235 = tpu.memref_slice %arg3[%add3A_233, %dma_wait3A_234] : memref<2592x128xi32, #tpu.memory_space<hbm>> -> memref<1x128xi32, #tpu.memory_space<hbm>>
      %dma_wait3A_236 = tpu.memref_squeeze %dma_wait3A_235 : memref<1x128xi32, #tpu.memory_space<hbm>> -> memref<128xi32, #tpu.memory_space<hbm>>
      %dma_wait3A_237 = arith.constant 0 : i32
      %dma_wait3A_238 = tpu.memref_slice %arg3[%add3A_233, %dma_wait3A_237] : memref<2592x128xi32, #tpu.memory_space<hbm>> -> memref<1x128xi32, #tpu.memory_space<hbm>>
      %dma_wait3A_239 = tpu.memref_squeeze %dma_wait3A_238 : memref<1x128xi32, #tpu.memory_space<hbm>> -> memref<128xi32, #tpu.memory_space<hbm>>
      tpu.wait_dma2 semaphore(%arg24 : memref<!tpu.dma_semaphore, #tpu.memory_space<semaphore_mem>>) src(%dma_wait3A_239 : memref<128xi32, #tpu.memory_space<hbm>>) dst(%arg15 : memref<128xi32, #tpu.memory_space<vmem>>)
      %dma_start3A_240 = arith.constant 0 : i32
      %dma_start3A_241 = arith.constant 0 : i32
      %dma_start3A_242 = tpu.memref_slice %arg6[%dma_start3A_240, %dma_start3A_241] : memref<10112x128xf32, #tpu.memory_space<vmem_shared>> -> memref<10112x128xf32, #tpu.memory_space<vmem_shared>>
      tpu.enqueue_indirect_dma source(%arg9 : memref<128x128xf32, #tpu.memory_space<vmem>>) target(%dma_start3A_242 : memref<10112x128xf32, #tpu.memory_space<vmem_shared>>) offsets(%arg15 : memref<128xi32, #tpu.memory_space<vmem>>) semaphore(%arg27 : memref<!tpu.dma_semaphore, #tpu.memory_space<semaphore_mem>>) {add = true}
      %scan3A_243 = arith.constant 0 : i32
      scf.yield %scan3A_243 : i32
    }
    %scan3A_119 = arith.constant 27 : i32
    %dma_wait3A_120 = arith.constant 0 : i32
    %dma_wait3A_121 = arith.constant 0 : i32
    %dma_wait3A_122 = tpu.memref_slice %arg6[%dma_wait3A_120, %dma_wait3A_121] : memref<10112x128xf32, #tpu.memory_space<vmem_shared>> -> memref<10112x128xf32, #tpu.memory_space<vmem_shared>>
    tpu.wait_indirect_dma semaphore(%arg27 : memref<!tpu.dma_semaphore, #tpu.memory_space<semaphore_mem>>) src(%arg9 : memref<128x128xf32, #tpu.memory_space<vmem>>) dst(%dma_wait3A_122 : memref<10112x128xf32, #tpu.memory_space<vmem_shared>>)
    %barrier3A_123 = arith.constant 0 : index
    tpu.barrier barrier_id(%barrier3A_123)
    %mul3A_124 = arith.constant 632 : i32
    %mul3A_125 = arith.muli %arg1, %mul3A_124 : i32
    %mul3A_126 = arith.constant 10112 : i32
    %mul3A_127 = arith.muli %arg0, %mul3A_126 : i32
    %mul3A_128 = arith.constant 632 : i32
    %mul3A_129 = arith.muli %arg1, %mul3A_128 : i32
    %add3A_130 = arith.addi %mul3A_127, %mul3A_129 : i32
    "tpu.region"() ({
      %run_scoped3A = tpu.sem_alloc : memref<!tpu.dma_semaphore, #tpu.memory_space<semaphore_mem>>
      %dma_start3A_131 = arith.constant 0 : i32
      %dma_start3A_132 = tpu.memref_slice %arg5[%add3A_130, %dma_start3A_131] : memref<20224x128xf32, #tpu.memory_space<hbm>> -> memref<632x128xf32, #tpu.memory_space<hbm>>
      %dma_start3A_133 = arith.constant 0 : i32
      %dma_start3A_134 = tpu.memref_slice %arg6[%mul3A_125, %dma_start3A_133] : memref<10112x128xf32, #tpu.memory_space<vmem_shared>> -> memref<632x128xf32, #tpu.memory_space<vmem_shared>>
      tpu.enqueue_dma source(%dma_start3A_134 : memref<632x128xf32, #tpu.memory_space<vmem_shared>>) target(%dma_start3A_132 : memref<632x128xf32, #tpu.memory_space<hbm>>) target_semaphore(%run_scoped3A : memref<!tpu.dma_semaphore, #tpu.memory_space<semaphore_mem>>)
      %dma_wait3A_135 = arith.constant 0 : i32
      %dma_wait3A_136 = tpu.memref_slice %arg5[%add3A_130, %dma_wait3A_135] : memref<20224x128xf32, #tpu.memory_space<hbm>> -> memref<632x128xf32, #tpu.memory_space<hbm>>
      %dma_wait3A_137 = arith.constant 0 : i32
      %dma_wait3A_138 = tpu.memref_slice %arg6[%mul3A_125, %dma_wait3A_137] : memref<10112x128xf32, #tpu.memory_space<vmem_shared>> -> memref<632x128xf32, #tpu.memory_space<vmem_shared>>
      tpu.wait_dma2 semaphore(%run_scoped3A : memref<!tpu.dma_semaphore, #tpu.memory_space<semaphore_mem>>) src(%dma_wait3A_138 : memref<632x128xf32, #tpu.memory_space<vmem_shared>>) dst(%dma_wait3A_136 : memref<632x128xf32, #tpu.memory_space<hbm>>)
      tpu.yield
    }) : () -> ()
    return
  }
}

#map = affine_map<(d0, d1) -> (0, 0)>
module attributes {stable_mosaic.version = 14 : i64} {
  func.func @scat_kernel(%arg0: i32, %arg1: i32, %arg2: memref<2592x128xi32, #tpu.memory_space<hbm>>, %arg3: memref<2592x128xi32, #tpu.memory_space<hbm>>, %arg4: memref<10112x64xf32, #tpu.memory_space<hbm>>, %arg5: memref<20224x64xf32, #tpu.memory_space<hbm>>, %arg6: memref<10112x64xf32, #tpu.memory_space<vmem_shared>>, %arg7: memref<128x64xf32, #tpu.memory_space<vmem>>, %arg8: memref<128x64xf32, #tpu.memory_space<vmem>>, %arg9: memref<128x64xf32, #tpu.memory_space<vmem>>, %arg10: memref<128xi32, #tpu.memory_space<vmem>>, %arg11: memref<128xi32, #tpu.memory_space<vmem>>, %arg12: memref<128xi32, #tpu.memory_space<vmem>>, %arg13: memref<128xi32, #tpu.memory_space<vmem>>, %arg14: memref<128xi32, #tpu.memory_space<vmem>>, %arg15: memref<128xi32, #tpu.memory_space<vmem>>, %arg16: memref<!tpu.dma_semaphore, #tpu.memory_space<semaphore_mem>>, %arg17: memref<!tpu.dma_semaphore, #tpu.memory_space<semaphore_mem>>, %arg18: memref<!tpu.dma_semaphore, #tpu.memory_space<semaphore_mem>>, %arg19: memref<!tpu.dma_semaphore, #tpu.memory_space<semaphore_mem>>, %arg20: memref<!tpu.dma_semaphore, #tpu.memory_space<semaphore_mem>>, %arg21: memref<!tpu.dma_semaphore, #tpu.memory_space<semaphore_mem>>, %arg22: memref<!tpu.dma_semaphore, #tpu.memory_space<semaphore_mem>>, %arg23: memref<!tpu.dma_semaphore, #tpu.memory_space<semaphore_mem>>, %arg24: memref<!tpu.dma_semaphore, #tpu.memory_space<semaphore_mem>>, %arg25: memref<!tpu.dma_semaphore, #tpu.memory_space<semaphore_mem>>, %arg26: memref<!tpu.dma_semaphore, #tpu.memory_space<semaphore_mem>>, %arg27: memref<!tpu.dma_semaphore, #tpu.memory_space<semaphore_mem>>) attributes {dimension_semantics = [#tpu.dimension_semantics<core_parallel>, #tpu.dimension_semantics<subcore_parallel>], iteration_bounds = array<i64: 2, 16>, scalar_prefetch = 0 : i64, scratch_operands = 22 : i64, tpu.core_type = #tpu.core_type<sc_vector_subcore>, window_params = [{transform_indices = #map}, {transform_indices = #map}, {transform_indices = #map}, {transform_indices = #map}]} {
    %mul3A = arith.constant 16 : i32
    %mul3A_0 = arith.muli %arg0, %mul3A : i32
    %add3A = arith.addi %mul3A_0, %arg1 : i32
    %scan3A = arith.constant 0 : i32
    %scan3A_1 = arith.constant 0 : i32
    %scan3A_2 = arith.constant 128 : i32
    %scan3A_3 = arith.addi %scan3A_1, %scan3A_2 : i32
    %scan3A_4 = arith.constant 1 : i32
    %scan3A_5 = scf.for %scan3A_131 = %scan3A_1 to %scan3A_3 step %scan3A_4 iter_args(%scan3A_132 = %scan3A) -> (i32)  : i32 {
      %broadcast_in_dim3A = arith.constant 0.000000e+00 : f32
      %broadcast_in_dim3A_133 = vector.broadcast %broadcast_in_dim3A : f32 to vector<16xf32>
      %swap3A = arith.index_cast %scan3A_131 : i32 to index
      %swap3A_134 = arith.constant 0 : index
      %swap3A_135 = tpu.vector_load %arg7[%swap3A, %swap3A_134] {strides = array<i32>} : memref<128x64xf32, #tpu.memory_space<vmem>>, vector<1x16xf32>,
      %swap3A_136 = vector.shape_cast %swap3A_135 : vector<1x16xf32> to vector<16xf32>
      %swap3A_137 = vector.shape_cast %broadcast_in_dim3A_133 : vector<16xf32> to vector<1x16xf32>
      tpu.vector_store %arg7[%swap3A, %swap3A_134], %swap3A_137 {strides = array<i32>} : memref<128x64xf32, #tpu.memory_space<vmem>>, vector<1x16xf32>,
      %broadcast_in_dim3A_138 = arith.constant 0.000000e+00 : f32
      %broadcast_in_dim3A_139 = vector.broadcast %broadcast_in_dim3A_138 : f32 to vector<16xf32>
      %swap3A_140 = arith.index_cast %scan3A_131 : i32 to index
      %swap3A_141 = arith.constant 16 : index
      %swap3A_142 = tpu.vector_load %arg7[%swap3A_140, %swap3A_141] {strides = array<i32>} : memref<128x64xf32, #tpu.memory_space<vmem>>, vector<1x16xf32>,
      %swap3A_143 = vector.shape_cast %swap3A_142 : vector<1x16xf32> to vector<16xf32>
      %swap3A_144 = vector.shape_cast %broadcast_in_dim3A_139 : vector<16xf32> to vector<1x16xf32>
      tpu.vector_store %arg7[%swap3A_140, %swap3A_141], %swap3A_144 {strides = array<i32>} : memref<128x64xf32, #tpu.memory_space<vmem>>, vector<1x16xf32>,
      %broadcast_in_dim3A_145 = arith.constant 0.000000e+00 : f32
      %broadcast_in_dim3A_146 = vector.broadcast %broadcast_in_dim3A_145 : f32 to vector<16xf32>
      %swap3A_147 = arith.index_cast %scan3A_131 : i32 to index
      %swap3A_148 = arith.constant 32 : index
      %swap3A_149 = tpu.vector_load %arg7[%swap3A_147, %swap3A_148] {strides = array<i32>} : memref<128x64xf32, #tpu.memory_space<vmem>>, vector<1x16xf32>,
      %swap3A_150 = vector.shape_cast %swap3A_149 : vector<1x16xf32> to vector<16xf32>
      %swap3A_151 = vector.shape_cast %broadcast_in_dim3A_146 : vector<16xf32> to vector<1x16xf32>
      tpu.vector_store %arg7[%swap3A_147, %swap3A_148], %swap3A_151 {strides = array<i32>} : memref<128x64xf32, #tpu.memory_space<vmem>>, vector<1x16xf32>,
      %broadcast_in_dim3A_152 = arith.constant 0.000000e+00 : f32
      %broadcast_in_dim3A_153 = vector.broadcast %broadcast_in_dim3A_152 : f32 to vector<16xf32>
      %swap3A_154 = arith.index_cast %scan3A_131 : i32 to index
      %swap3A_155 = arith.constant 48 : index
      %swap3A_156 = tpu.vector_load %arg7[%swap3A_154, %swap3A_155] {strides = array<i32>} : memref<128x64xf32, #tpu.memory_space<vmem>>, vector<1x16xf32>,
      %swap3A_157 = vector.shape_cast %swap3A_156 : vector<1x16xf32> to vector<16xf32>
      %swap3A_158 = vector.shape_cast %broadcast_in_dim3A_153 : vector<16xf32> to vector<1x16xf32>
      tpu.vector_store %arg7[%swap3A_154, %swap3A_155], %swap3A_158 {strides = array<i32>} : memref<128x64xf32, #tpu.memory_space<vmem>>, vector<1x16xf32>,
      %scan3A_159 = arith.constant 0 : i32
      scf.yield %scan3A_159 : i32
    }
    %scan3A_6 = arith.constant 128 : i32
    %mul3A_7 = arith.constant 632 : i32
    %mul3A_8 = arith.muli %arg1, %mul3A_7 : i32
    %add3A_9 = arith.constant 0 : i32
    %add3A_10 = arith.addi %mul3A_8, %add3A_9 : i32
    "tpu.region"() ({
      %run_scoped3A = tpu.sem_alloc : memref<!tpu.dma_semaphore, #tpu.memory_space<semaphore_mem>>
      %dma_start3A_131 = arith.constant 0 : i32
      %dma_start3A_132 = arith.constant 0 : i32
      %dma_start3A_133 = tpu.memref_slice %arg7[%dma_start3A_131, %dma_start3A_132] : memref<128x64xf32, #tpu.memory_space<vmem>> -> memref<79x64xf32, #tpu.memory_space<vmem>>
      %dma_start3A_134 = arith.constant 0 : i32
      %dma_start3A_135 = tpu.memref_slice %arg6[%add3A_10, %dma_start3A_134] : memref<10112x64xf32, #tpu.memory_space<vmem_shared>> -> memref<79x64xf32, #tpu.memory_space<vmem_shared>>
      %dma_start3A_136 = arith.constant 0 : i32
      %dma_start3A_137 = tpu.memref_slice %arg6[%add3A_10, %dma_start3A_136] : memref<10112x64xf32, #tpu.memory_space<vmem_shared>> -> memref<79x64xf32, #tpu.memory_space<vmem_shared>>
      %dma_start3A_138 = arith.constant 0 : i32
      %dma_start3A_139 = arith.constant 0 : i32
      %dma_start3A_140 = tpu.memref_slice %arg7[%dma_start3A_138, %dma_start3A_139] : memref<128x64xf32, #tpu.memory_space<vmem>> -> memref<79x64xf32, #tpu.memory_space<vmem>>
      tpu.enqueue_dma source(%dma_start3A_140 : memref<79x64xf32, #tpu.memory_space<vmem>>) target(%dma_start3A_137 : memref<79x64xf32, #tpu.memory_space<vmem_shared>>) target_semaphore(%run_scoped3A : memref<!tpu.dma_semaphore, #tpu.memory_space<semaphore_mem>>)
      %dma_wait3A_141 = arith.constant 0 : i32
      %dma_wait3A_142 = arith.constant 0 : i32
      %dma_wait3A_143 = tpu.memref_slice %arg7[%dma_wait3A_141, %dma_wait3A_142] : memref<128x64xf32, #tpu.memory_space<vmem>> -> memref<79x64xf32, #tpu.memory_space<vmem>>
      %dma_wait3A_144 = arith.constant 0 : i32
      %dma_wait3A_145 = tpu.memref_slice %arg6[%add3A_10, %dma_wait3A_144] : memref<10112x64xf32, #tpu.memory_space<vmem_shared>> -> memref<79x64xf32, #tpu.memory_space<vmem_shared>>
      %dma_wait3A_146 = arith.constant 0 : i32
      %dma_wait3A_147 = tpu.memref_slice %arg6[%add3A_10, %dma_wait3A_146] : memref<10112x64xf32, #tpu.memory_space<vmem_shared>> -> memref<79x64xf32, #tpu.memory_space<vmem_shared>>
      %dma_wait3A_148 = arith.constant 0 : i32
      %dma_wait3A_149 = arith.constant 0 : i32
      %dma_wait3A_150 = tpu.memref_slice %arg7[%dma_wait3A_148, %dma_wait3A_149] : memref<128x64xf32, #tpu.memory_space<vmem>> -> memref<79x64xf32, #tpu.memory_space<vmem>>
      tpu.wait_dma2 semaphore(%run_scoped3A : memref<!tpu.dma_semaphore, #tpu.memory_space<semaphore_mem>>) src(%dma_wait3A_150 : memref<79x64xf32, #tpu.memory_space<vmem>>) dst(%dma_wait3A_147 : memref<79x64xf32, #tpu.memory_space<vmem_shared>>)
      tpu.yield
    }) : () -> ()
    %mul3A_11 = arith.constant 632 : i32
    %mul3A_12 = arith.muli %arg1, %mul3A_11 : i32
    %add3A_13 = arith.constant 79 : i32
    %add3A_14 = arith.addi %mul3A_12, %add3A_13 : i32
    "tpu.region"() ({
      %run_scoped3A = tpu.sem_alloc : memref<!tpu.dma_semaphore, #tpu.memory_space<semaphore_mem>>
      %dma_start3A_131 = arith.constant 0 : i32
      %dma_start3A_132 = arith.constant 0 : i32
      %dma_start3A_133 = tpu.memref_slice %arg7[%dma_start3A_131, %dma_start3A_132] : memref<128x64xf32, #tpu.memory_space<vmem>> -> memref<79x64xf32, #tpu.memory_space<vmem>>
      %dma_start3A_134 = arith.constant 0 : i32
      %dma_start3A_135 = tpu.memref_slice %arg6[%add3A_14, %dma_start3A_134] : memref<10112x64xf32, #tpu.memory_space<vmem_shared>> -> memref<79x64xf32, #tpu.memory_space<vmem_shared>>
      %dma_start3A_136 = arith.constant 0 : i32
      %dma_start3A_137 = tpu.memref_slice %arg6[%add3A_14, %dma_start3A_136] : memref<10112x64xf32, #tpu.memory_space<vmem_shared>> -> memref<79x64xf32, #tpu.memory_space<vmem_shared>>
      %dma_start3A_138 = arith.constant 0 : i32
      %dma_start3A_139 = arith.constant 0 : i32
      %dma_start3A_140 = tpu.memref_slice %arg7[%dma_start3A_138, %dma_start3A_139] : memref<128x64xf32, #tpu.memory_space<vmem>> -> memref<79x64xf32, #tpu.memory_space<vmem>>
      tpu.enqueue_dma source(%dma_start3A_140 : memref<79x64xf32, #tpu.memory_space<vmem>>) target(%dma_start3A_137 : memref<79x64xf32, #tpu.memory_space<vmem_shared>>) target_semaphore(%run_scoped3A : memref<!tpu.dma_semaphore, #tpu.memory_space<semaphore_mem>>)
      %dma_wait3A_141 = arith.constant 0 : i32
      %dma_wait3A_142 = arith.constant 0 : i32
      %dma_wait3A_143 = tpu.memref_slice %arg7[%dma_wait3A_141, %dma_wait3A_142] : memref<128x64xf32, #tpu.memory_space<vmem>> -> memref<79x64xf32, #tpu.memory_space<vmem>>
      %dma_wait3A_144 = arith.constant 0 : i32
      %dma_wait3A_145 = tpu.memref_slice %arg6[%add3A_14, %dma_wait3A_144] : memref<10112x64xf32, #tpu.memory_space<vmem_shared>> -> memref<79x64xf32, #tpu.memory_space<vmem_shared>>
      %dma_wait3A_146 = arith.constant 0 : i32
      %dma_wait3A_147 = tpu.memref_slice %arg6[%add3A_14, %dma_wait3A_146] : memref<10112x64xf32, #tpu.memory_space<vmem_shared>> -> memref<79x64xf32, #tpu.memory_space<vmem_shared>>
      %dma_wait3A_148 = arith.constant 0 : i32
      %dma_wait3A_149 = arith.constant 0 : i32
      %dma_wait3A_150 = tpu.memref_slice %arg7[%dma_wait3A_148, %dma_wait3A_149] : memref<128x64xf32, #tpu.memory_space<vmem>> -> memref<79x64xf32, #tpu.memory_space<vmem>>
      tpu.wait_dma2 semaphore(%run_scoped3A : memref<!tpu.dma_semaphore, #tpu.memory_space<semaphore_mem>>) src(%dma_wait3A_150 : memref<79x64xf32, #tpu.memory_space<vmem>>) dst(%dma_wait3A_147 : memref<79x64xf32, #tpu.memory_space<vmem_shared>>)
      tpu.yield
    }) : () -> ()
    %mul3A_15 = arith.constant 632 : i32
    %mul3A_16 = arith.muli %arg1, %mul3A_15 : i32
    %add3A_17 = arith.constant 158 : i32
    %add3A_18 = arith.addi %mul3A_16, %add3A_17 : i32
    "tpu.region"() ({
      %run_scoped3A = tpu.sem_alloc : memref<!tpu.dma_semaphore, #tpu.memory_space<semaphore_mem>>
      %dma_start3A_131 = arith.constant 0 : i32
      %dma_start3A_132 = arith.constant 0 : i32
      %dma_start3A_133 = tpu.memref_slice %arg7[%dma_start3A_131, %dma_start3A_132] : memref<128x64xf32, #tpu.memory_space<vmem>> -> memref<79x64xf32, #tpu.memory_space<vmem>>
      %dma_start3A_134 = arith.constant 0 : i32
      %dma_start3A_135 = tpu.memref_slice %arg6[%add3A_18, %dma_start3A_134] : memref<10112x64xf32, #tpu.memory_space<vmem_shared>> -> memref<79x64xf32, #tpu.memory_space<vmem_shared>>
      %dma_start3A_136 = arith.constant 0 : i32
      %dma_start3A_137 = tpu.memref_slice %arg6[%add3A_18, %dma_start3A_136] : memref<10112x64xf32, #tpu.memory_space<vmem_shared>> -> memref<79x64xf32, #tpu.memory_space<vmem_shared>>
      %dma_start3A_138 = arith.constant 0 : i32
      %dma_start3A_139 = arith.constant 0 : i32
      %dma_start3A_140 = tpu.memref_slice %arg7[%dma_start3A_138, %dma_start3A_139] : memref<128x64xf32, #tpu.memory_space<vmem>> -> memref<79x64xf32, #tpu.memory_space<vmem>>
      tpu.enqueue_dma source(%dma_start3A_140 : memref<79x64xf32, #tpu.memory_space<vmem>>) target(%dma_start3A_137 : memref<79x64xf32, #tpu.memory_space<vmem_shared>>) target_semaphore(%run_scoped3A : memref<!tpu.dma_semaphore, #tpu.memory_space<semaphore_mem>>)
      %dma_wait3A_141 = arith.constant 0 : i32
      %dma_wait3A_142 = arith.constant 0 : i32
      %dma_wait3A_143 = tpu.memref_slice %arg7[%dma_wait3A_141, %dma_wait3A_142] : memref<128x64xf32, #tpu.memory_space<vmem>> -> memref<79x64xf32, #tpu.memory_space<vmem>>
      %dma_wait3A_144 = arith.constant 0 : i32
      %dma_wait3A_145 = tpu.memref_slice %arg6[%add3A_18, %dma_wait3A_144] : memref<10112x64xf32, #tpu.memory_space<vmem_shared>> -> memref<79x64xf32, #tpu.memory_space<vmem_shared>>
      %dma_wait3A_146 = arith.constant 0 : i32
      %dma_wait3A_147 = tpu.memref_slice %arg6[%add3A_18, %dma_wait3A_146] : memref<10112x64xf32, #tpu.memory_space<vmem_shared>> -> memref<79x64xf32, #tpu.memory_space<vmem_shared>>
      %dma_wait3A_148 = arith.constant 0 : i32
      %dma_wait3A_149 = arith.constant 0 : i32
      %dma_wait3A_150 = tpu.memref_slice %arg7[%dma_wait3A_148, %dma_wait3A_149] : memref<128x64xf32, #tpu.memory_space<vmem>> -> memref<79x64xf32, #tpu.memory_space<vmem>>
      tpu.wait_dma2 semaphore(%run_scoped3A : memref<!tpu.dma_semaphore, #tpu.memory_space<semaphore_mem>>) src(%dma_wait3A_150 : memref<79x64xf32, #tpu.memory_space<vmem>>) dst(%dma_wait3A_147 : memref<79x64xf32, #tpu.memory_space<vmem_shared>>)
      tpu.yield
    }) : () -> ()
    %mul3A_19 = arith.constant 632 : i32
    %mul3A_20 = arith.muli %arg1, %mul3A_19 : i32
    %add3A_21 = arith.constant 237 : i32
    %add3A_22 = arith.addi %mul3A_20, %add3A_21 : i32
    "tpu.region"() ({
      %run_scoped3A = tpu.sem_alloc : memref<!tpu.dma_semaphore, #tpu.memory_space<semaphore_mem>>
      %dma_start3A_131 = arith.constant 0 : i32
      %dma_start3A_132 = arith.constant 0 : i32
      %dma_start3A_133 = tpu.memref_slice %arg7[%dma_start3A_131, %dma_start3A_132] : memref<128x64xf32, #tpu.memory_space<vmem>> -> memref<79x64xf32, #tpu.memory_space<vmem>>
      %dma_start3A_134 = arith.constant 0 : i32
      %dma_start3A_135 = tpu.memref_slice %arg6[%add3A_22, %dma_start3A_134] : memref<10112x64xf32, #tpu.memory_space<vmem_shared>> -> memref<79x64xf32, #tpu.memory_space<vmem_shared>>
      %dma_start3A_136 = arith.constant 0 : i32
      %dma_start3A_137 = tpu.memref_slice %arg6[%add3A_22, %dma_start3A_136] : memref<10112x64xf32, #tpu.memory_space<vmem_shared>> -> memref<79x64xf32, #tpu.memory_space<vmem_shared>>
      %dma_start3A_138 = arith.constant 0 : i32
      %dma_start3A_139 = arith.constant 0 : i32
      %dma_start3A_140 = tpu.memref_slice %arg7[%dma_start3A_138, %dma_start3A_139] : memref<128x64xf32, #tpu.memory_space<vmem>> -> memref<79x64xf32, #tpu.memory_space<vmem>>
      tpu.enqueue_dma source(%dma_start3A_140 : memref<79x64xf32, #tpu.memory_space<vmem>>) target(%dma_start3A_137 : memref<79x64xf32, #tpu.memory_space<vmem_shared>>) target_semaphore(%run_scoped3A : memref<!tpu.dma_semaphore, #tpu.memory_space<semaphore_mem>>)
      %dma_wait3A_141 = arith.constant 0 : i32
      %dma_wait3A_142 = arith.constant 0 : i32
      %dma_wait3A_143 = tpu.memref_slice %arg7[%dma_wait3A_141, %dma_wait3A_142] : memref<128x64xf32, #tpu.memory_space<vmem>> -> memref<79x64xf32, #tpu.memory_space<vmem>>
      %dma_wait3A_144 = arith.constant 0 : i32
      %dma_wait3A_145 = tpu.memref_slice %arg6[%add3A_22, %dma_wait3A_144] : memref<10112x64xf32, #tpu.memory_space<vmem_shared>> -> memref<79x64xf32, #tpu.memory_space<vmem_shared>>
      %dma_wait3A_146 = arith.constant 0 : i32
      %dma_wait3A_147 = tpu.memref_slice %arg6[%add3A_22, %dma_wait3A_146] : memref<10112x64xf32, #tpu.memory_space<vmem_shared>> -> memref<79x64xf32, #tpu.memory_space<vmem_shared>>
      %dma_wait3A_148 = arith.constant 0 : i32
      %dma_wait3A_149 = arith.constant 0 : i32
      %dma_wait3A_150 = tpu.memref_slice %arg7[%dma_wait3A_148, %dma_wait3A_149] : memref<128x64xf32, #tpu.memory_space<vmem>> -> memref<79x64xf32, #tpu.memory_space<vmem>>
      tpu.wait_dma2 semaphore(%run_scoped3A : memref<!tpu.dma_semaphore, #tpu.memory_space<semaphore_mem>>) src(%dma_wait3A_150 : memref<79x64xf32, #tpu.memory_space<vmem>>) dst(%dma_wait3A_147 : memref<79x64xf32, #tpu.memory_space<vmem_shared>>)
      tpu.yield
    }) : () -> ()
    %mul3A_23 = arith.constant 632 : i32
    %mul3A_24 = arith.muli %arg1, %mul3A_23 : i32
    %add3A_25 = arith.constant 316 : i32
    %add3A_26 = arith.addi %mul3A_24, %add3A_25 : i32
    "tpu.region"() ({
      %run_scoped3A = tpu.sem_alloc : memref<!tpu.dma_semaphore, #tpu.memory_space<semaphore_mem>>
      %dma_start3A_131 = arith.constant 0 : i32
      %dma_start3A_132 = arith.constant 0 : i32
      %dma_start3A_133 = tpu.memref_slice %arg7[%dma_start3A_131, %dma_start3A_132] : memref<128x64xf32, #tpu.memory_space<vmem>> -> memref<79x64xf32, #tpu.memory_space<vmem>>
      %dma_start3A_134 = arith.constant 0 : i32
      %dma_start3A_135 = tpu.memref_slice %arg6[%add3A_26, %dma_start3A_134] : memref<10112x64xf32, #tpu.memory_space<vmem_shared>> -> memref<79x64xf32, #tpu.memory_space<vmem_shared>>
      %dma_start3A_136 = arith.constant 0 : i32
      %dma_start3A_137 = tpu.memref_slice %arg6[%add3A_26, %dma_start3A_136] : memref<10112x64xf32, #tpu.memory_space<vmem_shared>> -> memref<79x64xf32, #tpu.memory_space<vmem_shared>>
      %dma_start3A_138 = arith.constant 0 : i32
      %dma_start3A_139 = arith.constant 0 : i32
      %dma_start3A_140 = tpu.memref_slice %arg7[%dma_start3A_138, %dma_start3A_139] : memref<128x64xf32, #tpu.memory_space<vmem>> -> memref<79x64xf32, #tpu.memory_space<vmem>>
      tpu.enqueue_dma source(%dma_start3A_140 : memref<79x64xf32, #tpu.memory_space<vmem>>) target(%dma_start3A_137 : memref<79x64xf32, #tpu.memory_space<vmem_shared>>) target_semaphore(%run_scoped3A : memref<!tpu.dma_semaphore, #tpu.memory_space<semaphore_mem>>)
      %dma_wait3A_141 = arith.constant 0 : i32
      %dma_wait3A_142 = arith.constant 0 : i32
      %dma_wait3A_143 = tpu.memref_slice %arg7[%dma_wait3A_141, %dma_wait3A_142] : memref<128x64xf32, #tpu.memory_space<vmem>> -> memref<79x64xf32, #tpu.memory_space<vmem>>
      %dma_wait3A_144 = arith.constant 0 : i32
      %dma_wait3A_145 = tpu.memref_slice %arg6[%add3A_26, %dma_wait3A_144] : memref<10112x64xf32, #tpu.memory_space<vmem_shared>> -> memref<79x64xf32, #tpu.memory_space<vmem_shared>>
      %dma_wait3A_146 = arith.constant 0 : i32
      %dma_wait3A_147 = tpu.memref_slice %arg6[%add3A_26, %dma_wait3A_146] : memref<10112x64xf32, #tpu.memory_space<vmem_shared>> -> memref<79x64xf32, #tpu.memory_space<vmem_shared>>
      %dma_wait3A_148 = arith.constant 0 : i32
      %dma_wait3A_149 = arith.constant 0 : i32
      %dma_wait3A_150 = tpu.memref_slice %arg7[%dma_wait3A_148, %dma_wait3A_149] : memref<128x64xf32, #tpu.memory_space<vmem>> -> memref<79x64xf32, #tpu.memory_space<vmem>>
      tpu.wait_dma2 semaphore(%run_scoped3A : memref<!tpu.dma_semaphore, #tpu.memory_space<semaphore_mem>>) src(%dma_wait3A_150 : memref<79x64xf32, #tpu.memory_space<vmem>>) dst(%dma_wait3A_147 : memref<79x64xf32, #tpu.memory_space<vmem_shared>>)
      tpu.yield
    }) : () -> ()
    %mul3A_27 = arith.constant 632 : i32
    %mul3A_28 = arith.muli %arg1, %mul3A_27 : i32
    %add3A_29 = arith.constant 395 : i32
    %add3A_30 = arith.addi %mul3A_28, %add3A_29 : i32
    "tpu.region"() ({
      %run_scoped3A = tpu.sem_alloc : memref<!tpu.dma_semaphore, #tpu.memory_space<semaphore_mem>>
      %dma_start3A_131 = arith.constant 0 : i32
      %dma_start3A_132 = arith.constant 0 : i32
      %dma_start3A_133 = tpu.memref_slice %arg7[%dma_start3A_131, %dma_start3A_132] : memref<128x64xf32, #tpu.memory_space<vmem>> -> memref<79x64xf32, #tpu.memory_space<vmem>>
      %dma_start3A_134 = arith.constant 0 : i32
      %dma_start3A_135 = tpu.memref_slice %arg6[%add3A_30, %dma_start3A_134] : memref<10112x64xf32, #tpu.memory_space<vmem_shared>> -> memref<79x64xf32, #tpu.memory_space<vmem_shared>>
      %dma_start3A_136 = arith.constant 0 : i32
      %dma_start3A_137 = tpu.memref_slice %arg6[%add3A_30, %dma_start3A_136] : memref<10112x64xf32, #tpu.memory_space<vmem_shared>> -> memref<79x64xf32, #tpu.memory_space<vmem_shared>>
      %dma_start3A_138 = arith.constant 0 : i32
      %dma_start3A_139 = arith.constant 0 : i32
      %dma_start3A_140 = tpu.memref_slice %arg7[%dma_start3A_138, %dma_start3A_139] : memref<128x64xf32, #tpu.memory_space<vmem>> -> memref<79x64xf32, #tpu.memory_space<vmem>>
      tpu.enqueue_dma source(%dma_start3A_140 : memref<79x64xf32, #tpu.memory_space<vmem>>) target(%dma_start3A_137 : memref<79x64xf32, #tpu.memory_space<vmem_shared>>) target_semaphore(%run_scoped3A : memref<!tpu.dma_semaphore, #tpu.memory_space<semaphore_mem>>)
      %dma_wait3A_141 = arith.constant 0 : i32
      %dma_wait3A_142 = arith.constant 0 : i32
      %dma_wait3A_143 = tpu.memref_slice %arg7[%dma_wait3A_141, %dma_wait3A_142] : memref<128x64xf32, #tpu.memory_space<vmem>> -> memref<79x64xf32, #tpu.memory_space<vmem>>
      %dma_wait3A_144 = arith.constant 0 : i32
      %dma_wait3A_145 = tpu.memref_slice %arg6[%add3A_30, %dma_wait3A_144] : memref<10112x64xf32, #tpu.memory_space<vmem_shared>> -> memref<79x64xf32, #tpu.memory_space<vmem_shared>>
      %dma_wait3A_146 = arith.constant 0 : i32
      %dma_wait3A_147 = tpu.memref_slice %arg6[%add3A_30, %dma_wait3A_146] : memref<10112x64xf32, #tpu.memory_space<vmem_shared>> -> memref<79x64xf32, #tpu.memory_space<vmem_shared>>
      %dma_wait3A_148 = arith.constant 0 : i32
      %dma_wait3A_149 = arith.constant 0 : i32
      %dma_wait3A_150 = tpu.memref_slice %arg7[%dma_wait3A_148, %dma_wait3A_149] : memref<128x64xf32, #tpu.memory_space<vmem>> -> memref<79x64xf32, #tpu.memory_space<vmem>>
      tpu.wait_dma2 semaphore(%run_scoped3A : memref<!tpu.dma_semaphore, #tpu.memory_space<semaphore_mem>>) src(%dma_wait3A_150 : memref<79x64xf32, #tpu.memory_space<vmem>>) dst(%dma_wait3A_147 : memref<79x64xf32, #tpu.memory_space<vmem_shared>>)
      tpu.yield
    }) : () -> ()
    %mul3A_31 = arith.constant 632 : i32
    %mul3A_32 = arith.muli %arg1, %mul3A_31 : i32
    %add3A_33 = arith.constant 474 : i32
    %add3A_34 = arith.addi %mul3A_32, %add3A_33 : i32
    "tpu.region"() ({
      %run_scoped3A = tpu.sem_alloc : memref<!tpu.dma_semaphore, #tpu.memory_space<semaphore_mem>>
      %dma_start3A_131 = arith.constant 0 : i32
      %dma_start3A_132 = arith.constant 0 : i32
      %dma_start3A_133 = tpu.memref_slice %arg7[%dma_start3A_131, %dma_start3A_132] : memref<128x64xf32, #tpu.memory_space<vmem>> -> memref<79x64xf32, #tpu.memory_space<vmem>>
      %dma_start3A_134 = arith.constant 0 : i32
      %dma_start3A_135 = tpu.memref_slice %arg6[%add3A_34, %dma_start3A_134] : memref<10112x64xf32, #tpu.memory_space<vmem_shared>> -> memref<79x64xf32, #tpu.memory_space<vmem_shared>>
      %dma_start3A_136 = arith.constant 0 : i32
      %dma_start3A_137 = tpu.memref_slice %arg6[%add3A_34, %dma_start3A_136] : memref<10112x64xf32, #tpu.memory_space<vmem_shared>> -> memref<79x64xf32, #tpu.memory_space<vmem_shared>>
      %dma_start3A_138 = arith.constant 0 : i32
      %dma_start3A_139 = arith.constant 0 : i32
      %dma_start3A_140 = tpu.memref_slice %arg7[%dma_start3A_138, %dma_start3A_139] : memref<128x64xf32, #tpu.memory_space<vmem>> -> memref<79x64xf32, #tpu.memory_space<vmem>>
      tpu.enqueue_dma source(%dma_start3A_140 : memref<79x64xf32, #tpu.memory_space<vmem>>) target(%dma_start3A_137 : memref<79x64xf32, #tpu.memory_space<vmem_shared>>) target_semaphore(%run_scoped3A : memref<!tpu.dma_semaphore, #tpu.memory_space<semaphore_mem>>)
      %dma_wait3A_141 = arith.constant 0 : i32
      %dma_wait3A_142 = arith.constant 0 : i32
      %dma_wait3A_143 = tpu.memref_slice %arg7[%dma_wait3A_141, %dma_wait3A_142] : memref<128x64xf32, #tpu.memory_space<vmem>> -> memref<79x64xf32, #tpu.memory_space<vmem>>
      %dma_wait3A_144 = arith.constant 0 : i32
      %dma_wait3A_145 = tpu.memref_slice %arg6[%add3A_34, %dma_wait3A_144] : memref<10112x64xf32, #tpu.memory_space<vmem_shared>> -> memref<79x64xf32, #tpu.memory_space<vmem_shared>>
      %dma_wait3A_146 = arith.constant 0 : i32
      %dma_wait3A_147 = tpu.memref_slice %arg6[%add3A_34, %dma_wait3A_146] : memref<10112x64xf32, #tpu.memory_space<vmem_shared>> -> memref<79x64xf32, #tpu.memory_space<vmem_shared>>
      %dma_wait3A_148 = arith.constant 0 : i32
      %dma_wait3A_149 = arith.constant 0 : i32
      %dma_wait3A_150 = tpu.memref_slice %arg7[%dma_wait3A_148, %dma_wait3A_149] : memref<128x64xf32, #tpu.memory_space<vmem>> -> memref<79x64xf32, #tpu.memory_space<vmem>>
      tpu.wait_dma2 semaphore(%run_scoped3A : memref<!tpu.dma_semaphore, #tpu.memory_space<semaphore_mem>>) src(%dma_wait3A_150 : memref<79x64xf32, #tpu.memory_space<vmem>>) dst(%dma_wait3A_147 : memref<79x64xf32, #tpu.memory_space<vmem_shared>>)
      tpu.yield
    }) : () -> ()
    %mul3A_35 = arith.constant 632 : i32
    %mul3A_36 = arith.muli %arg1, %mul3A_35 : i32
    %add3A_37 = arith.constant 553 : i32
    %add3A_38 = arith.addi %mul3A_36, %add3A_37 : i32
    "tpu.region"() ({
      %run_scoped3A = tpu.sem_alloc : memref<!tpu.dma_semaphore, #tpu.memory_space<semaphore_mem>>
      %dma_start3A_131 = arith.constant 0 : i32
      %dma_start3A_132 = arith.constant 0 : i32
      %dma_start3A_133 = tpu.memref_slice %arg7[%dma_start3A_131, %dma_start3A_132] : memref<128x64xf32, #tpu.memory_space<vmem>> -> memref<79x64xf32, #tpu.memory_space<vmem>>
      %dma_start3A_134 = arith.constant 0 : i32
      %dma_start3A_135 = tpu.memref_slice %arg6[%add3A_38, %dma_start3A_134] : memref<10112x64xf32, #tpu.memory_space<vmem_shared>> -> memref<79x64xf32, #tpu.memory_space<vmem_shared>>
      %dma_start3A_136 = arith.constant 0 : i32
      %dma_start3A_137 = tpu.memref_slice %arg6[%add3A_38, %dma_start3A_136] : memref<10112x64xf32, #tpu.memory_space<vmem_shared>> -> memref<79x64xf32, #tpu.memory_space<vmem_shared>>
      %dma_start3A_138 = arith.constant 0 : i32
      %dma_start3A_139 = arith.constant 0 : i32
      %dma_start3A_140 = tpu.memref_slice %arg7[%dma_start3A_138, %dma_start3A_139] : memref<128x64xf32, #tpu.memory_space<vmem>> -> memref<79x64xf32, #tpu.memory_space<vmem>>
      tpu.enqueue_dma source(%dma_start3A_140 : memref<79x64xf32, #tpu.memory_space<vmem>>) target(%dma_start3A_137 : memref<79x64xf32, #tpu.memory_space<vmem_shared>>) target_semaphore(%run_scoped3A : memref<!tpu.dma_semaphore, #tpu.memory_space<semaphore_mem>>)
      %dma_wait3A_141 = arith.constant 0 : i32
      %dma_wait3A_142 = arith.constant 0 : i32
      %dma_wait3A_143 = tpu.memref_slice %arg7[%dma_wait3A_141, %dma_wait3A_142] : memref<128x64xf32, #tpu.memory_space<vmem>> -> memref<79x64xf32, #tpu.memory_space<vmem>>
      %dma_wait3A_144 = arith.constant 0 : i32
      %dma_wait3A_145 = tpu.memref_slice %arg6[%add3A_38, %dma_wait3A_144] : memref<10112x64xf32, #tpu.memory_space<vmem_shared>> -> memref<79x64xf32, #tpu.memory_space<vmem_shared>>
      %dma_wait3A_146 = arith.constant 0 : i32
      %dma_wait3A_147 = tpu.memref_slice %arg6[%add3A_38, %dma_wait3A_146] : memref<10112x64xf32, #tpu.memory_space<vmem_shared>> -> memref<79x64xf32, #tpu.memory_space<vmem_shared>>
      %dma_wait3A_148 = arith.constant 0 : i32
      %dma_wait3A_149 = arith.constant 0 : i32
      %dma_wait3A_150 = tpu.memref_slice %arg7[%dma_wait3A_148, %dma_wait3A_149] : memref<128x64xf32, #tpu.memory_space<vmem>> -> memref<79x64xf32, #tpu.memory_space<vmem>>
      tpu.wait_dma2 semaphore(%run_scoped3A : memref<!tpu.dma_semaphore, #tpu.memory_space<semaphore_mem>>) src(%dma_wait3A_150 : memref<79x64xf32, #tpu.memory_space<vmem>>) dst(%dma_wait3A_147 : memref<79x64xf32, #tpu.memory_space<vmem_shared>>)
      tpu.yield
    }) : () -> ()
    %barrier3A = arith.constant 0 : index
    tpu.barrier barrier_id(%barrier3A)
    %mul3A_39 = arith.constant 81 : i32
    %mul3A_40 = arith.muli %add3A, %mul3A_39 : i32
    %add3A_41 = arith.constant 0 : i32
    %add3A_42 = arith.addi %mul3A_40, %add3A_41 : i32
    %dma_start3A = arith.constant 0 : i32
    %dma_start3A_43 = tpu.memref_slice %arg2[%add3A_42, %dma_start3A] : memref<2592x128xi32, #tpu.memory_space<hbm>> -> memref<1x128xi32, #tpu.memory_space<hbm>>
    %dma_start3A_44 = tpu.memref_squeeze %dma_start3A_43 : memref<1x128xi32, #tpu.memory_space<hbm>> -> memref<128xi32, #tpu.memory_space<hbm>>
    %dma_start3A_45 = arith.constant 0 : i32
    %dma_start3A_46 = tpu.memref_slice %arg2[%add3A_42, %dma_start3A_45] : memref<2592x128xi32, #tpu.memory_space<hbm>> -> memref<1x128xi32, #tpu.memory_space<hbm>>
    %dma_start3A_47 = tpu.memref_squeeze %dma_start3A_46 : memref<1x128xi32, #tpu.memory_space<hbm>> -> memref<128xi32, #tpu.memory_space<hbm>>
    tpu.enqueue_dma source(%dma_start3A_47 : memref<128xi32, #tpu.memory_space<hbm>>) target(%arg10 : memref<128xi32, #tpu.memory_space<vmem>>) target_semaphore(%arg19 : memref<!tpu.dma_semaphore, #tpu.memory_space<semaphore_mem>>)
    %mul3A_48 = arith.constant 81 : i32
    %mul3A_49 = arith.muli %add3A, %mul3A_48 : i32
    %add3A_50 = arith.constant 1 : i32
    %add3A_51 = arith.addi %mul3A_49, %add3A_50 : i32
    %dma_start3A_52 = arith.constant 0 : i32
    %dma_start3A_53 = tpu.memref_slice %arg2[%add3A_51, %dma_start3A_52] : memref<2592x128xi32, #tpu.memory_space<hbm>> -> memref<1x128xi32, #tpu.memory_space<hbm>>
    %dma_start3A_54 = tpu.memref_squeeze %dma_start3A_53 : memref<1x128xi32, #tpu.memory_space<hbm>> -> memref<128xi32, #tpu.memory_space<hbm>>
    %dma_start3A_55 = arith.constant 0 : i32
    %dma_start3A_56 = tpu.memref_slice %arg2[%add3A_51, %dma_start3A_55] : memref<2592x128xi32, #tpu.memory_space<hbm>> -> memref<1x128xi32, #tpu.memory_space<hbm>>
    %dma_start3A_57 = tpu.memref_squeeze %dma_start3A_56 : memref<1x128xi32, #tpu.memory_space<hbm>> -> memref<128xi32, #tpu.memory_space<hbm>>
    tpu.enqueue_dma source(%dma_start3A_57 : memref<128xi32, #tpu.memory_space<hbm>>) target(%arg11 : memref<128xi32, #tpu.memory_space<vmem>>) target_semaphore(%arg20 : memref<!tpu.dma_semaphore, #tpu.memory_space<semaphore_mem>>)
    %mul3A_58 = arith.constant 81 : i32
    %mul3A_59 = arith.muli %add3A, %mul3A_58 : i32
    %add3A_60 = arith.constant 2 : i32
    %add3A_61 = arith.addi %mul3A_59, %add3A_60 : i32
    %dma_start3A_62 = arith.constant 0 : i32
    %dma_start3A_63 = tpu.memref_slice %arg2[%add3A_61, %dma_start3A_62] : memref<2592x128xi32, #tpu.memory_space<hbm>> -> memref<1x128xi32, #tpu.memory_space<hbm>>
    %dma_start3A_64 = tpu.memref_squeeze %dma_start3A_63 : memref<1x128xi32, #tpu.memory_space<hbm>> -> memref<128xi32, #tpu.memory_space<hbm>>
    %dma_start3A_65 = arith.constant 0 : i32
    %dma_start3A_66 = tpu.memref_slice %arg2[%add3A_61, %dma_start3A_65] : memref<2592x128xi32, #tpu.memory_space<hbm>> -> memref<1x128xi32, #tpu.memory_space<hbm>>
    %dma_start3A_67 = tpu.memref_squeeze %dma_start3A_66 : memref<1x128xi32, #tpu.memory_space<hbm>> -> memref<128xi32, #tpu.memory_space<hbm>>
    tpu.enqueue_dma source(%dma_start3A_67 : memref<128xi32, #tpu.memory_space<hbm>>) target(%arg12 : memref<128xi32, #tpu.memory_space<vmem>>) target_semaphore(%arg21 : memref<!tpu.dma_semaphore, #tpu.memory_space<semaphore_mem>>)
    %mul3A_68 = arith.constant 81 : i32
    %mul3A_69 = arith.muli %add3A, %mul3A_68 : i32
    %add3A_70 = arith.constant 0 : i32
    %add3A_71 = arith.addi %mul3A_69, %add3A_70 : i32
    %dma_start3A_72 = arith.constant 0 : i32
    %dma_start3A_73 = tpu.memref_slice %arg3[%add3A_71, %dma_start3A_72] : memref<2592x128xi32, #tpu.memory_space<hbm>> -> memref<1x128xi32, #tpu.memory_space<hbm>>
    %dma_start3A_74 = tpu.memref_squeeze %dma_start3A_73 : memref<1x128xi32, #tpu.memory_space<hbm>> -> memref<128xi32, #tpu.memory_space<hbm>>
    %dma_start3A_75 = arith.constant 0 : i32
    %dma_start3A_76 = tpu.memref_slice %arg3[%add3A_71, %dma_start3A_75] : memref<2592x128xi32, #tpu.memory_space<hbm>> -> memref<1x128xi32, #tpu.memory_space<hbm>>
    %dma_start3A_77 = tpu.memref_squeeze %dma_start3A_76 : memref<1x128xi32, #tpu.memory_space<hbm>> -> memref<128xi32, #tpu.memory_space<hbm>>
    tpu.enqueue_dma source(%dma_start3A_77 : memref<128xi32, #tpu.memory_space<hbm>>) target(%arg13 : memref<128xi32, #tpu.memory_space<vmem>>) target_semaphore(%arg22 : memref<!tpu.dma_semaphore, #tpu.memory_space<semaphore_mem>>)
    %mul3A_78 = arith.constant 81 : i32
    %mul3A_79 = arith.muli %add3A, %mul3A_78 : i32
    %add3A_80 = arith.constant 0 : i32
    %add3A_81 = arith.addi %mul3A_79, %add3A_80 : i32
    %dma_wait3A = arith.constant 0 : i32
    %dma_wait3A_82 = tpu.memref_slice %arg2[%add3A_81, %dma_wait3A] : memref<2592x128xi32, #tpu.memory_space<hbm>> -> memref<1x128xi32, #tpu.memory_space<hbm>>
    %dma_wait3A_83 = tpu.memref_squeeze %dma_wait3A_82 : memref<1x128xi32, #tpu.memory_space<hbm>> -> memref<128xi32, #tpu.memory_space<hbm>>
    %dma_wait3A_84 = arith.constant 0 : i32
    %dma_wait3A_85 = tpu.memref_slice %arg2[%add3A_81, %dma_wait3A_84] : memref<2592x128xi32, #tpu.memory_space<hbm>> -> memref<1x128xi32, #tpu.memory_space<hbm>>
    %dma_wait3A_86 = tpu.memref_squeeze %dma_wait3A_85 : memref<1x128xi32, #tpu.memory_space<hbm>> -> memref<128xi32, #tpu.memory_space<hbm>>
    tpu.wait_dma2 semaphore(%arg19 : memref<!tpu.dma_semaphore, #tpu.memory_space<semaphore_mem>>) src(%dma_wait3A_86 : memref<128xi32, #tpu.memory_space<hbm>>) dst(%arg10 : memref<128xi32, #tpu.memory_space<vmem>>)
    %dma_start3A_87 = arith.constant 0 : i32
    %dma_start3A_88 = arith.constant 0 : i32
    %dma_start3A_89 = tpu.memref_slice %arg4[%dma_start3A_87, %dma_start3A_88] : memref<10112x64xf32, #tpu.memory_space<hbm>> -> memref<10112x64xf32, #tpu.memory_space<hbm>>
    tpu.enqueue_indirect_dma source(%dma_start3A_89 : memref<10112x64xf32, #tpu.memory_space<hbm>>) target(%arg7 : memref<128x64xf32, #tpu.memory_space<vmem>>) offsets(%arg10 : memref<128xi32, #tpu.memory_space<vmem>>) semaphore(%arg16 : memref<!tpu.dma_semaphore, #tpu.memory_space<semaphore_mem>>)
    %mul3A_90 = arith.constant 81 : i32
    %mul3A_91 = arith.muli %add3A, %mul3A_90 : i32
    %add3A_92 = arith.constant 1 : i32
    %add3A_93 = arith.addi %mul3A_91, %add3A_92 : i32
    %dma_start3A_94 = arith.constant 0 : i32
    %dma_start3A_95 = tpu.memref_slice %arg3[%add3A_93, %dma_start3A_94] : memref<2592x128xi32, #tpu.memory_space<hbm>> -> memref<1x128xi32, #tpu.memory_space<hbm>>
    %dma_start3A_96 = tpu.memref_squeeze %dma_start3A_95 : memref<1x128xi32, #tpu.memory_space<hbm>> -> memref<128xi32, #tpu.memory_space<hbm>>
    %dma_start3A_97 = arith.constant 0 : i32
    %dma_start3A_98 = tpu.memref_slice %arg3[%add3A_93, %dma_start3A_97] : memref<2592x128xi32, #tpu.memory_space<hbm>> -> memref<1x128xi32, #tpu.memory_space<hbm>>
    %dma_start3A_99 = tpu.memref_squeeze %dma_start3A_98 : memref<1x128xi32, #tpu.memory_space<hbm>> -> memref<128xi32, #tpu.memory_space<hbm>>
    tpu.enqueue_dma source(%dma_start3A_99 : memref<128xi32, #tpu.memory_space<hbm>>) target(%arg14 : memref<128xi32, #tpu.memory_space<vmem>>) target_semaphore(%arg23 : memref<!tpu.dma_semaphore, #tpu.memory_space<semaphore_mem>>)
    %mul3A_100 = arith.constant 81 : i32
    %mul3A_101 = arith.muli %add3A, %mul3A_100 : i32
    %add3A_102 = arith.constant 1 : i32
    %add3A_103 = arith.addi %mul3A_101, %add3A_102 : i32
    %dma_wait3A_104 = arith.constant 0 : i32
    %dma_wait3A_105 = tpu.memref_slice %arg2[%add3A_103, %dma_wait3A_104] : memref<2592x128xi32, #tpu.memory_space<hbm>> -> memref<1x128xi32, #tpu.memory_space<hbm>>
    %dma_wait3A_106 = tpu.memref_squeeze %dma_wait3A_105 : memref<1x128xi32, #tpu.memory_space<hbm>> -> memref<128xi32, #tpu.memory_space<hbm>>
    %dma_wait3A_107 = arith.constant 0 : i32
    %dma_wait3A_108 = tpu.memref_slice %arg2[%add3A_103, %dma_wait3A_107] : memref<2592x128xi32, #tpu.memory_space<hbm>> -> memref<1x128xi32, #tpu.memory_space<hbm>>
    %dma_wait3A_109 = tpu.memref_squeeze %dma_wait3A_108 : memref<1x128xi32, #tpu.memory_space<hbm>> -> memref<128xi32, #tpu.memory_space<hbm>>
    tpu.wait_dma2 semaphore(%arg20 : memref<!tpu.dma_semaphore, #tpu.memory_space<semaphore_mem>>) src(%dma_wait3A_109 : memref<128xi32, #tpu.memory_space<hbm>>) dst(%arg11 : memref<128xi32, #tpu.memory_space<vmem>>)
    %dma_start3A_110 = arith.constant 0 : i32
    %dma_start3A_111 = arith.constant 0 : i32
    %dma_start3A_112 = tpu.memref_slice %arg4[%dma_start3A_110, %dma_start3A_111] : memref<10112x64xf32, #tpu.memory_space<hbm>> -> memref<10112x64xf32, #tpu.memory_space<hbm>>
    tpu.enqueue_indirect_dma source(%dma_start3A_112 : memref<10112x64xf32, #tpu.memory_space<hbm>>) target(%arg8 : memref<128x64xf32, #tpu.memory_space<vmem>>) offsets(%arg11 : memref<128xi32, #tpu.memory_space<vmem>>) semaphore(%arg17 : memref<!tpu.dma_semaphore, #tpu.memory_space<semaphore_mem>>)
    %scan3A_113 = arith.constant 0 : i32
    %scan3A_114 = arith.constant 0 : i32
    %scan3A_115 = arith.constant 27 : i32
    %scan3A_116 = arith.addi %scan3A_114, %scan3A_115 : i32
    %scan3A_117 = arith.constant 1 : i32
    %scan3A_118 = scf.for %scan3A_131 = %scan3A_114 to %scan3A_116 step %scan3A_117 iter_args(%scan3A_132 = %scan3A_113) -> (i32)  : i32 {
      %mul3A_133 = arith.constant 3 : i32
      %mul3A_134 = arith.muli %mul3A_133, %scan3A_131 : i32
      %add3A_135 = arith.constant 0 : i32
      %add3A_136 = arith.addi %mul3A_134, %add3A_135 : i32
      %ge3A = arith.constant 1 : i32
      %ge3A_137 = arith.cmpi sge, %add3A_136, %ge3A : i32
      %convert_element_type3A = arith.extui %ge3A_137 : i1 to i32
      %cond3A = arith.constant 0 : i32
      %cond3A_138 = arith.cmpi ne, %convert_element_type3A, %cond3A : i32
      scf.if %cond3A_138 {
        %dma_wait3A_244 = arith.constant 0 : i32
        %dma_wait3A_245 = arith.constant 0 : i32
        %dma_wait3A_246 = tpu.memref_slice %arg6[%dma_wait3A_244, %dma_wait3A_245] : memref<10112x64xf32, #tpu.memory_space<vmem_shared>> -> memref<10112x64xf32, #tpu.memory_space<vmem_shared>>
        tpu.wait_indirect_dma semaphore(%arg27 : memref<!tpu.dma_semaphore, #tpu.memory_space<semaphore_mem>>) src(%arg9 : memref<128x64xf32, #tpu.memory_space<vmem>>) dst(%dma_wait3A_246 : memref<10112x64xf32, #tpu.memory_space<vmem_shared>>)
      } else {
      }
      %add3A_139 = arith.constant 2 : i32
      %add3A_140 = arith.addi %add3A_136, %add3A_139 : i32
      %lt3A = arith.constant 81 : i32
      %lt3A_141 = arith.cmpi slt, %add3A_140, %lt3A : i32
      %convert_element_type3A_142 = arith.extui %lt3A_141 : i1 to i32
      %cond3A_143 = arith.constant 0 : i32
      %cond3A_144 = arith.cmpi ne, %convert_element_type3A_142, %cond3A_143 : i32
      scf.if %cond3A_144 {
        %mul3A_244 = arith.constant 81 : i32
        %mul3A_245 = arith.muli %add3A, %mul3A_244 : i32
        %add3A_246 = arith.addi %mul3A_245, %add3A_136 : i32
        %add3A_247 = arith.constant 2 : i32
        %add3A_248 = arith.addi %add3A_246, %add3A_247 : i32
        %dma_wait3A_249 = arith.constant 0 : i32
        %dma_wait3A_250 = tpu.memref_slice %arg2[%add3A_248, %dma_wait3A_249] : memref<2592x128xi32, #tpu.memory_space<hbm>> -> memref<1x128xi32, #tpu.memory_space<hbm>>
        %dma_wait3A_251 = tpu.memref_squeeze %dma_wait3A_250 : memref<1x128xi32, #tpu.memory_space<hbm>> -> memref<128xi32, #tpu.memory_space<hbm>>
        %dma_wait3A_252 = arith.constant 0 : i32
        %dma_wait3A_253 = tpu.memref_slice %arg2[%add3A_248, %dma_wait3A_252] : memref<2592x128xi32, #tpu.memory_space<hbm>> -> memref<1x128xi32, #tpu.memory_space<hbm>>
        %dma_wait3A_254 = tpu.memref_squeeze %dma_wait3A_253 : memref<1x128xi32, #tpu.memory_space<hbm>> -> memref<128xi32, #tpu.memory_space<hbm>>
        tpu.wait_dma2 semaphore(%arg21 : memref<!tpu.dma_semaphore, #tpu.memory_space<semaphore_mem>>) src(%dma_wait3A_254 : memref<128xi32, #tpu.memory_space<hbm>>) dst(%arg12 : memref<128xi32, #tpu.memory_space<vmem>>)
        %mul3A_255 = arith.constant 81 : i32
        %mul3A_256 = arith.muli %add3A, %mul3A_255 : i32
        %add3A_257 = arith.addi %mul3A_256, %add3A_136 : i32
        %add3A_258 = arith.constant 2 : i32
        %add3A_259 = arith.addi %add3A_257, %add3A_258 : i32
        %dma_start3A_260 = arith.constant 0 : i32
        %dma_start3A_261 = tpu.memref_slice %arg3[%add3A_259, %dma_start3A_260] : memref<2592x128xi32, #tpu.memory_space<hbm>> -> memref<1x128xi32, #tpu.memory_space<hbm>>
        %dma_start3A_262 = tpu.memref_squeeze %dma_start3A_261 : memref<1x128xi32, #tpu.memory_space<hbm>> -> memref<128xi32, #tpu.memory_space<hbm>>
        %dma_start3A_263 = arith.constant 0 : i32
        %dma_start3A_264 = tpu.memref_slice %arg3[%add3A_259, %dma_start3A_263] : memref<2592x128xi32, #tpu.memory_space<hbm>> -> memref<1x128xi32, #tpu.memory_space<hbm>>
        %dma_start3A_265 = tpu.memref_squeeze %dma_start3A_264 : memref<1x128xi32, #tpu.memory_space<hbm>> -> memref<128xi32, #tpu.memory_space<hbm>>
        tpu.enqueue_dma source(%dma_start3A_265 : memref<128xi32, #tpu.memory_space<hbm>>) target(%arg15 : memref<128xi32, #tpu.memory_space<vmem>>) target_semaphore(%arg24 : memref<!tpu.dma_semaphore, #tpu.memory_space<semaphore_mem>>)
        %dma_start3A_266 = arith.constant 0 : i32
        %dma_start3A_267 = arith.constant 0 : i32
        %dma_start3A_268 = tpu.memref_slice %arg4[%dma_start3A_266, %dma_start3A_267] : memref<10112x64xf32, #tpu.memory_space<hbm>> -> memref<10112x64xf32, #tpu.memory_space<hbm>>
        tpu.enqueue_indirect_dma source(%dma_start3A_268 : memref<10112x64xf32, #tpu.memory_space<hbm>>) target(%arg9 : memref<128x64xf32, #tpu.memory_space<vmem>>) offsets(%arg12 : memref<128xi32, #tpu.memory_space<vmem>>) semaphore(%arg18 : memref<!tpu.dma_semaphore, #tpu.memory_space<semaphore_mem>>)
      } else {
      }
      %dma_wait3A_145 = arith.constant 0 : i32
      %dma_wait3A_146 = arith.constant 0 : i32
      %dma_wait3A_147 = tpu.memref_slice %arg4[%dma_wait3A_145, %dma_wait3A_146] : memref<10112x64xf32, #tpu.memory_space<hbm>> -> memref<10112x64xf32, #tpu.memory_space<hbm>>
      tpu.wait_indirect_dma semaphore(%arg16 : memref<!tpu.dma_semaphore, #tpu.memory_space<semaphore_mem>>) src(%dma_wait3A_147 : memref<10112x64xf32, #tpu.memory_space<hbm>>) dst(%arg7 : memref<128x64xf32, #tpu.memory_space<vmem>>)
      %add3A_148 = arith.constant 3 : i32
      %add3A_149 = arith.addi %add3A_136, %add3A_148 : i32
      %lt3A_150 = arith.constant 81 : i32
      %lt3A_151 = arith.cmpi slt, %add3A_149, %lt3A_150 : i32
      %convert_element_type3A_152 = arith.extui %lt3A_151 : i1 to i32
      %cond3A_153 = arith.constant 0 : i32
      %cond3A_154 = arith.cmpi ne, %convert_element_type3A_152, %cond3A_153 : i32
      scf.if %cond3A_154 {
        %mul3A_244 = arith.constant 81 : i32
        %mul3A_245 = arith.muli %add3A, %mul3A_244 : i32
        %add3A_246 = arith.addi %mul3A_245, %add3A_136 : i32
        %add3A_247 = arith.constant 3 : i32
        %add3A_248 = arith.addi %add3A_246, %add3A_247 : i32
        %dma_start3A_249 = arith.constant 0 : i32
        %dma_start3A_250 = tpu.memref_slice %arg2[%add3A_248, %dma_start3A_249] : memref<2592x128xi32, #tpu.memory_space<hbm>> -> memref<1x128xi32, #tpu.memory_space<hbm>>
        %dma_start3A_251 = tpu.memref_squeeze %dma_start3A_250 : memref<1x128xi32, #tpu.memory_space<hbm>> -> memref<128xi32, #tpu.memory_space<hbm>>
        %dma_start3A_252 = arith.constant 0 : i32
        %dma_start3A_253 = tpu.memref_slice %arg2[%add3A_248, %dma_start3A_252] : memref<2592x128xi32, #tpu.memory_space<hbm>> -> memref<1x128xi32, #tpu.memory_space<hbm>>
        %dma_start3A_254 = tpu.memref_squeeze %dma_start3A_253 : memref<1x128xi32, #tpu.memory_space<hbm>> -> memref<128xi32, #tpu.memory_space<hbm>>
        tpu.enqueue_dma source(%dma_start3A_254 : memref<128xi32, #tpu.memory_space<hbm>>) target(%arg10 : memref<128xi32, #tpu.memory_space<vmem>>) target_semaphore(%arg19 : memref<!tpu.dma_semaphore, #tpu.memory_space<semaphore_mem>>)
      } else {
      }
      %mul3A_155 = arith.constant 81 : i32
      %mul3A_156 = arith.muli %add3A, %mul3A_155 : i32
      %add3A_157 = arith.addi %mul3A_156, %add3A_136 : i32
      %dma_wait3A_158 = arith.constant 0 : i32
      %dma_wait3A_159 = tpu.memref_slice %arg3[%add3A_157, %dma_wait3A_158] : memref<2592x128xi32, #tpu.memory_space<hbm>> -> memref<1x128xi32, #tpu.memory_space<hbm>>
      %dma_wait3A_160 = tpu.memref_squeeze %dma_wait3A_159 : memref<1x128xi32, #tpu.memory_space<hbm>> -> memref<128xi32, #tpu.memory_space<hbm>>
      %dma_wait3A_161 = arith.constant 0 : i32
      %dma_wait3A_162 = tpu.memref_slice %arg3[%add3A_157, %dma_wait3A_161] : memref<2592x128xi32, #tpu.memory_space<hbm>> -> memref<1x128xi32, #tpu.memory_space<hbm>>
      %dma_wait3A_163 = tpu.memref_squeeze %dma_wait3A_162 : memref<1x128xi32, #tpu.memory_space<hbm>> -> memref<128xi32, #tpu.memory_space<hbm>>
      tpu.wait_dma2 semaphore(%arg22 : memref<!tpu.dma_semaphore, #tpu.memory_space<semaphore_mem>>) src(%dma_wait3A_163 : memref<128xi32, #tpu.memory_space<hbm>>) dst(%arg13 : memref<128xi32, #tpu.memory_space<vmem>>)
      %dma_start3A_164 = arith.constant 0 : i32
      %dma_start3A_165 = arith.constant 0 : i32
      %dma_start3A_166 = tpu.memref_slice %arg6[%dma_start3A_164, %dma_start3A_165] : memref<10112x64xf32, #tpu.memory_space<vmem_shared>> -> memref<10112x64xf32, #tpu.memory_space<vmem_shared>>
      tpu.enqueue_indirect_dma source(%arg7 : memref<128x64xf32, #tpu.memory_space<vmem>>) target(%dma_start3A_166 : memref<10112x64xf32, #tpu.memory_space<vmem_shared>>) offsets(%arg13 : memref<128xi32, #tpu.memory_space<vmem>>) semaphore(%arg25 : memref<!tpu.dma_semaphore, #tpu.memory_space<semaphore_mem>>) {add = true}
      %mul3A_167 = arith.constant 3 : i32
      %mul3A_168 = arith.muli %mul3A_167, %scan3A_131 : i32
      %add3A_169 = arith.constant 1 : i32
      %add3A_170 = arith.addi %mul3A_168, %add3A_169 : i32
      %ge3A_171 = arith.constant 1 : i32
      %ge3A_172 = arith.cmpi sge, %add3A_170, %ge3A_171 : i32
      %convert_element_type3A_173 = arith.extui %ge3A_172 : i1 to i32
      %cond3A_174 = arith.constant 0 : i32
      %cond3A_175 = arith.cmpi ne, %convert_element_type3A_173, %cond3A_174 : i32
      scf.if %cond3A_175 {
        %dma_wait3A_244 = arith.constant 0 : i32
        %dma_wait3A_245 = arith.constant 0 : i32
        %dma_wait3A_246 = tpu.memref_slice %arg6[%dma_wait3A_244, %dma_wait3A_245] : memref<10112x64xf32, #tpu.memory_space<vmem_shared>> -> memref<10112x64xf32, #tpu.memory_space<vmem_shared>>
        tpu.wait_indirect_dma semaphore(%arg25 : memref<!tpu.dma_semaphore, #tpu.memory_space<semaphore_mem>>) src(%arg7 : memref<128x64xf32, #tpu.memory_space<vmem>>) dst(%dma_wait3A_246 : memref<10112x64xf32, #tpu.memory_space<vmem_shared>>)
      } else {
      }
      %add3A_176 = arith.constant 2 : i32
      %add3A_177 = arith.addi %add3A_170, %add3A_176 : i32
      %lt3A_178 = arith.constant 81 : i32
      %lt3A_179 = arith.cmpi slt, %add3A_177, %lt3A_178 : i32
      %convert_element_type3A_180 = arith.extui %lt3A_179 : i1 to i32
      %cond3A_181 = arith.constant 0 : i32
      %cond3A_182 = arith.cmpi ne, %convert_element_type3A_180, %cond3A_181 : i32
      scf.if %cond3A_182 {
        %mul3A_244 = arith.constant 81 : i32
        %mul3A_245 = arith.muli %add3A, %mul3A_244 : i32
        %add3A_246 = arith.addi %mul3A_245, %add3A_170 : i32
        %add3A_247 = arith.constant 2 : i32
        %add3A_248 = arith.addi %add3A_246, %add3A_247 : i32
        %dma_wait3A_249 = arith.constant 0 : i32
        %dma_wait3A_250 = tpu.memref_slice %arg2[%add3A_248, %dma_wait3A_249] : memref<2592x128xi32, #tpu.memory_space<hbm>> -> memref<1x128xi32, #tpu.memory_space<hbm>>
        %dma_wait3A_251 = tpu.memref_squeeze %dma_wait3A_250 : memref<1x128xi32, #tpu.memory_space<hbm>> -> memref<128xi32, #tpu.memory_space<hbm>>
        %dma_wait3A_252 = arith.constant 0 : i32
        %dma_wait3A_253 = tpu.memref_slice %arg2[%add3A_248, %dma_wait3A_252] : memref<2592x128xi32, #tpu.memory_space<hbm>> -> memref<1x128xi32, #tpu.memory_space<hbm>>
        %dma_wait3A_254 = tpu.memref_squeeze %dma_wait3A_253 : memref<1x128xi32, #tpu.memory_space<hbm>> -> memref<128xi32, #tpu.memory_space<hbm>>
        tpu.wait_dma2 semaphore(%arg19 : memref<!tpu.dma_semaphore, #tpu.memory_space<semaphore_mem>>) src(%dma_wait3A_254 : memref<128xi32, #tpu.memory_space<hbm>>) dst(%arg10 : memref<128xi32, #tpu.memory_space<vmem>>)
        %mul3A_255 = arith.constant 81 : i32
        %mul3A_256 = arith.muli %add3A, %mul3A_255 : i32
        %add3A_257 = arith.addi %mul3A_256, %add3A_170 : i32
        %add3A_258 = arith.constant 2 : i32
        %add3A_259 = arith.addi %add3A_257, %add3A_258 : i32
        %dma_start3A_260 = arith.constant 0 : i32
        %dma_start3A_261 = tpu.memref_slice %arg3[%add3A_259, %dma_start3A_260] : memref<2592x128xi32, #tpu.memory_space<hbm>> -> memref<1x128xi32, #tpu.memory_space<hbm>>
        %dma_start3A_262 = tpu.memref_squeeze %dma_start3A_261 : memref<1x128xi32, #tpu.memory_space<hbm>> -> memref<128xi32, #tpu.memory_space<hbm>>
        %dma_start3A_263 = arith.constant 0 : i32
        %dma_start3A_264 = tpu.memref_slice %arg3[%add3A_259, %dma_start3A_263] : memref<2592x128xi32, #tpu.memory_space<hbm>> -> memref<1x128xi32, #tpu.memory_space<hbm>>
        %dma_start3A_265 = tpu.memref_squeeze %dma_start3A_264 : memref<1x128xi32, #tpu.memory_space<hbm>> -> memref<128xi32, #tpu.memory_space<hbm>>
        tpu.enqueue_dma source(%dma_start3A_265 : memref<128xi32, #tpu.memory_space<hbm>>) target(%arg13 : memref<128xi32, #tpu.memory_space<vmem>>) target_semaphore(%arg22 : memref<!tpu.dma_semaphore, #tpu.memory_space<semaphore_mem>>)
        %dma_start3A_266 = arith.constant 0 : i32
        %dma_start3A_267 = arith.constant 0 : i32
        %dma_start3A_268 = tpu.memref_slice %arg4[%dma_start3A_266, %dma_start3A_267] : memref<10112x64xf32, #tpu.memory_space<hbm>> -> memref<10112x64xf32, #tpu.memory_space<hbm>>
        tpu.enqueue_indirect_dma source(%dma_start3A_268 : memref<10112x64xf32, #tpu.memory_space<hbm>>) target(%arg7 : memref<128x64xf32, #tpu.memory_space<vmem>>) offsets(%arg10 : memref<128xi32, #tpu.memory_space<vmem>>) semaphore(%arg16 : memref<!tpu.dma_semaphore, #tpu.memory_space<semaphore_mem>>)
      } else {
      }
      %dma_wait3A_183 = arith.constant 0 : i32
      %dma_wait3A_184 = arith.constant 0 : i32
      %dma_wait3A_185 = tpu.memref_slice %arg4[%dma_wait3A_183, %dma_wait3A_184] : memref<10112x64xf32, #tpu.memory_space<hbm>> -> memref<10112x64xf32, #tpu.memory_space<hbm>>
      tpu.wait_indirect_dma semaphore(%arg17 : memref<!tpu.dma_semaphore, #tpu.memory_space<semaphore_mem>>) src(%dma_wait3A_185 : memref<10112x64xf32, #tpu.memory_space<hbm>>) dst(%arg8 : memref<128x64xf32, #tpu.memory_space<vmem>>)
      %add3A_186 = arith.constant 3 : i32
      %add3A_187 = arith.addi %add3A_170, %add3A_186 : i32
      %lt3A_188 = arith.constant 81 : i32
      %lt3A_189 = arith.cmpi slt, %add3A_187, %lt3A_188 : i32
      %convert_element_type3A_190 = arith.extui %lt3A_189 : i1 to i32
      %cond3A_191 = arith.constant 0 : i32
      %cond3A_192 = arith.cmpi ne, %convert_element_type3A_190, %cond3A_191 : i32
      scf.if %cond3A_192 {
        %mul3A_244 = arith.constant 81 : i32
        %mul3A_245 = arith.muli %add3A, %mul3A_244 : i32
        %add3A_246 = arith.addi %mul3A_245, %add3A_170 : i32
        %add3A_247 = arith.constant 3 : i32
        %add3A_248 = arith.addi %add3A_246, %add3A_247 : i32
        %dma_start3A_249 = arith.constant 0 : i32
        %dma_start3A_250 = tpu.memref_slice %arg2[%add3A_248, %dma_start3A_249] : memref<2592x128xi32, #tpu.memory_space<hbm>> -> memref<1x128xi32, #tpu.memory_space<hbm>>
        %dma_start3A_251 = tpu.memref_squeeze %dma_start3A_250 : memref<1x128xi32, #tpu.memory_space<hbm>> -> memref<128xi32, #tpu.memory_space<hbm>>
        %dma_start3A_252 = arith.constant 0 : i32
        %dma_start3A_253 = tpu.memref_slice %arg2[%add3A_248, %dma_start3A_252] : memref<2592x128xi32, #tpu.memory_space<hbm>> -> memref<1x128xi32, #tpu.memory_space<hbm>>
        %dma_start3A_254 = tpu.memref_squeeze %dma_start3A_253 : memref<1x128xi32, #tpu.memory_space<hbm>> -> memref<128xi32, #tpu.memory_space<hbm>>
        tpu.enqueue_dma source(%dma_start3A_254 : memref<128xi32, #tpu.memory_space<hbm>>) target(%arg11 : memref<128xi32, #tpu.memory_space<vmem>>) target_semaphore(%arg20 : memref<!tpu.dma_semaphore, #tpu.memory_space<semaphore_mem>>)
      } else {
      }
      %mul3A_193 = arith.constant 81 : i32
      %mul3A_194 = arith.muli %add3A, %mul3A_193 : i32
      %add3A_195 = arith.addi %mul3A_194, %add3A_170 : i32
      %dma_wait3A_196 = arith.constant 0 : i32
      %dma_wait3A_197 = tpu.memref_slice %arg3[%add3A_195, %dma_wait3A_196] : memref<2592x128xi32, #tpu.memory_space<hbm>> -> memref<1x128xi32, #tpu.memory_space<hbm>>
      %dma_wait3A_198 = tpu.memref_squeeze %dma_wait3A_197 : memref<1x128xi32, #tpu.memory_space<hbm>> -> memref<128xi32, #tpu.memory_space<hbm>>
      %dma_wait3A_199 = arith.constant 0 : i32
      %dma_wait3A_200 = tpu.memref_slice %arg3[%add3A_195, %dma_wait3A_199] : memref<2592x128xi32, #tpu.memory_space<hbm>> -> memref<1x128xi32, #tpu.memory_space<hbm>>
      %dma_wait3A_201 = tpu.memref_squeeze %dma_wait3A_200 : memref<1x128xi32, #tpu.memory_space<hbm>> -> memref<128xi32, #tpu.memory_space<hbm>>
      tpu.wait_dma2 semaphore(%arg23 : memref<!tpu.dma_semaphore, #tpu.memory_space<semaphore_mem>>) src(%dma_wait3A_201 : memref<128xi32, #tpu.memory_space<hbm>>) dst(%arg14 : memref<128xi32, #tpu.memory_space<vmem>>)
      %dma_start3A_202 = arith.constant 0 : i32
      %dma_start3A_203 = arith.constant 0 : i32
      %dma_start3A_204 = tpu.memref_slice %arg6[%dma_start3A_202, %dma_start3A_203] : memref<10112x64xf32, #tpu.memory_space<vmem_shared>> -> memref<10112x64xf32, #tpu.memory_space<vmem_shared>>
      tpu.enqueue_indirect_dma source(%arg8 : memref<128x64xf32, #tpu.memory_space<vmem>>) target(%dma_start3A_204 : memref<10112x64xf32, #tpu.memory_space<vmem_shared>>) offsets(%arg14 : memref<128xi32, #tpu.memory_space<vmem>>) semaphore(%arg26 : memref<!tpu.dma_semaphore, #tpu.memory_space<semaphore_mem>>) {add = true}
      %mul3A_205 = arith.constant 3 : i32
      %mul3A_206 = arith.muli %mul3A_205, %scan3A_131 : i32
      %add3A_207 = arith.constant 2 : i32
      %add3A_208 = arith.addi %mul3A_206, %add3A_207 : i32
      %ge3A_209 = arith.constant 1 : i32
      %ge3A_210 = arith.cmpi sge, %add3A_208, %ge3A_209 : i32
      %convert_element_type3A_211 = arith.extui %ge3A_210 : i1 to i32
      %cond3A_212 = arith.constant 0 : i32
      %cond3A_213 = arith.cmpi ne, %convert_element_type3A_211, %cond3A_212 : i32
      scf.if %cond3A_213 {
        %dma_wait3A_244 = arith.constant 0 : i32
        %dma_wait3A_245 = arith.constant 0 : i32
        %dma_wait3A_246 = tpu.memref_slice %arg6[%dma_wait3A_244, %dma_wait3A_245] : memref<10112x64xf32, #tpu.memory_space<vmem_shared>> -> memref<10112x64xf32, #tpu.memory_space<vmem_shared>>
        tpu.wait_indirect_dma semaphore(%arg26 : memref<!tpu.dma_semaphore, #tpu.memory_space<semaphore_mem>>) src(%arg8 : memref<128x64xf32, #tpu.memory_space<vmem>>) dst(%dma_wait3A_246 : memref<10112x64xf32, #tpu.memory_space<vmem_shared>>)
      } else {
      }
      %add3A_214 = arith.constant 2 : i32
      %add3A_215 = arith.addi %add3A_208, %add3A_214 : i32
      %lt3A_216 = arith.constant 81 : i32
      %lt3A_217 = arith.cmpi slt, %add3A_215, %lt3A_216 : i32
      %convert_element_type3A_218 = arith.extui %lt3A_217 : i1 to i32
      %cond3A_219 = arith.constant 0 : i32
      %cond3A_220 = arith.cmpi ne, %convert_element_type3A_218, %cond3A_219 : i32
      scf.if %cond3A_220 {
        %mul3A_244 = arith.constant 81 : i32
        %mul3A_245 = arith.muli %add3A, %mul3A_244 : i32
        %add3A_246 = arith.addi %mul3A_245, %add3A_208 : i32
        %add3A_247 = arith.constant 2 : i32
        %add3A_248 = arith.addi %add3A_246, %add3A_247 : i32
        %dma_wait3A_249 = arith.constant 0 : i32
        %dma_wait3A_250 = tpu.memref_slice %arg2[%add3A_248, %dma_wait3A_249] : memref<2592x128xi32, #tpu.memory_space<hbm>> -> memref<1x128xi32, #tpu.memory_space<hbm>>
        %dma_wait3A_251 = tpu.memref_squeeze %dma_wait3A_250 : memref<1x128xi32, #tpu.memory_space<hbm>> -> memref<128xi32, #tpu.memory_space<hbm>>
        %dma_wait3A_252 = arith.constant 0 : i32
        %dma_wait3A_253 = tpu.memref_slice %arg2[%add3A_248, %dma_wait3A_252] : memref<2592x128xi32, #tpu.memory_space<hbm>> -> memref<1x128xi32, #tpu.memory_space<hbm>>
        %dma_wait3A_254 = tpu.memref_squeeze %dma_wait3A_253 : memref<1x128xi32, #tpu.memory_space<hbm>> -> memref<128xi32, #tpu.memory_space<hbm>>
        tpu.wait_dma2 semaphore(%arg20 : memref<!tpu.dma_semaphore, #tpu.memory_space<semaphore_mem>>) src(%dma_wait3A_254 : memref<128xi32, #tpu.memory_space<hbm>>) dst(%arg11 : memref<128xi32, #tpu.memory_space<vmem>>)
        %mul3A_255 = arith.constant 81 : i32
        %mul3A_256 = arith.muli %add3A, %mul3A_255 : i32
        %add3A_257 = arith.addi %mul3A_256, %add3A_208 : i32
        %add3A_258 = arith.constant 2 : i32
        %add3A_259 = arith.addi %add3A_257, %add3A_258 : i32
        %dma_start3A_260 = arith.constant 0 : i32
        %dma_start3A_261 = tpu.memref_slice %arg3[%add3A_259, %dma_start3A_260] : memref<2592x128xi32, #tpu.memory_space<hbm>> -> memref<1x128xi32, #tpu.memory_space<hbm>>
        %dma_start3A_262 = tpu.memref_squeeze %dma_start3A_261 : memref<1x128xi32, #tpu.memory_space<hbm>> -> memref<128xi32, #tpu.memory_space<hbm>>
        %dma_start3A_263 = arith.constant 0 : i32
        %dma_start3A_264 = tpu.memref_slice %arg3[%add3A_259, %dma_start3A_263] : memref<2592x128xi32, #tpu.memory_space<hbm>> -> memref<1x128xi32, #tpu.memory_space<hbm>>
        %dma_start3A_265 = tpu.memref_squeeze %dma_start3A_264 : memref<1x128xi32, #tpu.memory_space<hbm>> -> memref<128xi32, #tpu.memory_space<hbm>>
        tpu.enqueue_dma source(%dma_start3A_265 : memref<128xi32, #tpu.memory_space<hbm>>) target(%arg14 : memref<128xi32, #tpu.memory_space<vmem>>) target_semaphore(%arg23 : memref<!tpu.dma_semaphore, #tpu.memory_space<semaphore_mem>>)
        %dma_start3A_266 = arith.constant 0 : i32
        %dma_start3A_267 = arith.constant 0 : i32
        %dma_start3A_268 = tpu.memref_slice %arg4[%dma_start3A_266, %dma_start3A_267] : memref<10112x64xf32, #tpu.memory_space<hbm>> -> memref<10112x64xf32, #tpu.memory_space<hbm>>
        tpu.enqueue_indirect_dma source(%dma_start3A_268 : memref<10112x64xf32, #tpu.memory_space<hbm>>) target(%arg8 : memref<128x64xf32, #tpu.memory_space<vmem>>) offsets(%arg11 : memref<128xi32, #tpu.memory_space<vmem>>) semaphore(%arg17 : memref<!tpu.dma_semaphore, #tpu.memory_space<semaphore_mem>>)
      } else {
      }
      %dma_wait3A_221 = arith.constant 0 : i32
      %dma_wait3A_222 = arith.constant 0 : i32
      %dma_wait3A_223 = tpu.memref_slice %arg4[%dma_wait3A_221, %dma_wait3A_222] : memref<10112x64xf32, #tpu.memory_space<hbm>> -> memref<10112x64xf32, #tpu.memory_space<hbm>>
      tpu.wait_indirect_dma semaphore(%arg18 : memref<!tpu.dma_semaphore, #tpu.memory_space<semaphore_mem>>) src(%dma_wait3A_223 : memref<10112x64xf32, #tpu.memory_space<hbm>>) dst(%arg9 : memref<128x64xf32, #tpu.memory_space<vmem>>)
      %add3A_224 = arith.constant 3 : i32
      %add3A_225 = arith.addi %add3A_208, %add3A_224 : i32
      %lt3A_226 = arith.constant 81 : i32
      %lt3A_227 = arith.cmpi slt, %add3A_225, %lt3A_226 : i32
      %convert_element_type3A_228 = arith.extui %lt3A_227 : i1 to i32
      %cond3A_229 = arith.constant 0 : i32
      %cond3A_230 = arith.cmpi ne, %convert_element_type3A_228, %cond3A_229 : i32
      scf.if %cond3A_230 {
        %mul3A_244 = arith.constant 81 : i32
        %mul3A_245 = arith.muli %add3A, %mul3A_244 : i32
        %add3A_246 = arith.addi %mul3A_245, %add3A_208 : i32
        %add3A_247 = arith.constant 3 : i32
        %add3A_248 = arith.addi %add3A_246, %add3A_247 : i32
        %dma_start3A_249 = arith.constant 0 : i32
        %dma_start3A_250 = tpu.memref_slice %arg2[%add3A_248, %dma_start3A_249] : memref<2592x128xi32, #tpu.memory_space<hbm>> -> memref<1x128xi32, #tpu.memory_space<hbm>>
        %dma_start3A_251 = tpu.memref_squeeze %dma_start3A_250 : memref<1x128xi32, #tpu.memory_space<hbm>> -> memref<128xi32, #tpu.memory_space<hbm>>
        %dma_start3A_252 = arith.constant 0 : i32
        %dma_start3A_253 = tpu.memref_slice %arg2[%add3A_248, %dma_start3A_252] : memref<2592x128xi32, #tpu.memory_space<hbm>> -> memref<1x128xi32, #tpu.memory_space<hbm>>
        %dma_start3A_254 = tpu.memref_squeeze %dma_start3A_253 : memref<1x128xi32, #tpu.memory_space<hbm>> -> memref<128xi32, #tpu.memory_space<hbm>>
        tpu.enqueue_dma source(%dma_start3A_254 : memref<128xi32, #tpu.memory_space<hbm>>) target(%arg12 : memref<128xi32, #tpu.memory_space<vmem>>) target_semaphore(%arg21 : memref<!tpu.dma_semaphore, #tpu.memory_space<semaphore_mem>>)
      } else {
      }
      %mul3A_231 = arith.constant 81 : i32
      %mul3A_232 = arith.muli %add3A, %mul3A_231 : i32
      %add3A_233 = arith.addi %mul3A_232, %add3A_208 : i32
      %dma_wait3A_234 = arith.constant 0 : i32
      %dma_wait3A_235 = tpu.memref_slice %arg3[%add3A_233, %dma_wait3A_234] : memref<2592x128xi32, #tpu.memory_space<hbm>> -> memref<1x128xi32, #tpu.memory_space<hbm>>
      %dma_wait3A_236 = tpu.memref_squeeze %dma_wait3A_235 : memref<1x128xi32, #tpu.memory_space<hbm>> -> memref<128xi32, #tpu.memory_space<hbm>>
      %dma_wait3A_237 = arith.constant 0 : i32
      %dma_wait3A_238 = tpu.memref_slice %arg3[%add3A_233, %dma_wait3A_237] : memref<2592x128xi32, #tpu.memory_space<hbm>> -> memref<1x128xi32, #tpu.memory_space<hbm>>
      %dma_wait3A_239 = tpu.memref_squeeze %dma_wait3A_238 : memref<1x128xi32, #tpu.memory_space<hbm>> -> memref<128xi32, #tpu.memory_space<hbm>>
      tpu.wait_dma2 semaphore(%arg24 : memref<!tpu.dma_semaphore, #tpu.memory_space<semaphore_mem>>) src(%dma_wait3A_239 : memref<128xi32, #tpu.memory_space<hbm>>) dst(%arg15 : memref<128xi32, #tpu.memory_space<vmem>>)
      %dma_start3A_240 = arith.constant 0 : i32
      %dma_start3A_241 = arith.constant 0 : i32
      %dma_start3A_242 = tpu.memref_slice %arg6[%dma_start3A_240, %dma_start3A_241] : memref<10112x64xf32, #tpu.memory_space<vmem_shared>> -> memref<10112x64xf32, #tpu.memory_space<vmem_shared>>
      tpu.enqueue_indirect_dma source(%arg9 : memref<128x64xf32, #tpu.memory_space<vmem>>) target(%dma_start3A_242 : memref<10112x64xf32, #tpu.memory_space<vmem_shared>>) offsets(%arg15 : memref<128xi32, #tpu.memory_space<vmem>>) semaphore(%arg27 : memref<!tpu.dma_semaphore, #tpu.memory_space<semaphore_mem>>) {add = true}
      %scan3A_243 = arith.constant 0 : i32
      scf.yield %scan3A_243 : i32
    }
    %scan3A_119 = arith.constant 27 : i32
    %dma_wait3A_120 = arith.constant 0 : i32
    %dma_wait3A_121 = arith.constant 0 : i32
    %dma_wait3A_122 = tpu.memref_slice %arg6[%dma_wait3A_120, %dma_wait3A_121] : memref<10112x64xf32, #tpu.memory_space<vmem_shared>> -> memref<10112x64xf32, #tpu.memory_space<vmem_shared>>
    tpu.wait_indirect_dma semaphore(%arg27 : memref<!tpu.dma_semaphore, #tpu.memory_space<semaphore_mem>>) src(%arg9 : memref<128x64xf32, #tpu.memory_space<vmem>>) dst(%dma_wait3A_122 : memref<10112x64xf32, #tpu.memory_space<vmem_shared>>)
    %barrier3A_123 = arith.constant 0 : index
    tpu.barrier barrier_id(%barrier3A_123)
    %mul3A_124 = arith.constant 632 : i32
    %mul3A_125 = arith.muli %arg1, %mul3A_124 : i32
    %mul3A_126 = arith.constant 10112 : i32
    %mul3A_127 = arith.muli %arg0, %mul3A_126 : i32
    %mul3A_128 = arith.constant 632 : i32
    %mul3A_129 = arith.muli %arg1, %mul3A_128 : i32
    %add3A_130 = arith.addi %mul3A_127, %mul3A_129 : i32
    "tpu.region"() ({
      %run_scoped3A = tpu.sem_alloc : memref<!tpu.dma_semaphore, #tpu.memory_space<semaphore_mem>>
      %dma_start3A_131 = arith.constant 0 : i32
      %dma_start3A_132 = tpu.memref_slice %arg5[%add3A_130, %dma_start3A_131] : memref<20224x64xf32, #tpu.memory_space<hbm>> -> memref<632x64xf32, #tpu.memory_space<hbm>>
      %dma_start3A_133 = arith.constant 0 : i32
      %dma_start3A_134 = tpu.memref_slice %arg6[%mul3A_125, %dma_start3A_133] : memref<10112x64xf32, #tpu.memory_space<vmem_shared>> -> memref<632x64xf32, #tpu.memory_space<vmem_shared>>
      tpu.enqueue_dma source(%dma_start3A_134 : memref<632x64xf32, #tpu.memory_space<vmem_shared>>) target(%dma_start3A_132 : memref<632x64xf32, #tpu.memory_space<hbm>>) target_semaphore(%run_scoped3A : memref<!tpu.dma_semaphore, #tpu.memory_space<semaphore_mem>>)
      %dma_wait3A_135 = arith.constant 0 : i32
      %dma_wait3A_136 = tpu.memref_slice %arg5[%add3A_130, %dma_wait3A_135] : memref<20224x64xf32, #tpu.memory_space<hbm>> -> memref<632x64xf32, #tpu.memory_space<hbm>>
      %dma_wait3A_137 = arith.constant 0 : i32
      %dma_wait3A_138 = tpu.memref_slice %arg6[%mul3A_125, %dma_wait3A_137] : memref<10112x64xf32, #tpu.memory_space<vmem_shared>> -> memref<632x64xf32, #tpu.memory_space<vmem_shared>>
      tpu.wait_dma2 semaphore(%run_scoped3A : memref<!tpu.dma_semaphore, #tpu.memory_space<semaphore_mem>>) src(%dma_wait3A_138 : memref<632x64xf32, #tpu.memory_space<vmem_shared>>) dst(%dma_wait3A_136 : memref<632x64xf32, #tpu.memory_space<hbm>>)
      tpu.yield
    }) : () -> ()
    return
  }
}

module attributes {stable_mosaic.version = 14 : i64} {
  func.func @_tc0_body(%arg0: memref<10000x128xf32, #tpu.memory_space<vmem>>, %arg1: memref<128x128xf32, #tpu.memory_space<vmem>>, %arg2: memref<20224xf32, #tpu.memory_space<vmem>>, %arg3: memref<10112x128xf32, #tpu.memory_space<vmem>>, %arg4: memref<10112x128xf32, #tpu.memory_space<vmem>>) attributes {dimension_semantics = [], scalar_prefetch = 0 : i64, scratch_operands = 0 : i64, tpu.core_type = #tpu.core_type<tc>} {
    %get3A = arith.constant 0 : index
    %get3A_0 = vector.load %arg2[%get3A] : memref<20224xf32, #tpu.memory_space<vmem>>, vector<20224xf32>
    %slice3A = vector.extract_strided_slice %get3A_0 {offsets = [0], sizes = [10112], strides = [1]} : vector<20224xf32> to vector<10112xf32>
    %slice3A_1 = vector.extract_strided_slice %get3A_0 {offsets = [10112], sizes = [10112], strides = [1]} : vector<20224xf32> to vector<10112xf32>
    %add3A = arith.addf %slice3A, %slice3A_1 : vector<10112xf32>
    %gt3A = arith.constant 0.000000e+00 : f32
    %gt3A_2 = vector.broadcast %gt3A : f32 to vector<10112xf32>
    %gt3A_3 = arith.cmpf ogt, %add3A, %gt3A_2 : vector<10112xf32>
    %rsqrt3A = math.rsqrt %add3A : vector<10112xf32>
    %jit3A = arith.constant 0.000000e+00 : f32
    %broadcast_in_dim3A = vector.broadcast %jit3A : f32 to vector<10112xf32>
    %select_n3A = arith.select %gt3A_3, %rsqrt3A, %broadcast_in_dim3A : vector<10112xi1>, vector<10112xf32>
    %broadcast_in_dim3A_4 = vector.shape_cast %select_n3A : vector<10112xf32> to vector<1x10112xf32>
    %broadcast_in_dim3A_5 = vector.shape_cast %broadcast_in_dim3A_4 : vector<1x10112xf32> to vector<1x10112xf32>
    %broadcast_in_dim3A_6 = vector.broadcast %broadcast_in_dim3A_5 : vector<1x10112xf32> to vector<128x10112xf32>
    %iota3A = tpu.iota {dimensions = array<i32: 0>} : vector<128x128xi32>
    %iota3A_7 = tpu.iota {dimensions = array<i32: 1>} : vector<128x128xi32>
    %eq3A = arith.cmpi eq, %iota3A, %iota3A_7 : vector<128x128xi32>
    %jit3A_8 = arith.constant 1.000000e+00 : f32
    %jit3A_9 = arith.constant 0.000000e+00 : f32
    %broadcast_in_dim3A_10 = vector.broadcast %jit3A_8 : f32 to vector<128x128xf32>
    %broadcast_in_dim3A_11 = vector.broadcast %jit3A_9 : f32 to vector<128x128xf32>
    %select_n3A_12 = arith.select %eq3A, %broadcast_in_dim3A_10, %broadcast_in_dim3A_11 : vector<128x128xi1>, vector<128x128xf32>
    %dot_general3A = arith.constant dense<0.000000e+00> : vector<10112x128xf32>
    %dot_general3A_13 = tpu.matmul %broadcast_in_dim3A_6, %select_n3A_12, %dot_general3A {dimension_numbers = #tpu.dot_dimension_numbers<[0], [0], [1], [1], [0, 1, 1, 1], [], []>, transpose_lhs_hint = false} : vector<128x10112xf32>, vector<128x128xf32>, vector<10112x128xf32> -> vector<10112x128xf32>
    %swap3A = arith.constant 0 : index
    %swap3A_14 = arith.constant 0 : index
    %swap3A_15 = vector.load %arg4[%swap3A, %swap3A_14] : memref<10112x128xf32, #tpu.memory_space<vmem>>, vector<10112x128xf32>
    tpu.vector_store %arg4[%swap3A, %swap3A_14], %dot_general3A_13 {strides = array<i32>} : memref<10112x128xf32, #tpu.memory_space<vmem>>, vector<10112x128xf32>,
    %get3A_16 = arith.constant 0 : index
    %get3A_17 = arith.constant 0 : index
    %get3A_18 = vector.load %arg0[%get3A_16, %get3A_17] : memref<10000x128xf32, #tpu.memory_space<vmem>>, vector<10000x128xf32>
    %get3A_19 = arith.constant 0 : index
    %get3A_20 = arith.constant 0 : index
    %get3A_21 = vector.load %arg1[%get3A_19, %get3A_20] : memref<128x128xf32, #tpu.memory_space<vmem>>, vector<128x128xf32>
    %dot_general3A_22 = arith.constant dense<0.000000e+00> : vector<10000x128xf32>
    %dot_general3A_23 = tpu.matmul %get3A_18, %get3A_21, %dot_general3A_22 {dimension_numbers = #tpu.dot_dimension_numbers<[1], [0], [0], [1], [0, 0, 1, 1], [], []>, transpose_lhs_hint = false} : vector<10000x128xf32>, vector<128x128xf32>, vector<10000x128xf32> -> vector<10000x128xf32>
    %slice3A_24 = vector.extract_strided_slice %dot_general3A_13 {offsets = [0, 0], sizes = [10000, 128], strides = [1, 1]} : vector<10112x128xf32> to vector<10000x128xf32>
    %mul3A = arith.mulf %slice3A_24, %dot_general3A_23 : vector<10000x128xf32>
    %swap3A_25 = arith.constant 0 : index
    %swap3A_26 = arith.constant 0 : index
    %swap3A_27 = vector.load %arg3[%swap3A_25, %swap3A_26] : memref<10112x128xf32, #tpu.memory_space<vmem>>, vector<10000x128xf32>
    tpu.vector_store %arg3[%swap3A_25, %swap3A_26], %mul3A {strides = array<i32>} : memref<10112x128xf32, #tpu.memory_space<vmem>>, vector<10000x128xf32>,
    %broadcast_in_dim3A_28 = arith.constant 0.000000e+00 : f32
    %broadcast_in_dim3A_29 = vector.broadcast %broadcast_in_dim3A_28 : f32 to vector<112x128xf32>
    %swap3A_30 = arith.constant 10000 : index
    %swap3A_31 = arith.constant 0 : index
    %swap3A_32 = vector.load %arg3[%swap3A_30, %swap3A_31] : memref<10112x128xf32, #tpu.memory_space<vmem>>, vector<112x128xf32>
    tpu.vector_store %arg3[%swap3A_30, %swap3A_31], %broadcast_in_dim3A_29 {strides = array<i32>} : memref<10112x128xf32, #tpu.memory_space<vmem>>, vector<112x128xf32>,
    return
  }
}

module attributes {stable_mosaic.version = 14 : i64} {
  func.func @body(%arg0: memref<20224x128xf32, #tpu.memory_space<vmem>>, %arg1: memref<10112x128xf32, #tpu.memory_space<vmem>>, %arg2: memref<128xf32, #tpu.memory_space<vmem>>, %arg3: memref<128xf32, #tpu.memory_space<vmem>>, %arg4: memref<128xf32, #tpu.memory_space<vmem>>, %arg5: memref<128x128xf32, #tpu.memory_space<vmem>>, %arg6: memref<10112x128xf32, #tpu.memory_space<vmem>>) attributes {dimension_semantics = [], scalar_prefetch = 0 : i64, scratch_operands = 0 : i64, tpu.core_type = #tpu.core_type<tc>} {
    %get3A = arith.constant 0 : index
    %get3A_0 = arith.constant 0 : index
    %get3A_1 = vector.load %arg0[%get3A, %get3A_0] : memref<20224x128xf32, #tpu.memory_space<vmem>>, vector<10112x128xf32>
    %get3A_2 = arith.constant 10112 : index
    %get3A_3 = arith.constant 0 : index
    %get3A_4 = vector.load %arg0[%get3A_2, %get3A_3] : memref<20224x128xf32, #tpu.memory_space<vmem>>, vector<10112x128xf32>
    %add3A = arith.addf %get3A_1, %get3A_4 : vector<10112x128xf32>
    %slice3A = vector.extract_strided_slice %add3A {offsets = [0, 0], sizes = [10000, 128], strides = [1, 1]} : vector<10112x128xf32> to vector<10000x128xf32>
    %get3A_5 = arith.constant 0 : index
    %get3A_6 = arith.constant 0 : index
    %get3A_7 = vector.load %arg1[%get3A_5, %get3A_6] : memref<10112x128xf32, #tpu.memory_space<vmem>>, vector<10000x128xf32>
    %mul3A = arith.mulf %slice3A, %get3A_7 : vector<10000x128xf32>
    %get3A_8 = arith.constant 0 : index
    %get3A_9 = vector.load %arg2[%get3A_8] : memref<128xf32, #tpu.memory_space<vmem>>, vector<128xf32>
    %broadcast_in_dim3A = vector.shape_cast %get3A_9 : vector<128xf32> to vector<1x128xf32>
    %add3A_10 = vector.broadcast %broadcast_in_dim3A : vector<1x128xf32> to vector<10000x128xf32>
    %add3A_11 = arith.addf %mul3A, %add3A_10 : vector<10000x128xf32>
    %reduce_sum3A = arith.constant dense<0.000000e+00> : vector<128xf32>
    %reduce_sum3A_12 = vector.multi_reduction <add>, %add3A_11, %reduce_sum3A [0] : vector<10000x128xf32> to vector<128xf32>
    %div3A = arith.constant 1.000000e+04 : f32
    %div3A_13 = vector.broadcast %div3A : f32 to vector<128xf32>
    %div3A_14 = arith.divf %reduce_sum3A_12, %div3A_13 : vector<128xf32>
    %broadcast_in_dim3A_15 = vector.shape_cast %div3A_14 : vector<128xf32> to vector<1x128xf32>
    %sub3A = vector.broadcast %broadcast_in_dim3A_15 : vector<1x128xf32> to vector<10000x128xf32>
    %sub3A_16 = arith.subf %add3A_11, %sub3A : vector<10000x128xf32>
    %mul3A_17 = arith.mulf %sub3A_16, %sub3A_16 : vector<10000x128xf32>
    %reduce_sum3A_18 = arith.constant dense<0.000000e+00> : vector<128xf32>
    %reduce_sum3A_19 = vector.multi_reduction <add>, %mul3A_17, %reduce_sum3A_18 [0] : vector<10000x128xf32> to vector<128xf32>
    %div3A_20 = arith.constant 1.000000e+04 : f32
    %div3A_21 = vector.broadcast %div3A_20 : f32 to vector<128xf32>
    %div3A_22 = arith.divf %reduce_sum3A_19, %div3A_21 : vector<128xf32>
    %add3A_23 = arith.constant 9.99999974E-6 : f32
    %add3A_24 = vector.broadcast %add3A_23 : f32 to vector<128xf32>
    %add3A_25 = arith.addf %div3A_22, %add3A_24 : vector<128xf32>
    %rsqrt3A = math.rsqrt %add3A_25 : vector<128xf32>
    %broadcast_in_dim3A_26 = vector.shape_cast %rsqrt3A : vector<128xf32> to vector<1x128xf32>
    %mul3A_27 = vector.broadcast %broadcast_in_dim3A_26 : vector<1x128xf32> to vector<10000x128xf32>
    %mul3A_28 = arith.mulf %sub3A_16, %mul3A_27 : vector<10000x128xf32>
    %get3A_29 = arith.constant 0 : index
    %get3A_30 = vector.load %arg3[%get3A_29] : memref<128xf32, #tpu.memory_space<vmem>>, vector<128xf32>
    %broadcast_in_dim3A_31 = vector.shape_cast %get3A_30 : vector<128xf32> to vector<1x128xf32>
    %mul3A_32 = vector.broadcast %broadcast_in_dim3A_31 : vector<1x128xf32> to vector<10000x128xf32>
    %mul3A_33 = arith.mulf %mul3A_28, %mul3A_32 : vector<10000x128xf32>
    %get3A_34 = arith.constant 0 : index
    %get3A_35 = vector.load %arg4[%get3A_34] : memref<128xf32, #tpu.memory_space<vmem>>, vector<128xf32>
    %broadcast_in_dim3A_36 = vector.shape_cast %get3A_35 : vector<128xf32> to vector<1x128xf32>
    %add3A_37 = vector.broadcast %broadcast_in_dim3A_36 : vector<1x128xf32> to vector<10000x128xf32>
    %add3A_38 = arith.addf %mul3A_33, %add3A_37 : vector<10000x128xf32>
    %max3A = arith.constant 0.000000e+00 : f32
    %max3A_39 = vector.broadcast %max3A : f32 to vector<10000x128xf32>
    %max3A_40 = arith.maximumf %add3A_38, %max3A_39 : vector<10000x128xf32>
    %get3A_41 = arith.constant 0 : index
    %get3A_42 = arith.constant 0 : index
    %get3A_43 = vector.load %arg5[%get3A_41, %get3A_42] : memref<128x128xf32, #tpu.memory_space<vmem>>, vector<128x128xf32>
    %dot_general3A = arith.constant dense<0.000000e+00> : vector<10000x128xf32>
    %dot_general3A_44 = tpu.matmul %max3A_40, %get3A_43, %dot_general3A {dimension_numbers = #tpu.dot_dimension_numbers<[1], [0], [0], [1], [0, 0, 1, 1], [], []>, transpose_lhs_hint = false} : vector<10000x128xf32>, vector<128x128xf32>, vector<10000x128xf32> -> vector<10000x128xf32>
    %get3A_45 = arith.constant 0 : index
    %get3A_46 = arith.constant 0 : index
    %get3A_47 = vector.load %arg1[%get3A_45, %get3A_46] : memref<10112x128xf32, #tpu.memory_space<vmem>>, vector<10000x128xf32>
    %mul3A_48 = arith.mulf %dot_general3A_44, %get3A_47 : vector<10000x128xf32>
    %swap3A = arith.constant 0 : index
    %swap3A_49 = arith.constant 0 : index
    %swap3A_50 = vector.load %arg6[%swap3A, %swap3A_49] : memref<10112x128xf32, #tpu.memory_space<vmem>>, vector<10000x128xf32>
    tpu.vector_store %arg6[%swap3A, %swap3A_49], %mul3A_48 {strides = array<i32>} : memref<10112x128xf32, #tpu.memory_space<vmem>>, vector<10000x128xf32>,
    %broadcast_in_dim3A_51 = arith.constant 0.000000e+00 : f32
    %broadcast_in_dim3A_52 = vector.broadcast %broadcast_in_dim3A_51 : f32 to vector<112x128xf32>
    %swap3A_53 = arith.constant 10000 : index
    %swap3A_54 = arith.constant 0 : index
    %swap3A_55 = vector.load %arg6[%swap3A_53, %swap3A_54] : memref<10112x128xf32, #tpu.memory_space<vmem>>, vector<112x128xf32>
    tpu.vector_store %arg6[%swap3A_53, %swap3A_54], %broadcast_in_dim3A_52 {strides = array<i32>} : memref<10112x128xf32, #tpu.memory_space<vmem>>, vector<112x128xf32>,
    return
  }
}

module attributes {stable_mosaic.version = 14 : i64} {
  func.func @body(%arg0: memref<20224x128xf32, #tpu.memory_space<vmem>>, %arg1: memref<10112x128xf32, #tpu.memory_space<vmem>>, %arg2: memref<128xf32, #tpu.memory_space<vmem>>, %arg3: memref<128xf32, #tpu.memory_space<vmem>>, %arg4: memref<128xf32, #tpu.memory_space<vmem>>, %arg5: memref<128x64xf32, #tpu.memory_space<vmem>>, %arg6: memref<10112x64xf32, #tpu.memory_space<vmem>>) attributes {dimension_semantics = [], scalar_prefetch = 0 : i64, scratch_operands = 0 : i64, tpu.core_type = #tpu.core_type<tc>} {
    %get3A = arith.constant 0 : index
    %get3A_0 = arith.constant 0 : index
    %get3A_1 = vector.load %arg0[%get3A, %get3A_0] : memref<20224x128xf32, #tpu.memory_space<vmem>>, vector<10112x128xf32>
    %get3A_2 = arith.constant 10112 : index
    %get3A_3 = arith.constant 0 : index
    %get3A_4 = vector.load %arg0[%get3A_2, %get3A_3] : memref<20224x128xf32, #tpu.memory_space<vmem>>, vector<10112x128xf32>
    %add3A = arith.addf %get3A_1, %get3A_4 : vector<10112x128xf32>
    %slice3A = vector.extract_strided_slice %add3A {offsets = [0, 0], sizes = [10000, 128], strides = [1, 1]} : vector<10112x128xf32> to vector<10000x128xf32>
    %get3A_5 = arith.constant 0 : index
    %get3A_6 = arith.constant 0 : index
    %get3A_7 = vector.load %arg1[%get3A_5, %get3A_6] : memref<10112x128xf32, #tpu.memory_space<vmem>>, vector<10000x128xf32>
    %mul3A = arith.mulf %slice3A, %get3A_7 : vector<10000x128xf32>
    %get3A_8 = arith.constant 0 : index
    %get3A_9 = vector.load %arg2[%get3A_8] : memref<128xf32, #tpu.memory_space<vmem>>, vector<128xf32>
    %broadcast_in_dim3A = vector.shape_cast %get3A_9 : vector<128xf32> to vector<1x128xf32>
    %add3A_10 = vector.broadcast %broadcast_in_dim3A : vector<1x128xf32> to vector<10000x128xf32>
    %add3A_11 = arith.addf %mul3A, %add3A_10 : vector<10000x128xf32>
    %reduce_sum3A = arith.constant dense<0.000000e+00> : vector<128xf32>
    %reduce_sum3A_12 = vector.multi_reduction <add>, %add3A_11, %reduce_sum3A [0] : vector<10000x128xf32> to vector<128xf32>
    %div3A = arith.constant 1.000000e+04 : f32
    %div3A_13 = vector.broadcast %div3A : f32 to vector<128xf32>
    %div3A_14 = arith.divf %reduce_sum3A_12, %div3A_13 : vector<128xf32>
    %broadcast_in_dim3A_15 = vector.shape_cast %div3A_14 : vector<128xf32> to vector<1x128xf32>
    %sub3A = vector.broadcast %broadcast_in_dim3A_15 : vector<1x128xf32> to vector<10000x128xf32>
    %sub3A_16 = arith.subf %add3A_11, %sub3A : vector<10000x128xf32>
    %mul3A_17 = arith.mulf %sub3A_16, %sub3A_16 : vector<10000x128xf32>
    %reduce_sum3A_18 = arith.constant dense<0.000000e+00> : vector<128xf32>
    %reduce_sum3A_19 = vector.multi_reduction <add>, %mul3A_17, %reduce_sum3A_18 [0] : vector<10000x128xf32> to vector<128xf32>
    %div3A_20 = arith.constant 1.000000e+04 : f32
    %div3A_21 = vector.broadcast %div3A_20 : f32 to vector<128xf32>
    %div3A_22 = arith.divf %reduce_sum3A_19, %div3A_21 : vector<128xf32>
    %add3A_23 = arith.constant 9.99999974E-6 : f32
    %add3A_24 = vector.broadcast %add3A_23 : f32 to vector<128xf32>
    %add3A_25 = arith.addf %div3A_22, %add3A_24 : vector<128xf32>
    %rsqrt3A = math.rsqrt %add3A_25 : vector<128xf32>
    %broadcast_in_dim3A_26 = vector.shape_cast %rsqrt3A : vector<128xf32> to vector<1x128xf32>
    %mul3A_27 = vector.broadcast %broadcast_in_dim3A_26 : vector<1x128xf32> to vector<10000x128xf32>
    %mul3A_28 = arith.mulf %sub3A_16, %mul3A_27 : vector<10000x128xf32>
    %get3A_29 = arith.constant 0 : index
    %get3A_30 = vector.load %arg3[%get3A_29] : memref<128xf32, #tpu.memory_space<vmem>>, vector<128xf32>
    %broadcast_in_dim3A_31 = vector.shape_cast %get3A_30 : vector<128xf32> to vector<1x128xf32>
    %mul3A_32 = vector.broadcast %broadcast_in_dim3A_31 : vector<1x128xf32> to vector<10000x128xf32>
    %mul3A_33 = arith.mulf %mul3A_28, %mul3A_32 : vector<10000x128xf32>
    %get3A_34 = arith.constant 0 : index
    %get3A_35 = vector.load %arg4[%get3A_34] : memref<128xf32, #tpu.memory_space<vmem>>, vector<128xf32>
    %broadcast_in_dim3A_36 = vector.shape_cast %get3A_35 : vector<128xf32> to vector<1x128xf32>
    %add3A_37 = vector.broadcast %broadcast_in_dim3A_36 : vector<1x128xf32> to vector<10000x128xf32>
    %add3A_38 = arith.addf %mul3A_33, %add3A_37 : vector<10000x128xf32>
    %max3A = arith.constant 0.000000e+00 : f32
    %max3A_39 = vector.broadcast %max3A : f32 to vector<10000x128xf32>
    %max3A_40 = arith.maximumf %add3A_38, %max3A_39 : vector<10000x128xf32>
    %get3A_41 = arith.constant 0 : index
    %get3A_42 = arith.constant 0 : index
    %get3A_43 = vector.load %arg5[%get3A_41, %get3A_42] : memref<128x64xf32, #tpu.memory_space<vmem>>, vector<128x64xf32>
    %dot_general3A = arith.constant dense<0.000000e+00> : vector<10000x64xf32>
    %dot_general3A_44 = tpu.matmul %max3A_40, %get3A_43, %dot_general3A {dimension_numbers = #tpu.dot_dimension_numbers<[1], [0], [0], [1], [0, 0, 1, 1], [], []>, transpose_lhs_hint = false} : vector<10000x128xf32>, vector<128x64xf32>, vector<10000x64xf32> -> vector<10000x64xf32>
    %get3A_45 = arith.constant 0 : index
    %get3A_46 = arith.constant 0 : index
    %get3A_47 = vector.load %arg1[%get3A_45, %get3A_46] : memref<10112x128xf32, #tpu.memory_space<vmem>>, vector<10000x64xf32>
    %mul3A_48 = arith.mulf %dot_general3A_44, %get3A_47 : vector<10000x64xf32>
    %swap3A = arith.constant 0 : index
    %swap3A_49 = arith.constant 0 : index
    %swap3A_50 = vector.load %arg6[%swap3A, %swap3A_49] : memref<10112x64xf32, #tpu.memory_space<vmem>>, vector<10000x64xf32>
    tpu.vector_store %arg6[%swap3A, %swap3A_49], %mul3A_48 {strides = array<i32>} : memref<10112x64xf32, #tpu.memory_space<vmem>>, vector<10000x64xf32>,
    %broadcast_in_dim3A_51 = arith.constant 0.000000e+00 : f32
    %broadcast_in_dim3A_52 = vector.broadcast %broadcast_in_dim3A_51 : f32 to vector<112x64xf32>
    %swap3A_53 = arith.constant 10000 : index
    %swap3A_54 = arith.constant 0 : index
    %swap3A_55 = vector.load %arg6[%swap3A_53, %swap3A_54] : memref<10112x64xf32, #tpu.memory_space<vmem>>, vector<112x64xf32>
    tpu.vector_store %arg6[%swap3A_53, %swap3A_54], %broadcast_in_dim3A_52 {strides = array<i32>} : memref<10112x64xf32, #tpu.memory_space<vmem>>, vector<112x64xf32>,
    return
  }
}

module attributes {stable_mosaic.version = 14 : i64} {
  func.func @_tc3_body(%arg0: memref<20224x64xf32, #tpu.memory_space<vmem>>, %arg1: memref<10112x128xf32, #tpu.memory_space<vmem>>, %arg2: memref<64xf32, #tpu.memory_space<vmem>>, %arg3: memref<10000x64xf32, #tpu.memory_space<vmem>>) attributes {dimension_semantics = [], scalar_prefetch = 0 : i64, scratch_operands = 0 : i64, tpu.core_type = #tpu.core_type<tc>} {
    %get3A = arith.constant 0 : index
    %get3A_0 = arith.constant 0 : index
    %get3A_1 = vector.load %arg0[%get3A, %get3A_0] : memref<20224x64xf32, #tpu.memory_space<vmem>>, vector<10112x64xf32>
    %get3A_2 = arith.constant 10112 : index
    %get3A_3 = arith.constant 0 : index
    %get3A_4 = vector.load %arg0[%get3A_2, %get3A_3] : memref<20224x64xf32, #tpu.memory_space<vmem>>, vector<10112x64xf32>
    %add3A = arith.addf %get3A_1, %get3A_4 : vector<10112x64xf32>
    %slice3A = vector.extract_strided_slice %add3A {offsets = [0, 0], sizes = [10000, 64], strides = [1, 1]} : vector<10112x64xf32> to vector<10000x64xf32>
    %get3A_5 = arith.constant 0 : index
    %get3A_6 = arith.constant 0 : index
    %get3A_7 = vector.load %arg1[%get3A_5, %get3A_6] : memref<10112x128xf32, #tpu.memory_space<vmem>>, vector<10000x64xf32>
    %mul3A = arith.mulf %slice3A, %get3A_7 : vector<10000x64xf32>
    %get3A_8 = arith.constant 0 : index
    %get3A_9 = vector.load %arg2[%get3A_8] : memref<64xf32, #tpu.memory_space<vmem>>, vector<64xf32>
    %broadcast_in_dim3A = vector.shape_cast %get3A_9 : vector<64xf32> to vector<1x64xf32>
    %add3A_10 = vector.broadcast %broadcast_in_dim3A : vector<1x64xf32> to vector<10000x64xf32>
    %add3A_11 = arith.addf %mul3A, %add3A_10 : vector<10000x64xf32>
    %reduce_max3A = arith.constant dense<0xFF800000> : vector<10000xf32>
    %reduce_max3A_12 = vector.multi_reduction <maximumf>, %add3A_11, %reduce_max3A [1] : vector<10000x64xf32> to vector<10000xf32>
    %broadcast_in_dim3A_13 = vector.shape_cast %reduce_max3A_12 : vector<10000xf32> to vector<10000x1xf32>
    %sub3A = vector.broadcast %broadcast_in_dim3A_13 : vector<10000x1xf32> to vector<10000x64xf32>
    %sub3A_14 = arith.subf %add3A_11, %sub3A : vector<10000x64xf32>
    %exp3A = math.exp %sub3A_14 : vector<10000x64xf32>
    %reduce_sum3A = arith.constant dense<0.000000e+00> : vector<10000xf32>
    %reduce_sum3A_15 = vector.multi_reduction <add>, %exp3A, %reduce_sum3A [1] : vector<10000x64xf32> to vector<10000xf32>
    %broadcast_in_dim3A_16 = vector.shape_cast %reduce_sum3A_15 : vector<10000xf32> to vector<10000x1xf32>
    %log3A = math.log %broadcast_in_dim3A_16 : vector<10000x1xf32>
    %sub3A_17 = vector.broadcast %broadcast_in_dim3A_13 : vector<10000x1xf32> to vector<10000x64xf32>
    %sub3A_18 = arith.subf %add3A_11, %sub3A_17 : vector<10000x64xf32>
    %sub3A_19 = vector.broadcast %log3A : vector<10000x1xf32> to vector<10000x64xf32>
    %sub3A_20 = arith.subf %sub3A_18, %sub3A_19 : vector<10000x64xf32>
    %swap3A = arith.constant 0 : index
    %swap3A_21 = arith.constant 0 : index
    %swap3A_22 = vector.load %arg3[%swap3A, %swap3A_21] : memref<10000x64xf32, #tpu.memory_space<vmem>>, vector<10000x64xf32>
    tpu.vector_store %arg3[%swap3A, %swap3A_21], %sub3A_20 {strides = array<i32>} : memref<10000x64xf32, #tpu.memory_space<vmem>>, vector<10000x64xf32>,
    return
  }
}

</mosaic_0001>

<sc_bundles>
// kernel: kernel.10.cloned.1.call-start
scs
__scs_entry_jumppad:
0x0: {  	(pc) =	sbr.rel $0x88, $3  }
0x1: {  	(tag) =	ssettag $0x0;
	lr =	simm.s32 $0x1  }
0x2: {  	[smem:$0x3F95] =	sst lr;
	_ =	strace $0xD0000000  }
0x3: {  	_ = 	snop  }
0x4: {  	_ = 	snop  }
0x5: {  	_ = 	snop  }
0x6: {  	_ = 	snop  }
0x7: {  	_ = 	snop  }
__scs_overlays_trampoline_lowered:
0x8: {  	[smem:$0x3FA4] =	sst s0  }
0x9: {  	[smem:$0x3FA5] =	sst s1  }
0xa: {  	[smem:$0x3FA6] =	sst s2  }
0xb: {  	[smem:$0x3FA7] =	sst s3  }
0xc: {  	[smem:$0x3FA8] =	sst s4  }
0xd: {  	[smem:$0x3FA9] =	sst s5  }
0xe: {  	[smem:$0x3FAA] =	sst s6  }
0xf: {  	[smem:$0x3FAB] =	sst s7  }
0x10: {  	[smem:$0x3FAC] =	sst s8  }
0x11: {  	[smem:$0x3FAD] =	sst s9;
	s0 =	simm.s32 @!p0 $0x0  }
0x12: {  	s1 =	sld [smem:$0x3F93];
	s0 =	simm.s32 @p0 $0x1  }
0x13: {  	[smem:$0x3FAE] =	sst s0;
	s0 =	simm.s32 @!p1 $0x0  }
0x14: {  	s2 =	sld [smem:$0x3F92];
	s0 =	simm.s32 @p1 $0x1  }
0x15: {  	[smem:$0x3FAF] =	sst s0;
	s0 =	simm.s32 @!p2 $0x0  }
0x16: {  	s3 =	sld [smem:$0x3FDB];
	s0 =	simm.s32 @p2 $0x1  }
0x17: {  	s4 =	simm.s32 $0x1BF5;
	[smem:$0x3FB1] =	sst s0  }
0x18: {  	s0 =	sld [smem:$0x3F94];
	_ =	swait.ge [sflag:s4], $0x0  }
0x19: {  	s7 =	sld [smem:$0x3F95]  }
0x1a: {  	s8 =	sadd.s32 $0xFFFFE003, lr  }
0x1b: {  	s9 =	sadd.s32 $0xFFFFFEF7, lr;
	s5 =	simm.s32 $0xFFFFFFFF;
	p2 =	slt.u32 s8, $0xFFFFF086  }
0x1c: {  	p1 =	slt.u32 s9, $0xF7A;
	s5 =	simm.s32 @!p2 $0x0  }
0x1d: {  	s5 =	simm.s32 @p1 $0x1;
	p0 =	seq.s32 s7, s2  }
0x1e: {  	s7 =	smul.u32 @!p0 $0xF7A, s2;
	p2 =	seq.s32 @!p0 s5, $0x0  }
0x1f: {  	s9 =	smul.u32 $0xF7A, s1;
	s8 =	simm.s32 @!p0 $0x1BF5;
	p2 =	por !p2, p0  }
0x20: {  	[sflag:s8] =	ssyncset.s32 @!p0 $0xFFFFF086;
	s6 =	sadd.s32 @!p0 s3, s7;
	s7 =	simm.s32 @!p0 $0x108  }
0x21: {  	s3 =	sadd.s32 s3, s9;
	s6 =	sadd.s32 @!p0 $0x88, s6;
	s7 =	simm.s32 @p2 $0x1082  }
0x22: {  	[simem:s7], [sflag:s8] =	dma.local @!p0 [hbm:s6], $0xF7A  }
0x23: {  	s9 =	sor.u32 $0xD0000000, s2;
	s6 =	simm.s32 $0x108;
	_ =	swait.ge @!p0 [sflag:s8], $0x0  }
0x24: {  	s3 =	sadd.s32 $0x88, s3;
	s6 =	simm.s32 @!p1 $0x1082;
	[sflag:s4] =	ssyncset.s32 $0xFFFFF086  }
0x25: {  	[simem:s6], [sflag:s4] =	dma.local [hbm:s3], $0xF7A  }
0x26: {  	[smem:$0x3F95] =	sst s1;
	(tag) =	ssettag s2;
	_ =	strace s9  }
0x27: {  	s1 =	sld [smem:$0x3FA5]  }
0x28: {  	s2 =	sld [smem:$0x3FA6]  }
0x29: {  	s4 =	sld [smem:$0x3FA8]  }
0x2a: {  	p0 =	seq.s32 s5, $0x0;
	s5 =	sld [smem:$0x3FA9]  }
0x2b: {  	s6 =	sld [smem:$0x3FAA]  }
0x2c: {  	s7 =	sld [smem:$0x3FAB]  }
0x2d: {  	s3 =	simm.s32 $0x108;
	s8 =	sld [smem:$0x3FAC]  }
0x2e: {  	s3 =	simm.s32 @!p0 $0x1082;
	s9 =	sld [smem:$0x3FAD]  }
0x2f: {  	lr =	sadd.s32 s0, s3;
	s0 =	sld [smem:$0x3FA4]  }
0x30: {  	s3 =	sld [smem:$0x3FA7]  }
0x31: {  	[smem:$0x3FB0] =	sst s10  }
0x32: {  	s10 =	sld [smem:$0x3FAE];
	_ =	sdelay $0x3  }
0x33: {  	p0 =	seq.s32 s10, $0x1;
	s10 =	sld [smem:$0x3FB0];
	_ =	sdelay $0x3  }
0x34: {  	[smem:$0x3FB0] =	sst s10  }
0x35: {  	s10 =	sld [smem:$0x3FAF];
	_ =	sdelay $0x3  }
0x36: {  	p1 =	seq.s32 s10, $0x1;
	s10 =	sld [smem:$0x3FB0];
	_ =	sdelay $0x3  }
0x37: {  	[smem:$0x3FB0] =	sst s10  }
0x38: {  	s10 =	sld [smem:$0x3FB1]  }
0x39: {  	_ = 	snop;
	(pc) =	sbr.ind lr, $3  }
0x3a: {  	_ = 	snop  }
0x3b: {  	_ = 	snop  }
0x3c: {  	p2 =	seq.s32 s10, $0x1;
	s10 =	sld [smem:$0x3FB0]  }
0x3d: {  	_ =	shalt  }
0x3e: {  	_ =	shalt  }
0x3f: {  	_ =	shalt  }
0x40: {  	_ =	shalt  }
0x41: {  	_ =	shalt  }
0x42: {  	_ =	shalt  }
0x43: {  	_ =	shalt  }
0x44: {  	_ =	shalt  }
0x45: {  	_ =	shalt  }
0x46: {  	_ =	shalt  }
0x47: {  	_ =	shalt  }
0x48: {  	_ =	shalt  }
0x49: {  	_ =	shalt  }
0x4a: {  	_ =	shalt  }
0x4b: {  	_ =	shalt  }
0x4c: {  	_ =	shalt  }
0x4d: {  	_ =	shalt  }
0x4e: {  	_ =	shalt  }
0x4f: {  	_ =	shalt  }
0x50: {  	_ =	shalt  }
0x51: {  	_ =	shalt  }
0x52: {  	_ =	shalt  }
0x53: {  	_ =	shalt  }
0x54: {  	_ =	shalt  }
0x55: {  	_ =	shalt  }
0x56: {  	_ =	shalt  }
0x57: {  	_ =	shalt  }
0x58: {  	_ =	shalt  }
0x59: {  	_ =	shalt  }
0x5a: {  	_ =	shalt  }
0x5b: {  	_ =	shalt  }
0x5c: {  	_ =	shalt  }
0x5d: {  	_ =	shalt  }
0x5e: {  	_ =	shalt  }
0x5f: {  	_ =	shalt  }
0x60: {  	_ =	shalt  }
0x61: {  	_ =	shalt  }
0x62: {  	_ =	shalt  }
0x63: {  	_ =	shalt  }
0x64: {  	_ =	shalt  }
0x65: {  	_ =	shalt  }
0x66: {  	_ =	shalt  }
0x67: {  	_ =	shalt  }
0x68: {  	_ =	shalt  }
0x69: {  	_ =	shalt  }
0x6a: {  	_ =	shalt  }
0x6b: {  	_ =	shalt  }
0x6c: {  	_ =	shalt  }
0x6d: {  	_ =	shalt  }
0x6e: {  	_ =	shalt  }
0x6f: {  	_ =	shalt  }
0x70: {  	_ =	shalt  }
0x71: {  	_ =	shalt  }
0x72: {  	_ =	shalt  }
0x73: {  	_ =	shalt  }
0x74: {  	_ =	shalt  }
0x75: {  	_ =	shalt  }
0x76: {  	_ =	shalt  }
0x77: {  	_ =	shalt  }
0x78: {  	_ =	shalt  }
0x79: {  	_ =	shalt  }
0x7a: {  	_ =	shalt  }
0x7b: {  	_ =	shalt  }
0x7c: {  	_ =	shalt  }
0x7d: {  	_ =	shalt  }
0x7e: {  	_ =	shalt  }
0x7f: {  	_ =	shalt  }
0x80: {  	_ =	shalt  }
0x81: {  	_ =	shalt  }
0x82: {  	_ =	shalt  }
0x83: {  	_ =	shalt  }
0x84: {  	_ =	shalt  }
0x85: {  	_ =	shalt  }
0x86: {  	_ =	shalt  }
0x87: {  	_ =	shalt  }
.Lfunc_end0:
.L_simem_size_0:
called_computation_lowered:
.L_overlay_start_0:
0x88: {  	s2 =	sld [smem:$0x3FD9]  }
0x89: {  	s3 =	sld [smem:$0x3FFE];
	_ =	sdelay $0x1  }
0x8a: {  	s1 =	srdreg.scid  }
0x8b: {  	s0 =	sand.u32 $0x1, s1  }
0x8c: {  	s17 =	sshll.u32 s0, $0xA;
	s2 =	sadd.s32 s3, s2  }
0x8d: {  	s2 =	sadd.s32 s2, s17  }
0x8e: {  	[smem:$0x3FBC] =	sst s2  }
0x8f: {  	_ = 	snop  }
0x90: {  	s2 =	sld [smem:$0x3FD0];
	(tm) =	ssettm $0x1  }
0x91: {  	s18 =	sld [smem:$0x3FFB];
	_ =	sdelay $0x3  }
0x92: {  	_ =	strace s18  }
0x93: {  	s3 =	sld [smem:$0x3FFC];
	_ =	sdelay $0x3  }
0x94: {  	_ =	strace s3  }
0x95: {  	s3 =	sld [smem:$0x3FFD];
	_ =	sdelay $0x3  }
0x96: {  	_ =	strace s3  }
0x97: {  	_ =	strace $0x8FFFFFFF  }
0x98: {  	s19 =	sld [smem:$0x3FDB];
	_ =	sdelay $0x1  }
0x99: {  	s4 =	simm.s32 $_scs_section_size  }
0x9a: {  	s5 =	simm.s32 $_size__tile_overlayer_lowered;
	s6 =	simm.s32 $_tile_overlayer_lowered  }
0x9b: {  	s22 =	simm.s32 $0x1BFF;
	s21 =	sshll.u32 s6, $0x1;
	s3 =	sadd.s32 s4, s19  }
0x9c: {  	s7 =	simm.s32 $0x0;
	s20 =	sshll.u32 s5, $0x1;
	s5 =	sadd.s32 s21, s3  }
0x9d: {  	[timem:s7], [sflag:s22] =	dma.local [hbm:s5], s20  }
0x9e: {  	_ =	swait.ge [sflag:s22], s20  }
0x9f: {  	s4 =	ssub.s32 $0x0, s20;
	[sflag:s22] =	ssyncset.done $0x0  }
0xa0: {  	[sflag:s22] =	ssyncadd.s32 s4;
	_ =	sdelay $0x1  }
0xa1: {  	s23 =	simm.s32 $0x1B8B  }
0xa2: {  	_ =	swait.ge [sflag:s23], $0x1  }
0xa3: {  	[sflag:s23] =	ssyncset.done $0x0  }
0xa4: {  	s25 =	simm.s32 $0x1B8E;
	s24 =	sld [smem:$0x3FFE];
	[sflag:s23] =	ssyncadd.s32 $0xFFFFFFFF  }
0xa5: {  	s26 =	simm.s32 $execute0_lowered;
	[smem:$0x3FD2] =	sst s25  }
0xa6: {  	s5 =	sshll.u32 s26, $0x1;
	_ =	strace $0x80000046;
	[dreg:$0x1] =	wrdreg $0xFFFFFFFF  }
0xa7: {  	s28 =	simm.s32 $_size_execute0_lowered;
	s3 =	sadd.s32 s3, s5;
	[dreg:$0x0] =	wrdreg $0x0  }
0xa8: {  	s5 =	sshll.u32 s28, $0x1;
	[dreg:$0x2] =	wrdreg s3  }
0xa9: {  	[dreg:$0x3] =	wrdreg s5  }
0xaa: {  	[dreg:$0x4] =	wrdreg $0xC0  }
0xab: {  	_ =	task [dreg:s7], $0x5FFFF  }
0xac: {  	[dreg:$0x1] =	wrdreg $0xFFFFFFFF  }
0xad: {  	[dreg:$0x0] =	wrdreg $0x60  }
0xae: {  	[dreg:$0x2] =	wrdreg s24  }
0xaf: {  	[dreg:$0x3] =	wrdreg s2  }
0xb0: {  	[dreg:$0x4] =	wrdreg $0x0  }
0xb1: {  	[dreg:$0x5] =	wrdreg $0x9  }
0xb2: {  	_ =	task.clear_ibuf [dreg:s7], $0x6FFFF;
	_ =	strace $0x90000046  }
0xb3: {  	s29 =	simm.s32 $0x9;
	_ =	strace $0x80000048  }
0xb4: {  	_ =	swait.ge [sflag:s29], $0x1  }
0xb5: {  	[sflag:s29] =	ssyncadd.s32 $0xFFFFFFFF  }
0xb6: {  	_ =	strace $0x90000048  }
0xb7: {  	_ =	sfence  }
0xb8: {  	s30 =	sld [smem:$0x0];
	_ =	sdelay $0x2  }
0xb9: {  	s31 =	sshll.u32 s1, $0xD;
	s1 =	sshrl.u32 s1, $0x2  }
0xba: {  	s3 =	sand.u32 $0x4000, s31;
	s1 =	sadd.s32 s1, s30  }
0xbb: {  	s0 =	sor.u32 s3, s0;
	s1 =	sshll.u32 s1, $0x11  }
0xbc: {  	s0 =	sor.u32 s1, s0  }
0xbd: {  	s0 =	sadd.s32 $0x8F2B, s0  }
0xbe: {  	[sflag:s0] =	ssyncadd.remote.s32 $0x1  }
0xbf: {  	_ =	sfence.sel $0xFFFF  }
0xc0: {  	[dreg:$0x0] =	wrdreg $0xFFFFFFFF;
	(pc) =	sbr.abs _section_cstart, $3  }
0xc1: {  	[dreg:$0x1] =	wrdreg $0xFFFFFFFF  }
0xc2: {  	_ =	task.clear_ibuf [dreg:s7], $0x2FFFF;
	_ =	strace $0x9FFFFFFF  }
0xc3: {  	(tm) =	ssettm $0x7FFFFFFF  }
tec
execute0_lowered:
.L_overlay_start_1:
0x0: {  	(tag) =	ssettag $0x1  }
0x1: {  	s5 =	rddreg [dreg:$0x0]  }
0x2: {  	s6 =	rddreg [dreg:$0x1]  }
0x3: {  	s0 =	srdreg.scid;
	s2 =	rddreg [dreg:$0x2]  }
0x4: {  	s3 =	simm.s32 $0x0;
	s10 =	simm.s32 $0x2B78;
	s11 =	simm.s32 $0x80  }
0x5: {  	s12 =	simm.s32 $0x2AF8;
	s4 =	sand.u32 $0x1, s0;
	s0 =	stileid.u32  }
0x6: {  	s15 =	simm.s32 $0x0;
	[smem:$0x7FF] =	sst s3;
	s8 =	smul.u32 $0x278, s0  }
0x7: {  	s1 =	sshll.u32 s4, $0x4;
	s9 =	smul.u32 $0x2780, s4;
	s4 =	ssub.s32 $0x2, s4  }
0x8: {  	s13 =	sshll.u32 s0, $0x6;
	s1 =	sor.u32 s0, s1;
	s31 =	sshrl.u32 s4, $0x1  }
0x9: {  	s13 =	sor.u32 $0x1C01, s13;
	s7 =	smul.u32 $0x510, s1;
	s9 =	sadd.s32 s8, s9  }
0xa: {  	s1 =	rddreg [dreg:$0x3];
	_ =	strace $0x80000047;
	s9 =	sshrl.u32 s9, $0x3  }
0xb: {  	s5 =	sadd.s32 s7, s5;
	s7 =	ssub.s32 s4, s31;
	s6 =	sadd.s32 s6, s9  }
0xc: {  	s9 =	simm.s32 $0x1;
	s4 =	sadd.s32 $0x3000, s5;
	s5 =	sadd.s32 s8, s2  }
0xd: {  	v0 =	vimm.f32 $1.000000000e+00;
	v1 =	vimm.f32 $0.0e+00;
	s7 =	smax.u32 s7, $0x1;
	s8 =	simm.s32 $0x278;
	s14 =	sshrl.u32 s5, $0x3  }
.LBB2_1:
0xe: {  	[tilespmem:s8], [sflag:$0x1] =	stream.linear.gather [hbm4b:s4+s3], $0x2880, $0x38;
	[tilespmem:$0x2DF8] =	vst v63  }
0xf: {  	_ =	swait.ge [sflag:s9], $0x2880  }
0x10: {  	[sflag:s9] =	ssyncset.done $0x0  }
0x11: {  	[sflag:s9] =	ssyncadd.s32 $0xFFFFD780  }
0x12: {  	[tilespmem:$0x2AF8] =	vst v0  }
0x13: {  	[tilespmem:$0x2B08] =	vst v0  }
0x14: {  	[tilespmem:$0x2B18] =	vst v0  }
0x15: {  	[tilespmem:$0x2B28] =	vst v0  }
0x16: {  	[tilespmem:$0x2B38] =	vst v0  }
0x17: {  	[tilespmem:$0x2B48] =	vst v0  }
0x18: {  	[tilespmem:$0x2B58] =	vst v0  }
0x19: {  	[tilespmem:$0x2B68] =	vst v0  }
0x1a: {  	[tilespmem:$0x2B78] =	vst v1  }
0x1b: {  	[tilespmem:$0x2B88] =	vst v1  }
0x1c: {  	[tilespmem:$0x2B98] =	vst v1  }
0x1d: {  	[tilespmem:$0x2BA8] =	vst v1  }
0x1e: {  	[tilespmem:$0x2BB8] =	vst v1  }
0x1f: {  	[tilespmem:$0x2BC8] =	vst v1  }
0x20: {  	[tilespmem:$0x2BD8] =	vst v1  }
0x21: {  	[tilespmem:$0x2BE8] =	vst v1  }
0x22: {  	[tilespmem:$0x2BF8] =	vst v1  }
0x23: {  	[tilespmem:$0x2C08] =	vst v1  }
0x24: {  	[tilespmem:$0x2C18] =	vst v1  }
0x25: {  	[tilespmem:$0x2C28] =	vst v1  }
0x26: {  	[tilespmem:$0x2C38] =	vst v1  }
0x27: {  	[tilespmem:$0x2C48] =	vst v1  }
0x28: {  	[tilespmem:$0x2C58] =	vst v1  }
0x29: {  	[tilespmem:$0x2C68] =	vst v1  }
0x2a: {  	[tilespmem:$0x2C78] =	vst v1  }
0x2b: {  	[tilespmem:$0x2C88] =	vst v1  }
0x2c: {  	[tilespmem:$0x2C98] =	vst v1  }
0x2d: {  	[tilespmem:$0x2CA8] =	vst v1  }
0x2e: {  	[tilespmem:$0x2CB8] =	vst v1  }
0x2f: {  	[tilespmem:$0x2CC8] =	vst v1  }
0x30: {  	[tilespmem:$0x2CD8] =	vst v1  }
0x31: {  	[tilespmem:$0x2CE8] =	vst v1  }
0x32: {  	[tilespmem:$0x2CF8] =	vst v1  }
0x33: {  	[tilespmem:$0x2D08] =	vst v1  }
0x34: {  	[tilespmem:$0x2D18] =	vst v1  }
0x35: {  	[tilespmem:$0x2D28] =	vst v1  }
0x36: {  	[tilespmem:$0x2D38] =	vst v1  }
0x37: {  	[tilespmem:$0x2D48] =	vst v1  }
0x38: {  	[tilespmem:$0x2D58] =	vst v1  }
0x39: {  	[tilespmem:$0x2D68] =	vst v1  }
0x3a: {  	[tilespmem:$0x2D78] =	vst v1  }
0x3b: {  	[tilespmem:$0x2D88] =	vst v1  }
0x3c: {  	[tilespmem:$0x2D98] =	vst v1  }
0x3d: {  	[tilespmem:$0x2DA8] =	vst v1  }
0x3e: {  	[tilespmem:$0x2DB8] =	vst v1  }
0x3f: {  	[tilespmem:$0x2DC8] =	vst v1  }
0x40: {  	[tilespmem:$0x2DD8] =	vst v1  }
0x41: {  	[tilespmem:$0x2DE8] =	vst v1  }
0x42: {  	[spmem:s5] =	stream.linear.scatter [tilespmem:s10], [sflag:$0x1], $0x278, $0x38;
	[tilespmem:$0x2DF8] =	vst v63  }
0x43: {  	_ =	swait.ge [sflag:s9], $0x278  }
0x44: {  	[sflag:s9] =	ssyncset.done $0x0  }
0x45: {  	[sflag:s9] =	ssyncadd.s32 $0xFFFFFD88  }
0x46: {  	s16 =	simm.s32 $0x278;
	[bflag:$0x0] =	sbarrier.arrive $0xFFFF  }
0x47: {  	[spmem:s2] =	stream.indirect.scatter.add.f32 [tilespmem:s12], [sflag:$0x1], $0x1, s16, s11, $0xb8;
	[tilespmem:$0x2DF8] =	vst v63  }
0x48: {  	s16 =	simm.s32 $0x200;
	_ =	swait.ge [sflag:s9], $0x80  }
.LBB2_2:
0x49: {  	s17 =	sshra.s32 s16, $0x2;
	[sflag:s9] =	ssyncset.done $0x0;
	p0 =	sne.s32 s16, $0xA000  }
.Ltmp0:
0x4a: {  	s17 =	sadd.s32 $0x278, s17;
	[sflag:s9] =	ssyncadd.s32 $0xFFFFFF80;
	(pc) =	sbr.rel @p0 .LBB2_2-.Ltmp0, $3  }
0x4b: {  	[spmem:s2] =	stream.indirect.scatter.add.f32 [tilespmem:s12], [sflag:$0x1], $0x1, s17, s11, $0xb8;
	[tilespmem:$0x2DF8] =	vst v63  }
0x4c: {  	s16 =	sadd.s32 $0x200, s16;
	_ =	sdelay $0x1  }
0x4d: {  	_ =	swait.ge [sflag:s9], $0x80  }
0x4e: {  	[sflag:s9] =	ssyncset.done $0x0;
	s15 =	sadd.s32 $0x1, s15  }
0x4f: {  	[sflag:s9] =	ssyncadd.s32 $0xFFFFFF80;
	p0 =	sne.s32 s15, s7  }
.Ltmp1:
0x50: {  	[bflag:$0x0] =	sbarrier.arrive $0xFFFF;
	(pc) =	sbr.rel @p0 .LBB2_1-.Ltmp1, $4  }
0x51: {  	[hbm:s6], [sflag:s13] =	dma.local [spmem:s14], $0x4F  }
0x52: {  	_ =	swait.ge [sflag:s9], $0x4F  }
0x53: {  	[sflag:s9] =	ssyncset.done $0x0  }
0x54: {  	[sflag:s9] =	ssyncadd.s32 $0xFFFFFFB1  }
0x55: {  	_ =	sfence.sel $0x180000  }
0x56: {  	[bflag:$0x0] =	sbarrier.arrive $0xFFFF  }
0x57: {  	p0 =	sne.s32 s0, $0x0;
	_ =	strace $0x90000047  }
0x58: {  	s0 =	sadd.s32 @!p0 $0x100000, s1;
	[bflag:$0x2] =	sbarrier.arrive $0xFFFF  }
0x59: {  	[sflag:s0] =	ssyncadd.tile.s32 @!p0 $0x1;
	_ =	shalt  }
.Lfunc_end2:
_tile_overlayer_lowered:
.L_overlay_start_2:
0x5a: {  	(tag) =	ssettag $0x2  }
0x5b: {  	s0 =	rddreg [dreg:$0x0];
	s2 =	stileid.u32  }
0x5c: {  	s1 =	rddreg [dreg:$0x1];
	p0 =	sne.s32 s2, $0x0  }
0x5d: {  	s3 =	rddreg [dreg:$0x2];
	[bflag:$0x3] =	sbarrier.arrive $0xFFFF;
	s2 =	simm.s32 @!p0 $0x1C01  }
0x5e: {  	[timem:s3], [sflag:s2] =	dma.local @!p0 [hbm:s0], s1  }
0x5f: {  	s0 =	simm.s32 @!p0 $0x1  }
0x60: {  	_ =	swait.ge @!p0 [sflag:s0], s1  }
0x61: {  	s1 =	ssub.s32 @!p0 $0x0, s1;
	[sflag:s0] =	ssyncset.done @!p0 $0x0  }
0x62: {  	[sflag:s0] =	ssyncadd.s32 @!p0 s1  }
0x63: {  	[bflag:$0x3] =	sbarrier.arrive $0xFFFF  }
0x64: {  	_ =	shalt  }

// kernel: kernel.13.cloned.1.call-start
scs
__scs_entry_jumppad:
0x0: {  	(pc) =	sbr.rel $0x88, $3  }
0x1: {  	(tag) =	ssettag $0x0;
	lr =	simm.s32 $0x1  }
0x2: {  	[smem:$0x3F95] =	sst lr;
	_ =	strace $0xD0000000  }
0x3: {  	_ = 	snop  }
0x4: {  	_ = 	snop  }
0x5: {  	_ = 	snop  }
0x6: {  	_ = 	snop  }
0x7: {  	_ = 	snop  }
__scs_overlays_trampoline_lowered:
0x8: {  	[smem:$0x3FA4] =	sst s0  }
0x9: {  	[smem:$0x3FA5] =	sst s1  }
0xa: {  	[smem:$0x3FA6] =	sst s2  }
0xb: {  	[smem:$0x3FA7] =	sst s3  }
0xc: {  	[smem:$0x3FA8] =	sst s4  }
0xd: {  	[smem:$0x3FA9] =	sst s5  }
0xe: {  	[smem:$0x3FAA] =	sst s6  }
0xf: {  	[smem:$0x3FAB] =	sst s7  }
0x10: {  	[smem:$0x3FAC] =	sst s8  }
0x11: {  	[smem:$0x3FAD] =	sst s9;
	s0 =	simm.s32 @!p0 $0x0  }
0x12: {  	s1 =	sld [smem:$0x3F93];
	s0 =	simm.s32 @p0 $0x1  }
0x13: {  	[smem:$0x3FAE] =	sst s0;
	s0 =	simm.s32 @!p1 $0x0  }
0x14: {  	s2 =	sld [smem:$0x3F92];
	s0 =	simm.s32 @p1 $0x1  }
0x15: {  	[smem:$0x3FAF] =	sst s0;
	s0 =	simm.s32 @!p2 $0x0  }
0x16: {  	s3 =	sld [smem:$0x3FDB];
	s0 =	simm.s32 @p2 $0x1  }
0x17: {  	s4 =	simm.s32 $0x1BF5;
	[smem:$0x3FB1] =	sst s0  }
0x18: {  	s0 =	sld [smem:$0x3F94];
	_ =	swait.ge [sflag:s4], $0x0  }
0x19: {  	s7 =	sld [smem:$0x3F95]  }
0x1a: {  	s8 =	sadd.s32 $0xFFFFE003, lr  }
0x1b: {  	s9 =	sadd.s32 $0xFFFFFEF7, lr;
	s5 =	simm.s32 $0xFFFFFFFF;
	p2 =	slt.u32 s8, $0xFFFFF086  }
0x1c: {  	p1 =	slt.u32 s9, $0xF7A;
	s5 =	simm.s32 @!p2 $0x0  }
0x1d: {  	s5 =	simm.s32 @p1 $0x1;
	p0 =	seq.s32 s7, s2  }
0x1e: {  	s7 =	smul.u32 @!p0 $0xF7A, s2;
	p2 =	seq.s32 @!p0 s5, $0x0  }
0x1f: {  	s9 =	smul.u32 $0xF7A, s1;
	s8 =	simm.s32 @!p0 $0x1BF5;
	p2 =	por !p2, p0  }
0x20: {  	[sflag:s8] =	ssyncset.s32 @!p0 $0xFFFFF086;
	s6 =	sadd.s32 @!p0 s3, s7;
	s7 =	simm.s32 @!p0 $0x108  }
0x21: {  	s3 =	sadd.s32 s3, s9;
	s6 =	sadd.s32 @!p0 $0x88, s6;
	s7 =	simm.s32 @p2 $0x1082  }
0x22: {  	[simem:s7], [sflag:s8] =	dma.local @!p0 [hbm:s6], $0xF7A  }
0x23: {  	s9 =	sor.u32 $0xD0000000, s2;
	s6 =	simm.s32 $0x108;
	_ =	swait.ge @!p0 [sflag:s8], $0x0  }
0x24: {  	s3 =	sadd.s32 $0x88, s3;
	s6 =	simm.s32 @!p1 $0x1082;
	[sflag:s4] =	ssyncset.s32 $0xFFFFF086  }
0x25: {  	[simem:s6], [sflag:s4] =	dma.local [hbm:s3], $0xF7A  }
0x26: {  	[smem:$0x3F95] =	sst s1;
	(tag) =	ssettag s2;
	_ =	strace s9  }
0x27: {  	s1 =	sld [smem:$0x3FA5]  }
0x28: {  	s2 =	sld [smem:$0x3FA6]  }
0x29: {  	s4 =	sld [smem:$0x3FA8]  }
0x2a: {  	p0 =	seq.s32 s5, $0x0;
	s5 =	sld [smem:$0x3FA9]  }
0x2b: {  	s6 =	sld [smem:$0x3FAA]  }
0x2c: {  	s7 =	sld [smem:$0x3FAB]  }
0x2d: {  	s3 =	simm.s32 $0x108;
	s8 =	sld [smem:$0x3FAC]  }
0x2e: {  	s3 =	simm.s32 @!p0 $0x1082;
	s9 =	sld [smem:$0x3FAD]  }
0x2f: {  	lr =	sadd.s32 s0, s3;
	s0 =	sld [smem:$0x3FA4]  }
0x30: {  	s3 =	sld [smem:$0x3FA7]  }
0x31: {  	[smem:$0x3FB0] =	sst s10  }
0x32: {  	s10 =	sld [smem:$0x3FAE];
	_ =	sdelay $0x3  }
0x33: {  	p0 =	seq.s32 s10, $0x1;
	s10 =	sld [smem:$0x3FB0];
	_ =	sdelay $0x3  }
0x34: {  	[smem:$0x3FB0] =	sst s10  }
0x35: {  	s10 =	sld [smem:$0x3FAF];
	_ =	sdelay $0x3  }
0x36: {  	p1 =	seq.s32 s10, $0x1;
	s10 =	sld [smem:$0x3FB0];
	_ =	sdelay $0x3  }
0x37: {  	[smem:$0x3FB0] =	sst s10  }
0x38: {  	s10 =	sld [smem:$0x3FB1]  }
0x39: {  	_ = 	snop;
	(pc) =	sbr.ind lr, $3  }
0x3a: {  	_ = 	snop  }
0x3b: {  	_ = 	snop  }
0x3c: {  	p2 =	seq.s32 s10, $0x1;
	s10 =	sld [smem:$0x3FB0]  }
0x3d: {  	_ =	shalt  }
0x3e: {  	_ =	shalt  }
0x3f: {  	_ =	shalt  }
0x40: {  	_ =	shalt  }
0x41: {  	_ =	shalt  }
0x42: {  	_ =	shalt  }
0x43: {  	_ =	shalt  }
0x44: {  	_ =	shalt  }
0x45: {  	_ =	shalt  }
0x46: {  	_ =	shalt  }
0x47: {  	_ =	shalt  }
0x48: {  	_ =	shalt  }
0x49: {  	_ =	shalt  }
0x4a: {  	_ =	shalt  }
0x4b: {  	_ =	shalt  }
0x4c: {  	_ =	shalt  }
0x4d: {  	_ =	shalt  }
0x4e: {  	_ =	shalt  }
0x4f: {  	_ =	shalt  }
0x50: {  	_ =	shalt  }
0x51: {  	_ =	shalt  }
0x52: {  	_ =	shalt  }
0x53: {  	_ =	shalt  }
0x54: {  	_ =	shalt  }
0x55: {  	_ =	shalt  }
0x56: {  	_ =	shalt  }
0x57: {  	_ =	shalt  }
0x58: {  	_ =	shalt  }
0x59: {  	_ =	shalt  }
0x5a: {  	_ =	shalt  }
0x5b: {  	_ =	shalt  }
0x5c: {  	_ =	shalt  }
0x5d: {  	_ =	shalt  }
0x5e: {  	_ =	shalt  }
0x5f: {  	_ =	shalt  }
0x60: {  	_ =	shalt  }
0x61: {  	_ =	shalt  }
0x62: {  	_ =	shalt  }
0x63: {  	_ =	shalt  }
0x64: {  	_ =	shalt  }
0x65: {  	_ =	shalt  }
0x66: {  	_ =	shalt  }
0x67: {  	_ =	shalt  }
0x68: {  	_ =	shalt  }
0x69: {  	_ =	shalt  }
0x6a: {  	_ =	shalt  }
0x6b: {  	_ =	shalt  }
0x6c: {  	_ =	shalt  }
0x6d: {  	_ =	shalt  }
0x6e: {  	_ =	shalt  }
0x6f: {  	_ =	shalt  }
0x70: {  	_ =	shalt  }
0x71: {  	_ =	shalt  }
0x72: {  	_ =	shalt  }
0x73: {  	_ =	shalt  }
0x74: {  	_ =	shalt  }
0x75: {  	_ =	shalt  }
0x76: {  	_ =	shalt  }
0x77: {  	_ =	shalt  }
0x78: {  	_ =	shalt  }
0x79: {  	_ =	shalt  }
0x7a: {  	_ =	shalt  }
0x7b: {  	_ =	shalt  }
0x7c: {  	_ =	shalt  }
0x7d: {  	_ =	shalt  }
0x7e: {  	_ =	shalt  }
0x7f: {  	_ =	shalt  }
0x80: {  	_ =	shalt  }
0x81: {  	_ =	shalt  }
0x82: {  	_ =	shalt  }
0x83: {  	_ =	shalt  }
0x84: {  	_ =	shalt  }
0x85: {  	_ =	shalt  }
0x86: {  	_ =	shalt  }
0x87: {  	_ =	shalt  }
.Lfunc_end0:
.L_simem_size_0:
called_computation.1_lowered:
.L_overlay_start_0:
0x88: {  	s2 =	sld [smem:$0x3FD9]  }
0x89: {  	s3 =	sld [smem:$0x3FFE];
	_ =	sdelay $0x1  }
0x8a: {  	s1 =	srdreg.scid  }
0x8b: {  	s0 =	sand.u32 $0x1, s1  }
0x8c: {  	s16 =	sshll.u32 s0, $0xA;
	s2 =	sadd.s32 s3, s2  }
0x8d: {  	s2 =	sadd.s32 s2, s16  }
0x8e: {  	[smem:$0x3FBC] =	sst s2  }
0x8f: {  	_ = 	snop  }
0x90: {  	(tm) =	ssettm $0x1  }
0x91: {  	s17 =	sld [smem:$0x3FFB];
	_ =	sdelay $0x3  }
0x92: {  	_ =	strace s17  }
0x93: {  	s2 =	sld [smem:$0x3FFC];
	_ =	sdelay $0x3  }
0x94: {  	_ =	strace s2  }
0x95: {  	s2 =	sld [smem:$0x3FFD];
	_ =	sdelay $0x3  }
0x96: {  	_ =	strace s2  }
0x97: {  	_ =	strace $0x8FFFFFFF  }
0x98: {  	s18 =	sld [smem:$0x3FDB];
	_ =	sdelay $0x1  }
0x99: {  	s19 =	simm.s32 $_scs_section_size  }
0x9a: {  	s4 =	simm.s32 $_size__tile_overlayer_lowered;
	s5 =	simm.s32 $_tile_overlayer_lowered  }
0x9b: {  	s22 =	simm.s32 $0x1BFF;
	s21 =	sshll.u32 s5, $0x1;
	s2 =	sadd.s32 s19, s18  }
0x9c: {  	s6 =	simm.s32 $0x0;
	s20 =	sshll.u32 s4, $0x1;
	s4 =	sadd.s32 s21, s2  }
0x9d: {  	[timem:s6], [sflag:s22] =	dma.local [hbm:s4], s20  }
0x9e: {  	_ =	swait.ge [sflag:s22], s20  }
0x9f: {  	s3 =	ssub.s32 $0x0, s20;
	[sflag:s22] =	ssyncset.done $0x0  }
0xa0: {  	[sflag:s22] =	ssyncadd.s32 s3;
	_ =	sdelay $0x1  }
0xa1: {  	s23 =	simm.s32 $0x1B8B  }
0xa2: {  	_ =	swait.ge [sflag:s23], $0x1  }
0xa3: {  	[sflag:s23] =	ssyncset.done $0x0  }
0xa4: {  	s25 =	simm.s32 $0x1B8E;
	s24 =	sld [smem:$0x3FFE];
	[sflag:s23] =	ssyncadd.s32 $0xFFFFFFFF  }
0xa5: {  	s26 =	simm.s32 $execute0_lowered;
	[smem:$0x3FD2] =	sst s25  }
0xa6: {  	s4 =	sshll.u32 s26, $0x1;
	_ =	strace $0x80000049;
	[dreg:$0x1] =	wrdreg $0xFFFFFFFF  }
0xa7: {  	s28 =	simm.s32 $_size_execute0_lowered;
	s2 =	sadd.s32 s2, s4;
	[dreg:$0x0] =	wrdreg $0x0  }
0xa8: {  	s4 =	sshll.u32 s28, $0x1;
	[dreg:$0x2] =	wrdreg s2  }
0xa9: {  	[dreg:$0x3] =	wrdreg s4  }
0xaa: {  	[dreg:$0x4] =	wrdreg $0xC0  }
0xab: {  	_ =	task [dreg:s6], $0x5FFFF  }
0xac: {  	[dreg:$0x1] =	wrdreg $0xFFFFFFFF  }
0xad: {  	[dreg:$0x0] =	wrdreg $0x60  }
0xae: {  	[dreg:$0x2] =	wrdreg s24  }
0xaf: {  	[dreg:$0x3] =	wrdreg $0x0  }
0xb0: {  	[dreg:$0x4] =	wrdreg $0x9  }
0xb1: {  	_ =	task.clear_ibuf [dreg:s6], $0x5FFFF;
	_ =	strace $0x90000049  }
0xb2: {  	s29 =	simm.s32 $0x9;
	_ =	strace $0x8000004B  }
0xb3: {  	_ =	swait.ge [sflag:s29], $0x1  }
0xb4: {  	[sflag:s29] =	ssyncadd.s32 $0xFFFFFFFF  }
0xb5: {  	_ =	strace $0x9000004B  }
0xb6: {  	_ =	sfence  }
0xb7: {  	s30 =	sld [smem:$0x0];
	_ =	sdelay $0x2  }
0xb8: {  	s31 =	sshll.u32 s1, $0xD;
	s1 =	sshrl.u32 s1, $0x2  }
0xb9: {  	s3 =	sand.u32 $0x4000, s31;
	s1 =	sadd.s32 s1, s30  }
0xba: {  	s0 =	sor.u32 s3, s0;
	s1 =	sshll.u32 s1, $0x11  }
0xbb: {  	s0 =	sor.u32 s1, s0  }
0xbc: {  	s0 =	sadd.s32 $0x8F2B, s0  }
0xbd: {  	[sflag:s0] =	ssyncadd.remote.s32 $0x1  }
0xbe: {  	_ =	sfence.sel $0xFFFF  }
0xbf: {  	[dreg:$0x0] =	wrdreg $0xFFFFFFFF;
	(pc) =	sbr.abs _section_cstart, $3  }
0xc0: {  	[dreg:$0x1] =	wrdreg $0xFFFFFFFF  }
0xc1: {  	_ =	task.clear_ibuf [dreg:s6], $0x2FFFF;
	_ =	strace $0x9FFFFFFF  }
0xc2: {  	(tm) =	ssettm $0x7FFFFFFF  }
0xc3: {  	_ =	shalt  }
tec
execute0_lowered:
.L_overlay_start_1:
0x0: {  	(tag) =	ssettag $0x1  }
0x1: {  	s0 =	rddreg [dreg:$0x0]  }
0x2: {  	s2 =	rddreg [dreg:$0x1]  }
0x3: {  	s1 =	srdreg.scid;
	s12 =	stileid.u32  }
0x4: {  	s3 =	simm.s32 $0x0;
	s28 =	simm.s32 $0x4;
	s4 =	smul.u32 $0x2780, s12  }
0x5: {  	s29 =	simm.s32 $0x80;
	s1 =	sand.u32 $0x1, s1;
	s7 =	smul.u32 $0x4F000, s12  }
0x6: {  	s31 =	simm.s32 $0x5;
	s30 =	simm.s32 $0x1FE80;
	s5 =	smul.u32 $0x27800, s1  }
0x7: {  	[smem:$0x7FF] =	sst s3;
	s6 =	sadd.s32 $0xD200, s0;
	s8 =	sadd.s32 $0x3000, s0  }
0x8: {  	s24 =	smul.u32 $0x510, s12;
	s7 =	sshrl.u32 s7, $0x2;
	s5 =	sadd.s32 s4, s5  }
0x9: {  	s4 =	sadd.s32 $0x17400, s0;
	s0 =	sadd.s32 s5, s0;
	s5 =	sadd.s32 s7, s2  }
0xa: {  	_ =	strace $0x8000004A;
	s9 =	ssub.s32 $0x2, s1;
	s13 =	sadd.s32 $0x2780, s5  }
0xb: {  	s11 =	sshll.u32 s1, $0x4;
	s15 =	sadd.s32 $0x4F00, s5;
	[dreg:$0x4] =	wrdreg s13  }
0xc: {  	s1 =	smul.u32 $0x5100, s1;
	s16 =	sadd.s32 $0x7680, s5;
	[dreg:$0x5] =	wrdreg s15  }
0xd: {  	s10 =	sshrl.u32 s9, $0x1;
	s18 =	sadd.s32 $0x9E00, s5;
	[dreg:$0x6] =	wrdreg s16  }
0xe: {  	s11 =	sor.u32 s12, s11;
	s19 =	sadd.s32 $0xC580, s5;
	[dreg:$0x7] =	wrdreg s18  }
0xf: {  	s14 =	smul.u32 $0x510, s11;
	s20 =	sadd.s32 $0xED00, s5;
	[dreg:$0x8] =	wrdreg s19  }
0x10: {  	s17 =	smul.u32 $0x2880, s11;
	s21 =	sadd.s32 $0x11480, s5;
	[dreg:$0x9] =	wrdreg s20  }
0x11: {  	s7 =	ssub.s32 s9, s10;
	s22 =	sadd.s32 s6, s14;
	[dreg:$0xa] =	wrdreg s21  }
0x12: {  	s10 =	sshrl.u32 s17, $0x3;
	s9 =	sadd.s32 s8, s14;
	[dreg:$0xb] =	wrdreg s22  }
0x13: {  	s0 =	sadd.s32 $0x3EC00, s0;
	s23 =	sadd.s32 $0x10, s10;
	[dreg:$0xe] =	wrdreg s9  }
0x14: {  	s10 =	sadd.s32 s6, s10;
	[dreg:$0x10] =	wrdreg s0;
	s19 =	smax.u32 s7, $0x1  }
0x15: {  	s21 =	simm.s32 $0x13C00;
	s22 =	simm.s32 $0xD;
	s0 =	simm.s32 $0x1BC00  }
0x16: {  	s7 =	simm.s32 $0xC;
	s13 =	sadd.s32 s6, s23;
	s10 =	sadd.s32 $0x20, s10  }
0x17: {  	s25 =	sadd.s32 s8, s23;
	s6 =	sadd.s32 s1, s6;
	[dreg:$0xc] =	wrdreg s13  }
0x18: {  	s1 =	sadd.s32 s1, s8;
	s8 =	simm.s32 $0x0;
	[dreg:$0xd] =	wrdreg s10  }
0x19: {  	[dreg:$0xf] =	wrdreg s25;
	s26 =	sadd.s32 s24, s6;
	s20 =	sadd.s32 s24, s1  }
0x1a: {  	s24 =	simm.s32 $0x1FC80;
	s25 =	simm.s32 $0x1FD00;
	s1 =	simm.s32 $0x1  }
0x1b: {  	v0 =	vimm.f32 $0.0e+00;
	s6 =	simm.s32 $0x9;
	[dreg:$0x3] =	wrdreg s26;
	s26 =	simm.s32 $0x6  }
.LBB2_1:
0x1c: {  	s9 =	simm.s32 $0x0;
	s10 =	simm.s32 $0x200  }
.LBB2_2:
0x1d: {  	p0 =	sne.s32 s10, $0xFE00;
	[tilespmem:s9+$0x13C70] =	vst v0  }
0x1e: {  	[tilespmem:s9+$0x13C00] =	vst v0  }
0x1f: {  	[tilespmem:s9+$0x13C10] =	vst v0  }
.Ltmp0:
0x20: {  	[tilespmem:s9+$0x13C20] =	vst v0;
	(pc) =	sbr.rel @p0 .LBB2_2-.Ltmp0, $4  }
0x21: {  	[tilespmem:s9+$0x13C30] =	vst v0  }
0x22: {  	[tilespmem:s9+$0x13C40] =	vst v0  }
0x23: {  	[tilespmem:s9+$0x13C50] =	vst v0  }
0x24: {  	[tilespmem:s9+$0x13C60] =	vst v0;
	s9 =	sshra.s32 s10, $0x2;
	s10 =	sadd.s32 $0x200, s10  }
0x25: {  	[tilespmem:s9+$0x13C70] =	vst v0  }
0x26: {  	[tilespmem:s9+$0x13C00] =	vst v0  }
0x27: {  	[tilespmem:s9+$0x13C10] =	vst v0  }
0x28: {  	[tilespmem:s9+$0x13C20] =	vst v0  }
0x29: {  	[tilespmem:s9+$0x13C30] =	vst v0  }
0x2a: {  	[tilespmem:s9+$0x13C40] =	vst v0  }
0x2b: {  	[tilespmem:s9+$0x13C50] =	vst v0  }
0x2c: {  	[tilespmem:s9+$0x13C60] =	vst v0  }
0x2d: {  	[spmem:s5] =	stream.linear.scatter [tilespmem:s21], [sflag:$0xD], $0x2780, $0x38;
	[tilespmem:$0x1FF00] =	vst v63  }
0x2e: {  	_ =	swait.ge [sflag:s22], $0x2780  }
0x2f: {  	[sflag:s22] =	ssyncset.done $0x0  }
0x30: {  	s12 =	rddreg [dreg:$0x4];
	[sflag:s22] =	ssyncadd.s32 $0xFFFFD880  }
0x31: {  	[spmem:s12] =	stream.linear.scatter [tilespmem:s21], [sflag:$0xD], $0x2780, $0x38;
	[tilespmem:$0x1FF00] =	vst v63  }
0x32: {  	_ =	swait.ge [sflag:s22], $0x2780  }
0x33: {  	[sflag:s22] =	ssyncset.done $0x0  }
0x34: {  	s13 =	rddreg [dreg:$0x5];
	[sflag:s22] =	ssyncadd.s32 $0xFFFFD880  }
0x35: {  	[spmem:s13] =	stream.linear.scatter [tilespmem:s21], [sflag:$0xD], $0x2780, $0x38;
	[tilespmem:$0x1FF00] =	vst v63  }
0x36: {  	_ =	swait.ge [sflag:s22], $0x2780  }
0x37: {  	[sflag:s22] =	ssyncset.done $0x0  }
0x38: {  	s14 =	rddreg [dreg:$0x6];
	[sflag:s22] =	ssyncadd.s32 $0xFFFFD880  }
0x39: {  	[spmem:s14] =	stream.linear.scatter [tilespmem:s21], [sflag:$0xD], $0x2780, $0x38;
	[tilespmem:$0x1FF00] =	vst v63  }
0x3a: {  	_ =	swait.ge [sflag:s22], $0x2780  }
0x3b: {  	[sflag:s22] =	ssyncset.done $0x0  }
0x3c: {  	s15 =	rddreg [dreg:$0x7];
	[sflag:s22] =	ssyncadd.s32 $0xFFFFD880  }
0x3d: {  	[spmem:s15] =	stream.linear.scatter [tilespmem:s21], [sflag:$0xD], $0x2780, $0x38;
	[tilespmem:$0x1FF00] =	vst v63  }
0x3e: {  	_ =	swait.ge [sflag:s22], $0x2780  }
0x3f: {  	[sflag:s22] =	ssyncset.done $0x0  }
0x40: {  	s16 =	rddreg [dreg:$0x8];
	[sflag:s22] =	ssyncadd.s32 $0xFFFFD880  }
0x41: {  	[spmem:s16] =	stream.linear.scatter [tilespmem:s21], [sflag:$0xD], $0x2780, $0x38;
	[tilespmem:$0x1FF00] =	vst v63  }
0x42: {  	_ =	swait.ge [sflag:s22], $0x2780  }
0x43: {  	[sflag:s22] =	ssyncset.done $0x0  }
0x44: {  	s17 =	rddreg [dreg:$0x9];
	[sflag:s22] =	ssyncadd.s32 $0xFFFFD880  }
0x45: {  	[spmem:s17] =	stream.linear.scatter [tilespmem:s21], [sflag:$0xD], $0x2780, $0x38;
	[tilespmem:$0x1FF00] =	vst v63  }
0x46: {  	_ =	swait.ge [sflag:s22], $0x2780  }
0x47: {  	[sflag:s22] =	ssyncset.done $0x0  }
0x48: {  	s18 =	rddreg [dreg:$0xa];
	[sflag:s22] =	ssyncadd.s32 $0xFFFFD880  }
0x49: {  	[spmem:s18] =	stream.linear.scatter [tilespmem:s21], [sflag:$0xD], $0x2780, $0x38;
	[tilespmem:$0x1FF00] =	vst v63  }
0x4a: {  	_ =	swait.ge [sflag:s22], $0x2780  }
0x4b: {  	[sflag:s22] =	ssyncset.done $0x0  }
0x4c: {  	[sflag:s22] =	ssyncadd.s32 $0xFFFFD880  }
0x4d: {  	[bflag:$0x0] =	sbarrier.arrive $0xFFFF  }
0x4e: {  	s23 =	simm.s32 $0x0;
	s11 =	simm.s32 $0x1FC00;
	s10 =	rddreg [dreg:$0xb]  }
0x4f: {  	[tilespmem:s11], [sflag:$0x4] =	stream.linear.gather [hbm4b:s10+s23], $0x80, $0x38;
	[tilespmem:$0x1FF00] =	vst v63  }
0x50: {  	s13 =	rddreg [dreg:$0xc]  }
0x51: {  	[tilespmem:s24], [sflag:$0x5] =	stream.linear.gather [hbm4b:s13+s23], $0x80, $0x38;
	[tilespmem:$0x1FF00] =	vst v63  }
0x52: {  	s14 =	rddreg [dreg:$0xd]  }
0x53: {  	[tilespmem:s25], [sflag:$0x6] =	stream.linear.gather [hbm4b:s14+s23], $0x80, $0x38;
	[tilespmem:$0x1FF00] =	vst v63  }
0x54: {  	s12 =	simm.s32 $0x1FD80;
	s15 =	rddreg [dreg:$0xe]  }
0x55: {  	[tilespmem:s12], [sflag:$0x7] =	stream.linear.gather [hbm4b:s15+s23], $0x80, $0x38;
	[tilespmem:$0x1FF00] =	vst v63  }
0x56: {  	_ =	swait.ge [sflag:s28], $0x80  }
0x57: {  	[sflag:s28] =	ssyncset.done $0x0  }
0x58: {  	[sflag:s28] =	ssyncadd.s32 $0xFFFFFF80  }
0x59: {  	[tilespmem:s21], [sflag:$0x1] =	stream.indirect.gather [hbm4b:s4+s29], $0x80, s11, s29, $0xb8;
	[tilespmem:$0x1FF00] =	vst v63  }
0x5a: {  	s17 =	simm.s32 $0x1FE00;
	s16 =	rddreg [dreg:$0xf]  }
0x5b: {  	[tilespmem:s17], [sflag:$0x8] =	stream.linear.gather [hbm4b:s16+s23], $0x80, $0x38;
	[tilespmem:$0x1FF00] =	vst v63  }
0x5c: {  	_ =	swait.ge [sflag:s31], $0x80  }
0x5d: {  	p0 =	por $0x1, $0x1;
	[sflag:s31] =	ssyncset.done $0x0  }
0x5e: {  	s9 =	simm.s32 @!p0 $0xC;
	s18 =	simm.s32 $0x17C00;
	[sflag:s31] =	ssyncadd.s32 $0xFFFFFF80  }
0x5f: {  	[tilespmem:s18], [sflag:$0x2] =	stream.indirect.gather [hbm4b:s4+s29], $0x80, s24, s29, $0xb8;
	[tilespmem:$0x1FF00] =	vst v63  }
0x60: {  	_ =	swait.ge @!p0 [sflag:s9], $0x4000  }
0x61: {  	[sflag:s9] =	ssyncset.done @!p0 $0x0  }
0x62: {  	[sflag:s9] =	ssyncadd.s32 @!p0 $0xFFFFC000  }
0x63: {  	_ =	swait.ge [sflag:s26], $0x80  }
0x64: {  	s23 =	sadd.s32 $0x0, s20;
	[sflag:s26] =	ssyncset.done $0x0  }
0x65: {  	s9 =	sadd.s32 $0x20, s23;
	[sflag:s26] =	ssyncadd.s32 $0xFFFFFF80  }
0x66: {  	[tilespmem:s30], [sflag:$0x9] =	stream.linear.gather [hbm4b:s9+s3], $0x80, $0x38;
	[tilespmem:$0x1FF00] =	vst v63  }
0x67: {  	_ = 	snop  }
0x68: {  	[tilespmem:s0], [sflag:$0x3] =	stream.indirect.gather [hbm4b:s4+s29], $0x80, s25, s29, $0xb8;
	[tilespmem:$0x1FF00] =	vst v63  }
0x69: {  	_ =	swait.ge [sflag:s1], $0x4000  }
0x6a: {  	p0 =	por $0x0, $0x0;
	[sflag:s1] =	ssyncset.done $0x0  }
0x6b: {  	s9 =	simm.s32 @p0 $0x7;
	[sflag:s1] =	ssyncadd.s32 $0xFFFFC000  }
0x6c: {  	_ =	swait.ge @p0 [sflag:s9], $0x80  }
0x6d: {  	s10 =	simm.s32 @p0 $0x13C00;
	s11 =	simm.s32 @p0 $0xA;
	[sflag:s9] =	ssyncset.done @p0 $0x0  }
0x6e: {  	s12 =	simm.s32 @p0 $0x1FD80;
	[sflag:s9] =	ssyncadd.s32 @p0 $0xFFFFFF80;
	s9 =	simm.s32 @p0 $0x80  }
0x6f: {  	[spmem:s2] =	stream.indirect.scatter.add.f32 @p0 [tilespmem:s10], [sflag:$0xA], $0x80, s12, s9, $0xb8;
	[tilespmem:$0x1FF00] =	vst v63  }
0x70: {  	_ =	swait.ge @p0 [sflag:s11], $0x4000  }
0x71: {  	[sflag:s11] =	ssyncset.done @p0 $0x0  }
0x72: {  	s10 =	simm.s32 @p0 $0x2;
	[sflag:s11] =	ssyncadd.s32 @p0 $0xFFFFC000  }
0x73: {  	_ =	swait.ge @p0 [sflag:s10], $0x4000  }
0x74: {  	[sflag:s10] =	ssyncset.done @p0 $0x0  }
0x75: {  	[sflag:s10] =	ssyncadd.s32 @p0 $0xFFFFC000;
	s10 =	simm.s32 @p0 $0x8  }
0x76: {  	_ =	swait.ge @p0 [sflag:s10], $0x80  }
0x77: {  	s12 =	simm.s32 @p0 $0x17C00;
	[sflag:s10] =	ssyncset.done @p0 $0x0  }
0x78: {  	s11 =	simm.s32 @p0 $0xB;
	[sflag:s10] =	ssyncadd.s32 @p0 $0xFFFFFF80;
	s10 =	simm.s32 @p0 $0x1FE00  }
0x79: {  	[spmem:s2] =	stream.indirect.scatter.add.f32 @p0 [tilespmem:s12], [sflag:$0xB], $0x80, s10, s9, $0xb8;
	[tilespmem:$0x1FF00] =	vst v63  }
0x7a: {  	_ =	swait.ge @p0 [sflag:s11], $0x4000  }
0x7b: {  	[sflag:s11] =	ssyncset.done @p0 $0x0  }
0x7c: {  	s9 =	simm.s32 @p0 $0x3;
	[sflag:s11] =	ssyncadd.s32 @p0 $0xFFFFC000  }
0x7d: {  	_ =	swait.ge @p0 [sflag:s9], $0x4000  }
0x7e: {  	s13 =	simm.s32 @!p0 $0x0;
	s10 =	rddreg [dreg:$0x3]  }
0x7f: {  	s12 =	simm.s32 @!p0 $0x1FC00;
	[sflag:s9] =	ssyncset.done @p0 $0x0;
	s10 =	sadd.s32 @!p0 $0x0, s10  }
0x80: {  	s11 =	simm.s32 @!p0 $0x7;
	[sflag:s9] =	ssyncadd.s32 @p0 $0xFFFFC000;
	s9 =	sadd.s32 @!p0 $0x30, s10  }
0x81: {  	[tilespmem:s12], [sflag:$0x4] =	stream.linear.gather @!p0 [hbm4b:s9+s13], $0x80, $0x38;
	[tilespmem:$0x1FF00] =	vst v63  }
0x82: {  	_ =	swait.ge @!p0 [sflag:s11], $0x80  }
0x83: {  	s14 =	simm.s32 @!p0 $0xA;
	s15 =	simm.s32 @!p0 $0x1FD80;
	[sflag:s11] =	ssyncset.done @!p0 $0x0  }
0x84: {  	s9 =	simm.s32 @!p0 $0x13C00;
	[sflag:s11] =	ssyncadd.s32 @!p0 $0xFFFFFF80;
	s11 =	simm.s32 @!p0 $0x80  }
0x85: {  	[spmem:s2] =	stream.indirect.scatter.add.f32 @!p0 [tilespmem:s9], [sflag:$0xA], $0x80, s15, s11, $0xb8;
	[tilespmem:$0x1FF00] =	vst v63  }
0x86: {  	_ =	swait.ge @!p0 [sflag:s14], $0x4000  }
0x87: {  	[sflag:s14] =	ssyncset.done @!p0 $0x0  }
0x88: {  	[sflag:s14] =	ssyncadd.s32 @!p0 $0xFFFFC000;
	s14 =	simm.s32 @!p0 $0x4  }
0x89: {  	_ =	swait.ge @!p0 [sflag:s14], $0x80  }
0x8a: {  	s16 =	sadd.s32 @!p0 $0x0, s20;
	[sflag:s14] =	ssyncset.done @!p0 $0x0  }
0x8b: {  	[sflag:s14] =	ssyncadd.s32 @!p0 $0xFFFFFF80;
	s14 =	sadd.s32 @!p0 $0x30, s16  }
0x8c: {  	[tilespmem:s15], [sflag:$0x7] =	stream.linear.gather @!p0 [hbm4b:s14+s13], $0x80, $0x38;
	[tilespmem:$0x1FF00] =	vst v63  }
0x8d: {  	s14 =	simm.s32 @!p0 $0x2  }
0x8e: {  	[tilespmem:s9], [sflag:$0x1] =	stream.indirect.gather @!p0 [hbm4b:s4+s11], $0x80, s12, s11, $0xb8;
	[tilespmem:$0x1FF00] =	vst v63  }
0x8f: {  	_ =	swait.ge @!p0 [sflag:s14], $0x4000  }
0x90: {  	s9 =	simm.s32 @!p0 $0x8;
	[sflag:s14] =	ssyncset.done @!p0 $0x0  }
0x91: {  	s12 =	sadd.s32 @!p0 $0x40, s10;
	[sflag:s14] =	ssyncadd.s32 @!p0 $0xFFFFC000;
	s14 =	simm.s32 @!p0 $0x1FC80  }
0x92: {  	[tilespmem:s14], [sflag:$0x5] =	stream.linear.gather @!p0 [hbm4b:s12+s13], $0x80, $0x38;
	[tilespmem:$0x1FF00] =	vst v63  }
0x93: {  	_ =	swait.ge @!p0 [sflag:s9], $0x80  }
0x94: {  	s15 =	simm.s32 @!p0 $0x17C00;
	[sflag:s9] =	ssyncset.done @!p0 $0x0  }
0x95: {  	s12 =	simm.s32 @!p0 $0xB;
	[sflag:s9] =	ssyncadd.s32 @!p0 $0xFFFFFF80;
	s9 =	simm.s32 @!p0 $0x1FE00  }
0x96: {  	[spmem:s2] =	stream.indirect.scatter.add.f32 @!p0 [tilespmem:s15], [sflag:$0xB], $0x80, s9, s11, $0xb8;
	[tilespmem:$0x1FF00] =	vst v63  }
0x97: {  	_ =	swait.ge @!p0 [sflag:s12], $0x4000  }
0x98: {  	[sflag:s12] =	ssyncset.done @!p0 $0x0  }
0x99: {  	[sflag:s12] =	ssyncadd.s32 @!p0 $0xFFFFC000;
	s12 =	simm.s32 @!p0 $0x5  }
0x9a: {  	_ =	swait.ge @!p0 [sflag:s12], $0x80  }
0x9b: {  	[sflag:s12] =	ssyncset.done @!p0 $0x0  }
0x9c: {  	[sflag:s12] =	ssyncadd.s32 @!p0 $0xFFFFFF80;
	s12 =	sadd.s32 @!p0 $0x40, s16  }
0x9d: {  	[tilespmem:s9], [sflag:$0x8] =	stream.linear.gather @!p0 [hbm4b:s12+s13], $0x80, $0x38;
	[tilespmem:$0x1FF00] =	vst v63  }
0x9e: {  	s9 =	simm.s32 @!p0 $0x3  }
0x9f: {  	[tilespmem:s15], [sflag:$0x2] =	stream.indirect.gather @!p0 [hbm4b:s4+s11], $0x80, s14, s11, $0xb8;
	[tilespmem:$0x1FF00] =	vst v63  }
0xa0: {  	_ =	swait.ge @!p0 [sflag:s9], $0x4000  }
0xa1: {  	[sflag:s9] =	ssyncset.done @!p0 $0x0  }
0xa2: {  	[sflag:s9] =	ssyncadd.s32 @!p0 $0xFFFFC000;
	s9 =	sadd.s32 @!p0 $0x50, s10;
	s10 =	simm.s32 @!p0 $0x1FD00  }
0xa3: {  	[tilespmem:s10], [sflag:$0x6] =	stream.linear.gather @!p0 [hbm4b:s9+s13], $0x80, $0x38;
	[tilespmem:$0x1FF00] =	vst v63  }
0xa4: {  	p1 =	por $0x0, $0x0;
	_ =	swait.ge [sflag:s6], $0x80  }
0xa5: {  	s9 =	simm.s32 $0x30;
	s10 =	simm.s32 $0x60;
	[sflag:s6] =	ssyncset.done $0x0  }
.LBB2_4:
0xa6: {  	s11 =	simm.s32 @!p1 $0xC;
	[sflag:s6] =	ssyncadd.s32 $0xFFFFFF80  }
0xa7: {  	[spmem:s2] =	stream.indirect.scatter.add.f32 [tilespmem:s0], [sflag:$0xC], $0x80, s30, s29, $0xb8;
	[tilespmem:$0x1FF00] =	vst v63  }
0xa8: {  	_ =	swait.ge @!p1 [sflag:s11], $0x4000  }
0xa9: {  	[sflag:s11] =	ssyncset.done @!p1 $0x0  }
0xaa: {  	[sflag:s11] =	ssyncadd.s32 @!p1 $0xFFFFC000  }
0xab: {  	_ =	swait.ge [sflag:s26], $0x80  }
0xac: {  	s23 =	sadd.s32 s9, s20;
	[sflag:s26] =	ssyncset.done $0x0  }
0xad: {  	s11 =	sadd.s32 $0x20, s23;
	[sflag:s26] =	ssyncadd.s32 $0xFFFFFF80  }
0xae: {  	[tilespmem:s30], [sflag:$0x9] =	stream.linear.gather [hbm4b:s11+s3], $0x80, $0x38;
	[tilespmem:$0x1FF00] =	vst v63  }
0xaf: {  	_ = 	snop  }
0xb0: {  	[tilespmem:s0], [sflag:$0x3] =	stream.indirect.gather [hbm4b:s4+s29], $0x80, s25, s29, $0xb8;
	[tilespmem:$0x1FF00] =	vst v63  }
0xb1: {  	_ =	swait.ge [sflag:s1], $0x4000  }
0xb2: {  	p1 =	seq.s32 s9, $0x4E0;
	[sflag:s1] =	ssyncset.done $0x0  }
0xb3: {  	s14 =	simm.s32 @p1 $0x7;
	[sflag:s1] =	ssyncadd.s32 $0xFFFFC000  }
0xb4: {  	_ =	swait.ge @p1 [sflag:s14], $0x80  }
0xb5: {  	s15 =	simm.s32 @p1 $0x13C00;
	s16 =	simm.s32 @p1 $0xA;
	[sflag:s14] =	ssyncset.done @p1 $0x0  }
0xb6: {  	s17 =	simm.s32 @p1 $0x1FD80;
	[sflag:s14] =	ssyncadd.s32 @p1 $0xFFFFFF80;
	s14 =	simm.s32 @p1 $0x80  }
0xb7: {  	[spmem:s2] =	stream.indirect.scatter.add.f32 @p1 [tilespmem:s15], [sflag:$0xA], $0x80, s17, s14, $0xb8;
	[tilespmem:$0x1FF00] =	vst v63  }
0xb8: {  	_ =	swait.ge @p1 [sflag:s16], $0x4000  }
0xb9: {  	[sflag:s16] =	ssyncset.done @p1 $0x0  }
0xba: {  	s15 =	simm.s32 @p1 $0x2;
	[sflag:s16] =	ssyncadd.s32 @p1 $0xFFFFC000  }
0xbb: {  	_ =	swait.ge @p1 [sflag:s15], $0x4000  }
0xbc: {  	[sflag:s15] =	ssyncset.done @p1 $0x0  }
0xbd: {  	[sflag:s15] =	ssyncadd.s32 @p1 $0xFFFFC000;
	s15 =	simm.s32 @p1 $0x8  }
0xbe: {  	_ =	swait.ge @p1 [sflag:s15], $0x80  }
0xbf: {  	s17 =	simm.s32 @p1 $0x17C00;
	[sflag:s15] =	ssyncset.done @p1 $0x0  }
0xc0: {  	s16 =	simm.s32 @p1 $0xB;
	[sflag:s15] =	ssyncadd.s32 @p1 $0xFFFFFF80;
	s15 =	simm.s32 @p1 $0x1FE00  }
0xc1: {  	[spmem:s2] =	stream.indirect.scatter.add.f32 @p1 [tilespmem:s17], [sflag:$0xB], $0x80, s15, s14, $0xb8;
	[tilespmem:$0x1FF00] =	vst v63  }
0xc2: {  	_ =	swait.ge @p1 [sflag:s16], $0x4000  }
0xc3: {  	[sflag:s16] =	ssyncset.done @p1 $0x0  }
0xc4: {  	s15 =	simm.s32 @p1 $0x3;
	[sflag:s16] =	ssyncadd.s32 @p1 $0xFFFFC000  }
0xc5: {  	_ =	swait.ge @p1 [sflag:s15], $0x4000  }
0xc6: {  	s11 =	sadd.s32 @!p1 s9, s20;
	s17 =	simm.s32 @!p1 $0x1FC00;
	s14 =	rddreg [dreg:$0x3]  }
0xc7: {  	s16 =	simm.s32 @!p1 $0x7;
	[sflag:s15] =	ssyncset.done @p1 $0x0;
	s14 =	sadd.s32 @!p1 s9, s14  }
0xc8: {  	[sflag:s15] =	ssyncadd.s32 @p1 $0xFFFFC000;
	s15 =	simm.s32 @!p1 $0x0;
	s9 =	sadd.s32 @!p1 $0x30, s14  }
0xc9: {  	[tilespmem:s17], [sflag:$0x4] =	stream.linear.gather @!p1 [hbm4b:s9+s15], $0x80, $0x38;
	[tilespmem:$0x1FF00] =	vst v63  }
0xca: {  	s12 =	smov.u32 s10;
	s23 =	simm.s32 @!p1 $0x13C00;
	_ =	swait.ge @!p1 [sflag:s16], $0x80  }
0xcb: {  	s18 =	simm.s32 @!p1 $0xA;
	s9 =	smov.u32 s12;
	[sflag:s16] =	ssyncset.done @!p1 $0x0  }
0xcc: {  	s12 =	simm.s32 @!p1 $0x80;
	[sflag:s16] =	ssyncadd.s32 @!p1 $0xFFFFFF80;
	s16 =	simm.s32 @!p1 $0x1FD80  }
0xcd: {  	[spmem:s2] =	stream.indirect.scatter.add.f32 @!p1 [tilespmem:s23], [sflag:$0xA], $0x80, s16, s12, $0xb8;
	[tilespmem:$0x1FF00] =	vst v63  }
0xce: {  	_ =	swait.ge @!p1 [sflag:s18], $0x4000  }
0xcf: {  	[sflag:s18] =	ssyncset.done @!p1 $0x0  }
0xd0: {  	[sflag:s18] =	ssyncadd.s32 @!p1 $0xFFFFC000;
	s18 =	simm.s32 @!p1 $0x4  }
0xd1: {  	_ =	swait.ge @!p1 [sflag:s18], $0x80  }
0xd2: {  	[sflag:s18] =	ssyncset.done @!p1 $0x0  }
0xd3: {  	s13 =	sadd.s32 @!p1 $0x30, s11;
	[sflag:s18] =	ssyncadd.s32 @!p1 $0xFFFFFF80  }
0xd4: {  	[tilespmem:s16], [sflag:$0x7] =	stream.linear.gather @!p1 [hbm4b:s13+s15], $0x80, $0x38;
	[tilespmem:$0x1FF00] =	vst v63  }
0xd5: {  	s13 =	simm.s32 @!p1 $0x2  }
0xd6: {  	[tilespmem:s23], [sflag:$0x1] =	stream.indirect.gather @!p1 [hbm4b:s4+s12], $0x80, s17, s12, $0xb8;
	[tilespmem:$0x1FF00] =	vst v63  }
0xd7: {  	_ =	swait.ge @!p1 [sflag:s13], $0x4000  }
0xd8: {  	s16 =	simm.s32 @!p1 $0x8;
	[sflag:s13] =	ssyncset.done @!p1 $0x0  }
0xd9: {  	s17 =	simm.s32 @!p1 $0x1FC80;
	[sflag:s13] =	ssyncadd.s32 @!p1 $0xFFFFC000;
	s13 =	sadd.s32 @!p1 $0x40, s14  }
0xda: {  	[tilespmem:s17], [sflag:$0x5] =	stream.linear.gather @!p1 [hbm4b:s13+s15], $0x80, $0x38;
	[tilespmem:$0x1FF00] =	vst v63  }
0xdb: {  	_ =	swait.ge @!p1 [sflag:s16], $0x80  }
0xdc: {  	s18 =	simm.s32 @!p1 $0x17C00;
	[sflag:s16] =	ssyncset.done @!p1 $0x0  }
0xdd: {  	s13 =	simm.s32 @!p1 $0xB;
	[sflag:s16] =	ssyncadd.s32 @!p1 $0xFFFFFF80;
	s16 =	simm.s32 @!p1 $0x1FE00  }
0xde: {  	[spmem:s2] =	stream.indirect.scatter.add.f32 @!p1 [tilespmem:s18], [sflag:$0xB], $0x80, s16, s12, $0xb8;
	[tilespmem:$0x1FF00] =	vst v63  }
0xdf: {  	_ =	swait.ge @!p1 [sflag:s13], $0x4000  }
0xe0: {  	[sflag:s13] =	ssyncset.done @!p1 $0x0  }
0xe1: {  	[sflag:s13] =	ssyncadd.s32 @!p1 $0xFFFFC000;
	s13 =	simm.s32 @!p1 $0x5  }
0xe2: {  	_ =	swait.ge @!p1 [sflag:s13], $0x80  }
0xe3: {  	[sflag:s13] =	ssyncset.done @!p1 $0x0  }
0xe4: {  	s11 =	sadd.s32 @!p1 $0x40, s11;
	[sflag:s13] =	ssyncadd.s32 @!p1 $0xFFFFFF80  }
0xe5: {  	[tilespmem:s16], [sflag:$0x8] =	stream.linear.gather @!p1 [hbm4b:s11+s15], $0x80, $0x38;
	[tilespmem:$0x1FF00] =	vst v63  }
0xe6: {  	s10 =	sadd.s32 $0x30, s10;
	s11 =	simm.s32 @!p1 $0x3  }
0xe7: {  	[tilespmem:s18], [sflag:$0x2] =	stream.indirect.gather @!p1 [hbm4b:s4+s12], $0x80, s17, s12, $0xb8;
	[tilespmem:$0x1FF00] =	vst v63  }
0xe8: {  	p0 =	sne.s32 s10, $0x510;
	_ =	swait.ge @!p1 [sflag:s11], $0x4000  }
.Ltmp1:
0xe9: {  	[sflag:s11] =	ssyncset.done @!p1 $0x0;
	(pc) =	sbr.rel @p0 .LBB2_4-.Ltmp1, $4  }
0xea: {  	s12 =	simm.s32 @!p1 $0x1FD00;
	[sflag:s11] =	ssyncadd.s32 @!p1 $0xFFFFC000;
	s11 =	sadd.s32 @!p1 $0x50, s14  }
0xeb: {  	[tilespmem:s12], [sflag:$0x6] =	stream.linear.gather @!p1 [hbm4b:s11+s15], $0x80, $0x38;
	[tilespmem:$0x1FF00] =	vst v63  }
0xec: {  	_ =	swait.ge [sflag:s6], $0x80  }
0xed: {  	p1 =	seq.s32 s9, $0x0;
	[sflag:s6] =	ssyncset.done $0x0  }
0xee: {  	s10 =	simm.s32 @!p1 $0xC;
	[sflag:s6] =	ssyncadd.s32 $0xFFFFFF80  }
0xef: {  	[spmem:s2] =	stream.indirect.scatter.add.f32 [tilespmem:s0], [sflag:$0xC], $0x80, s30, s29, $0xb8;
	[tilespmem:$0x1FF00] =	vst v63  }
0xf0: {  	_ =	swait.ge @!p1 [sflag:s10], $0x4000  }
0xf1: {  	[sflag:s10] =	ssyncset.done @!p1 $0x0  }
0xf2: {  	[sflag:s10] =	ssyncadd.s32 @!p1 $0xFFFFC000  }
0xf3: {  	_ =	swait.ge [sflag:s26], $0x80  }
0xf4: {  	s16 =	sadd.s32 s9, s20;
	[sflag:s26] =	ssyncset.done $0x0  }
0xf5: {  	s10 =	sadd.s32 $0x20, s16;
	[sflag:s26] =	ssyncadd.s32 $0xFFFFFF80  }
0xf6: {  	[tilespmem:s30], [sflag:$0x9] =	stream.linear.gather [hbm4b:s10+s3], $0x80, $0x38;
	[tilespmem:$0x1FF00] =	vst v63  }
0xf7: {  	_ = 	snop  }
0xf8: {  	[tilespmem:s0], [sflag:$0x3] =	stream.indirect.gather [hbm4b:s4+s29], $0x80, s25, s29, $0xb8;
	[tilespmem:$0x1FF00] =	vst v63  }
0xf9: {  	_ =	swait.ge [sflag:s1], $0x4000  }
0xfa: {  	p0 =	seq.s32 s9, $0x4E0;
	[sflag:s1] =	ssyncset.done $0x0  }
0xfb: {  	s10 =	simm.s32 @p0 $0x7;
	[sflag:s1] =	ssyncadd.s32 $0xFFFFC000  }
0xfc: {  	_ =	swait.ge @p0 [sflag:s10], $0x80  }
0xfd: {  	s11 =	simm.s32 @p0 $0x13C00;
	s12 =	simm.s32 @p0 $0xA;
	[sflag:s10] =	ssyncset.done @p0 $0x0  }
0xfe: {  	s13 =	simm.s32 @p0 $0x1FD80;
	[sflag:s10] =	ssyncadd.s32 @p0 $0xFFFFFF80;
	s10 =	simm.s32 @p0 $0x80  }
0xff: {  	[spmem:s2] =	stream.indirect.scatter.add.f32 @p0 [tilespmem:s11], [sflag:$0xA], $0x80, s13, s10, $0xb8;
	[tilespmem:$0x1FF00] =	vst v63  }
0x100: {  	_ =	swait.ge @p0 [sflag:s12], $0x4000  }
0x101: {  	[sflag:s12] =	ssyncset.done @p0 $0x0  }
0x102: {  	s11 =	simm.s32 @p0 $0x2;
	[sflag:s12] =	ssyncadd.s32 @p0 $0xFFFFC000  }
0x103: {  	_ =	swait.ge @p0 [sflag:s11], $0x4000  }
0x104: {  	[sflag:s11] =	ssyncset.done @p0 $0x0  }
0x105: {  	[sflag:s11] =	ssyncadd.s32 @p0 $0xFFFFC000;
	s11 =	simm.s32 @p0 $0x8  }
0x106: {  	_ =	swait.ge @p0 [sflag:s11], $0x80  }
0x107: {  	s13 =	simm.s32 @p0 $0x17C00;
	[sflag:s11] =	ssyncset.done @p0 $0x0  }
0x108: {  	s12 =	simm.s32 @p0 $0xB;
	[sflag:s11] =	ssyncadd.s32 @p0 $0xFFFFFF80;
	s11 =	simm.s32 @p0 $0x1FE00  }
0x109: {  	[spmem:s2] =	stream.indirect.scatter.add.f32 @p0 [tilespmem:s13], [sflag:$0xB], $0x80, s11, s10, $0xb8;
	[tilespmem:$0x1FF00] =	vst v63  }
0x10a: {  	_ =	swait.ge @p0 [sflag:s12], $0x4000  }
0x10b: {  	[sflag:s12] =	ssyncset.done @p0 $0x0  }
0x10c: {  	s10 =	simm.s32 @p0 $0x3;
	[sflag:s12] =	ssyncadd.s32 @p0 $0xFFFFC000  }
0x10d: {  	_ =	swait.ge @p0 [sflag:s10], $0x4000  }
0x10e: {  	s14 =	simm.s32 @!p0 $0x0;
	s11 =	rddreg [dreg:$0x3]  }
0x10f: {  	s13 =	simm.s32 @!p0 $0x1FC00;
	[sflag:s10] =	ssyncset.done @p0 $0x0;
	s11 =	sadd.s32 @!p0 s9, s11  }
0x110: {  	s12 =	simm.s32 @!p0 $0x7;
	[sflag:s10] =	ssyncadd.s32 @p0 $0xFFFFC000;
	s10 =	sadd.s32 @!p0 $0x30, s11  }
0x111: {  	[tilespmem:s13], [sflag:$0x4] =	stream.linear.gather @!p0 [hbm4b:s10+s14], $0x80, $0x38;
	[tilespmem:$0x1FF00] =	vst v63  }
0x112: {  	_ =	swait.ge @!p0 [sflag:s12], $0x80  }
0x113: {  	s15 =	simm.s32 @!p0 $0xA;
	s16 =	simm.s32 @!p0 $0x1FD80;
	[sflag:s12] =	ssyncset.done @!p0 $0x0  }
0x114: {  	s10 =	simm.s32 @!p0 $0x13C00;
	[sflag:s12] =	ssyncadd.s32 @!p0 $0xFFFFFF80;
	s12 =	simm.s32 @!p0 $0x80  }
0x115: {  	[spmem:s2] =	stream.indirect.scatter.add.f32 @!p0 [tilespmem:s10], [sflag:$0xA], $0x80, s16, s12, $0xb8;
	[tilespmem:$0x1FF00] =	vst v63  }
0x116: {  	_ =	swait.ge @!p0 [sflag:s15], $0x4000  }
0x117: {  	[sflag:s15] =	ssyncset.done @!p0 $0x0  }
0x118: {  	[sflag:s15] =	ssyncadd.s32 @!p0 $0xFFFFC000;
	s15 =	simm.s32 @!p0 $0x4  }
0x119: {  	_ =	swait.ge @!p0 [sflag:s15], $0x80  }
0x11a: {  	s9 =	sadd.s32 @!p0 s9, s20;
	[sflag:s15] =	ssyncset.done @!p0 $0x0  }
0x11b: {  	[sflag:s15] =	ssyncadd.s32 @!p0 $0xFFFFFF80;
	s15 =	sadd.s32 @!p0 $0x30, s9  }
0x11c: {  	[tilespmem:s16], [sflag:$0x7] =	stream.linear.gather @!p0 [hbm4b:s15+s14], $0x80, $0x38;
	[tilespmem:$0x1FF00] =	vst v63  }
0x11d: {  	s15 =	simm.s32 @!p0 $0x2  }
0x11e: {  	[tilespmem:s10], [sflag:$0x1] =	stream.indirect.gather @!p0 [hbm4b:s4+s12], $0x80, s13, s12, $0xb8;
	[tilespmem:$0x1FF00] =	vst v63  }
0x11f: {  	_ =	swait.ge @!p0 [sflag:s15], $0x4000  }
0x120: {  	s10 =	simm.s32 @!p0 $0x8;
	[sflag:s15] =	ssyncset.done @!p0 $0x0  }
0x121: {  	s13 =	sadd.s32 @!p0 $0x40, s11;
	[sflag:s15] =	ssyncadd.s32 @!p0 $0xFFFFC000;
	s15 =	simm.s32 @!p0 $0x1FC80  }
0x122: {  	[tilespmem:s15], [sflag:$0x5] =	stream.linear.gather @!p0 [hbm4b:s13+s14], $0x80, $0x38;
	[tilespmem:$0x1FF00] =	vst v63  }
0x123: {  	_ =	swait.ge @!p0 [sflag:s10], $0x80  }
0x124: {  	s16 =	simm.s32 @!p0 $0x17C00;
	[sflag:s10] =	ssyncset.done @!p0 $0x0  }
0x125: {  	s13 =	simm.s32 @!p0 $0xB;
	[sflag:s10] =	ssyncadd.s32 @!p0 $0xFFFFFF80;
	s10 =	simm.s32 @!p0 $0x1FE00  }
0x126: {  	[spmem:s2] =	stream.indirect.scatter.add.f32 @!p0 [tilespmem:s16], [sflag:$0xB], $0x80, s10, s12, $0xb8;
	[tilespmem:$0x1FF00] =	vst v63  }
0x127: {  	_ =	swait.ge @!p0 [sflag:s13], $0x4000  }
0x128: {  	[sflag:s13] =	ssyncset.done @!p0 $0x0  }
0x129: {  	[sflag:s13] =	ssyncadd.s32 @!p0 $0xFFFFC000;
	s13 =	simm.s32 @!p0 $0x5  }
0x12a: {  	_ =	swait.ge @!p0 [sflag:s13], $0x80  }
0x12b: {  	[sflag:s13] =	ssyncset.done @!p0 $0x0  }
0x12c: {  	s9 =	sadd.s32 @!p0 $0x40, s9;
	[sflag:s13] =	ssyncadd.s32 @!p0 $0xFFFFFF80  }
0x12d: {  	[tilespmem:s10], [sflag:$0x8] =	stream.linear.gather @!p0 [hbm4b:s9+s14], $0x80, $0x38;
	[tilespmem:$0x1FF00] =	vst v63  }
0x12e: {  	s9 =	simm.s32 @!p0 $0x3  }
0x12f: {  	[tilespmem:s16], [sflag:$0x2] =	stream.indirect.gather @!p0 [hbm4b:s4+s12], $0x80, s15, s12, $0xb8;
	[tilespmem:$0x1FF00] =	vst v63  }
0x130: {  	_ =	swait.ge @!p0 [sflag:s9], $0x4000  }
0x131: {  	[sflag:s9] =	ssyncset.done @!p0 $0x0  }
0x132: {  	s10 =	simm.s32 @!p0 $0x1FD00;
	[sflag:s9] =	ssyncadd.s32 @!p0 $0xFFFFC000;
	s9 =	sadd.s32 @!p0 $0x50, s11  }
0x133: {  	[tilespmem:s10], [sflag:$0x6] =	stream.linear.gather @!p0 [hbm4b:s9+s14], $0x80, $0x38;
	[tilespmem:$0x1FF00] =	vst v63  }
0x134: {  	_ =	swait.ge [sflag:s6], $0x80  }
0x135: {  	[sflag:s6] =	ssyncset.done $0x0  }
0x136: {  	[sflag:s6] =	ssyncadd.s32 $0xFFFFFF80  }
0x137: {  	[spmem:s2] =	stream.indirect.scatter.add.f32 [tilespmem:s0], [sflag:$0xC], $0x80, s30, s29, $0xb8;
	[tilespmem:$0x1FF00] =	vst v63  }
0x138: {  	_ =	swait.ge [sflag:s7], $0x4000  }
0x139: {  	s17 =	stileid.u32;
	[sflag:s7] =	ssyncset.done $0x0  }
0x13a: {  	s18 =	sshrl.u32 s5, $0x3;
	s8 =	sadd.s32 $0x1, s8;
	[sflag:s7] =	ssyncadd.s32 $0xFFFFC000  }
0x13b: {  	s9 =	sshll.u32 s17, $0x6;
	p0 =	sne.s32 s8, s19;
	[bflag:$0x0] =	sbarrier.arrive $0xFFFF  }
.Ltmp2:
0x13c: {  	s9 =	sor.u32 $0x1C0D, s9;
	s23 =	rddreg [dreg:$0x10];
	(pc) =	sbr.rel @p0 .LBB2_1-.Ltmp2, $4  }
0x13d: {  	[hbm:s23], [sflag:s9] =	dma.local [spmem:s18], $0x2780  }
0x13e: {  	_ =	swait.ge [sflag:s22], $0x2780  }
0x13f: {  	[sflag:s22] =	ssyncset.done $0x0  }
0x140: {  	[sflag:s22] =	ssyncadd.s32 $0xFFFFD880  }
0x141: {  	_ =	sfence.sel $0x180000  }
0x142: {  	[bflag:$0x0] =	sbarrier.arrive $0xFFFF  }
0x143: {  	_ =	strace $0x9000004A  }
0x144: {  	s0 =	stileid.u32;
	[bflag:$0x2] =	sbarrier.arrive $0xFFFF  }
0x145: {  	p0 =	sne.s32 s0, $0x0;
	s0 =	rddreg [dreg:$0x2]  }
0x146: {  	s0 =	sadd.s32 @!p0 $0x100000, s0  }
0x147: {  	[sflag:s0] =	ssyncadd.tile.s32 @!p0 $0x1;
	_ =	shalt  }
.Lfunc_end2:
_tile_overlayer_lowered:
.L_overlay_start_2:
0x148: {  	(tag) =	ssettag $0x2  }
0x149: {  	s0 =	rddreg [dreg:$0x0];
	s2 =	stileid.u32  }
0x14a: {  	s1 =	rddreg [dreg:$0x1];
	p0 =	sne.s32 s2, $0x0  }
0x14b: {  	s3 =	rddreg [dreg:$0x2];
	[bflag:$0x3] =	sbarrier.arrive $0xFFFF;
	s2 =	simm.s32 @!p0 $0x1C0D  }
0x14c: {  	[timem:s3], [sflag:s2] =	dma.local @!p0 [hbm:s0], s1  }
0x14d: {  	s0 =	simm.s32 @!p0 $0xD  }
0x14e: {  	_ =	swait.ge @!p0 [sflag:s0], s1  }
0x14f: {  	s1 =	ssub.s32 @!p0 $0x0, s1;
	[sflag:s0] =	ssyncset.done @!p0 $0x0  }
0x150: {  	[sflag:s0] =	ssyncadd.s32 @!p0 s1  }
0x151: {  	[bflag:$0x3] =	sbarrier.arrive $0xFFFF  }
0x152: {  	_ =	shalt  }

// kernel: kernel.16.cloned.1.call-start
scs
__scs_entry_jumppad:
0x0: {  	(pc) =	sbr.rel $0x88, $3  }
0x1: {  	(tag) =	ssettag $0x0;
	lr =	simm.s32 $0x1  }
0x2: {  	[smem:$0x3F95] =	sst lr;
	_ =	strace $0xD0000000  }
0x3: {  	_ = 	snop  }
0x4: {  	_ = 	snop  }
0x5: {  	_ = 	snop  }
0x6: {  	_ = 	snop  }
0x7: {  	_ = 	snop  }
__scs_overlays_trampoline_lowered:
0x8: {  	[smem:$0x3FA4] =	sst s0  }
0x9: {  	[smem:$0x3FA5] =	sst s1  }
0xa: {  	[smem:$0x3FA6] =	sst s2  }
0xb: {  	[smem:$0x3FA7] =	sst s3  }
0xc: {  	[smem:$0x3FA8] =	sst s4  }
0xd: {  	[smem:$0x3FA9] =	sst s5  }
0xe: {  	[smem:$0x3FAA] =	sst s6  }
0xf: {  	[smem:$0x3FAB] =	sst s7  }
0x10: {  	[smem:$0x3FAC] =	sst s8  }
0x11: {  	[smem:$0x3FAD] =	sst s9;
	s0 =	simm.s32 @!p0 $0x0  }
0x12: {  	s1 =	sld [smem:$0x3F93];
	s0 =	simm.s32 @p0 $0x1  }
0x13: {  	[smem:$0x3FAE] =	sst s0;
	s0 =	simm.s32 @!p1 $0x0  }
0x14: {  	s2 =	sld [smem:$0x3F92];
	s0 =	simm.s32 @p1 $0x1  }
0x15: {  	[smem:$0x3FAF] =	sst s0;
	s0 =	simm.s32 @!p2 $0x0  }
0x16: {  	s3 =	sld [smem:$0x3FDB];
	s0 =	simm.s32 @p2 $0x1  }
0x17: {  	s4 =	simm.s32 $0x1BF5;
	[smem:$0x3FB1] =	sst s0  }
0x18: {  	s0 =	sld [smem:$0x3F94];
	_ =	swait.ge [sflag:s4], $0x0  }
0x19: {  	s7 =	sld [smem:$0x3F95]  }
0x1a: {  	s8 =	sadd.s32 $0xFFFFE003, lr  }
0x1b: {  	s9 =	sadd.s32 $0xFFFFFEF7, lr;
	s5 =	simm.s32 $0xFFFFFFFF;
	p2 =	slt.u32 s8, $0xFFFFF086  }
0x1c: {  	p1 =	slt.u32 s9, $0xF7A;
	s5 =	simm.s32 @!p2 $0x0  }
0x1d: {  	s5 =	simm.s32 @p1 $0x1;
	p0 =	seq.s32 s7, s2  }
0x1e: {  	s7 =	smul.u32 @!p0 $0xF7A, s2;
	p2 =	seq.s32 @!p0 s5, $0x0  }
0x1f: {  	s9 =	smul.u32 $0xF7A, s1;
	s8 =	simm.s32 @!p0 $0x1BF5;
	p2 =	por !p2, p0  }
0x20: {  	[sflag:s8] =	ssyncset.s32 @!p0 $0xFFFFF086;
	s6 =	sadd.s32 @!p0 s3, s7;
	s7 =	simm.s32 @!p0 $0x108  }
0x21: {  	s3 =	sadd.s32 s3, s9;
	s6 =	sadd.s32 @!p0 $0x88, s6;
	s7 =	simm.s32 @p2 $0x1082  }
0x22: {  	[simem:s7], [sflag:s8] =	dma.local @!p0 [hbm:s6], $0xF7A  }
0x23: {  	s9 =	sor.u32 $0xD0000000, s2;
	s6 =	simm.s32 $0x108;
	_ =	swait.ge @!p0 [sflag:s8], $0x0  }
0x24: {  	s3 =	sadd.s32 $0x88, s3;
	s6 =	simm.s32 @!p1 $0x1082;
	[sflag:s4] =	ssyncset.s32 $0xFFFFF086  }
0x25: {  	[simem:s6], [sflag:s4] =	dma.local [hbm:s3], $0xF7A  }
0x26: {  	[smem:$0x3F95] =	sst s1;
	(tag) =	ssettag s2;
	_ =	strace s9  }
0x27: {  	s1 =	sld [smem:$0x3FA5]  }
0x28: {  	s2 =	sld [smem:$0x3FA6]  }
0x29: {  	s4 =	sld [smem:$0x3FA8]  }
0x2a: {  	p0 =	seq.s32 s5, $0x0;
	s5 =	sld [smem:$0x3FA9]  }
0x2b: {  	s6 =	sld [smem:$0x3FAA]  }
0x2c: {  	s7 =	sld [smem:$0x3FAB]  }
0x2d: {  	s3 =	simm.s32 $0x108;
	s8 =	sld [smem:$0x3FAC]  }
0x2e: {  	s3 =	simm.s32 @!p0 $0x1082;
	s9 =	sld [smem:$0x3FAD]  }
0x2f: {  	lr =	sadd.s32 s0, s3;
	s0 =	sld [smem:$0x3FA4]  }
0x30: {  	s3 =	sld [smem:$0x3FA7]  }
0x31: {  	[smem:$0x3FB0] =	sst s10  }
0x32: {  	s10 =	sld [smem:$0x3FAE];
	_ =	sdelay $0x3  }
0x33: {  	p0 =	seq.s32 s10, $0x1;
	s10 =	sld [smem:$0x3FB0];
	_ =	sdelay $0x3  }
0x34: {  	[smem:$0x3FB0] =	sst s10  }
0x35: {  	s10 =	sld [smem:$0x3FAF];
	_ =	sdelay $0x3  }
0x36: {  	p1 =	seq.s32 s10, $0x1;
	s10 =	sld [smem:$0x3FB0];
	_ =	sdelay $0x3  }
0x37: {  	[smem:$0x3FB0] =	sst s10  }
0x38: {  	s10 =	sld [smem:$0x3FB1]  }
0x39: {  	_ = 	snop;
	(pc) =	sbr.ind lr, $3  }
0x3a: {  	_ = 	snop  }
0x3b: {  	_ = 	snop  }
0x3c: {  	p2 =	seq.s32 s10, $0x1;
	s10 =	sld [smem:$0x3FB0]  }
0x3d: {  	_ =	shalt  }
0x3e: {  	_ =	shalt  }
0x3f: {  	_ =	shalt  }
0x40: {  	_ =	shalt  }
0x41: {  	_ =	shalt  }
0x42: {  	_ =	shalt  }
0x43: {  	_ =	shalt  }
0x44: {  	_ =	shalt  }
0x45: {  	_ =	shalt  }
0x46: {  	_ =	shalt  }
0x47: {  	_ =	shalt  }
0x48: {  	_ =	shalt  }
0x49: {  	_ =	shalt  }
0x4a: {  	_ =	shalt  }
0x4b: {  	_ =	shalt  }
0x4c: {  	_ =	shalt  }
0x4d: {  	_ =	shalt  }
0x4e: {  	_ =	shalt  }
0x4f: {  	_ =	shalt  }
0x50: {  	_ =	shalt  }
0x51: {  	_ =	shalt  }
0x52: {  	_ =	shalt  }
0x53: {  	_ =	shalt  }
0x54: {  	_ =	shalt  }
0x55: {  	_ =	shalt  }
0x56: {  	_ =	shalt  }
0x57: {  	_ =	shalt  }
0x58: {  	_ =	shalt  }
0x59: {  	_ =	shalt  }
0x5a: {  	_ =	shalt  }
0x5b: {  	_ =	shalt  }
0x5c: {  	_ =	shalt  }
0x5d: {  	_ =	shalt  }
0x5e: {  	_ =	shalt  }
0x5f: {  	_ =	shalt  }
0x60: {  	_ =	shalt  }
0x61: {  	_ =	shalt  }
0x62: {  	_ =	shalt  }
0x63: {  	_ =	shalt  }
0x64: {  	_ =	shalt  }
0x65: {  	_ =	shalt  }
0x66: {  	_ =	shalt  }
0x67: {  	_ =	shalt  }
0x68: {  	_ =	shalt  }
0x69: {  	_ =	shalt  }
0x6a: {  	_ =	shalt  }
0x6b: {  	_ =	shalt  }
0x6c: {  	_ =	shalt  }
0x6d: {  	_ =	shalt  }
0x6e: {  	_ =	shalt  }
0x6f: {  	_ =	shalt  }
0x70: {  	_ =	shalt  }
0x71: {  	_ =	shalt  }
0x72: {  	_ =	shalt  }
0x73: {  	_ =	shalt  }
0x74: {  	_ =	shalt  }
0x75: {  	_ =	shalt  }
0x76: {  	_ =	shalt  }
0x77: {  	_ =	shalt  }
0x78: {  	_ =	shalt  }
0x79: {  	_ =	shalt  }
0x7a: {  	_ =	shalt  }
0x7b: {  	_ =	shalt  }
0x7c: {  	_ =	shalt  }
0x7d: {  	_ =	shalt  }
0x7e: {  	_ =	shalt  }
0x7f: {  	_ =	shalt  }
0x80: {  	_ =	shalt  }
0x81: {  	_ =	shalt  }
0x82: {  	_ =	shalt  }
0x83: {  	_ =	shalt  }
0x84: {  	_ =	shalt  }
0x85: {  	_ =	shalt  }
0x86: {  	_ =	shalt  }
0x87: {  	_ =	shalt  }
.Lfunc_end0:
.L_simem_size_0:
called_computation.2_lowered:
.L_overlay_start_0:
0x88: {  	s2 =	sld [smem:$0x3FD9]  }
0x89: {  	s3 =	sld [smem:$0x3FFE];
	_ =	sdelay $0x1  }
0x8a: {  	s1 =	srdreg.scid  }
0x8b: {  	s0 =	sand.u32 $0x1, s1  }
0x8c: {  	s16 =	sshll.u32 s0, $0xA;
	s2 =	sadd.s32 s3, s2  }
0x8d: {  	s2 =	sadd.s32 s2, s16  }
0x8e: {  	[smem:$0x3FBC] =	sst s2  }
0x8f: {  	_ = 	snop  }
0x90: {  	(tm) =	ssettm $0x1  }
0x91: {  	s17 =	sld [smem:$0x3FFB];
	_ =	sdelay $0x3  }
0x92: {  	_ =	strace s17  }
0x93: {  	s2 =	sld [smem:$0x3FFC];
	_ =	sdelay $0x3  }
0x94: {  	_ =	strace s2  }
0x95: {  	s2 =	sld [smem:$0x3FFD];
	_ =	sdelay $0x3  }
0x96: {  	_ =	strace s2  }
0x97: {  	_ =	strace $0x8FFFFFFF  }
0x98: {  	s18 =	sld [smem:$0x3FDB];
	_ =	sdelay $0x1  }
0x99: {  	s19 =	simm.s32 $_scs_section_size  }
0x9a: {  	s4 =	simm.s32 $_size__tile_overlayer_lowered;
	s5 =	simm.s32 $_tile_overlayer_lowered  }
0x9b: {  	s22 =	simm.s32 $0x1BFF;
	s21 =	sshll.u32 s5, $0x1;
	s2 =	sadd.s32 s19, s18  }
0x9c: {  	s6 =	simm.s32 $0x0;
	s20 =	sshll.u32 s4, $0x1;
	s4 =	sadd.s32 s21, s2  }
0x9d: {  	[timem:s6], [sflag:s22] =	dma.local [hbm:s4], s20  }
0x9e: {  	_ =	swait.ge [sflag:s22], s20  }
0x9f: {  	s3 =	ssub.s32 $0x0, s20;
	[sflag:s22] =	ssyncset.done $0x0  }
0xa0: {  	[sflag:s22] =	ssyncadd.s32 s3;
	_ =	sdelay $0x1  }
0xa1: {  	s23 =	simm.s32 $0x1B8B  }
0xa2: {  	_ =	swait.ge [sflag:s23], $0x1  }
0xa3: {  	[sflag:s23] =	ssyncset.done $0x0  }
0xa4: {  	s25 =	simm.s32 $0x1B8E;
	s24 =	sld [smem:$0x3FFE];
	[sflag:s23] =	ssyncadd.s32 $0xFFFFFFFF  }
0xa5: {  	s26 =	simm.s32 $execute0_lowered;
	[smem:$0x3FD2] =	sst s25  }
0xa6: {  	s4 =	sshll.u32 s26, $0x1;
	_ =	strace $0x8000004C;
	[dreg:$0x1] =	wrdreg $0xFFFFFFFF  }
0xa7: {  	s28 =	simm.s32 $_size_execute0_lowered;
	s2 =	sadd.s32 s2, s4;
	[dreg:$0x0] =	wrdreg $0x0  }
0xa8: {  	s4 =	sshll.u32 s28, $0x1;
	[dreg:$0x2] =	wrdreg s2  }
0xa9: {  	[dreg:$0x3] =	wrdreg s4  }
0xaa: {  	[dreg:$0x4] =	wrdreg $0xC0  }
0xab: {  	_ =	task [dreg:s6], $0x5FFFF  }
0xac: {  	[dreg:$0x1] =	wrdreg $0xFFFFFFFF  }
0xad: {  	[dreg:$0x0] =	wrdreg $0x60  }
0xae: {  	[dreg:$0x2] =	wrdreg s24  }
0xaf: {  	[dreg:$0x3] =	wrdreg $0x0  }
0xb0: {  	[dreg:$0x4] =	wrdreg $0x9  }
0xb1: {  	_ =	task.clear_ibuf [dreg:s6], $0x5FFFF;
	_ =	strace $0x9000004C  }
0xb2: {  	s29 =	simm.s32 $0x9;
	_ =	strace $0x8000004E  }
0xb3: {  	_ =	swait.ge [sflag:s29], $0x1  }
0xb4: {  	[sflag:s29] =	ssyncadd.s32 $0xFFFFFFFF  }
0xb5: {  	_ =	strace $0x9000004E  }
0xb6: {  	_ =	sfence  }
0xb7: {  	s30 =	sld [smem:$0x0];
	_ =	sdelay $0x2  }
0xb8: {  	s31 =	sshll.u32 s1, $0xD;
	s1 =	sshrl.u32 s1, $0x2  }
0xb9: {  	s3 =	sand.u32 $0x4000, s31;
	s1 =	sadd.s32 s1, s30  }
0xba: {  	s0 =	sor.u32 s3, s0;
	s1 =	sshll.u32 s1, $0x11  }
0xbb: {  	s0 =	sor.u32 s1, s0  }
0xbc: {  	s0 =	sadd.s32 $0x8F2B, s0  }
0xbd: {  	[sflag:s0] =	ssyncadd.remote.s32 $0x1  }
0xbe: {  	_ =	sfence.sel $0xFFFF  }
0xbf: {  	[dreg:$0x0] =	wrdreg $0xFFFFFFFF;
	(pc) =	sbr.abs _section_cstart, $3  }
0xc0: {  	[dreg:$0x1] =	wrdreg $0xFFFFFFFF  }
0xc1: {  	_ =	task.clear_ibuf [dreg:s6], $0x2FFFF;
	_ =	strace $0x9FFFFFFF  }
0xc2: {  	(tm) =	ssettm $0x7FFFFFFF  }
0xc3: {  	_ =	shalt  }
tec
execute0_lowered:
.L_overlay_start_1:
0x0: {  	(tag) =	ssettag $0x1  }
0x1: {  	s0 =	rddreg [dreg:$0x0]  }
0x2: {  	s2 =	rddreg [dreg:$0x1]  }
0x3: {  	s1 =	srdreg.scid;
	s12 =	stileid.u32  }
0x4: {  	s3 =	simm.s32 $0x0;
	s28 =	simm.s32 $0x4;
	s4 =	smul.u32 $0x2780, s12  }
0x5: {  	s29 =	simm.s32 $0x80;
	s1 =	sand.u32 $0x1, s1;
	s7 =	smul.u32 $0x4F000, s12  }
0x6: {  	s31 =	simm.s32 $0x5;
	s30 =	simm.s32 $0x1FE80;
	s5 =	smul.u32 $0x27800, s1  }
0x7: {  	[smem:$0x7FF] =	sst s3;
	s6 =	sadd.s32 $0xD200, s0;
	s8 =	sadd.s32 $0x3000, s0  }
0x8: {  	s24 =	smul.u32 $0x510, s12;
	s7 =	sshrl.u32 s7, $0x2;
	s5 =	sadd.s32 s4, s5  }
0x9: {  	s4 =	sadd.s32 $0x17400, s0;
	s0 =	sadd.s32 s5, s0;
	s5 =	sadd.s32 s7, s2  }
0xa: {  	_ =	strace $0x8000004D;
	s9 =	ssub.s32 $0x2, s1;
	s13 =	sadd.s32 $0x2780, s5  }
0xb: {  	s11 =	sshll.u32 s1, $0x4;
	s15 =	sadd.s32 $0x4F00, s5;
	[dreg:$0x4] =	wrdreg s13  }
0xc: {  	s1 =	smul.u32 $0x5100, s1;
	s16 =	sadd.s32 $0x7680, s5;
	[dreg:$0x5] =	wrdreg s15  }
0xd: {  	s10 =	sshrl.u32 s9, $0x1;
	s18 =	sadd.s32 $0x9E00, s5;
	[dreg:$0x6] =	wrdreg s16  }
0xe: {  	s11 =	sor.u32 s12, s11;
	s19 =	sadd.s32 $0xC580, s5;
	[dreg:$0x7] =	wrdreg s18  }
0xf: {  	s14 =	smul.u32 $0x510, s11;
	s20 =	sadd.s32 $0xED00, s5;
	[dreg:$0x8] =	wrdreg s19  }
0x10: {  	s17 =	smul.u32 $0x2880, s11;
	s21 =	sadd.s32 $0x11480, s5;
	[dreg:$0x9] =	wrdreg s20  }
0x11: {  	s7 =	ssub.s32 s9, s10;
	s22 =	sadd.s32 s6, s14;
	[dreg:$0xa] =	wrdreg s21  }
0x12: {  	s10 =	sshrl.u32 s17, $0x3;
	s9 =	sadd.s32 s8, s14;
	[dreg:$0xb] =	wrdreg s22  }
0x13: {  	s0 =	sadd.s32 $0x3EC00, s0;
	s23 =	sadd.s32 $0x10, s10;
	[dreg:$0xe] =	wrdreg s9  }
0x14: {  	s10 =	sadd.s32 s6, s10;
	[dreg:$0x10] =	wrdreg s0;
	s19 =	smax.u32 s7, $0x1  }
0x15: {  	s21 =	simm.s32 $0x13C00;
	s22 =	simm.s32 $0xD;
	s0 =	simm.s32 $0x1BC00  }
0x16: {  	s7 =	simm.s32 $0xC;
	s13 =	sadd.s32 s6, s23;
	s10 =	sadd.s32 $0x20, s10  }
0x17: {  	s25 =	sadd.s32 s8, s23;
	s6 =	sadd.s32 s1, s6;
	[dreg:$0xc] =	wrdreg s13  }
0x18: {  	s1 =	sadd.s32 s1, s8;
	s8 =	simm.s32 $0x0;
	[dreg:$0xd] =	wrdreg s10  }
0x19: {  	[dreg:$0xf] =	wrdreg s25;
	s26 =	sadd.s32 s24, s6;
	s20 =	sadd.s32 s24, s1  }
0x1a: {  	s24 =	simm.s32 $0x1FC80;
	s25 =	simm.s32 $0x1FD00;
	s1 =	simm.s32 $0x1  }
0x1b: {  	v0 =	vimm.f32 $0.0e+00;
	s6 =	simm.s32 $0x9;
	[dreg:$0x3] =	wrdreg s26;
	s26 =	simm.s32 $0x6  }
.LBB2_1:
0x1c: {  	s9 =	simm.s32 $0x0;
	s10 =	simm.s32 $0x200  }
.LBB2_2:
0x1d: {  	p0 =	sne.s32 s10, $0xFE00;
	[tilespmem:s9+$0x13C70] =	vst v0  }
0x1e: {  	[tilespmem:s9+$0x13C00] =	vst v0  }
0x1f: {  	[tilespmem:s9+$0x13C10] =	vst v0  }
.Ltmp0:
0x20: {  	[tilespmem:s9+$0x13C20] =	vst v0;
	(pc) =	sbr.rel @p0 .LBB2_2-.Ltmp0, $4  }
0x21: {  	[tilespmem:s9+$0x13C30] =	vst v0  }
0x22: {  	[tilespmem:s9+$0x13C40] =	vst v0  }
0x23: {  	[tilespmem:s9+$0x13C50] =	vst v0  }
0x24: {  	[tilespmem:s9+$0x13C60] =	vst v0;
	s9 =	sshra.s32 s10, $0x2;
	s10 =	sadd.s32 $0x200, s10  }
0x25: {  	[tilespmem:s9+$0x13C70] =	vst v0  }
0x26: {  	[tilespmem:s9+$0x13C00] =	vst v0  }
0x27: {  	[tilespmem:s9+$0x13C10] =	vst v0  }
0x28: {  	[tilespmem:s9+$0x13C20] =	vst v0  }
0x29: {  	[tilespmem:s9+$0x13C30] =	vst v0  }
0x2a: {  	[tilespmem:s9+$0x13C40] =	vst v0  }
0x2b: {  	[tilespmem:s9+$0x13C50] =	vst v0  }
0x2c: {  	[tilespmem:s9+$0x13C60] =	vst v0  }
0x2d: {  	[spmem:s5] =	stream.linear.scatter [tilespmem:s21], [sflag:$0xD], $0x2780, $0x38;
	[tilespmem:$0x1FF00] =	vst v63  }
0x2e: {  	_ =	swait.ge [sflag:s22], $0x2780  }
0x2f: {  	[sflag:s22] =	ssyncset.done $0x0  }
0x30: {  	s12 =	rddreg [dreg:$0x4];
	[sflag:s22] =	ssyncadd.s32 $0xFFFFD880  }
0x31: {  	[spmem:s12] =	stream.linear.scatter [tilespmem:s21], [sflag:$0xD], $0x2780, $0x38;
	[tilespmem:$0x1FF00] =	vst v63  }
0x32: {  	_ =	swait.ge [sflag:s22], $0x2780  }
0x33: {  	[sflag:s22] =	ssyncset.done $0x0  }
0x34: {  	s13 =	rddreg [dreg:$0x5];
	[sflag:s22] =	ssyncadd.s32 $0xFFFFD880  }
0x35: {  	[spmem:s13] =	stream.linear.scatter [tilespmem:s21], [sflag:$0xD], $0x2780, $0x38;
	[tilespmem:$0x1FF00] =	vst v63  }
0x36: {  	_ =	swait.ge [sflag:s22], $0x2780  }
0x37: {  	[sflag:s22] =	ssyncset.done $0x0  }
0x38: {  	s14 =	rddreg [dreg:$0x6];
	[sflag:s22] =	ssyncadd.s32 $0xFFFFD880  }
0x39: {  	[spmem:s14] =	stream.linear.scatter [tilespmem:s21], [sflag:$0xD], $0x2780, $0x38;
	[tilespmem:$0x1FF00] =	vst v63  }
0x3a: {  	_ =	swait.ge [sflag:s22], $0x2780  }
0x3b: {  	[sflag:s22] =	ssyncset.done $0x0  }
0x3c: {  	s15 =	rddreg [dreg:$0x7];
	[sflag:s22] =	ssyncadd.s32 $0xFFFFD880  }
0x3d: {  	[spmem:s15] =	stream.linear.scatter [tilespmem:s21], [sflag:$0xD], $0x2780, $0x38;
	[tilespmem:$0x1FF00] =	vst v63  }
0x3e: {  	_ =	swait.ge [sflag:s22], $0x2780  }
0x3f: {  	[sflag:s22] =	ssyncset.done $0x0  }
0x40: {  	s16 =	rddreg [dreg:$0x8];
	[sflag:s22] =	ssyncadd.s32 $0xFFFFD880  }
0x41: {  	[spmem:s16] =	stream.linear.scatter [tilespmem:s21], [sflag:$0xD], $0x2780, $0x38;
	[tilespmem:$0x1FF00] =	vst v63  }
0x42: {  	_ =	swait.ge [sflag:s22], $0x2780  }
0x43: {  	[sflag:s22] =	ssyncset.done $0x0  }
0x44: {  	s17 =	rddreg [dreg:$0x9];
	[sflag:s22] =	ssyncadd.s32 $0xFFFFD880  }
0x45: {  	[spmem:s17] =	stream.linear.scatter [tilespmem:s21], [sflag:$0xD], $0x2780, $0x38;
	[tilespmem:$0x1FF00] =	vst v63  }
0x46: {  	_ =	swait.ge [sflag:s22], $0x2780  }
0x47: {  	[sflag:s22] =	ssyncset.done $0x0  }
0x48: {  	s18 =	rddreg [dreg:$0xa];
	[sflag:s22] =	ssyncadd.s32 $0xFFFFD880  }
0x49: {  	[spmem:s18] =	stream.linear.scatter [tilespmem:s21], [sflag:$0xD], $0x2780, $0x38;
	[tilespmem:$0x1FF00] =	vst v63  }
0x4a: {  	_ =	swait.ge [sflag:s22], $0x2780  }
0x4b: {  	[sflag:s22] =	ssyncset.done $0x0  }
0x4c: {  	[sflag:s22] =	ssyncadd.s32 $0xFFFFD880  }
0x4d: {  	[bflag:$0x0] =	sbarrier.arrive $0xFFFF  }
0x4e: {  	s23 =	simm.s32 $0x0;
	s11 =	simm.s32 $0x1FC00;
	s10 =	rddreg [dreg:$0xb]  }
0x4f: {  	[tilespmem:s11], [sflag:$0x4] =	stream.linear.gather [hbm4b:s10+s23], $0x80, $0x38;
	[tilespmem:$0x1FF00] =	vst v63  }
0x50: {  	s13 =	rddreg [dreg:$0xc]  }
0x51: {  	[tilespmem:s24], [sflag:$0x5] =	stream.linear.gather [hbm4b:s13+s23], $0x80, $0x38;
	[tilespmem:$0x1FF00] =	vst v63  }
0x52: {  	s14 =	rddreg [dreg:$0xd]  }
0x53: {  	[tilespmem:s25], [sflag:$0x6] =	stream.linear.gather [hbm4b:s14+s23], $0x80, $0x38;
	[tilespmem:$0x1FF00] =	vst v63  }
0x54: {  	s12 =	simm.s32 $0x1FD80;
	s15 =	rddreg [dreg:$0xe]  }
0x55: {  	[tilespmem:s12], [sflag:$0x7] =	stream.linear.gather [hbm4b:s15+s23], $0x80, $0x38;
	[tilespmem:$0x1FF00] =	vst v63  }
0x56: {  	_ =	swait.ge [sflag:s28], $0x80  }
0x57: {  	[sflag:s28] =	ssyncset.done $0x0  }
0x58: {  	[sflag:s28] =	ssyncadd.s32 $0xFFFFFF80  }
0x59: {  	[tilespmem:s21], [sflag:$0x1] =	stream.indirect.gather [hbm4b:s4+s29], $0x80, s11, s29, $0xb8;
	[tilespmem:$0x1FF00] =	vst v63  }
0x5a: {  	s17 =	simm.s32 $0x1FE00;
	s16 =	rddreg [dreg:$0xf]  }
0x5b: {  	[tilespmem:s17], [sflag:$0x8] =	stream.linear.gather [hbm4b:s16+s23], $0x80, $0x38;
	[tilespmem:$0x1FF00] =	vst v63  }
0x5c: {  	_ =	swait.ge [sflag:s31], $0x80  }
0x5d: {  	p0 =	por $0x1, $0x1;
	[sflag:s31] =	ssyncset.done $0x0  }
0x5e: {  	s9 =	simm.s32 @!p0 $0xC;
	s18 =	simm.s32 $0x17C00;
	[sflag:s31] =	ssyncadd.s32 $0xFFFFFF80  }
0x5f: {  	[tilespmem:s18], [sflag:$0x2] =	stream.indirect.gather [hbm4b:s4+s29], $0x80, s24, s29, $0xb8;
	[tilespmem:$0x1FF00] =	vst v63  }
0x60: {  	_ =	swait.ge @!p0 [sflag:s9], $0x4000  }
0x61: {  	[sflag:s9] =	ssyncset.done @!p0 $0x0  }
0x62: {  	[sflag:s9] =	ssyncadd.s32 @!p0 $0xFFFFC000  }
0x63: {  	_ =	swait.ge [sflag:s26], $0x80  }
0x64: {  	s23 =	sadd.s32 $0x0, s20;
	[sflag:s26] =	ssyncset.done $0x0  }
0x65: {  	s9 =	sadd.s32 $0x20, s23;
	[sflag:s26] =	ssyncadd.s32 $0xFFFFFF80  }
0x66: {  	[tilespmem:s30], [sflag:$0x9] =	stream.linear.gather [hbm4b:s9+s3], $0x80, $0x38;
	[tilespmem:$0x1FF00] =	vst v63  }
0x67: {  	_ = 	snop  }
0x68: {  	[tilespmem:s0], [sflag:$0x3] =	stream.indirect.gather [hbm4b:s4+s29], $0x80, s25, s29, $0xb8;
	[tilespmem:$0x1FF00] =	vst v63  }
0x69: {  	_ =	swait.ge [sflag:s1], $0x4000  }
0x6a: {  	p0 =	por $0x0, $0x0;
	[sflag:s1] =	ssyncset.done $0x0  }
0x6b: {  	s9 =	simm.s32 @p0 $0x7;
	[sflag:s1] =	ssyncadd.s32 $0xFFFFC000  }
0x6c: {  	_ =	swait.ge @p0 [sflag:s9], $0x80  }
0x6d: {  	s10 =	simm.s32 @p0 $0x13C00;
	s11 =	simm.s32 @p0 $0xA;
	[sflag:s9] =	ssyncset.done @p0 $0x0  }
0x6e: {  	s12 =	simm.s32 @p0 $0x1FD80;
	[sflag:s9] =	ssyncadd.s32 @p0 $0xFFFFFF80;
	s9 =	simm.s32 @p0 $0x80  }
0x6f: {  	[spmem:s2] =	stream.indirect.scatter.add.f32 @p0 [tilespmem:s10], [sflag:$0xA], $0x80, s12, s9, $0xb8;
	[tilespmem:$0x1FF00] =	vst v63  }
0x70: {  	_ =	swait.ge @p0 [sflag:s11], $0x4000  }
0x71: {  	[sflag:s11] =	ssyncset.done @p0 $0x0  }
0x72: {  	s10 =	simm.s32 @p0 $0x2;
	[sflag:s11] =	ssyncadd.s32 @p0 $0xFFFFC000  }
0x73: {  	_ =	swait.ge @p0 [sflag:s10], $0x4000  }
0x74: {  	[sflag:s10] =	ssyncset.done @p0 $0x0  }
0x75: {  	[sflag:s10] =	ssyncadd.s32 @p0 $0xFFFFC000;
	s10 =	simm.s32 @p0 $0x8  }
0x76: {  	_ =	swait.ge @p0 [sflag:s10], $0x80  }
0x77: {  	s12 =	simm.s32 @p0 $0x17C00;
	[sflag:s10] =	ssyncset.done @p0 $0x0  }
0x78: {  	s11 =	simm.s32 @p0 $0xB;
	[sflag:s10] =	ssyncadd.s32 @p0 $0xFFFFFF80;
	s10 =	simm.s32 @p0 $0x1FE00  }
0x79: {  	[spmem:s2] =	stream.indirect.scatter.add.f32 @p0 [tilespmem:s12], [sflag:$0xB], $0x80, s10, s9, $0xb8;
	[tilespmem:$0x1FF00] =	vst v63  }
0x7a: {  	_ =	swait.ge @p0 [sflag:s11], $0x4000  }
0x7b: {  	[sflag:s11] =	ssyncset.done @p0 $0x0  }
0x7c: {  	s9 =	simm.s32 @p0 $0x3;
	[sflag:s11] =	ssyncadd.s32 @p0 $0xFFFFC000  }
0x7d: {  	_ =	swait.ge @p0 [sflag:s9], $0x4000  }
0x7e: {  	s13 =	simm.s32 @!p0 $0x0;
	s10 =	rddreg [dreg:$0x3]  }
0x7f: {  	s12 =	simm.s32 @!p0 $0x1FC00;
	[sflag:s9] =	ssyncset.done @p0 $0x0;
	s10 =	sadd.s32 @!p0 $0x0, s10  }
0x80: {  	s11 =	simm.s32 @!p0 $0x7;
	[sflag:s9] =	ssyncadd.s32 @p0 $0xFFFFC000;
	s9 =	sadd.s32 @!p0 $0x30, s10  }
0x81: {  	[tilespmem:s12], [sflag:$0x4] =	stream.linear.gather @!p0 [hbm4b:s9+s13], $0x80, $0x38;
	[tilespmem:$0x1FF00] =	vst v63  }
0x82: {  	_ =	swait.ge @!p0 [sflag:s11], $0x80  }
0x83: {  	s14 =	simm.s32 @!p0 $0xA;
	s15 =	simm.s32 @!p0 $0x1FD80;
	[sflag:s11] =	ssyncset.done @!p0 $0x0  }
0x84: {  	s9 =	simm.s32 @!p0 $0x13C00;
	[sflag:s11] =	ssyncadd.s32 @!p0 $0xFFFFFF80;
	s11 =	simm.s32 @!p0 $0x80  }
0x85: {  	[spmem:s2] =	stream.indirect.scatter.add.f32 @!p0 [tilespmem:s9], [sflag:$0xA], $0x80, s15, s11, $0xb8;
	[tilespmem:$0x1FF00] =	vst v63  }
0x86: {  	_ =	swait.ge @!p0 [sflag:s14], $0x4000  }
0x87: {  	[sflag:s14] =	ssyncset.done @!p0 $0x0  }
0x88: {  	[sflag:s14] =	ssyncadd.s32 @!p0 $0xFFFFC000;
	s14 =	simm.s32 @!p0 $0x4  }
0x89: {  	_ =	swait.ge @!p0 [sflag:s14], $0x80  }
0x8a: {  	s16 =	sadd.s32 @!p0 $0x0, s20;
	[sflag:s14] =	ssyncset.done @!p0 $0x0  }
0x8b: {  	[sflag:s14] =	ssyncadd.s32 @!p0 $0xFFFFFF80;
	s14 =	sadd.s32 @!p0 $0x30, s16  }
0x8c: {  	[tilespmem:s15], [sflag:$0x7] =	stream.linear.gather @!p0 [hbm4b:s14+s13], $0x80, $0x38;
	[tilespmem:$0x1FF00] =	vst v63  }
0x8d: {  	s14 =	simm.s32 @!p0 $0x2  }
0x8e: {  	[tilespmem:s9], [sflag:$0x1] =	stream.indirect.gather @!p0 [hbm4b:s4+s11], $0x80, s12, s11, $0xb8;
	[tilespmem:$0x1FF00] =	vst v63  }
0x8f: {  	_ =	swait.ge @!p0 [sflag:s14], $0x4000  }
0x90: {  	s9 =	simm.s32 @!p0 $0x8;
	[sflag:s14] =	ssyncset.done @!p0 $0x0  }
0x91: {  	s12 =	sadd.s32 @!p0 $0x40, s10;
	[sflag:s14] =	ssyncadd.s32 @!p0 $0xFFFFC000;
	s14 =	simm.s32 @!p0 $0x1FC80  }
0x92: {  	[tilespmem:s14], [sflag:$0x5] =	stream.linear.gather @!p0 [hbm4b:s12+s13], $0x80, $0x38;
	[tilespmem:$0x1FF00] =	vst v63  }
0x93: {  	_ =	swait.ge @!p0 [sflag:s9], $0x80  }
0x94: {  	s15 =	simm.s32 @!p0 $0x17C00;
	[sflag:s9] =	ssyncset.done @!p0 $0x0  }
0x95: {  	s12 =	simm.s32 @!p0 $0xB;
	[sflag:s9] =	ssyncadd.s32 @!p0 $0xFFFFFF80;
	s9 =	simm.s32 @!p0 $0x1FE00  }
0x96: {  	[spmem:s2] =	stream.indirect.scatter.add.f32 @!p0 [tilespmem:s15], [sflag:$0xB], $0x80, s9, s11, $0xb8;
	[tilespmem:$0x1FF00] =	vst v63  }
0x97: {  	_ =	swait.ge @!p0 [sflag:s12], $0x4000  }
0x98: {  	[sflag:s12] =	ssyncset.done @!p0 $0x0  }
0x99: {  	[sflag:s12] =	ssyncadd.s32 @!p0 $0xFFFFC000;
	s12 =	simm.s32 @!p0 $0x5  }
0x9a: {  	_ =	swait.ge @!p0 [sflag:s12], $0x80  }
0x9b: {  	[sflag:s12] =	ssyncset.done @!p0 $0x0  }
0x9c: {  	[sflag:s12] =	ssyncadd.s32 @!p0 $0xFFFFFF80;
	s12 =	sadd.s32 @!p0 $0x40, s16  }
0x9d: {  	[tilespmem:s9], [sflag:$0x8] =	stream.linear.gather @!p0 [hbm4b:s12+s13], $0x80, $0x38;
	[tilespmem:$0x1FF00] =	vst v63  }
0x9e: {  	s9 =	simm.s32 @!p0 $0x3  }
0x9f: {  	[tilespmem:s15], [sflag:$0x2] =	stream.indirect.gather @!p0 [hbm4b:s4+s11], $0x80, s14, s11, $0xb8;
	[tilespmem:$0x1FF00] =	vst v63  }
0xa0: {  	_ =	swait.ge @!p0 [sflag:s9], $0x4000  }
0xa1: {  	[sflag:s9] =	ssyncset.done @!p0 $0x0  }
0xa2: {  	[sflag:s9] =	ssyncadd.s32 @!p0 $0xFFFFC000;
	s9 =	sadd.s32 @!p0 $0x50, s10;
	s10 =	simm.s32 @!p0 $0x1FD00  }
0xa3: {  	[tilespmem:s10], [sflag:$0x6] =	stream.linear.gather @!p0 [hbm4b:s9+s13], $0x80, $0x38;
	[tilespmem:$0x1FF00] =	vst v63  }
0xa4: {  	p1 =	por $0x0, $0x0;
	_ =	swait.ge [sflag:s6], $0x80  }
0xa5: {  	s9 =	simm.s32 $0x30;
	s10 =	simm.s32 $0x60;
	[sflag:s6] =	ssyncset.done $0x0  }
.LBB2_4:
0xa6: {  	s11 =	simm.s32 @!p1 $0xC;
	[sflag:s6] =	ssyncadd.s32 $0xFFFFFF80  }
0xa7: {  	[spmem:s2] =	stream.indirect.scatter.add.f32 [tilespmem:s0], [sflag:$0xC], $0x80, s30, s29, $0xb8;
	[tilespmem:$0x1FF00] =	vst v63  }
0xa8: {  	_ =	swait.ge @!p1 [sflag:s11], $0x4000  }
0xa9: {  	[sflag:s11] =	ssyncset.done @!p1 $0x0  }
0xaa: {  	[sflag:s11] =	ssyncadd.s32 @!p1 $0xFFFFC000  }
0xab: {  	_ =	swait.ge [sflag:s26], $0x80  }
0xac: {  	s23 =	sadd.s32 s9, s20;
	[sflag:s26] =	ssyncset.done $0x0  }
0xad: {  	s11 =	sadd.s32 $0x20, s23;
	[sflag:s26] =	ssyncadd.s32 $0xFFFFFF80  }
0xae: {  	[tilespmem:s30], [sflag:$0x9] =	stream.linear.gather [hbm4b:s11+s3], $0x80, $0x38;
	[tilespmem:$0x1FF00] =	vst v63  }
0xaf: {  	_ = 	snop  }
0xb0: {  	[tilespmem:s0], [sflag:$0x3] =	stream.indirect.gather [hbm4b:s4+s29], $0x80, s25, s29, $0xb8;
	[tilespmem:$0x1FF00] =	vst v63  }
0xb1: {  	_ =	swait.ge [sflag:s1], $0x4000  }
0xb2: {  	p1 =	seq.s32 s9, $0x4E0;
	[sflag:s1] =	ssyncset.done $0x0  }
0xb3: {  	s14 =	simm.s32 @p1 $0x7;
	[sflag:s1] =	ssyncadd.s32 $0xFFFFC000  }
0xb4: {  	_ =	swait.ge @p1 [sflag:s14], $0x80  }
0xb5: {  	s15 =	simm.s32 @p1 $0x13C00;
	s16 =	simm.s32 @p1 $0xA;
	[sflag:s14] =	ssyncset.done @p1 $0x0  }
0xb6: {  	s17 =	simm.s32 @p1 $0x1FD80;
	[sflag:s14] =	ssyncadd.s32 @p1 $0xFFFFFF80;
	s14 =	simm.s32 @p1 $0x80  }
0xb7: {  	[spmem:s2] =	stream.indirect.scatter.add.f32 @p1 [tilespmem:s15], [sflag:$0xA], $0x80, s17, s14, $0xb8;
	[tilespmem:$0x1FF00] =	vst v63  }
0xb8: {  	_ =	swait.ge @p1 [sflag:s16], $0x4000  }
0xb9: {  	[sflag:s16] =	ssyncset.done @p1 $0x0  }
0xba: {  	s15 =	simm.s32 @p1 $0x2;
	[sflag:s16] =	ssyncadd.s32 @p1 $0xFFFFC000  }
0xbb: {  	_ =	swait.ge @p1 [sflag:s15], $0x4000  }
0xbc: {  	[sflag:s15] =	ssyncset.done @p1 $0x0  }
0xbd: {  	[sflag:s15] =	ssyncadd.s32 @p1 $0xFFFFC000;
	s15 =	simm.s32 @p1 $0x8  }
0xbe: {  	_ =	swait.ge @p1 [sflag:s15], $0x80  }
0xbf: {  	s17 =	simm.s32 @p1 $0x17C00;
	[sflag:s15] =	ssyncset.done @p1 $0x0  }
0xc0: {  	s16 =	simm.s32 @p1 $0xB;
	[sflag:s15] =	ssyncadd.s32 @p1 $0xFFFFFF80;
	s15 =	simm.s32 @p1 $0x1FE00  }
0xc1: {  	[spmem:s2] =	stream.indirect.scatter.add.f32 @p1 [tilespmem:s17], [sflag:$0xB], $0x80, s15, s14, $0xb8;
	[tilespmem:$0x1FF00] =	vst v63  }
0xc2: {  	_ =	swait.ge @p1 [sflag:s16], $0x4000  }
0xc3: {  	[sflag:s16] =	ssyncset.done @p1 $0x0  }
0xc4: {  	s15 =	simm.s32 @p1 $0x3;
	[sflag:s16] =	ssyncadd.s32 @p1 $0xFFFFC000  }
0xc5: {  	_ =	swait.ge @p1 [sflag:s15], $0x4000  }
0xc6: {  	s11 =	sadd.s32 @!p1 s9, s20;
	s17 =	simm.s32 @!p1 $0x1FC00;
	s14 =	rddreg [dreg:$0x3]  }
0xc7: {  	s16 =	simm.s32 @!p1 $0x7;
	[sflag:s15] =	ssyncset.done @p1 $0x0;
	s14 =	sadd.s32 @!p1 s9, s14  }
0xc8: {  	[sflag:s15] =	ssyncadd.s32 @p1 $0xFFFFC000;
	s15 =	simm.s32 @!p1 $0x0;
	s9 =	sadd.s32 @!p1 $0x30, s14  }
0xc9: {  	[tilespmem:s17], [sflag:$0x4] =	stream.linear.gather @!p1 [hbm4b:s9+s15], $0x80, $0x38;
	[tilespmem:$0x1FF00] =	vst v63  }
0xca: {  	s12 =	smov.u32 s10;
	s23 =	simm.s32 @!p1 $0x13C00;
	_ =	swait.ge @!p1 [sflag:s16], $0x80  }
0xcb: {  	s18 =	simm.s32 @!p1 $0xA;
	s9 =	smov.u32 s12;
	[sflag:s16] =	ssyncset.done @!p1 $0x0  }
0xcc: {  	s12 =	simm.s32 @!p1 $0x80;
	[sflag:s16] =	ssyncadd.s32 @!p1 $0xFFFFFF80;
	s16 =	simm.s32 @!p1 $0x1FD80  }
0xcd: {  	[spmem:s2] =	stream.indirect.scatter.add.f32 @!p1 [tilespmem:s23], [sflag:$0xA], $0x80, s16, s12, $0xb8;
	[tilespmem:$0x1FF00] =	vst v63  }
0xce: {  	_ =	swait.ge @!p1 [sflag:s18], $0x4000  }
0xcf: {  	[sflag:s18] =	ssyncset.done @!p1 $0x0  }
0xd0: {  	[sflag:s18] =	ssyncadd.s32 @!p1 $0xFFFFC000;
	s18 =	simm.s32 @!p1 $0x4  }
0xd1: {  	_ =	swait.ge @!p1 [sflag:s18], $0x80  }
0xd2: {  	[sflag:s18] =	ssyncset.done @!p1 $0x0  }
0xd3: {  	s13 =	sadd.s32 @!p1 $0x30, s11;
	[sflag:s18] =	ssyncadd.s32 @!p1 $0xFFFFFF80  }
0xd4: {  	[tilespmem:s16], [sflag:$0x7] =	stream.linear.gather @!p1 [hbm4b:s13+s15], $0x80, $0x38;
	[tilespmem:$0x1FF00] =	vst v63  }
0xd5: {  	s13 =	simm.s32 @!p1 $0x2  }
0xd6: {  	[tilespmem:s23], [sflag:$0x1] =	stream.indirect.gather @!p1 [hbm4b:s4+s12], $0x80, s17, s12, $0xb8;
	[tilespmem:$0x1FF00] =	vst v63  }
0xd7: {  	_ =	swait.ge @!p1 [sflag:s13], $0x4000  }
0xd8: {  	s16 =	simm.s32 @!p1 $0x8;
	[sflag:s13] =	ssyncset.done @!p1 $0x0  }
0xd9: {  	s17 =	simm.s32 @!p1 $0x1FC80;
	[sflag:s13] =	ssyncadd.s32 @!p1 $0xFFFFC000;
	s13 =	sadd.s32 @!p1 $0x40, s14  }
0xda: {  	[tilespmem:s17], [sflag:$0x5] =	stream.linear.gather @!p1 [hbm4b:s13+s15], $0x80, $0x38;
	[tilespmem:$0x1FF00] =	vst v63  }
0xdb: {  	_ =	swait.ge @!p1 [sflag:s16], $0x80  }
0xdc: {  	s18 =	simm.s32 @!p1 $0x17C00;
	[sflag:s16] =	ssyncset.done @!p1 $0x0  }
0xdd: {  	s13 =	simm.s32 @!p1 $0xB;
	[sflag:s16] =	ssyncadd.s32 @!p1 $0xFFFFFF80;
	s16 =	simm.s32 @!p1 $0x1FE00  }
0xde: {  	[spmem:s2] =	stream.indirect.scatter.add.f32 @!p1 [tilespmem:s18], [sflag:$0xB], $0x80, s16, s12, $0xb8;
	[tilespmem:$0x1FF00] =	vst v63  }
0xdf: {  	_ =	swait.ge @!p1 [sflag:s13], $0x4000  }
0xe0: {  	[sflag:s13] =	ssyncset.done @!p1 $0x0  }
0xe1: {  	[sflag:s13] =	ssyncadd.s32 @!p1 $0xFFFFC000;
	s13 =	simm.s32 @!p1 $0x5  }
0xe2: {  	_ =	swait.ge @!p1 [sflag:s13], $0x80  }
0xe3: {  	[sflag:s13] =	ssyncset.done @!p1 $0x0  }
0xe4: {  	s11 =	sadd.s32 @!p1 $0x40, s11;
	[sflag:s13] =	ssyncadd.s32 @!p1 $0xFFFFFF80  }
0xe5: {  	[tilespmem:s16], [sflag:$0x8] =	stream.linear.gather @!p1 [hbm4b:s11+s15], $0x80, $0x38;
	[tilespmem:$0x1FF00] =	vst v63  }
0xe6: {  	s10 =	sadd.s32 $0x30, s10;
	s11 =	simm.s32 @!p1 $0x3  }
0xe7: {  	[tilespmem:s18], [sflag:$0x2] =	stream.indirect.gather @!p1 [hbm4b:s4+s12], $0x80, s17, s12, $0xb8;
	[tilespmem:$0x1FF00] =	vst v63  }
0xe8: {  	p0 =	sne.s32 s10, $0x510;
	_ =	swait.ge @!p1 [sflag:s11], $0x4000  }
.Ltmp1:
0xe9: {  	[sflag:s11] =	ssyncset.done @!p1 $0x0;
	(pc) =	sbr.rel @p0 .LBB2_4-.Ltmp1, $4  }
0xea: {  	s12 =	simm.s32 @!p1 $0x1FD00;
	[sflag:s11] =	ssyncadd.s32 @!p1 $0xFFFFC000;
	s11 =	sadd.s32 @!p1 $0x50, s14  }
0xeb: {  	[tilespmem:s12], [sflag:$0x6] =	stream.linear.gather @!p1 [hbm4b:s11+s15], $0x80, $0x38;
	[tilespmem:$0x1FF00] =	vst v63  }
0xec: {  	_ =	swait.ge [sflag:s6], $0x80  }
0xed: {  	p1 =	seq.s32 s9, $0x0;
	[sflag:s6] =	ssyncset.done $0x0  }
0xee: {  	s10 =	simm.s32 @!p1 $0xC;
	[sflag:s6] =	ssyncadd.s32 $0xFFFFFF80  }
0xef: {  	[spmem:s2] =	stream.indirect.scatter.add.f32 [tilespmem:s0], [sflag:$0xC], $0x80, s30, s29, $0xb8;
	[tilespmem:$0x1FF00] =	vst v63  }
0xf0: {  	_ =	swait.ge @!p1 [sflag:s10], $0x4000  }
0xf1: {  	[sflag:s10] =	ssyncset.done @!p1 $0x0  }
0xf2: {  	[sflag:s10] =	ssyncadd.s32 @!p1 $0xFFFFC000  }
0xf3: {  	_ =	swait.ge [sflag:s26], $0x80  }
0xf4: {  	s16 =	sadd.s32 s9, s20;
	[sflag:s26] =	ssyncset.done $0x0  }
0xf5: {  	s10 =	sadd.s32 $0x20, s16;
	[sflag:s26] =	ssyncadd.s32 $0xFFFFFF80  }
0xf6: {  	[tilespmem:s30], [sflag:$0x9] =	stream.linear.gather [hbm4b:s10+s3], $0x80, $0x38;
	[tilespmem:$0x1FF00] =	vst v63  }
0xf7: {  	_ = 	snop  }
0xf8: {  	[tilespmem:s0], [sflag:$0x3] =	stream.indirect.gather [hbm4b:s4+s29], $0x80, s25, s29, $0xb8;
	[tilespmem:$0x1FF00] =	vst v63  }
0xf9: {  	_ =	swait.ge [sflag:s1], $0x4000  }
0xfa: {  	p0 =	seq.s32 s9, $0x4E0;
	[sflag:s1] =	ssyncset.done $0x0  }
0xfb: {  	s10 =	simm.s32 @p0 $0x7;
	[sflag:s1] =	ssyncadd.s32 $0xFFFFC000  }
0xfc: {  	_ =	swait.ge @p0 [sflag:s10], $0x80  }
0xfd: {  	s11 =	simm.s32 @p0 $0x13C00;
	s12 =	simm.s32 @p0 $0xA;
	[sflag:s10] =	ssyncset.done @p0 $0x0  }
0xfe: {  	s13 =	simm.s32 @p0 $0x1FD80;
	[sflag:s10] =	ssyncadd.s32 @p0 $0xFFFFFF80;
	s10 =	simm.s32 @p0 $0x80  }
0xff: {  	[spmem:s2] =	stream.indirect.scatter.add.f32 @p0 [tilespmem:s11], [sflag:$0xA], $0x80, s13, s10, $0xb8;
	[tilespmem:$0x1FF00] =	vst v63  }
0x100: {  	_ =	swait.ge @p0 [sflag:s12], $0x4000  }
0x101: {  	[sflag:s12] =	ssyncset.done @p0 $0x0  }
0x102: {  	s11 =	simm.s32 @p0 $0x2;
	[sflag:s12] =	ssyncadd.s32 @p0 $0xFFFFC000  }
0x103: {  	_ =	swait.ge @p0 [sflag:s11], $0x4000  }
0x104: {  	[sflag:s11] =	ssyncset.done @p0 $0x0  }
0x105: {  	[sflag:s11] =	ssyncadd.s32 @p0 $0xFFFFC000;
	s11 =	simm.s32 @p0 $0x8  }
0x106: {  	_ =	swait.ge @p0 [sflag:s11], $0x80  }
0x107: {  	s13 =	simm.s32 @p0 $0x17C00;
	[sflag:s11] =	ssyncset.done @p0 $0x0  }
0x108: {  	s12 =	simm.s32 @p0 $0xB;
	[sflag:s11] =	ssyncadd.s32 @p0 $0xFFFFFF80;
	s11 =	simm.s32 @p0 $0x1FE00  }
0x109: {  	[spmem:s2] =	stream.indirect.scatter.add.f32 @p0 [tilespmem:s13], [sflag:$0xB], $0x80, s11, s10, $0xb8;
	[tilespmem:$0x1FF00] =	vst v63  }
0x10a: {  	_ =	swait.ge @p0 [sflag:s12], $0x4000  }
0x10b: {  	[sflag:s12] =	ssyncset.done @p0 $0x0  }
0x10c: {  	s10 =	simm.s32 @p0 $0x3;
	[sflag:s12] =	ssyncadd.s32 @p0 $0xFFFFC000  }
0x10d: {  	_ =	swait.ge @p0 [sflag:s10], $0x4000  }
0x10e: {  	s14 =	simm.s32 @!p0 $0x0;
	s11 =	rddreg [dreg:$0x3]  }
0x10f: {  	s13 =	simm.s32 @!p0 $0x1FC00;
	[sflag:s10] =	ssyncset.done @p0 $0x0;
	s11 =	sadd.s32 @!p0 s9, s11  }
0x110: {  	s12 =	simm.s32 @!p0 $0x7;
	[sflag:s10] =	ssyncadd.s32 @p0 $0xFFFFC000;
	s10 =	sadd.s32 @!p0 $0x30, s11  }
0x111: {  	[tilespmem:s13], [sflag:$0x4] =	stream.linear.gather @!p0 [hbm4b:s10+s14], $0x80, $0x38;
	[tilespmem:$0x1FF00] =	vst v63  }
0x112: {  	_ =	swait.ge @!p0 [sflag:s12], $0x80  }
0x113: {  	s15 =	simm.s32 @!p0 $0xA;
	s16 =	simm.s32 @!p0 $0x1FD80;
	[sflag:s12] =	ssyncset.done @!p0 $0x0  }
0x114: {  	s10 =	simm.s32 @!p0 $0x13C00;
	[sflag:s12] =	ssyncadd.s32 @!p0 $0xFFFFFF80;
	s12 =	simm.s32 @!p0 $0x80  }
0x115: {  	[spmem:s2] =	stream.indirect.scatter.add.f32 @!p0 [tilespmem:s10], [sflag:$0xA], $0x80, s16, s12, $0xb8;
	[tilespmem:$0x1FF00] =	vst v63  }
0x116: {  	_ =	swait.ge @!p0 [sflag:s15], $0x4000  }
0x117: {  	[sflag:s15] =	ssyncset.done @!p0 $0x0  }
0x118: {  	[sflag:s15] =	ssyncadd.s32 @!p0 $0xFFFFC000;
	s15 =	simm.s32 @!p0 $0x4  }
0x119: {  	_ =	swait.ge @!p0 [sflag:s15], $0x80  }
0x11a: {  	s9 =	sadd.s32 @!p0 s9, s20;
	[sflag:s15] =	ssyncset.done @!p0 $0x0  }
0x11b: {  	[sflag:s15] =	ssyncadd.s32 @!p0 $0xFFFFFF80;
	s15 =	sadd.s32 @!p0 $0x30, s9  }
0x11c: {  	[tilespmem:s16], [sflag:$0x7] =	stream.linear.gather @!p0 [hbm4b:s15+s14], $0x80, $0x38;
	[tilespmem:$0x1FF00] =	vst v63  }
0x11d: {  	s15 =	simm.s32 @!p0 $0x2  }
0x11e: {  	[tilespmem:s10], [sflag:$0x1] =	stream.indirect.gather @!p0 [hbm4b:s4+s12], $0x80, s13, s12, $0xb8;
	[tilespmem:$0x1FF00] =	vst v63  }
0x11f: {  	_ =	swait.ge @!p0 [sflag:s15], $0x4000  }
0x120: {  	s10 =	simm.s32 @!p0 $0x8;
	[sflag:s15] =	ssyncset.done @!p0 $0x0  }
0x121: {  	s13 =	sadd.s32 @!p0 $0x40, s11;
	[sflag:s15] =	ssyncadd.s32 @!p0 $0xFFFFC000;
	s15 =	simm.s32 @!p0 $0x1FC80  }
0x122: {  	[tilespmem:s15], [sflag:$0x5] =	stream.linear.gather @!p0 [hbm4b:s13+s14], $0x80, $0x38;
	[tilespmem:$0x1FF00] =	vst v63  }
0x123: {  	_ =	swait.ge @!p0 [sflag:s10], $0x80  }
0x124: {  	s16 =	simm.s32 @!p0 $0x17C00;
	[sflag:s10] =	ssyncset.done @!p0 $0x0  }
0x125: {  	s13 =	simm.s32 @!p0 $0xB;
	[sflag:s10] =	ssyncadd.s32 @!p0 $0xFFFFFF80;
	s10 =	simm.s32 @!p0 $0x1FE00  }
0x126: {  	[spmem:s2] =	stream.indirect.scatter.add.f32 @!p0 [tilespmem:s16], [sflag:$0xB], $0x80, s10, s12, $0xb8;
	[tilespmem:$0x1FF00] =	vst v63  }
0x127: {  	_ =	swait.ge @!p0 [sflag:s13], $0x4000  }
0x128: {  	[sflag:s13] =	ssyncset.done @!p0 $0x0  }
0x129: {  	[sflag:s13] =	ssyncadd.s32 @!p0 $0xFFFFC000;
	s13 =	simm.s32 @!p0 $0x5  }
0x12a: {  	_ =	swait.ge @!p0 [sflag:s13], $0x80  }
0x12b: {  	[sflag:s13] =	ssyncset.done @!p0 $0x0  }
0x12c: {  	s9 =	sadd.s32 @!p0 $0x40, s9;
	[sflag:s13] =	ssyncadd.s32 @!p0 $0xFFFFFF80  }
0x12d: {  	[tilespmem:s10], [sflag:$0x8] =	stream.linear.gather @!p0 [hbm4b:s9+s14], $0x80, $0x38;
	[tilespmem:$0x1FF00] =	vst v63  }
0x12e: {  	s9 =	simm.s32 @!p0 $0x3  }
0x12f: {  	[tilespmem:s16], [sflag:$0x2] =	stream.indirect.gather @!p0 [hbm4b:s4+s12], $0x80, s15, s12, $0xb8;
	[tilespmem:$0x1FF00] =	vst v63  }
0x130: {  	_ =	swait.ge @!p0 [sflag:s9], $0x4000  }
0x131: {  	[sflag:s9] =	ssyncset.done @!p0 $0x0  }
0x132: {  	s10 =	simm.s32 @!p0 $0x1FD00;
	[sflag:s9] =	ssyncadd.s32 @!p0 $0xFFFFC000;
	s9 =	sadd.s32 @!p0 $0x50, s11  }
0x133: {  	[tilespmem:s10], [sflag:$0x6] =	stream.linear.gather @!p0 [hbm4b:s9+s14], $0x80, $0x38;
	[tilespmem:$0x1FF00] =	vst v63  }
0x134: {  	_ =	swait.ge [sflag:s6], $0x80  }
0x135: {  	[sflag:s6] =	ssyncset.done $0x0  }
0x136: {  	[sflag:s6] =	ssyncadd.s32 $0xFFFFFF80  }
0x137: {  	[spmem:s2] =	stream.indirect.scatter.add.f32 [tilespmem:s0], [sflag:$0xC], $0x80, s30, s29, $0xb8;
	[tilespmem:$0x1FF00] =	vst v63  }
0x138: {  	_ =	swait.ge [sflag:s7], $0x4000  }
0x139: {  	s17 =	stileid.u32;
	[sflag:s7] =	ssyncset.done $0x0  }
0x13a: {  	s18 =	sshrl.u32 s5, $0x3;
	s8 =	sadd.s32 $0x1, s8;
	[sflag:s7] =	ssyncadd.s32 $0xFFFFC000  }
0x13b: {  	s9 =	sshll.u32 s17, $0x6;
	p0 =	sne.s32 s8, s19;
	[bflag:$0x0] =	sbarrier.arrive $0xFFFF  }
.Ltmp2:
0x13c: {  	s9 =	sor.u32 $0x1C0D, s9;
	s23 =	rddreg [dreg:$0x10];
	(pc) =	sbr.rel @p0 .LBB2_1-.Ltmp2, $4  }
0x13d: {  	[hbm:s23], [sflag:s9] =	dma.local [spmem:s18], $0x2780  }
0x13e: {  	_ =	swait.ge [sflag:s22], $0x2780  }
0x13f: {  	[sflag:s22] =	ssyncset.done $0x0  }
0x140: {  	[sflag:s22] =	ssyncadd.s32 $0xFFFFD880  }
0x141: {  	_ =	sfence.sel $0x180000  }
0x142: {  	[bflag:$0x0] =	sbarrier.arrive $0xFFFF  }
0x143: {  	_ =	strace $0x9000004D  }
0x144: {  	s0 =	stileid.u32;
	[bflag:$0x2] =	sbarrier.arrive $0xFFFF  }
0x145: {  	p0 =	sne.s32 s0, $0x0;
	s0 =	rddreg [dreg:$0x2]  }
0x146: {  	s0 =	sadd.s32 @!p0 $0x100000, s0  }
0x147: {  	[sflag:s0] =	ssyncadd.tile.s32 @!p0 $0x1;
	_ =	shalt  }
.Lfunc_end2:
_tile_overlayer_lowered:
.L_overlay_start_2:
0x148: {  	(tag) =	ssettag $0x2  }
0x149: {  	s0 =	rddreg [dreg:$0x0];
	s2 =	stileid.u32  }
0x14a: {  	s1 =	rddreg [dreg:$0x1];
	p0 =	sne.s32 s2, $0x0  }
0x14b: {  	s3 =	rddreg [dreg:$0x2];
	[bflag:$0x3] =	sbarrier.arrive $0xFFFF;
	s2 =	simm.s32 @!p0 $0x1C0D  }
0x14c: {  	[timem:s3], [sflag:s2] =	dma.local @!p0 [hbm:s0], s1  }
0x14d: {  	s0 =	simm.s32 @!p0 $0xD  }
0x14e: {  	_ =	swait.ge @!p0 [sflag:s0], s1  }
0x14f: {  	s1 =	ssub.s32 @!p0 $0x0, s1;
	[sflag:s0] =	ssyncset.done @!p0 $0x0  }
0x150: {  	[sflag:s0] =	ssyncadd.s32 @!p0 s1  }
0x151: {  	[bflag:$0x3] =	sbarrier.arrive $0xFFFF  }
0x152: {  	_ =	shalt  }

// kernel: kernel.19.cloned.1.call-start
scs
__scs_entry_jumppad:
0x0: {  	(pc) =	sbr.rel $0x88, $3  }
0x1: {  	(tag) =	ssettag $0x0;
	lr =	simm.s32 $0x1  }
0x2: {  	[smem:$0x3F95] =	sst lr;
	_ =	strace $0xD0000000  }
0x3: {  	_ = 	snop  }
0x4: {  	_ = 	snop  }
0x5: {  	_ = 	snop  }
0x6: {  	_ = 	snop  }
0x7: {  	_ = 	snop  }
__scs_overlays_trampoline_lowered:
0x8: {  	[smem:$0x3FA4] =	sst s0  }
0x9: {  	[smem:$0x3FA5] =	sst s1  }
0xa: {  	[smem:$0x3FA6] =	sst s2  }
0xb: {  	[smem:$0x3FA7] =	sst s3  }
0xc: {  	[smem:$0x3FA8] =	sst s4  }
0xd: {  	[smem:$0x3FA9] =	sst s5  }
0xe: {  	[smem:$0x3FAA] =	sst s6  }
0xf: {  	[smem:$0x3FAB] =	sst s7  }
0x10: {  	[smem:$0x3FAC] =	sst s8  }
0x11: {  	[smem:$0x3FAD] =	sst s9;
	s0 =	simm.s32 @!p0 $0x0  }
0x12: {  	s1 =	sld [smem:$0x3F93];
	s0 =	simm.s32 @p0 $0x1  }
0x13: {  	[smem:$0x3FAE] =	sst s0;
	s0 =	simm.s32 @!p1 $0x0  }
0x14: {  	s2 =	sld [smem:$0x3F92];
	s0 =	simm.s32 @p1 $0x1  }
0x15: {  	[smem:$0x3FAF] =	sst s0;
	s0 =	simm.s32 @!p2 $0x0  }
0x16: {  	s3 =	sld [smem:$0x3FDB];
	s0 =	simm.s32 @p2 $0x1  }
0x17: {  	s4 =	simm.s32 $0x1BF5;
	[smem:$0x3FB1] =	sst s0  }
0x18: {  	s0 =	sld [smem:$0x3F94];
	_ =	swait.ge [sflag:s4], $0x0  }
0x19: {  	s7 =	sld [smem:$0x3F95]  }
0x1a: {  	s8 =	sadd.s32 $0xFFFFE003, lr  }
0x1b: {  	s9 =	sadd.s32 $0xFFFFFEF7, lr;
	s5 =	simm.s32 $0xFFFFFFFF;
	p2 =	slt.u32 s8, $0xFFFFF086  }
0x1c: {  	p1 =	slt.u32 s9, $0xF7A;
	s5 =	simm.s32 @!p2 $0x0  }
0x1d: {  	s5 =	simm.s32 @p1 $0x1;
	p0 =	seq.s32 s7, s2  }
0x1e: {  	s7 =	smul.u32 @!p0 $0xF7A, s2;
	p2 =	seq.s32 @!p0 s5, $0x0  }
0x1f: {  	s9 =	smul.u32 $0xF7A, s1;
	s8 =	simm.s32 @!p0 $0x1BF5;
	p2 =	por !p2, p0  }
0x20: {  	[sflag:s8] =	ssyncset.s32 @!p0 $0xFFFFF086;
	s6 =	sadd.s32 @!p0 s3, s7;
	s7 =	simm.s32 @!p0 $0x108  }
0x21: {  	s3 =	sadd.s32 s3, s9;
	s6 =	sadd.s32 @!p0 $0x88, s6;
	s7 =	simm.s32 @p2 $0x1082  }
0x22: {  	[simem:s7], [sflag:s8] =	dma.local @!p0 [hbm:s6], $0xF7A  }
0x23: {  	s9 =	sor.u32 $0xD0000000, s2;
	s6 =	simm.s32 $0x108;
	_ =	swait.ge @!p0 [sflag:s8], $0x0  }
0x24: {  	s3 =	sadd.s32 $0x88, s3;
	s6 =	simm.s32 @!p1 $0x1082;
	[sflag:s4] =	ssyncset.s32 $0xFFFFF086  }
0x25: {  	[simem:s6], [sflag:s4] =	dma.local [hbm:s3], $0xF7A  }
0x26: {  	[smem:$0x3F95] =	sst s1;
	(tag) =	ssettag s2;
	_ =	strace s9  }
0x27: {  	s1 =	sld [smem:$0x3FA5]  }
0x28: {  	s2 =	sld [smem:$0x3FA6]  }
0x29: {  	s4 =	sld [smem:$0x3FA8]  }
0x2a: {  	p0 =	seq.s32 s5, $0x0;
	s5 =	sld [smem:$0x3FA9]  }
0x2b: {  	s6 =	sld [smem:$0x3FAA]  }
0x2c: {  	s7 =	sld [smem:$0x3FAB]  }
0x2d: {  	s3 =	simm.s32 $0x108;
	s8 =	sld [smem:$0x3FAC]  }
0x2e: {  	s3 =	simm.s32 @!p0 $0x1082;
	s9 =	sld [smem:$0x3FAD]  }
0x2f: {  	lr =	sadd.s32 s0, s3;
	s0 =	sld [smem:$0x3FA4]  }
0x30: {  	s3 =	sld [smem:$0x3FA7]  }
0x31: {  	[smem:$0x3FB0] =	sst s10  }
0x32: {  	s10 =	sld [smem:$0x3FAE];
	_ =	sdelay $0x3  }
0x33: {  	p0 =	seq.s32 s10, $0x1;
	s10 =	sld [smem:$0x3FB0];
	_ =	sdelay $0x3  }
0x34: {  	[smem:$0x3FB0] =	sst s10  }
0x35: {  	s10 =	sld [smem:$0x3FAF];
	_ =	sdelay $0x3  }
0x36: {  	p1 =	seq.s32 s10, $0x1;
	s10 =	sld [smem:$0x3FB0];
	_ =	sdelay $0x3  }
0x37: {  	[smem:$0x3FB0] =	sst s10  }
0x38: {  	s10 =	sld [smem:$0x3FB1]  }
0x39: {  	_ = 	snop;
	(pc) =	sbr.ind lr, $3  }
0x3a: {  	_ = 	snop  }
0x3b: {  	_ = 	snop  }
0x3c: {  	p2 =	seq.s32 s10, $0x1;
	s10 =	sld [smem:$0x3FB0]  }
0x3d: {  	_ =	shalt  }
0x3e: {  	_ =	shalt  }
0x3f: {  	_ =	shalt  }
0x40: {  	_ =	shalt  }
0x41: {  	_ =	shalt  }
0x42: {  	_ =	shalt  }
0x43: {  	_ =	shalt  }
0x44: {  	_ =	shalt  }
0x45: {  	_ =	shalt  }
0x46: {  	_ =	shalt  }
0x47: {  	_ =	shalt  }
0x48: {  	_ =	shalt  }
0x49: {  	_ =	shalt  }
0x4a: {  	_ =	shalt  }
0x4b: {  	_ =	shalt  }
0x4c: {  	_ =	shalt  }
0x4d: {  	_ =	shalt  }
0x4e: {  	_ =	shalt  }
0x4f: {  	_ =	shalt  }
0x50: {  	_ =	shalt  }
0x51: {  	_ =	shalt  }
0x52: {  	_ =	shalt  }
0x53: {  	_ =	shalt  }
0x54: {  	_ =	shalt  }
0x55: {  	_ =	shalt  }
0x56: {  	_ =	shalt  }
0x57: {  	_ =	shalt  }
0x58: {  	_ =	shalt  }
0x59: {  	_ =	shalt  }
0x5a: {  	_ =	shalt  }
0x5b: {  	_ =	shalt  }
0x5c: {  	_ =	shalt  }
0x5d: {  	_ =	shalt  }
0x5e: {  	_ =	shalt  }
0x5f: {  	_ =	shalt  }
0x60: {  	_ =	shalt  }
0x61: {  	_ =	shalt  }
0x62: {  	_ =	shalt  }
0x63: {  	_ =	shalt  }
0x64: {  	_ =	shalt  }
0x65: {  	_ =	shalt  }
0x66: {  	_ =	shalt  }
0x67: {  	_ =	shalt  }
0x68: {  	_ =	shalt  }
0x69: {  	_ =	shalt  }
0x6a: {  	_ =	shalt  }
0x6b: {  	_ =	shalt  }
0x6c: {  	_ =	shalt  }
0x6d: {  	_ =	shalt  }
0x6e: {  	_ =	shalt  }
0x6f: {  	_ =	shalt  }
0x70: {  	_ =	shalt  }
0x71: {  	_ =	shalt  }
0x72: {  	_ =	shalt  }
0x73: {  	_ =	shalt  }
0x74: {  	_ =	shalt  }
0x75: {  	_ =	shalt  }
0x76: {  	_ =	shalt  }
0x77: {  	_ =	shalt  }
0x78: {  	_ =	shalt  }
0x79: {  	_ =	shalt  }
0x7a: {  	_ =	shalt  }
0x7b: {  	_ =	shalt  }
0x7c: {  	_ =	shalt  }
0x7d: {  	_ =	shalt  }
0x7e: {  	_ =	shalt  }
0x7f: {  	_ =	shalt  }
0x80: {  	_ =	shalt  }
0x81: {  	_ =	shalt  }
0x82: {  	_ =	shalt  }
0x83: {  	_ =	shalt  }
0x84: {  	_ =	shalt  }
0x85: {  	_ =	shalt  }
0x86: {  	_ =	shalt  }
0x87: {  	_ =	shalt  }
.Lfunc_end0:
.L_simem_size_0:
called_computation.3_lowered:
.L_overlay_start_0:
0x88: {  	s2 =	sld [smem:$0x3FD9]  }
0x89: {  	s3 =	sld [smem:$0x3FFE];
	_ =	sdelay $0x1  }
0x8a: {  	s1 =	srdreg.scid  }
0x8b: {  	s0 =	sand.u32 $0x1, s1  }
0x8c: {  	s17 =	sshll.u32 s0, $0xA;
	s2 =	sadd.s32 s3, s2  }
0x8d: {  	s2 =	sadd.s32 s2, s17  }
0x8e: {  	[smem:$0x3FBC] =	sst s2  }
0x8f: {  	_ = 	snop  }
0x90: {  	s2 =	sld [smem:$0x3FD0];
	(tm) =	ssettm $0x1  }
0x91: {  	s18 =	sld [smem:$0x3FFB];
	_ =	sdelay $0x3  }
0x92: {  	_ =	strace s18  }
0x93: {  	s3 =	sld [smem:$0x3FFC];
	_ =	sdelay $0x3  }
0x94: {  	_ =	strace s3  }
0x95: {  	s3 =	sld [smem:$0x3FFD];
	_ =	sdelay $0x3  }
0x96: {  	_ =	strace s3  }
0x97: {  	_ =	strace $0x8FFFFFFF  }
0x98: {  	s19 =	sld [smem:$0x3FDB];
	_ =	sdelay $0x1  }
0x99: {  	s4 =	simm.s32 $_scs_section_size  }
0x9a: {  	s5 =	simm.s32 $_size__tile_overlayer_lowered;
	s6 =	simm.s32 $_tile_overlayer_lowered  }
0x9b: {  	s22 =	simm.s32 $0x1BFF;
	s21 =	sshll.u32 s6, $0x1;
	s3 =	sadd.s32 s4, s19  }
0x9c: {  	s7 =	simm.s32 $0x0;
	s20 =	sshll.u32 s5, $0x1;
	s5 =	sadd.s32 s21, s3  }
0x9d: {  	[timem:s7], [sflag:s22] =	dma.local [hbm:s5], s20  }
0x9e: {  	_ =	swait.ge [sflag:s22], s20  }
0x9f: {  	s4 =	ssub.s32 $0x0, s20;
	[sflag:s22] =	ssyncset.done $0x0  }
0xa0: {  	[sflag:s22] =	ssyncadd.s32 s4;
	_ =	sdelay $0x1  }
0xa1: {  	s23 =	simm.s32 $0x1B8B  }
0xa2: {  	_ =	swait.ge [sflag:s23], $0x1  }
0xa3: {  	[sflag:s23] =	ssyncset.done $0x0  }
0xa4: {  	s25 =	simm.s32 $0x1B8E;
	s24 =	sld [smem:$0x3FFE];
	[sflag:s23] =	ssyncadd.s32 $0xFFFFFFFF  }
0xa5: {  	s26 =	simm.s32 $execute0_lowered;
	[smem:$0x3FD2] =	sst s25  }
0xa6: {  	s5 =	sshll.u32 s26, $0x1;
	_ =	strace $0x8000004F;
	[dreg:$0x1] =	wrdreg $0xFFFFFFFF  }
0xa7: {  	s28 =	simm.s32 $_size_execute0_lowered;
	s3 =	sadd.s32 s3, s5;
	[dreg:$0x0] =	wrdreg $0x0  }
0xa8: {  	s5 =	sshll.u32 s28, $0x1;
	[dreg:$0x2] =	wrdreg s3  }
0xa9: {  	[dreg:$0x3] =	wrdreg s5  }
0xaa: {  	[dreg:$0x4] =	wrdreg $0xC0  }
0xab: {  	_ =	task [dreg:s7], $0x5FFFF  }
0xac: {  	[dreg:$0x1] =	wrdreg $0xFFFFFFFF  }
0xad: {  	[dreg:$0x0] =	wrdreg $0x60  }
0xae: {  	[dreg:$0x2] =	wrdreg s24  }
0xaf: {  	[dreg:$0x3] =	wrdreg s2  }
0xb0: {  	[dreg:$0x4] =	wrdreg $0x0  }
0xb1: {  	[dreg:$0x5] =	wrdreg $0x9  }
0xb2: {  	_ =	task.clear_ibuf [dreg:s7], $0x6FFFF;
	_ =	strace $0x9000004F  }
0xb3: {  	s29 =	simm.s32 $0x9;
	_ =	strace $0x80000051  }
0xb4: {  	_ =	swait.ge [sflag:s29], $0x1  }
0xb5: {  	[sflag:s29] =	ssyncadd.s32 $0xFFFFFFFF  }
0xb6: {  	_ =	strace $0x90000051  }
0xb7: {  	_ =	sfence  }
0xb8: {  	s30 =	sld [smem:$0x0];
	_ =	sdelay $0x2  }
0xb9: {  	s31 =	sshll.u32 s1, $0xD;
	s1 =	sshrl.u32 s1, $0x2  }
0xba: {  	s3 =	sand.u32 $0x4000, s31;
	s1 =	sadd.s32 s1, s30  }
0xbb: {  	s0 =	sor.u32 s3, s0;
	s1 =	sshll.u32 s1, $0x11  }
0xbc: {  	s0 =	sor.u32 s1, s0  }
0xbd: {  	s0 =	sadd.s32 $0x8F2B, s0  }
0xbe: {  	[sflag:s0] =	ssyncadd.remote.s32 $0x1  }
0xbf: {  	_ =	sfence.sel $0xFFFF  }
0xc0: {  	[dreg:$0x0] =	wrdreg $0xFFFFFFFF;
	(pc) =	sbr.abs _section_cstart, $3  }
0xc1: {  	[dreg:$0x1] =	wrdreg $0xFFFFFFFF  }
0xc2: {  	_ =	task.clear_ibuf [dreg:s7], $0x2FFFF;
	_ =	strace $0x9FFFFFFF  }
0xc3: {  	(tm) =	ssettm $0x7FFFFFFF  }
tec
execute0_lowered:
.L_overlay_start_1:
0x0: {  	(tag) =	ssettag $0x1  }
0x1: {  	s0 =	rddreg [dreg:$0x0]  }
0x2: {  	s2 =	rddreg [dreg:$0x1]  }
0x3: {  	s1 =	srdreg.scid;
	s12 =	stileid.u32  }
0x4: {  	s3 =	rddreg [dreg:$0x2];
	s4 =	simm.s32 $0x0;
	s5 =	smul.u32 $0x13C0, s12  }
0x5: {  	s28 =	simm.s32 $0x4;
	s1 =	sand.u32 $0x1, s1;
	s10 =	smul.u32 $0x27800, s12  }
0x6: {  	s29 =	simm.s32 $0x80;
	s31 =	simm.s32 $0x5;
	s6 =	smul.u32 $0x13C00, s1  }
0x7: {  	s30 =	simm.s32 $0x10080;
	[smem:$0x7FF] =	sst s4;
	s7 =	sadd.s32 $0xD200, s0  }
0x8: {  	s8 =	sadd.s32 $0x3000, s0;
	s5 =	sadd.s32 s5, s6;
	s6 =	sshrl.u32 s10, $0x2  }
0x9: {  	s24 =	smul.u32 $0x510, s12;
	s0 =	sadd.s32 s5, s0;
	s5 =	sadd.s32 s6, s3  }
0xa: {  	_ =	strace $0x80000050;
	s9 =	ssub.s32 $0x2, s1;
	s13 =	sadd.s32 $0x13C0, s5  }
0xb: {  	s11 =	sshll.u32 s1, $0x4;
	s15 =	sadd.s32 $0x2780, s5;
	[dreg:$0x5] =	wrdreg s13  }
0xc: {  	s1 =	smul.u32 $0x5100, s1;
	s16 =	sadd.s32 $0x3B40, s5;
	[dreg:$0x6] =	wrdreg s15  }
0xd: {  	s11 =	sor.u32 s12, s11;
	s18 =	sadd.s32 $0x4F00, s5;
	[dreg:$0x7] =	wrdreg s16  }
0xe: {  	s10 =	sshrl.u32 s9, $0x1;
	s19 =	sadd.s32 $0x62C0, s5;
	[dreg:$0x8] =	wrdreg s18  }
0xf: {  	s14 =	smul.u32 $0x510, s11;
	s20 =	sadd.s32 $0x7680, s5;
	[dreg:$0x9] =	wrdreg s19  }
0x10: {  	s17 =	smul.u32 $0x2880, s11;
	s21 =	sadd.s32 $0x8A40, s5;
	[dreg:$0xa] =	wrdreg s20  }
0x11: {  	s6 =	ssub.s32 s9, s10;
	s22 =	sadd.s32 s7, s14;
	[dreg:$0xb] =	wrdreg s21  }
0x12: {  	s10 =	sshrl.u32 s17, $0x3;
	s9 =	sadd.s32 s8, s14;
	[dreg:$0xc] =	wrdreg s22  }
0x13: {  	s0 =	sadd.s32 $0x17400, s0;
	s23 =	sadd.s32 $0x10, s10;
	[dreg:$0xf] =	wrdreg s9  }
0x14: {  	s10 =	sadd.s32 s7, s10;
	[dreg:$0x11] =	wrdreg s0;
	s19 =	smax.u32 s6, $0x1  }
0x15: {  	s21 =	simm.s32 $0x9E00;
	s22 =	simm.s32 $0xD;
	s0 =	simm.s32 $0x1  }
0x16: {  	s6 =	simm.s32 $0x9;
	s13 =	sadd.s32 s7, s23;
	s10 =	sadd.s32 $0x20, s10  }
0x17: {  	s25 =	sadd.s32 s8, s23;
	s7 =	sadd.s32 s1, s7;
	[dreg:$0xd] =	wrdreg s13  }
0x18: {  	s1 =	sadd.s32 s1, s8;
	s8 =	simm.s32 $0x0;
	[dreg:$0xe] =	wrdreg s10  }
0x19: {  	[dreg:$0x10] =	wrdreg s25;
	s26 =	sadd.s32 s24, s7;
	s20 =	sadd.s32 s24, s1  }
0x1a: {  	s24 =	simm.s32 $0xFE80;
	s25 =	simm.s32 $0xFF00;
	s1 =	simm.s32 $0xDE00  }
0x1b: {  	v0 =	vimm.f32 $0.0e+00;
	s7 =	simm.s32 $0xC;
	[dreg:$0x4] =	wrdreg s26;
	s26 =	simm.s32 $0x6  }
.LBB2_1:
0x1c: {  	s10 =	simm.s32 $0x100;
	s9 =	simm.s32 $0x0  }
.LBB2_2:
0x1d: {  	p0 =	sne.s32 s10, $0x7F00;
	[tilespmem:s9+$0x9E30] =	vst v0;
	s11 =	smov.u32 s10;
	s10 =	sadd.s32 $0x100, s10  }
.Ltmp0:
0x1e: {  	[tilespmem:s9+$0x9E20] =	vst v0;
	(pc) =	sbr.rel @p0 .LBB2_2-.Ltmp0, $3  }
0x1f: {  	[tilespmem:s9+$0x9E00] =	vst v0  }
0x20: {  	[tilespmem:s9+$0x9E10] =	vst v0;
	_ =	sdelay $0x1  }
0x21: {  	s9 =	sshra.s32 s11, $0x2  }
0x22: {  	[tilespmem:s9+$0x9E30] =	vst v0  }
0x23: {  	[tilespmem:s9+$0x9E20] =	vst v0  }
0x24: {  	[tilespmem:s9+$0x9E00] =	vst v0  }
0x25: {  	[tilespmem:s9+$0x9E10] =	vst v0  }
0x26: {  	[spmem:s5] =	stream.linear.scatter [tilespmem:s21], [sflag:$0xD], $0x13C0, $0x38;
	[tilespmem:$0x10100] =	vst v63  }
0x27: {  	_ =	swait.ge [sflag:s22], $0x13C0  }
0x28: {  	[sflag:s22] =	ssyncset.done $0x0  }
0x29: {  	s12 =	rddreg [dreg:$0x5];
	[sflag:s22] =	ssyncadd.s32 $0xFFFFEC40  }
0x2a: {  	[spmem:s12] =	stream.linear.scatter [tilespmem:s21], [sflag:$0xD], $0x13C0, $0x38;
	[tilespmem:$0x10100] =	vst v63  }
0x2b: {  	_ =	swait.ge [sflag:s22], $0x13C0  }
0x2c: {  	[sflag:s22] =	ssyncset.done $0x0  }
0x2d: {  	s13 =	rddreg [dreg:$0x6];
	[sflag:s22] =	ssyncadd.s32 $0xFFFFEC40  }
0x2e: {  	[spmem:s13] =	stream.linear.scatter [tilespmem:s21], [sflag:$0xD], $0x13C0, $0x38;
	[tilespmem:$0x10100] =	vst v63  }
0x2f: {  	_ =	swait.ge [sflag:s22], $0x13C0  }
0x30: {  	[sflag:s22] =	ssyncset.done $0x0  }
0x31: {  	s14 =	rddreg [dreg:$0x7];
	[sflag:s22] =	ssyncadd.s32 $0xFFFFEC40  }
0x32: {  	[spmem:s14] =	stream.linear.scatter [tilespmem:s21], [sflag:$0xD], $0x13C0, $0x38;
	[tilespmem:$0x10100] =	vst v63  }
0x33: {  	_ =	swait.ge [sflag:s22], $0x13C0  }
0x34: {  	[sflag:s22] =	ssyncset.done $0x0  }
0x35: {  	s15 =	rddreg [dreg:$0x8];
	[sflag:s22] =	ssyncadd.s32 $0xFFFFEC40  }
0x36: {  	[spmem:s15] =	stream.linear.scatter [tilespmem:s21], [sflag:$0xD], $0x13C0, $0x38;
	[tilespmem:$0x10100] =	vst v63  }
0x37: {  	_ =	swait.ge [sflag:s22], $0x13C0  }
0x38: {  	[sflag:s22] =	ssyncset.done $0x0  }
0x39: {  	s16 =	rddreg [dreg:$0x9];
	[sflag:s22] =	ssyncadd.s32 $0xFFFFEC40  }
0x3a: {  	[spmem:s16] =	stream.linear.scatter [tilespmem:s21], [sflag:$0xD], $0x13C0, $0x38;
	[tilespmem:$0x10100] =	vst v63  }
0x3b: {  	_ =	swait.ge [sflag:s22], $0x13C0  }
0x3c: {  	[sflag:s22] =	ssyncset.done $0x0  }
0x3d: {  	s17 =	rddreg [dreg:$0xa];
	[sflag:s22] =	ssyncadd.s32 $0xFFFFEC40  }
0x3e: {  	[spmem:s17] =	stream.linear.scatter [tilespmem:s21], [sflag:$0xD], $0x13C0, $0x38;
	[tilespmem:$0x10100] =	vst v63  }
0x3f: {  	_ =	swait.ge [sflag:s22], $0x13C0  }
0x40: {  	[sflag:s22] =	ssyncset.done $0x0  }
0x41: {  	s18 =	rddreg [dreg:$0xb];
	[sflag:s22] =	ssyncadd.s32 $0xFFFFEC40  }
0x42: {  	[spmem:s18] =	stream.linear.scatter [tilespmem:s21], [sflag:$0xD], $0x13C0, $0x38;
	[tilespmem:$0x10100] =	vst v63  }
0x43: {  	_ =	swait.ge [sflag:s22], $0x13C0  }
0x44: {  	[sflag:s22] =	ssyncset.done $0x0  }
0x45: {  	[sflag:s22] =	ssyncadd.s32 $0xFFFFEC40  }
0x46: {  	[bflag:$0x0] =	sbarrier.arrive $0xFFFF  }
0x47: {  	s23 =	simm.s32 $0x0;
	s11 =	simm.s32 $0xFE00;
	s10 =	rddreg [dreg:$0xc]  }
0x48: {  	[tilespmem:s11], [sflag:$0x4] =	stream.linear.gather [hbm4b:s10+s23], $0x80, $0x38;
	[tilespmem:$0x10100] =	vst v63  }
0x49: {  	s13 =	rddreg [dreg:$0xd]  }
0x4a: {  	[tilespmem:s24], [sflag:$0x5] =	stream.linear.gather [hbm4b:s13+s23], $0x80, $0x38;
	[tilespmem:$0x10100] =	vst v63  }
0x4b: {  	s14 =	rddreg [dreg:$0xe]  }
0x4c: {  	[tilespmem:s25], [sflag:$0x6] =	stream.linear.gather [hbm4b:s14+s23], $0x80, $0x38;
	[tilespmem:$0x10100] =	vst v63  }
0x4d: {  	s12 =	simm.s32 $0xFF80;
	s15 =	rddreg [dreg:$0xf]  }
0x4e: {  	[tilespmem:s12], [sflag:$0x7] =	stream.linear.gather [hbm4b:s15+s23], $0x80, $0x38;
	[tilespmem:$0x10100] =	vst v63  }
0x4f: {  	_ =	swait.ge [sflag:s28], $0x80  }
0x50: {  	[sflag:s28] =	ssyncset.done $0x0  }
0x51: {  	[sflag:s28] =	ssyncadd.s32 $0xFFFFFF80  }
0x52: {  	[tilespmem:s21], [sflag:$0x1] =	stream.indirect.gather [hbm4b:s2+s29], $0x40, s11, s29, $0xb8;
	[tilespmem:$0x10100] =	vst v63  }
0x53: {  	s17 =	simm.s32 $0x10000;
	s16 =	rddreg [dreg:$0x10]  }
0x54: {  	[tilespmem:s17], [sflag:$0x8] =	stream.linear.gather [hbm4b:s16+s23], $0x80, $0x38;
	[tilespmem:$0x10100] =	vst v63  }
0x55: {  	_ =	swait.ge [sflag:s31], $0x80  }
0x56: {  	p0 =	por $0x1, $0x1;
	[sflag:s31] =	ssyncset.done $0x0  }
0x57: {  	s9 =	simm.s32 @!p0 $0xC;
	s18 =	simm.s32 $0xBE00;
	[sflag:s31] =	ssyncadd.s32 $0xFFFFFF80  }
0x58: {  	[tilespmem:s18], [sflag:$0x2] =	stream.indirect.gather [hbm4b:s2+s29], $0x40, s24, s29, $0xb8;
	[tilespmem:$0x10100] =	vst v63  }
0x59: {  	_ =	swait.ge @!p0 [sflag:s9], $0x2000  }
0x5a: {  	[sflag:s9] =	ssyncset.done @!p0 $0x0  }
0x5b: {  	[sflag:s9] =	ssyncadd.s32 @!p0 $0xFFFFE000  }
0x5c: {  	_ =	swait.ge [sflag:s26], $0x80  }
0x5d: {  	s23 =	sadd.s32 $0x0, s20;
	[sflag:s26] =	ssyncset.done $0x0  }
0x5e: {  	s9 =	sadd.s32 $0x20, s23;
	[sflag:s26] =	ssyncadd.s32 $0xFFFFFF80  }
0x5f: {  	[tilespmem:s30], [sflag:$0x9] =	stream.linear.gather [hbm4b:s9+s4], $0x80, $0x38;
	[tilespmem:$0x10100] =	vst v63  }
0x60: {  	_ = 	snop  }
0x61: {  	[tilespmem:s1], [sflag:$0x3] =	stream.indirect.gather [hbm4b:s2+s29], $0x40, s25, s29, $0xb8;
	[tilespmem:$0x10100] =	vst v63  }
0x62: {  	_ =	swait.ge [sflag:s0], $0x2000  }
0x63: {  	p0 =	por $0x0, $0x0;
	[sflag:s0] =	ssyncset.done $0x0  }
0x64: {  	s9 =	simm.s32 @p0 $0x7;
	[sflag:s0] =	ssyncadd.s32 $0xFFFFE000  }
0x65: {  	_ =	swait.ge @p0 [sflag:s9], $0x80  }
0x66: {  	s10 =	simm.s32 @p0 $0x9E00;
	s11 =	simm.s32 @p0 $0xA;
	[sflag:s9] =	ssyncset.done @p0 $0x0  }
0x67: {  	s12 =	simm.s32 @p0 $0xFF80;
	[sflag:s9] =	ssyncadd.s32 @p0 $0xFFFFFF80;
	s9 =	simm.s32 @p0 $0x80  }
0x68: {  	[spmem:s3] =	stream.indirect.scatter.add.f32 @p0 [tilespmem:s10], [sflag:$0xA], $0x40, s12, s9, $0xb8;
	[tilespmem:$0x10100] =	vst v63  }
0x69: {  	_ =	swait.ge @p0 [sflag:s11], $0x2000  }
0x6a: {  	[sflag:s11] =	ssyncset.done @p0 $0x0  }
0x6b: {  	s10 =	simm.s32 @p0 $0x2;
	[sflag:s11] =	ssyncadd.s32 @p0 $0xFFFFE000  }
0x6c: {  	_ =	swait.ge @p0 [sflag:s10], $0x2000  }
0x6d: {  	[sflag:s10] =	ssyncset.done @p0 $0x0  }
0x6e: {  	[sflag:s10] =	ssyncadd.s32 @p0 $0xFFFFE000;
	s10 =	simm.s32 @p0 $0x8  }
0x6f: {  	_ =	swait.ge @p0 [sflag:s10], $0x80  }
0x70: {  	s12 =	simm.s32 @p0 $0xBE00;
	[sflag:s10] =	ssyncset.done @p0 $0x0  }
0x71: {  	s11 =	simm.s32 @p0 $0xB;
	[sflag:s10] =	ssyncadd.s32 @p0 $0xFFFFFF80;
	s10 =	simm.s32 @p0 $0x10000  }
0x72: {  	[spmem:s3] =	stream.indirect.scatter.add.f32 @p0 [tilespmem:s12], [sflag:$0xB], $0x40, s10, s9, $0xb8;
	[tilespmem:$0x10100] =	vst v63  }
0x73: {  	_ =	swait.ge @p0 [sflag:s11], $0x2000  }
0x74: {  	[sflag:s11] =	ssyncset.done @p0 $0x0  }
0x75: {  	s9 =	simm.s32 @p0 $0x3;
	[sflag:s11] =	ssyncadd.s32 @p0 $0xFFFFE000  }
0x76: {  	_ =	swait.ge @p0 [sflag:s9], $0x2000  }
0x77: {  	s13 =	simm.s32 @!p0 $0x0;
	s10 =	rddreg [dreg:$0x4]  }
0x78: {  	s12 =	simm.s32 @!p0 $0xFE00;
	[sflag:s9] =	ssyncset.done @p0 $0x0;
	s10 =	sadd.s32 @!p0 $0x0, s10  }
0x79: {  	s11 =	simm.s32 @!p0 $0x7;
	[sflag:s9] =	ssyncadd.s32 @p0 $0xFFFFE000;
	s9 =	sadd.s32 @!p0 $0x30, s10  }
0x7a: {  	[tilespmem:s12], [sflag:$0x4] =	stream.linear.gather @!p0 [hbm4b:s9+s13], $0x80, $0x38;
	[tilespmem:$0x10100] =	vst v63  }
0x7b: {  	_ =	swait.ge @!p0 [sflag:s11], $0x80  }
0x7c: {  	s14 =	simm.s32 @!p0 $0xA;
	s15 =	simm.s32 @!p0 $0xFF80;
	[sflag:s11] =	ssyncset.done @!p0 $0x0  }
0x7d: {  	s9 =	simm.s32 @!p0 $0x9E00;
	[sflag:s11] =	ssyncadd.s32 @!p0 $0xFFFFFF80;
	s11 =	simm.s32 @!p0 $0x80  }
0x7e: {  	[spmem:s3] =	stream.indirect.scatter.add.f32 @!p0 [tilespmem:s9], [sflag:$0xA], $0x40, s15, s11, $0xb8;
	[tilespmem:$0x10100] =	vst v63  }
0x7f: {  	_ =	swait.ge @!p0 [sflag:s14], $0x2000  }
0x80: {  	[sflag:s14] =	ssyncset.done @!p0 $0x0  }
0x81: {  	[sflag:s14] =	ssyncadd.s32 @!p0 $0xFFFFE000;
	s14 =	simm.s32 @!p0 $0x4  }
0x82: {  	_ =	swait.ge @!p0 [sflag:s14], $0x80  }
0x83: {  	s16 =	sadd.s32 @!p0 $0x0, s20;
	[sflag:s14] =	ssyncset.done @!p0 $0x0  }
0x84: {  	[sflag:s14] =	ssyncadd.s32 @!p0 $0xFFFFFF80;
	s14 =	sadd.s32 @!p0 $0x30, s16  }
0x85: {  	[tilespmem:s15], [sflag:$0x7] =	stream.linear.gather @!p0 [hbm4b:s14+s13], $0x80, $0x38;
	[tilespmem:$0x10100] =	vst v63  }
0x86: {  	s14 =	simm.s32 @!p0 $0x2  }
0x87: {  	[tilespmem:s9], [sflag:$0x1] =	stream.indirect.gather @!p0 [hbm4b:s2+s11], $0x40, s12, s11, $0xb8;
	[tilespmem:$0x10100] =	vst v63  }
0x88: {  	_ =	swait.ge @!p0 [sflag:s14], $0x2000  }
0x89: {  	s9 =	simm.s32 @!p0 $0x8;
	[sflag:s14] =	ssyncset.done @!p0 $0x0  }
0x8a: {  	s12 =	sadd.s32 @!p0 $0x40, s10;
	[sflag:s14] =	ssyncadd.s32 @!p0 $0xFFFFE000;
	s14 =	simm.s32 @!p0 $0xFE80  }
0x8b: {  	[tilespmem:s14], [sflag:$0x5] =	stream.linear.gather @!p0 [hbm4b:s12+s13], $0x80, $0x38;
	[tilespmem:$0x10100] =	vst v63  }
0x8c: {  	_ =	swait.ge @!p0 [sflag:s9], $0x80  }
0x8d: {  	s15 =	simm.s32 @!p0 $0xBE00;
	[sflag:s9] =	ssyncset.done @!p0 $0x0  }
0x8e: {  	s12 =	simm.s32 @!p0 $0xB;
	[sflag:s9] =	ssyncadd.s32 @!p0 $0xFFFFFF80;
	s9 =	simm.s32 @!p0 $0x10000  }
0x8f: {  	[spmem:s3] =	stream.indirect.scatter.add.f32 @!p0 [tilespmem:s15], [sflag:$0xB], $0x40, s9, s11, $0xb8;
	[tilespmem:$0x10100] =	vst v63  }
0x90: {  	_ =	swait.ge @!p0 [sflag:s12], $0x2000  }
0x91: {  	[sflag:s12] =	ssyncset.done @!p0 $0x0  }
0x92: {  	[sflag:s12] =	ssyncadd.s32 @!p0 $0xFFFFE000;
	s12 =	simm.s32 @!p0 $0x5  }
0x93: {  	_ =	swait.ge @!p0 [sflag:s12], $0x80  }
0x94: {  	[sflag:s12] =	ssyncset.done @!p0 $0x0  }
0x95: {  	[sflag:s12] =	ssyncadd.s32 @!p0 $0xFFFFFF80;
	s12 =	sadd.s32 @!p0 $0x40, s16  }
0x96: {  	[tilespmem:s9], [sflag:$0x8] =	stream.linear.gather @!p0 [hbm4b:s12+s13], $0x80, $0x38;
	[tilespmem:$0x10100] =	vst v63  }
0x97: {  	s9 =	simm.s32 @!p0 $0x3  }
0x98: {  	[tilespmem:s15], [sflag:$0x2] =	stream.indirect.gather @!p0 [hbm4b:s2+s11], $0x40, s14, s11, $0xb8;
	[tilespmem:$0x10100] =	vst v63  }
0x99: {  	_ =	swait.ge @!p0 [sflag:s9], $0x2000  }
0x9a: {  	[sflag:s9] =	ssyncset.done @!p0 $0x0  }
0x9b: {  	[sflag:s9] =	ssyncadd.s32 @!p0 $0xFFFFE000;
	s9 =	sadd.s32 @!p0 $0x50, s10;
	s10 =	simm.s32 @!p0 $0xFF00  }
0x9c: {  	[tilespmem:s10], [sflag:$0x6] =	stream.linear.gather @!p0 [hbm4b:s9+s13], $0x80, $0x38;
	[tilespmem:$0x10100] =	vst v63  }
0x9d: {  	p1 =	por $0x0, $0x0;
	_ =	swait.ge [sflag:s6], $0x80  }
0x9e: {  	s9 =	simm.s32 $0x30;
	s10 =	simm.s32 $0x60;
	[sflag:s6] =	ssyncset.done $0x0  }
.LBB2_4:
0x9f: {  	s11 =	simm.s32 @!p1 $0xC;
	[sflag:s6] =	ssyncadd.s32 $0xFFFFFF80  }
0xa0: {  	[spmem:s3] =	stream.indirect.scatter.add.f32 [tilespmem:s1], [sflag:$0xC], $0x40, s30, s29, $0xb8;
	[tilespmem:$0x10100] =	vst v63  }
0xa1: {  	_ =	swait.ge @!p1 [sflag:s11], $0x2000  }
0xa2: {  	[sflag:s11] =	ssyncset.done @!p1 $0x0  }
0xa3: {  	[sflag:s11] =	ssyncadd.s32 @!p1 $0xFFFFE000  }
0xa4: {  	_ =	swait.ge [sflag:s26], $0x80  }
0xa5: {  	s23 =	sadd.s32 s9, s20;
	[sflag:s26] =	ssyncset.done $0x0  }
0xa6: {  	s11 =	sadd.s32 $0x20, s23;
	[sflag:s26] =	ssyncadd.s32 $0xFFFFFF80  }
0xa7: {  	[tilespmem:s30], [sflag:$0x9] =	stream.linear.gather [hbm4b:s11+s4], $0x80, $0x38;
	[tilespmem:$0x10100] =	vst v63  }
0xa8: {  	_ = 	snop  }
0xa9: {  	[tilespmem:s1], [sflag:$0x3] =	stream.indirect.gather [hbm4b:s2+s29], $0x40, s25, s29, $0xb8;
	[tilespmem:$0x10100] =	vst v63  }
0xaa: {  	_ =	swait.ge [sflag:s0], $0x2000  }
0xab: {  	p1 =	seq.s32 s9, $0x4E0;
	[sflag:s0] =	ssyncset.done $0x0  }
0xac: {  	s14 =	simm.s32 @p1 $0x7;
	[sflag:s0] =	ssyncadd.s32 $0xFFFFE000  }
0xad: {  	_ =	swait.ge @p1 [sflag:s14], $0x80  }
0xae: {  	s15 =	simm.s32 @p1 $0x9E00;
	s16 =	simm.s32 @p1 $0xA;
	[sflag:s14] =	ssyncset.done @p1 $0x0  }
0xaf: {  	s17 =	simm.s32 @p1 $0xFF80;
	[sflag:s14] =	ssyncadd.s32 @p1 $0xFFFFFF80;
	s14 =	simm.s32 @p1 $0x80  }
0xb0: {  	[spmem:s3] =	stream.indirect.scatter.add.f32 @p1 [tilespmem:s15], [sflag:$0xA], $0x40, s17, s14, $0xb8;
	[tilespmem:$0x10100] =	vst v63  }
0xb1: {  	_ =	swait.ge @p1 [sflag:s16], $0x2000  }
0xb2: {  	[sflag:s16] =	ssyncset.done @p1 $0x0  }
0xb3: {  	s15 =	simm.s32 @p1 $0x2;
	[sflag:s16] =	ssyncadd.s32 @p1 $0xFFFFE000  }
0xb4: {  	_ =	swait.ge @p1 [sflag:s15], $0x2000  }
0xb5: {  	[sflag:s15] =	ssyncset.done @p1 $0x0  }
0xb6: {  	[sflag:s15] =	ssyncadd.s32 @p1 $0xFFFFE000;
	s15 =	simm.s32 @p1 $0x8  }
0xb7: {  	_ =	swait.ge @p1 [sflag:s15], $0x80  }
0xb8: {  	s17 =	simm.s32 @p1 $0xBE00;
	[sflag:s15] =	ssyncset.done @p1 $0x0  }
0xb9: {  	s16 =	simm.s32 @p1 $0xB;
	[sflag:s15] =	ssyncadd.s32 @p1 $0xFFFFFF80;
	s15 =	simm.s32 @p1 $0x10000  }
0xba: {  	[spmem:s3] =	stream.indirect.scatter.add.f32 @p1 [tilespmem:s17], [sflag:$0xB], $0x40, s15, s14, $0xb8;
	[tilespmem:$0x10100] =	vst v63  }
0xbb: {  	_ =	swait.ge @p1 [sflag:s16], $0x2000  }
0xbc: {  	[sflag:s16] =	ssyncset.done @p1 $0x0  }
0xbd: {  	s15 =	simm.s32 @p1 $0x3;
	[sflag:s16] =	ssyncadd.s32 @p1 $0xFFFFE000  }
0xbe: {  	_ =	swait.ge @p1 [sflag:s15], $0x2000  }
0xbf: {  	s11 =	sadd.s32 @!p1 s9, s20;
	s17 =	simm.s32 @!p1 $0xFE00;
	s14 =	rddreg [dreg:$0x4]  }
0xc0: {  	s16 =	simm.s32 @!p1 $0x7;
	[sflag:s15] =	ssyncset.done @p1 $0x0;
	s14 =	sadd.s32 @!p1 s9, s14  }
0xc1: {  	[sflag:s15] =	ssyncadd.s32 @p1 $0xFFFFE000;
	s15 =	simm.s32 @!p1 $0x0;
	s9 =	sadd.s32 @!p1 $0x30, s14  }
0xc2: {  	[tilespmem:s17], [sflag:$0x4] =	stream.linear.gather @!p1 [hbm4b:s9+s15], $0x80, $0x38;
	[tilespmem:$0x10100] =	vst v63  }
0xc3: {  	s12 =	smov.u32 s10;
	s23 =	simm.s32 @!p1 $0x9E00;
	_ =	swait.ge @!p1 [sflag:s16], $0x80  }
0xc4: {  	s18 =	simm.s32 @!p1 $0xA;
	s9 =	smov.u32 s12;
	[sflag:s16] =	ssyncset.done @!p1 $0x0  }
0xc5: {  	s12 =	simm.s32 @!p1 $0x80;
	[sflag:s16] =	ssyncadd.s32 @!p1 $0xFFFFFF80;
	s16 =	simm.s32 @!p1 $0xFF80  }
0xc6: {  	[spmem:s3] =	stream.indirect.scatter.add.f32 @!p1 [tilespmem:s23], [sflag:$0xA], $0x40, s16, s12, $0xb8;
	[tilespmem:$0x10100] =	vst v63  }
0xc7: {  	_ =	swait.ge @!p1 [sflag:s18], $0x2000  }
0xc8: {  	[sflag:s18] =	ssyncset.done @!p1 $0x0  }
0xc9: {  	[sflag:s18] =	ssyncadd.s32 @!p1 $0xFFFFE000;
	s18 =	simm.s32 @!p1 $0x4  }
0xca: {  	_ =	swait.ge @!p1 [sflag:s18], $0x80  }
0xcb: {  	[sflag:s18] =	ssyncset.done @!p1 $0x0  }
0xcc: {  	s13 =	sadd.s32 @!p1 $0x30, s11;
	[sflag:s18] =	ssyncadd.s32 @!p1 $0xFFFFFF80  }
0xcd: {  	[tilespmem:s16], [sflag:$0x7] =	stream.linear.gather @!p1 [hbm4b:s13+s15], $0x80, $0x38;
	[tilespmem:$0x10100] =	vst v63  }
0xce: {  	s13 =	simm.s32 @!p1 $0x2  }
0xcf: {  	[tilespmem:s23], [sflag:$0x1] =	stream.indirect.gather @!p1 [hbm4b:s2+s12], $0x40, s17, s12, $0xb8;
	[tilespmem:$0x10100] =	vst v63  }
0xd0: {  	_ =	swait.ge @!p1 [sflag:s13], $0x2000  }
0xd1: {  	s16 =	simm.s32 @!p1 $0x8;
	[sflag:s13] =	ssyncset.done @!p1 $0x0  }
0xd2: {  	s17 =	simm.s32 @!p1 $0xFE80;
	[sflag:s13] =	ssyncadd.s32 @!p1 $0xFFFFE000;
	s13 =	sadd.s32 @!p1 $0x40, s14  }
0xd3: {  	[tilespmem:s17], [sflag:$0x5] =	stream.linear.gather @!p1 [hbm4b:s13+s15], $0x80, $0x38;
	[tilespmem:$0x10100] =	vst v63  }
0xd4: {  	_ =	swait.ge @!p1 [sflag:s16], $0x80  }
0xd5: {  	s18 =	simm.s32 @!p1 $0xBE00;
	[sflag:s16] =	ssyncset.done @!p1 $0x0  }
0xd6: {  	s13 =	simm.s32 @!p1 $0xB;
	[sflag:s16] =	ssyncadd.s32 @!p1 $0xFFFFFF80;
	s16 =	simm.s32 @!p1 $0x10000  }
0xd7: {  	[spmem:s3] =	stream.indirect.scatter.add.f32 @!p1 [tilespmem:s18], [sflag:$0xB], $0x40, s16, s12, $0xb8;
	[tilespmem:$0x10100] =	vst v63  }
0xd8: {  	_ =	swait.ge @!p1 [sflag:s13], $0x2000  }
0xd9: {  	[sflag:s13] =	ssyncset.done @!p1 $0x0  }
0xda: {  	[sflag:s13] =	ssyncadd.s32 @!p1 $0xFFFFE000;
	s13 =	simm.s32 @!p1 $0x5  }
0xdb: {  	_ =	swait.ge @!p1 [sflag:s13], $0x80  }
0xdc: {  	[sflag:s13] =	ssyncset.done @!p1 $0x0  }
0xdd: {  	s11 =	sadd.s32 @!p1 $0x40, s11;
	[sflag:s13] =	ssyncadd.s32 @!p1 $0xFFFFFF80  }
0xde: {  	[tilespmem:s16], [sflag:$0x8] =	stream.linear.gather @!p1 [hbm4b:s11+s15], $0x80, $0x38;
	[tilespmem:$0x10100] =	vst v63  }
0xdf: {  	s10 =	sadd.s32 $0x30, s10;
	s11 =	simm.s32 @!p1 $0x3  }
0xe0: {  	[tilespmem:s18], [sflag:$0x2] =	stream.indirect.gather @!p1 [hbm4b:s2+s12], $0x40, s17, s12, $0xb8;
	[tilespmem:$0x10100] =	vst v63  }
0xe1: {  	p0 =	sne.s32 s10, $0x510;
	_ =	swait.ge @!p1 [sflag:s11], $0x2000  }
.Ltmp1:
0xe2: {  	[sflag:s11] =	ssyncset.done @!p1 $0x0;
	(pc) =	sbr.rel @p0 .LBB2_4-.Ltmp1, $4  }
0xe3: {  	s12 =	simm.s32 @!p1 $0xFF00;
	[sflag:s11] =	ssyncadd.s32 @!p1 $0xFFFFE000;
	s11 =	sadd.s32 @!p1 $0x50, s14  }
0xe4: {  	[tilespmem:s12], [sflag:$0x6] =	stream.linear.gather @!p1 [hbm4b:s11+s15], $0x80, $0x38;
	[tilespmem:$0x10100] =	vst v63  }
0xe5: {  	_ =	swait.ge [sflag:s6], $0x80  }
0xe6: {  	p1 =	seq.s32 s9, $0x0;
	[sflag:s6] =	ssyncset.done $0x0  }
0xe7: {  	s10 =	simm.s32 @!p1 $0xC;
	[sflag:s6] =	ssyncadd.s32 $0xFFFFFF80  }
0xe8: {  	[spmem:s3] =	stream.indirect.scatter.add.f32 [tilespmem:s1], [sflag:$0xC], $0x40, s30, s29, $0xb8;
	[tilespmem:$0x10100] =	vst v63  }
0xe9: {  	_ =	swait.ge @!p1 [sflag:s10], $0x2000  }
0xea: {  	[sflag:s10] =	ssyncset.done @!p1 $0x0  }
0xeb: {  	[sflag:s10] =	ssyncadd.s32 @!p1 $0xFFFFE000  }
0xec: {  	_ =	swait.ge [sflag:s26], $0x80  }
0xed: {  	s16 =	sadd.s32 s9, s20;
	[sflag:s26] =	ssyncset.done $0x0  }
0xee: {  	s10 =	sadd.s32 $0x20, s16;
	[sflag:s26] =	ssyncadd.s32 $0xFFFFFF80  }
0xef: {  	[tilespmem:s30], [sflag:$0x9] =	stream.linear.gather [hbm4b:s10+s4], $0x80, $0x38;
	[tilespmem:$0x10100] =	vst v63  }
0xf0: {  	_ = 	snop  }
0xf1: {  	[tilespmem:s1], [sflag:$0x3] =	stream.indirect.gather [hbm4b:s2+s29], $0x40, s25, s29, $0xb8;
	[tilespmem:$0x10100] =	vst v63  }
0xf2: {  	_ =	swait.ge [sflag:s0], $0x2000  }
0xf3: {  	p0 =	seq.s32 s9, $0x4E0;
	[sflag:s0] =	ssyncset.done $0x0  }
0xf4: {  	s10 =	simm.s32 @p0 $0x7;
	[sflag:s0] =	ssyncadd.s32 $0xFFFFE000  }
0xf5: {  	_ =	swait.ge @p0 [sflag:s10], $0x80  }
0xf6: {  	s11 =	simm.s32 @p0 $0x9E00;
	s12 =	simm.s32 @p0 $0xA;
	[sflag:s10] =	ssyncset.done @p0 $0x0  }
0xf7: {  	s13 =	simm.s32 @p0 $0xFF80;
	[sflag:s10] =	ssyncadd.s32 @p0 $0xFFFFFF80;
	s10 =	simm.s32 @p0 $0x80  }
0xf8: {  	[spmem:s3] =	stream.indirect.scatter.add.f32 @p0 [tilespmem:s11], [sflag:$0xA], $0x40, s13, s10, $0xb8;
	[tilespmem:$0x10100] =	vst v63  }
0xf9: {  	_ =	swait.ge @p0 [sflag:s12], $0x2000  }
0xfa: {  	[sflag:s12] =	ssyncset.done @p0 $0x0  }
0xfb: {  	s11 =	simm.s32 @p0 $0x2;
	[sflag:s12] =	ssyncadd.s32 @p0 $0xFFFFE000  }
0xfc: {  	_ =	swait.ge @p0 [sflag:s11], $0x2000  }
0xfd: {  	[sflag:s11] =	ssyncset.done @p0 $0x0  }
0xfe: {  	[sflag:s11] =	ssyncadd.s32 @p0 $0xFFFFE000;
	s11 =	simm.s32 @p0 $0x8  }
0xff: {  	_ =	swait.ge @p0 [sflag:s11], $0x80  }
0x100: {  	s13 =	simm.s32 @p0 $0xBE00;
	[sflag:s11] =	ssyncset.done @p0 $0x0  }
0x101: {  	s12 =	simm.s32 @p0 $0xB;
	[sflag:s11] =	ssyncadd.s32 @p0 $0xFFFFFF80;
	s11 =	simm.s32 @p0 $0x10000  }
0x102: {  	[spmem:s3] =	stream.indirect.scatter.add.f32 @p0 [tilespmem:s13], [sflag:$0xB], $0x40, s11, s10, $0xb8;
	[tilespmem:$0x10100] =	vst v63  }
0x103: {  	_ =	swait.ge @p0 [sflag:s12], $0x2000  }
0x104: {  	[sflag:s12] =	ssyncset.done @p0 $0x0  }
0x105: {  	s10 =	simm.s32 @p0 $0x3;
	[sflag:s12] =	ssyncadd.s32 @p0 $0xFFFFE000  }
0x106: {  	_ =	swait.ge @p0 [sflag:s10], $0x2000  }
0x107: {  	s14 =	simm.s32 @!p0 $0x0;
	s11 =	rddreg [dreg:$0x4]  }
0x108: {  	s13 =	simm.s32 @!p0 $0xFE00;
	[sflag:s10] =	ssyncset.done @p0 $0x0;
	s11 =	sadd.s32 @!p0 s9, s11  }
0x109: {  	s12 =	simm.s32 @!p0 $0x7;
	[sflag:s10] =	ssyncadd.s32 @p0 $0xFFFFE000;
	s10 =	sadd.s32 @!p0 $0x30, s11  }
0x10a: {  	[tilespmem:s13], [sflag:$0x4] =	stream.linear.gather @!p0 [hbm4b:s10+s14], $0x80, $0x38;
	[tilespmem:$0x10100] =	vst v63  }
0x10b: {  	_ =	swait.ge @!p0 [sflag:s12], $0x80  }
0x10c: {  	s15 =	simm.s32 @!p0 $0xA;
	s16 =	simm.s32 @!p0 $0xFF80;
	[sflag:s12] =	ssyncset.done @!p0 $0x0  }
0x10d: {  	s10 =	simm.s32 @!p0 $0x9E00;
	[sflag:s12] =	ssyncadd.s32 @!p0 $0xFFFFFF80;
	s12 =	simm.s32 @!p0 $0x80  }
0x10e: {  	[spmem:s3] =	stream.indirect.scatter.add.f32 @!p0 [tilespmem:s10], [sflag:$0xA], $0x40, s16, s12, $0xb8;
	[tilespmem:$0x10100] =	vst v63  }
0x10f: {  	_ =	swait.ge @!p0 [sflag:s15], $0x2000  }
0x110: {  	[sflag:s15] =	ssyncset.done @!p0 $0x0  }
0x111: {  	[sflag:s15] =	ssyncadd.s32 @!p0 $0xFFFFE000;
	s15 =	simm.s32 @!p0 $0x4  }
0x112: {  	_ =	swait.ge @!p0 [sflag:s15], $0x80  }
0x113: {  	s9 =	sadd.s32 @!p0 s9, s20;
	[sflag:s15] =	ssyncset.done @!p0 $0x0  }
0x114: {  	[sflag:s15] =	ssyncadd.s32 @!p0 $0xFFFFFF80;
	s15 =	sadd.s32 @!p0 $0x30, s9  }
0x115: {  	[tilespmem:s16], [sflag:$0x7] =	stream.linear.gather @!p0 [hbm4b:s15+s14], $0x80, $0x38;
	[tilespmem:$0x10100] =	vst v63  }
0x116: {  	s15 =	simm.s32 @!p0 $0x2  }
0x117: {  	[tilespmem:s10], [sflag:$0x1] =	stream.indirect.gather @!p0 [hbm4b:s2+s12], $0x40, s13, s12, $0xb8;
	[tilespmem:$0x10100] =	vst v63  }
0x118: {  	_ =	swait.ge @!p0 [sflag:s15], $0x2000  }
0x119: {  	s10 =	simm.s32 @!p0 $0x8;
	[sflag:s15] =	ssyncset.done @!p0 $0x0  }
0x11a: {  	s13 =	sadd.s32 @!p0 $0x40, s11;
	[sflag:s15] =	ssyncadd.s32 @!p0 $0xFFFFE000;
	s15 =	simm.s32 @!p0 $0xFE80  }
0x11b: {  	[tilespmem:s15], [sflag:$0x5] =	stream.linear.gather @!p0 [hbm4b:s13+s14], $0x80, $0x38;
	[tilespmem:$0x10100] =	vst v63  }
0x11c: {  	_ =	swait.ge @!p0 [sflag:s10], $0x80  }
0x11d: {  	s16 =	simm.s32 @!p0 $0xBE00;
	[sflag:s10] =	ssyncset.done @!p0 $0x0  }
0x11e: {  	s13 =	simm.s32 @!p0 $0xB;
	[sflag:s10] =	ssyncadd.s32 @!p0 $0xFFFFFF80;
	s10 =	simm.s32 @!p0 $0x10000  }
0x11f: {  	[spmem:s3] =	stream.indirect.scatter.add.f32 @!p0 [tilespmem:s16], [sflag:$0xB], $0x40, s10, s12, $0xb8;
	[tilespmem:$0x10100] =	vst v63  }
0x120: {  	_ =	swait.ge @!p0 [sflag:s13], $0x2000  }
0x121: {  	[sflag:s13] =	ssyncset.done @!p0 $0x0  }
0x122: {  	[sflag:s13] =	ssyncadd.s32 @!p0 $0xFFFFE000;
	s13 =	simm.s32 @!p0 $0x5  }
0x123: {  	_ =	swait.ge @!p0 [sflag:s13], $0x80  }
0x124: {  	[sflag:s13] =	ssyncset.done @!p0 $0x0  }
0x125: {  	s9 =	sadd.s32 @!p0 $0x40, s9;
	[sflag:s13] =	ssyncadd.s32 @!p0 $0xFFFFFF80  }
0x126: {  	[tilespmem:s10], [sflag:$0x8] =	stream.linear.gather @!p0 [hbm4b:s9+s14], $0x80, $0x38;
	[tilespmem:$0x10100] =	vst v63  }
0x127: {  	s9 =	simm.s32 @!p0 $0x3  }
0x128: {  	[tilespmem:s16], [sflag:$0x2] =	stream.indirect.gather @!p0 [hbm4b:s2+s12], $0x40, s15, s12, $0xb8;
	[tilespmem:$0x10100] =	vst v63  }
0x129: {  	_ =	swait.ge @!p0 [sflag:s9], $0x2000  }
0x12a: {  	[sflag:s9] =	ssyncset.done @!p0 $0x0  }
0x12b: {  	s10 =	simm.s32 @!p0 $0xFF00;
	[sflag:s9] =	ssyncadd.s32 @!p0 $0xFFFFE000;
	s9 =	sadd.s32 @!p0 $0x50, s11  }
0x12c: {  	[tilespmem:s10], [sflag:$0x6] =	stream.linear.gather @!p0 [hbm4b:s9+s14], $0x80, $0x38;
	[tilespmem:$0x10100] =	vst v63  }
0x12d: {  	_ =	swait.ge [sflag:s6], $0x80  }
0x12e: {  	[sflag:s6] =	ssyncset.done $0x0  }
0x12f: {  	[sflag:s6] =	ssyncadd.s32 $0xFFFFFF80  }
0x130: {  	[spmem:s3] =	stream.indirect.scatter.add.f32 [tilespmem:s1], [sflag:$0xC], $0x40, s30, s29, $0xb8;
	[tilespmem:$0x10100] =	vst v63  }
0x131: {  	_ =	swait.ge [sflag:s7], $0x2000  }
0x132: {  	s17 =	stileid.u32;
	[sflag:s7] =	ssyncset.done $0x0  }
0x133: {  	s18 =	sshrl.u32 s5, $0x3;
	s8 =	sadd.s32 $0x1, s8;
	[sflag:s7] =	ssyncadd.s32 $0xFFFFE000  }
0x134: {  	s9 =	sshll.u32 s17, $0x6;
	p0 =	sne.s32 s8, s19;
	[bflag:$0x0] =	sbarrier.arrive $0xFFFF  }
.Ltmp2:
0x135: {  	s9 =	sor.u32 $0x1C0D, s9;
	s23 =	rddreg [dreg:$0x11];
	(pc) =	sbr.rel @p0 .LBB2_1-.Ltmp2, $4  }
0x136: {  	[hbm:s23], [sflag:s9] =	dma.local [spmem:s18], $0x13C0  }
0x137: {  	_ =	swait.ge [sflag:s22], $0x13C0  }
0x138: {  	[sflag:s22] =	ssyncset.done $0x0  }
0x139: {  	[sflag:s22] =	ssyncadd.s32 $0xFFFFEC40  }
0x13a: {  	_ =	sfence.sel $0x180000  }
0x13b: {  	[bflag:$0x0] =	sbarrier.arrive $0xFFFF  }
0x13c: {  	_ =	strace $0x90000050  }
0x13d: {  	s0 =	stileid.u32;
	[bflag:$0x2] =	sbarrier.arrive $0xFFFF  }
0x13e: {  	p0 =	sne.s32 s0, $0x0;
	s0 =	rddreg [dreg:$0x3]  }
0x13f: {  	s0 =	sadd.s32 @!p0 $0x100000, s0  }
0x140: {  	[sflag:s0] =	ssyncadd.tile.s32 @!p0 $0x1;
	_ =	shalt  }
.Lfunc_end2:
_tile_overlayer_lowered:
.L_overlay_start_2:
0x141: {  	(tag) =	ssettag $0x2  }
0x142: {  	s0 =	rddreg [dreg:$0x0];
	s2 =	stileid.u32  }
0x143: {  	s1 =	rddreg [dreg:$0x1];
	p0 =	sne.s32 s2, $0x0  }
0x144: {  	s3 =	rddreg [dreg:$0x2];
	[bflag:$0x3] =	sbarrier.arrive $0xFFFF;
	s2 =	simm.s32 @!p0 $0x1C0D  }
0x145: {  	[timem:s3], [sflag:s2] =	dma.local @!p0 [hbm:s0], s1  }
0x146: {  	s0 =	simm.s32 @!p0 $0xD  }
0x147: {  	_ =	swait.ge @!p0 [sflag:s0], s1  }
0x148: {  	s1 =	ssub.s32 @!p0 $0x0, s1;
	[sflag:s0] =	ssyncset.done @!p0 $0x0  }
0x149: {  	[sflag:s0] =	ssyncadd.s32 @!p0 s1  }
0x14a: {  	[bflag:$0x3] =	sbarrier.arrive $0xFFFF  }
0x14b: {  	_ =	shalt  }

</sc_bundles>
